<compile_context>
chip_gen: v7x
topology: tpu7x:2x2x1
jax: 0.10.2.dev20260603
libtpu: 0.0.44.dev20260713+nightly
codegen_flags: <defaults>
</compile_context>

<pallas_src>
import functools

import jax
import jax.numpy as jnp
from jax import lax
from jax.experimental import pallas as pl
from jax.experimental.pallas import tpu as pltpu
from jax.experimental.pallas import tpu_sc as plsc

D = 32
NW = 32
G = 128


def _make_sc_gather(bsz, hist, V):
    bw = bsz // NW
    nlb = bw // G
    nb_all = bsz // G
    mesh = plsc.VectorSubcoreMesh(core_axis_name="c", subcore_axis_name="s")

    @functools.partial(
        pl.kernel,
        mesh=mesh,
        out_type=jax.ShapeDtypeStruct((hist, 4, nb_all, 8, G), jnp.float32),
        scratch_types=[
            pltpu.VMEM((bw, hist), jnp.int32),
            pltpu.VMEM((hist, bw), jnp.int32),
            pltpu.VMEM((2, bw, D), jnp.float32),
            pltpu.VMEM((4, nlb, 8, G), jnp.float32),
            pltpu.SemaphoreType.DMA,
            pltpu.SemaphoreType.DMA,
        ],
        compiler_params=pltpu.CompilerParams(
            use_tc_tiling_on_sc=False, needs_layout_passes=False
        ),
    )
    def sc_gather(x_hbm, table_hbm, out_hbm, idx_raw, idx_t, gbuf, colbuf, sem_a, sem_b):
        wid = lax.axis_index("s") * 2 + lax.axis_index("c")
        pltpu.sync_copy(x_hbm.at[wid], idx_raw)
        nb0 = wid * nlb
        lane = lax.iota(jnp.int32, 16)

        def idx_tr_body(h, carry):
            cols = jnp.full((16,), h, jnp.int32)
            for q in range(bw // 16):
                v = plsc.load_gather(idx_raw, [lane + q * 16, cols])
                idx_t[h, pl.ds(q * 16, 16)] = v * 4
            return carry

        lax.fori_loop(0, hist, idx_tr_body, 0)

        def fire(h, buf, sem):
            for lb in range(nlb):
                pltpu.async_copy(
                    table_hbm.at[idx_t.at[h, pl.ds(lb * G, G)]],
                    gbuf.at[buf, pl.ds(lb * G, G)],
                    sem,
                )

        def drain(buf, sem):
            for lb in range(nlb):
                pltpu.make_async_copy(
                    table_hbm.at[pl.ds(0, G)],
                    gbuf.at[buf, pl.ds(lb * G, G)],
                    sem,
                ).wait()

        def transpose_chunk(buf):
            def emb_tr_body(d, carry):
                jm = (d + lane) & (D - 1)
                tj_v = jm >> 3
                dr_v = jm & 7
                for lb in range(nlb):
                    lb_v = jnp.full((16,), lb, jnp.int32)
                    for r in range(G // 16):
                        rows = lane + (lb * G + r * 16)
                        v = plsc.load_gather(gbuf.at[buf], [rows, jm])
                        plsc.store_scatter(
                            colbuf, [tj_v, lb_v, dr_v, lane + r * 16], v
                        )
                return carry

            lax.fori_loop(0, D, emb_tr_body, 0)

        def write_out(h):
            for tj in range(4):
                pltpu.sync_copy(
                    colbuf.at[tj], out_hbm.at[h, tj, pl.ds(nb0, nlb)]
                )

        def body(hh, carry):
            h0 = hh * 2
            h1 = h0 + 1
            fire(h1, 1, sem_b)
            drain(0, sem_a)
            transpose_chunk(0)
            write_out(h0)

            @pl.when(hh < hist // 2 - 1)
            def _():
                fire(h0 + 2, 0, sem_a)

            drain(1, sem_b)
            transpose_chunk(1)
            write_out(h1)
            return carry

        fire(0, 0, sem_a)
        lax.fori_loop(0, hist // 2, body, 0)

    return sc_gather


def _mask_body(x_ref, o_ref):
    o_ref[...] = x_ref[...] > 0


def kernel(x, table):
    bsz, hist = x.shape
    V, _ = table.shape
    x3 = x.reshape(NW, bsz // NW, hist)
    tab4 = jnp.pad(table, ((0, 0), (0, 3 * D))).reshape(4 * V, D)
    o6 = _make_sc_gather(bsz, hist, V)(x3, tab4)
    embs = (
        o6.transpose(2, 4, 0, 1, 3)
        .reshape(bsz, hist, D)
    )

    rows_blk = bsz // 16
    mask = pl.pallas_call(
        _mask_body,
        grid=(16,),
        in_specs=[pl.BlockSpec((rows_blk, hist), lambda i: (i, 0))],
        out_specs=pl.BlockSpec((rows_blk, hist), lambda i: (i, 0)),
        out_shape=jax.ShapeDtypeStruct((bsz, hist), jnp.bool_),
    )(x)
    return (embs, mask)

# --- scband reference (transcript-rebuilt; emitter-appended) ---
"""Pipeline reference for scband-uncontextualized-embedding-8263517078034 (READ-ONLY COPY).

The authoritative reference and input builder live on the scoring server;
editing this copy changes nothing except your own understanding.
"""

import jax, jax.numpy as jnp
import numpy as np

VOCAB = 1000000
EMB_DIM = 32
BATCH = 16384
HIST = 50

def setup_inputs(seed: int = 0) -> dict:
    key = jax.random.key(seed)
    k1, k2 = jax.random.split(key)
    x = jax.random.randint(k1, (BATCH, HIST), 0, VOCAB, dtype=jnp.int64) if jax.config.jax_enable_x64 else jax.random.randint(k1, (BATCH, HIST), 0, VOCAB, dtype=jnp.int32)
    table = jax.random.normal(k2, (VOCAB, EMB_DIM), dtype=jnp.float32) * 0.02
    return {"x": x, "table": table}

def reference(x, table):
    # UncontextualizedEmbedding.forward: mask = x > 0; embs = embedding(x)
    mask = (x > 0)
    embs = jnp.take(table, x, axis=0)
    return (embs, mask)

if __name__ == "__main__":
    import jax
    _d = setup_inputs()
    print(jax.jit(kernel)(*tuple(_d.values())))

</pallas_src>

<mosaic_0001>
#map = affine_map<(d0, d1) -> (0, 0, 0)>
#map1 = affine_map<(d0, d1) -> (0, 0)>
#map2 = affine_map<(d0, d1) -> (0, 0, 0, 0, 0)>
module attributes {stable_mosaic.version = 14 : i64} {
  func.func @sc_gather(%arg0: i32, %arg1: i32, %arg2: memref<32x512x50xi32, #tpu.memory_space<hbm>>, %arg3: memref<4000000x32xf32, #tpu.memory_space<hbm>>, %arg4: memref<50x4x128x8x128xf32, #tpu.memory_space<hbm>>, %arg5: memref<512x50xi32, #tpu.memory_space<vmem>>, %arg6: memref<50x512xi32, #tpu.memory_space<vmem>>, %arg7: memref<2x512x32xf32, #tpu.memory_space<vmem>>, %arg8: memref<4x4x8x128xf32, #tpu.memory_space<vmem>>, %arg9: memref<!tpu.dma_semaphore, #tpu.memory_space<semaphore_mem>>, %arg10: memref<!tpu.dma_semaphore, #tpu.memory_space<semaphore_mem>>) attributes {dimension_semantics = [#tpu.dimension_semantics<core_parallel>, #tpu.dimension_semantics<subcore_parallel>], iteration_bounds = array<i64: 2, 16>, scalar_prefetch = 0 : i64, scratch_operands = 6 : i64, tpu.core_type = #tpu.core_type<sc_vector_subcore>, window_params = [{transform_indices = #map}, {transform_indices = #map1}, {transform_indices = #map2}]} {
    %mul3A = arith.constant 2 : i32
    %mul3A_0 = arith.muli %arg1, %mul3A : i32
    %add3A = arith.addi %mul3A_0, %arg0 : i32
    "tpu.region"() ({
      %run_scoped3A = tpu.sem_alloc : memref<!tpu.dma_semaphore, #tpu.memory_space<semaphore_mem>>
      %dma_start3A_61 = arith.constant 0 : i32
      %dma_start3A_62 = arith.constant 0 : i32
      %dma_start3A_63 = tpu.memref_slice %arg2[%add3A, %dma_start3A_61, %dma_start3A_62] : memref<32x512x50xi32, #tpu.memory_space<hbm>> -> memref<1x512x50xi32, #tpu.memory_space<hbm>>
      %dma_start3A_64 = tpu.memref_squeeze %dma_start3A_63 : memref<1x512x50xi32, #tpu.memory_space<hbm>> -> memref<512x50xi32, #tpu.memory_space<hbm>>
      %dma_start3A_65 = arith.constant 0 : i32
      %dma_start3A_66 = arith.constant 0 : i32
      %dma_start3A_67 = tpu.memref_slice %arg2[%add3A, %dma_start3A_65, %dma_start3A_66] : memref<32x512x50xi32, #tpu.memory_space<hbm>> -> memref<1x512x50xi32, #tpu.memory_space<hbm>>
      %dma_start3A_68 = tpu.memref_squeeze %dma_start3A_67 : memref<1x512x50xi32, #tpu.memory_space<hbm>> -> memref<512x50xi32, #tpu.memory_space<hbm>>
      tpu.enqueue_dma source(%dma_start3A_68 : memref<512x50xi32, #tpu.memory_space<hbm>>) target(%arg5 : memref<512x50xi32, #tpu.memory_space<vmem>>) target_semaphore(%run_scoped3A : memref<!tpu.dma_semaphore, #tpu.memory_space<semaphore_mem>>)
      %dma_wait3A = arith.constant 0 : i32
      %dma_wait3A_69 = arith.constant 0 : i32
      %dma_wait3A_70 = tpu.memref_slice %arg2[%add3A, %dma_wait3A, %dma_wait3A_69] : memref<32x512x50xi32, #tpu.memory_space<hbm>> -> memref<1x512x50xi32, #tpu.memory_space<hbm>>
      %dma_wait3A_71 = tpu.memref_squeeze %dma_wait3A_70 : memref<1x512x50xi32, #tpu.memory_space<hbm>> -> memref<512x50xi32, #tpu.memory_space<hbm>>
      %dma_wait3A_72 = arith.constant 0 : i32
      %dma_wait3A_73 = arith.constant 0 : i32
      %dma_wait3A_74 = tpu.memref_slice %arg2[%add3A, %dma_wait3A_72, %dma_wait3A_73] : memref<32x512x50xi32, #tpu.memory_space<hbm>> -> memref<1x512x50xi32, #tpu.memory_space<hbm>>
      %dma_wait3A_75 = tpu.memref_squeeze %dma_wait3A_74 : memref<1x512x50xi32, #tpu.memory_space<hbm>> -> memref<512x50xi32, #tpu.memory_space<hbm>>
      tpu.wait_dma2 semaphore(%run_scoped3A : memref<!tpu.dma_semaphore, #tpu.memory_space<semaphore_mem>>) src(%dma_wait3A_75 : memref<512x50xi32, #tpu.memory_space<hbm>>) dst(%arg5 : memref<512x50xi32, #tpu.memory_space<vmem>>)
      tpu.yield
    }) : () -> ()
    %mul3A_1 = arith.constant 4 : i32
    %mul3A_2 = arith.muli %add3A, %mul3A_1 : i32
    %iota3A = tpu.iota {dimensions = array<i32: 0>} : vector<16xi32>
    %scan3A = arith.constant 0 : i32
    %scan3A_3 = arith.constant 0 : i32
    %scan3A_4 = arith.constant 50 : i32
    %scan3A_5 = arith.addi %scan3A_3, %scan3A_4 : i32
    %scan3A_6 = arith.constant 1 : i32
    scf.for %scan3A_61 = %scan3A_3 to %scan3A_5 step %scan3A_6  : i32 {
      %broadcast_in_dim3A = vector.broadcast %scan3A_61 : i32 to vector<16xi32>
      %add3A_62 = arith.constant 0 : i32
      %add3A_63 = vector.broadcast %add3A_62 : i32 to vector<16xi32>
      %add3A_64 = arith.addi %iota3A, %add3A_63 : vector<16xi32>
      %gather3A = tpu.vector_load_idx %arg5[%add3A_64, %broadcast_in_dim3A] : memref<512x50xi32, #tpu.memory_space<vmem>>[vector<16xi32>, vector<16xi32>], vector<16xi32>,
      %mul3A_65 = arith.constant 4 : i32
      %mul3A_66 = vector.broadcast %mul3A_65 : i32 to vector<16xi32>
      %mul3A_67 = arith.muli %gather3A, %mul3A_66 : vector<16xi32>
      %swap3A = arith.index_cast %scan3A_61 : i32 to index
      %swap3A_68 = arith.constant 0 : index
      %swap3A_69 = tpu.vector_load %arg6[%swap3A, %swap3A_68] {strides = array<i32>} : memref<50x512xi32, #tpu.memory_space<vmem>>, vector<16xi32>,
      tpu.vector_store %arg6[%swap3A, %swap3A_68], %mul3A_67 {strides = array<i32>} : memref<50x512xi32, #tpu.memory_space<vmem>>, vector<16xi32>,
      %add3A_70 = arith.constant 16 : i32
      %add3A_71 = vector.broadcast %add3A_70 : i32 to vector<16xi32>
      %add3A_72 = arith.addi %iota3A, %add3A_71 : vector<16xi32>
      %gather3A_73 = tpu.vector_load_idx %arg5[%add3A_72, %broadcast_in_dim3A] : memref<512x50xi32, #tpu.memory_space<vmem>>[vector<16xi32>, vector<16xi32>], vector<16xi32>,
      %mul3A_74 = arith.constant 4 : i32
      %mul3A_75 = vector.broadcast %mul3A_74 : i32 to vector<16xi32>
      %mul3A_76 = arith.muli %gather3A_73, %mul3A_75 : vector<16xi32>
      %swap3A_77 = arith.index_cast %scan3A_61 : i32 to index
      %swap3A_78 = arith.constant 16 : index
      %swap3A_79 = tpu.vector_load %arg6[%swap3A_77, %swap3A_78] {strides = array<i32>} : memref<50x512xi32, #tpu.memory_space<vmem>>, vector<16xi32>,
      tpu.vector_store %arg6[%swap3A_77, %swap3A_78], %mul3A_76 {strides = array<i32>} : memref<50x512xi32, #tpu.memory_space<vmem>>, vector<16xi32>,
      %add3A_80 = arith.constant 32 : i32
      %add3A_81 = vector.broadcast %add3A_80 : i32 to vector<16xi32>
      %add3A_82 = arith.addi %iota3A, %add3A_81 : vector<16xi32>
      %gather3A_83 = tpu.vector_load_idx %arg5[%add3A_82, %broadcast_in_dim3A] : memref<512x50xi32, #tpu.memory_space<vmem>>[vector<16xi32>, vector<16xi32>], vector<16xi32>,
      %mul3A_84 = arith.constant 4 : i32
      %mul3A_85 = vector.broadcast %mul3A_84 : i32 to vector<16xi32>
      %mul3A_86 = arith.muli %gather3A_83, %mul3A_85 : vector<16xi32>
      %swap3A_87 = arith.index_cast %scan3A_61 : i32 to index
      %swap3A_88 = arith.constant 32 : index
      %swap3A_89 = tpu.vector_load %arg6[%swap3A_87, %swap3A_88] {strides = array<i32>} : memref<50x512xi32, #tpu.memory_space<vmem>>, vector<16xi32>,
      tpu.vector_store %arg6[%swap3A_87, %swap3A_88], %mul3A_86 {strides = array<i32>} : memref<50x512xi32, #tpu.memory_space<vmem>>, vector<16xi32>,
      %add3A_90 = arith.constant 48 : i32
      %add3A_91 = vector.broadcast %add3A_90 : i32 to vector<16xi32>
      %add3A_92 = arith.addi %iota3A, %add3A_91 : vector<16xi32>
      %gather3A_93 = tpu.vector_load_idx %arg5[%add3A_92, %broadcast_in_dim3A] : memref<512x50xi32, #tpu.memory_space<vmem>>[vector<16xi32>, vector<16xi32>], vector<16xi32>,
      %mul3A_94 = arith.constant 4 : i32
      %mul3A_95 = vector.broadcast %mul3A_94 : i32 to vector<16xi32>
      %mul3A_96 = arith.muli %gather3A_93, %mul3A_95 : vector<16xi32>
      %swap3A_97 = arith.index_cast %scan3A_61 : i32 to index
      %swap3A_98 = arith.constant 48 : index
      %swap3A_99 = tpu.vector_load %arg6[%swap3A_97, %swap3A_98] {strides = array<i32>} : memref<50x512xi32, #tpu.memory_space<vmem>>, vector<16xi32>,
      tpu.vector_store %arg6[%swap3A_97, %swap3A_98], %mul3A_96 {strides = array<i32>} : memref<50x512xi32, #tpu.memory_space<vmem>>, vector<16xi32>,
      %add3A_100 = arith.constant 64 : i32
      %add3A_101 = vector.broadcast %add3A_100 : i32 to vector<16xi32>
      %add3A_102 = arith.addi %iota3A, %add3A_101 : vector<16xi32>
      %gather3A_103 = tpu.vector_load_idx %arg5[%add3A_102, %broadcast_in_dim3A] : memref<512x50xi32, #tpu.memory_space<vmem>>[vector<16xi32>, vector<16xi32>], vector<16xi32>,
      %mul3A_104 = arith.constant 4 : i32
      %mul3A_105 = vector.broadcast %mul3A_104 : i32 to vector<16xi32>
      %mul3A_106 = arith.muli %gather3A_103, %mul3A_105 : vector<16xi32>
      %swap3A_107 = arith.index_cast %scan3A_61 : i32 to index
      %swap3A_108 = arith.constant 64 : index
      %swap3A_109 = tpu.vector_load %arg6[%swap3A_107, %swap3A_108] {strides = array<i32>} : memref<50x512xi32, #tpu.memory_space<vmem>>, vector<16xi32>,
      tpu.vector_store %arg6[%swap3A_107, %swap3A_108], %mul3A_106 {strides = array<i32>} : memref<50x512xi32, #tpu.memory_space<vmem>>, vector<16xi32>,
      %add3A_110 = arith.constant 80 : i32
      %add3A_111 = vector.broadcast %add3A_110 : i32 to vector<16xi32>
      %add3A_112 = arith.addi %iota3A, %add3A_111 : vector<16xi32>
      %gather3A_113 = tpu.vector_load_idx %arg5[%add3A_112, %broadcast_in_dim3A] : memref<512x50xi32, #tpu.memory_space<vmem>>[vector<16xi32>, vector<16xi32>], vector<16xi32>,
      %mul3A_114 = arith.constant 4 : i32
      %mul3A_115 = vector.broadcast %mul3A_114 : i32 to vector<16xi32>
      %mul3A_116 = arith.muli %gather3A_113, %mul3A_115 : vector<16xi32>
      %swap3A_117 = arith.index_cast %scan3A_61 : i32 to index
      %swap3A_118 = arith.constant 80 : index
      %swap3A_119 = tpu.vector_load %arg6[%swap3A_117, %swap3A_118] {strides = array<i32>} : memref<50x512xi32, #tpu.memory_space<vmem>>, vector<16xi32>,
      tpu.vector_store %arg6[%swap3A_117, %swap3A_118], %mul3A_116 {strides = array<i32>} : memref<50x512xi32, #tpu.memory_space<vmem>>, vector<16xi32>,
      %add3A_120 = arith.constant 96 : i32
      %add3A_121 = vector.broadcast %add3A_120 : i32 to vector<16xi32>
      %add3A_122 = arith.addi %iota3A, %add3A_121 : vector<16xi32>
      %gather3A_123 = tpu.vector_load_idx %arg5[%add3A_122, %broadcast_in_dim3A] : memref<512x50xi32, #tpu.memory_space<vmem>>[vector<16xi32>, vector<16xi32>], vector<16xi32>,
      %mul3A_124 = arith.constant 4 : i32
      %mul3A_125 = vector.broadcast %mul3A_124 : i32 to vector<16xi32>
      %mul3A_126 = arith.muli %gather3A_123, %mul3A_125 : vector<16xi32>
      %swap3A_127 = arith.index_cast %scan3A_61 : i32 to index
      %swap3A_128 = arith.constant 96 : index
      %swap3A_129 = tpu.vector_load %arg6[%swap3A_127, %swap3A_128] {strides = array<i32>} : memref<50x512xi32, #tpu.memory_space<vmem>>, vector<16xi32>,
      tpu.vector_store %arg6[%swap3A_127, %swap3A_128], %mul3A_126 {strides = array<i32>} : memref<50x512xi32, #tpu.memory_space<vmem>>, vector<16xi32>,
      %add3A_130 = arith.constant 112 : i32
      %add3A_131 = vector.broadcast %add3A_130 : i32 to vector<16xi32>
      %add3A_132 = arith.addi %iota3A, %add3A_131 : vector<16xi32>
      %gather3A_133 = tpu.vector_load_idx %arg5[%add3A_132, %broadcast_in_dim3A] : memref<512x50xi32, #tpu.memory_space<vmem>>[vector<16xi32>, vector<16xi32>], vector<16xi32>,
      %mul3A_134 = arith.constant 4 : i32
      %mul3A_135 = vector.broadcast %mul3A_134 : i32 to vector<16xi32>
      %mul3A_136 = arith.muli %gather3A_133, %mul3A_135 : vector<16xi32>
      %swap3A_137 = arith.index_cast %scan3A_61 : i32 to index
      %swap3A_138 = arith.constant 112 : index
      %swap3A_139 = tpu.vector_load %arg6[%swap3A_137, %swap3A_138] {strides = array<i32>} : memref<50x512xi32, #tpu.memory_space<vmem>>, vector<16xi32>,
      tpu.vector_store %arg6[%swap3A_137, %swap3A_138], %mul3A_136 {strides = array<i32>} : memref<50x512xi32, #tpu.memory_space<vmem>>, vector<16xi32>,
      %add3A_140 = arith.constant 128 : i32
      %add3A_141 = vector.broadcast %add3A_140 : i32 to vector<16xi32>
      %add3A_142 = arith.addi %iota3A, %add3A_141 : vector<16xi32>
      %gather3A_143 = tpu.vector_load_idx %arg5[%add3A_142, %broadcast_in_dim3A] : memref<512x50xi32, #tpu.memory_space<vmem>>[vector<16xi32>, vector<16xi32>], vector<16xi32>,
      %mul3A_144 = arith.constant 4 : i32
      %mul3A_145 = vector.broadcast %mul3A_144 : i32 to vector<16xi32>
      %mul3A_146 = arith.muli %gather3A_143, %mul3A_145 : vector<16xi32>
      %swap3A_147 = arith.index_cast %scan3A_61 : i32 to index
      %swap3A_148 = arith.constant 128 : index
      %swap3A_149 = tpu.vector_load %arg6[%swap3A_147, %swap3A_148] {strides = array<i32>} : memref<50x512xi32, #tpu.memory_space<vmem>>, vector<16xi32>,
      tpu.vector_store %arg6[%swap3A_147, %swap3A_148], %mul3A_146 {strides = array<i32>} : memref<50x512xi32, #tpu.memory_space<vmem>>, vector<16xi32>,
      %add3A_150 = arith.constant 144 : i32
      %add3A_151 = vector.broadcast %add3A_150 : i32 to vector<16xi32>
      %add3A_152 = arith.addi %iota3A, %add3A_151 : vector<16xi32>
      %gather3A_153 = tpu.vector_load_idx %arg5[%add3A_152, %broadcast_in_dim3A] : memref<512x50xi32, #tpu.memory_space<vmem>>[vector<16xi32>, vector<16xi32>], vector<16xi32>,
      %mul3A_154 = arith.constant 4 : i32
      %mul3A_155 = vector.broadcast %mul3A_154 : i32 to vector<16xi32>
      %mul3A_156 = arith.muli %gather3A_153, %mul3A_155 : vector<16xi32>
      %swap3A_157 = arith.index_cast %scan3A_61 : i32 to index
      %swap3A_158 = arith.constant 144 : index
      %swap3A_159 = tpu.vector_load %arg6[%swap3A_157, %swap3A_158] {strides = array<i32>} : memref<50x512xi32, #tpu.memory_space<vmem>>, vector<16xi32>,
      tpu.vector_store %arg6[%swap3A_157, %swap3A_158], %mul3A_156 {strides = array<i32>} : memref<50x512xi32, #tpu.memory_space<vmem>>, vector<16xi32>,
      %add3A_160 = arith.constant 160 : i32
      %add3A_161 = vector.broadcast %add3A_160 : i32 to vector<16xi32>
      %add3A_162 = arith.addi %iota3A, %add3A_161 : vector<16xi32>
      %gather3A_163 = tpu.vector_load_idx %arg5[%add3A_162, %broadcast_in_dim3A] : memref<512x50xi32, #tpu.memory_space<vmem>>[vector<16xi32>, vector<16xi32>], vector<16xi32>,
      %mul3A_164 = arith.constant 4 : i32
      %mul3A_165 = vector.broadcast %mul3A_164 : i32 to vector<16xi32>
      %mul3A_166 = arith.muli %gather3A_163, %mul3A_165 : vector<16xi32>
      %swap3A_167 = arith.index_cast %scan3A_61 : i32 to index
      %swap3A_168 = arith.constant 160 : index
      %swap3A_169 = tpu.vector_load %arg6[%swap3A_167, %swap3A_168] {strides = array<i32>} : memref<50x512xi32, #tpu.memory_space<vmem>>, vector<16xi32>,
      tpu.vector_store %arg6[%swap3A_167, %swap3A_168], %mul3A_166 {strides = array<i32>} : memref<50x512xi32, #tpu.memory_space<vmem>>, vector<16xi32>,
      %add3A_170 = arith.constant 176 : i32
      %add3A_171 = vector.broadcast %add3A_170 : i32 to vector<16xi32>
      %add3A_172 = arith.addi %iota3A, %add3A_171 : vector<16xi32>
      %gather3A_173 = tpu.vector_load_idx %arg5[%add3A_172, %broadcast_in_dim3A] : memref<512x50xi32, #tpu.memory_space<vmem>>[vector<16xi32>, vector<16xi32>], vector<16xi32>,
      %mul3A_174 = arith.constant 4 : i32
      %mul3A_175 = vector.broadcast %mul3A_174 : i32 to vector<16xi32>
      %mul3A_176 = arith.muli %gather3A_173, %mul3A_175 : vector<16xi32>
      %swap3A_177 = arith.index_cast %scan3A_61 : i32 to index
      %swap3A_178 = arith.constant 176 : index
      %swap3A_179 = tpu.vector_load %arg6[%swap3A_177, %swap3A_178] {strides = array<i32>} : memref<50x512xi32, #tpu.memory_space<vmem>>, vector<16xi32>,
      tpu.vector_store %arg6[%swap3A_177, %swap3A_178], %mul3A_176 {strides = array<i32>} : memref<50x512xi32, #tpu.memory_space<vmem>>, vector<16xi32>,
      %add3A_180 = arith.constant 192 : i32
      %add3A_181 = vector.broadcast %add3A_180 : i32 to vector<16xi32>
      %add3A_182 = arith.addi %iota3A, %add3A_181 : vector<16xi32>
      %gather3A_183 = tpu.vector_load_idx %arg5[%add3A_182, %broadcast_in_dim3A] : memref<512x50xi32, #tpu.memory_space<vmem>>[vector<16xi32>, vector<16xi32>], vector<16xi32>,
      %mul3A_184 = arith.constant 4 : i32
      %mul3A_185 = vector.broadcast %mul3A_184 : i32 to vector<16xi32>
      %mul3A_186 = arith.muli %gather3A_183, %mul3A_185 : vector<16xi32>
      %swap3A_187 = arith.index_cast %scan3A_61 : i32 to index
      %swap3A_188 = arith.constant 192 : index
      %swap3A_189 = tpu.vector_load %arg6[%swap3A_187, %swap3A_188] {strides = array<i32>} : memref<50x512xi32, #tpu.memory_space<vmem>>, vector<16xi32>,
      tpu.vector_store %arg6[%swap3A_187, %swap3A_188], %mul3A_186 {strides = array<i32>} : memref<50x512xi32, #tpu.memory_space<vmem>>, vector<16xi32>,
      %add3A_190 = arith.constant 208 : i32
      %add3A_191 = vector.broadcast %add3A_190 : i32 to vector<16xi32>
      %add3A_192 = arith.addi %iota3A, %add3A_191 : vector<16xi32>
      %gather3A_193 = tpu.vector_load_idx %arg5[%add3A_192, %broadcast_in_dim3A] : memref<512x50xi32, #tpu.memory_space<vmem>>[vector<16xi32>, vector<16xi32>], vector<16xi32>,
      %mul3A_194 = arith.constant 4 : i32
      %mul3A_195 = vector.broadcast %mul3A_194 : i32 to vector<16xi32>
      %mul3A_196 = arith.muli %gather3A_193, %mul3A_195 : vector<16xi32>
      %swap3A_197 = arith.index_cast %scan3A_61 : i32 to index
      %swap3A_198 = arith.constant 208 : index
      %swap3A_199 = tpu.vector_load %arg6[%swap3A_197, %swap3A_198] {strides = array<i32>} : memref<50x512xi32, #tpu.memory_space<vmem>>, vector<16xi32>,
      tpu.vector_store %arg6[%swap3A_197, %swap3A_198], %mul3A_196 {strides = array<i32>} : memref<50x512xi32, #tpu.memory_space<vmem>>, vector<16xi32>,
      %add3A_200 = arith.constant 224 : i32
      %add3A_201 = vector.broadcast %add3A_200 : i32 to vector<16xi32>
      %add3A_202 = arith.addi %iota3A, %add3A_201 : vector<16xi32>
      %gather3A_203 = tpu.vector_load_idx %arg5[%add3A_202, %broadcast_in_dim3A] : memref<512x50xi32, #tpu.memory_space<vmem>>[vector<16xi32>, vector<16xi32>], vector<16xi32>,
      %mul3A_204 = arith.constant 4 : i32
      %mul3A_205 = vector.broadcast %mul3A_204 : i32 to vector<16xi32>
      %mul3A_206 = arith.muli %gather3A_203, %mul3A_205 : vector<16xi32>
      %swap3A_207 = arith.index_cast %scan3A_61 : i32 to index
      %swap3A_208 = arith.constant 224 : index
      %swap3A_209 = tpu.vector_load %arg6[%swap3A_207, %swap3A_208] {strides = array<i32>} : memref<50x512xi32, #tpu.memory_space<vmem>>, vector<16xi32>,
      tpu.vector_store %arg6[%swap3A_207, %swap3A_208], %mul3A_206 {strides = array<i32>} : memref<50x512xi32, #tpu.memory_space<vmem>>, vector<16xi32>,
      %add3A_210 = arith.constant 240 : i32
      %add3A_211 = vector.broadcast %add3A_210 : i32 to vector<16xi32>
      %add3A_212 = arith.addi %iota3A, %add3A_211 : vector<16xi32>
      %gather3A_213 = tpu.vector_load_idx %arg5[%add3A_212, %broadcast_in_dim3A] : memref<512x50xi32, #tpu.memory_space<vmem>>[vector<16xi32>, vector<16xi32>], vector<16xi32>,
      %mul3A_214 = arith.constant 4 : i32
      %mul3A_215 = vector.broadcast %mul3A_214 : i32 to vector<16xi32>
      %mul3A_216 = arith.muli %gather3A_213, %mul3A_215 : vector<16xi32>
      %swap3A_217 = arith.index_cast %scan3A_61 : i32 to index
      %swap3A_218 = arith.constant 240 : index
      %swap3A_219 = tpu.vector_load %arg6[%swap3A_217, %swap3A_218] {strides = array<i32>} : memref<50x512xi32, #tpu.memory_space<vmem>>, vector<16xi32>,
      tpu.vector_store %arg6[%swap3A_217, %swap3A_218], %mul3A_216 {strides = array<i32>} : memref<50x512xi32, #tpu.memory_space<vmem>>, vector<16xi32>,
      %add3A_220 = arith.constant 256 : i32
      %add3A_221 = vector.broadcast %add3A_220 : i32 to vector<16xi32>
      %add3A_222 = arith.addi %iota3A, %add3A_221 : vector<16xi32>
      %gather3A_223 = tpu.vector_load_idx %arg5[%add3A_222, %broadcast_in_dim3A] : memref<512x50xi32, #tpu.memory_space<vmem>>[vector<16xi32>, vector<16xi32>], vector<16xi32>,
      %mul3A_224 = arith.constant 4 : i32
      %mul3A_225 = vector.broadcast %mul3A_224 : i32 to vector<16xi32>
      %mul3A_226 = arith.muli %gather3A_223, %mul3A_225 : vector<16xi32>
      %swap3A_227 = arith.index_cast %scan3A_61 : i32 to index
      %swap3A_228 = arith.constant 256 : index
      %swap3A_229 = tpu.vector_load %arg6[%swap3A_227, %swap3A_228] {strides = array<i32>} : memref<50x512xi32, #tpu.memory_space<vmem>>, vector<16xi32>,
      tpu.vector_store %arg6[%swap3A_227, %swap3A_228], %mul3A_226 {strides = array<i32>} : memref<50x512xi32, #tpu.memory_space<vmem>>, vector<16xi32>,
      %add3A_230 = arith.constant 272 : i32
      %add3A_231 = vector.broadcast %add3A_230 : i32 to vector<16xi32>
      %add3A_232 = arith.addi %iota3A, %add3A_231 : vector<16xi32>
      %gather3A_233 = tpu.vector_load_idx %arg5[%add3A_232, %broadcast_in_dim3A] : memref<512x50xi32, #tpu.memory_space<vmem>>[vector<16xi32>, vector<16xi32>], vector<16xi32>,
      %mul3A_234 = arith.constant 4 : i32
      %mul3A_235 = vector.broadcast %mul3A_234 : i32 to vector<16xi32>
      %mul3A_236 = arith.muli %gather3A_233, %mul3A_235 : vector<16xi32>
      %swap3A_237 = arith.index_cast %scan3A_61 : i32 to index
      %swap3A_238 = arith.constant 272 : index
      %swap3A_239 = tpu.vector_load %arg6[%swap3A_237, %swap3A_238] {strides = array<i32>} : memref<50x512xi32, #tpu.memory_space<vmem>>, vector<16xi32>,
      tpu.vector_store %arg6[%swap3A_237, %swap3A_238], %mul3A_236 {strides = array<i32>} : memref<50x512xi32, #tpu.memory_space<vmem>>, vector<16xi32>,
      %add3A_240 = arith.constant 288 : i32
      %add3A_241 = vector.broadcast %add3A_240 : i32 to vector<16xi32>
      %add3A_242 = arith.addi %iota3A, %add3A_241 : vector<16xi32>
      %gather3A_243 = tpu.vector_load_idx %arg5[%add3A_242, %broadcast_in_dim3A] : memref<512x50xi32, #tpu.memory_space<vmem>>[vector<16xi32>, vector<16xi32>], vector<16xi32>,
      %mul3A_244 = arith.constant 4 : i32
      %mul3A_245 = vector.broadcast %mul3A_244 : i32 to vector<16xi32>
      %mul3A_246 = arith.muli %gather3A_243, %mul3A_245 : vector<16xi32>
      %swap3A_247 = arith.index_cast %scan3A_61 : i32 to index
      %swap3A_248 = arith.constant 288 : index
      %swap3A_249 = tpu.vector_load %arg6[%swap3A_247, %swap3A_248] {strides = array<i32>} : memref<50x512xi32, #tpu.memory_space<vmem>>, vector<16xi32>,
      tpu.vector_store %arg6[%swap3A_247, %swap3A_248], %mul3A_246 {strides = array<i32>} : memref<50x512xi32, #tpu.memory_space<vmem>>, vector<16xi32>,
      %add3A_250 = arith.constant 304 : i32
      %add3A_251 = vector.broadcast %add3A_250 : i32 to vector<16xi32>
      %add3A_252 = arith.addi %iota3A, %add3A_251 : vector<16xi32>
      %gather3A_253 = tpu.vector_load_idx %arg5[%add3A_252, %broadcast_in_dim3A] : memref<512x50xi32, #tpu.memory_space<vmem>>[vector<16xi32>, vector<16xi32>], vector<16xi32>,
      %mul3A_254 = arith.constant 4 : i32
      %mul3A_255 = vector.broadcast %mul3A_254 : i32 to vector<16xi32>
      %mul3A_256 = arith.muli %gather3A_253, %mul3A_255 : vector<16xi32>
      %swap3A_257 = arith.index_cast %scan3A_61 : i32 to index
      %swap3A_258 = arith.constant 304 : index
      %swap3A_259 = tpu.vector_load %arg6[%swap3A_257, %swap3A_258] {strides = array<i32>} : memref<50x512xi32, #tpu.memory_space<vmem>>, vector<16xi32>,
      tpu.vector_store %arg6[%swap3A_257, %swap3A_258], %mul3A_256 {strides = array<i32>} : memref<50x512xi32, #tpu.memory_space<vmem>>, vector<16xi32>,
      %add3A_260 = arith.constant 320 : i32
      %add3A_261 = vector.broadcast %add3A_260 : i32 to vector<16xi32>
      %add3A_262 = arith.addi %iota3A, %add3A_261 : vector<16xi32>
      %gather3A_263 = tpu.vector_load_idx %arg5[%add3A_262, %broadcast_in_dim3A] : memref<512x50xi32, #tpu.memory_space<vmem>>[vector<16xi32>, vector<16xi32>], vector<16xi32>,
      %mul3A_264 = arith.constant 4 : i32
      %mul3A_265 = vector.broadcast %mul3A_264 : i32 to vector<16xi32>
      %mul3A_266 = arith.muli %gather3A_263, %mul3A_265 : vector<16xi32>
      %swap3A_267 = arith.index_cast %scan3A_61 : i32 to index
      %swap3A_268 = arith.constant 320 : index
      %swap3A_269 = tpu.vector_load %arg6[%swap3A_267, %swap3A_268] {strides = array<i32>} : memref<50x512xi32, #tpu.memory_space<vmem>>, vector<16xi32>,
      tpu.vector_store %arg6[%swap3A_267, %swap3A_268], %mul3A_266 {strides = array<i32>} : memref<50x512xi32, #tpu.memory_space<vmem>>, vector<16xi32>,
      %add3A_270 = arith.constant 336 : i32
      %add3A_271 = vector.broadcast %add3A_270 : i32 to vector<16xi32>
      %add3A_272 = arith.addi %iota3A, %add3A_271 : vector<16xi32>
      %gather3A_273 = tpu.vector_load_idx %arg5[%add3A_272, %broadcast_in_dim3A] : memref<512x50xi32, #tpu.memory_space<vmem>>[vector<16xi32>, vector<16xi32>], vector<16xi32>,
      %mul3A_274 = arith.constant 4 : i32
      %mul3A_275 = vector.broadcast %mul3A_274 : i32 to vector<16xi32>
      %mul3A_276 = arith.muli %gather3A_273, %mul3A_275 : vector<16xi32>
      %swap3A_277 = arith.index_cast %scan3A_61 : i32 to index
      %swap3A_278 = arith.constant 336 : index
      %swap3A_279 = tpu.vector_load %arg6[%swap3A_277, %swap3A_278] {strides = array<i32>} : memref<50x512xi32, #tpu.memory_space<vmem>>, vector<16xi32>,
      tpu.vector_store %arg6[%swap3A_277, %swap3A_278], %mul3A_276 {strides = array<i32>} : memref<50x512xi32, #tpu.memory_space<vmem>>, vector<16xi32>,
      %add3A_280 = arith.constant 352 : i32
      %add3A_281 = vector.broadcast %add3A_280 : i32 to vector<16xi32>
      %add3A_282 = arith.addi %iota3A, %add3A_281 : vector<16xi32>
      %gather3A_283 = tpu.vector_load_idx %arg5[%add3A_282, %broadcast_in_dim3A] : memref<512x50xi32, #tpu.memory_space<vmem>>[vector<16xi32>, vector<16xi32>], vector<16xi32>,
      %mul3A_284 = arith.constant 4 : i32
      %mul3A_285 = vector.broadcast %mul3A_284 : i32 to vector<16xi32>
      %mul3A_286 = arith.muli %gather3A_283, %mul3A_285 : vector<16xi32>
      %swap3A_287 = arith.index_cast %scan3A_61 : i32 to index
      %swap3A_288 = arith.constant 352 : index
      %swap3A_289 = tpu.vector_load %arg6[%swap3A_287, %swap3A_288] {strides = array<i32>} : memref<50x512xi32, #tpu.memory_space<vmem>>, vector<16xi32>,
      tpu.vector_store %arg6[%swap3A_287, %swap3A_288], %mul3A_286 {strides = array<i32>} : memref<50x512xi32, #tpu.memory_space<vmem>>, vector<16xi32>,
      %add3A_290 = arith.constant 368 : i32
      %add3A_291 = vector.broadcast %add3A_290 : i32 to vector<16xi32>
      %add3A_292 = arith.addi %iota3A, %add3A_291 : vector<16xi32>
      %gather3A_293 = tpu.vector_load_idx %arg5[%add3A_292, %broadcast_in_dim3A] : memref<512x50xi32, #tpu.memory_space<vmem>>[vector<16xi32>, vector<16xi32>], vector<16xi32>,
      %mul3A_294 = arith.constant 4 : i32
      %mul3A_295 = vector.broadcast %mul3A_294 : i32 to vector<16xi32>
      %mul3A_296 = arith.muli %gather3A_293, %mul3A_295 : vector<16xi32>
      %swap3A_297 = arith.index_cast %scan3A_61 : i32 to index
      %swap3A_298 = arith.constant 368 : index
      %swap3A_299 = tpu.vector_load %arg6[%swap3A_297, %swap3A_298] {strides = array<i32>} : memref<50x512xi32, #tpu.memory_space<vmem>>, vector<16xi32>,
      tpu.vector_store %arg6[%swap3A_297, %swap3A_298], %mul3A_296 {strides = array<i32>} : memref<50x512xi32, #tpu.memory_space<vmem>>, vector<16xi32>,
      %add3A_300 = arith.constant 384 : i32
      %add3A_301 = vector.broadcast %add3A_300 : i32 to vector<16xi32>
      %add3A_302 = arith.addi %iota3A, %add3A_301 : vector<16xi32>
      %gather3A_303 = tpu.vector_load_idx %arg5[%add3A_302, %broadcast_in_dim3A] : memref<512x50xi32, #tpu.memory_space<vmem>>[vector<16xi32>, vector<16xi32>], vector<16xi32>,
      %mul3A_304 = arith.constant 4 : i32
      %mul3A_305 = vector.broadcast %mul3A_304 : i32 to vector<16xi32>
      %mul3A_306 = arith.muli %gather3A_303, %mul3A_305 : vector<16xi32>
      %swap3A_307 = arith.index_cast %scan3A_61 : i32 to index
      %swap3A_308 = arith.constant 384 : index
      %swap3A_309 = tpu.vector_load %arg6[%swap3A_307, %swap3A_308] {strides = array<i32>} : memref<50x512xi32, #tpu.memory_space<vmem>>, vector<16xi32>,
      tpu.vector_store %arg6[%swap3A_307, %swap3A_308], %mul3A_306 {strides = array<i32>} : memref<50x512xi32, #tpu.memory_space<vmem>>, vector<16xi32>,
      %add3A_310 = arith.constant 400 : i32
      %add3A_311 = vector.broadcast %add3A_310 : i32 to vector<16xi32>
      %add3A_312 = arith.addi %iota3A, %add3A_311 : vector<16xi32>
      %gather3A_313 = tpu.vector_load_idx %arg5[%add3A_312, %broadcast_in_dim3A] : memref<512x50xi32, #tpu.memory_space<vmem>>[vector<16xi32>, vector<16xi32>], vector<16xi32>,
      %mul3A_314 = arith.constant 4 : i32
      %mul3A_315 = vector.broadcast %mul3A_314 : i32 to vector<16xi32>
      %mul3A_316 = arith.muli %gather3A_313, %mul3A_315 : vector<16xi32>
      %swap3A_317 = arith.index_cast %scan3A_61 : i32 to index
      %swap3A_318 = arith.constant 400 : index
      %swap3A_319 = tpu.vector_load %arg6[%swap3A_317, %swap3A_318] {strides = array<i32>} : memref<50x512xi32, #tpu.memory_space<vmem>>, vector<16xi32>,
      tpu.vector_store %arg6[%swap3A_317, %swap3A_318], %mul3A_316 {strides = array<i32>} : memref<50x512xi32, #tpu.memory_space<vmem>>, vector<16xi32>,
      %add3A_320 = arith.constant 416 : i32
      %add3A_321 = vector.broadcast %add3A_320 : i32 to vector<16xi32>
      %add3A_322 = arith.addi %iota3A, %add3A_321 : vector<16xi32>
      %gather3A_323 = tpu.vector_load_idx %arg5[%add3A_322, %broadcast_in_dim3A] : memref<512x50xi32, #tpu.memory_space<vmem>>[vector<16xi32>, vector<16xi32>], vector<16xi32>,
      %mul3A_324 = arith.constant 4 : i32
      %mul3A_325 = vector.broadcast %mul3A_324 : i32 to vector<16xi32>
      %mul3A_326 = arith.muli %gather3A_323, %mul3A_325 : vector<16xi32>
      %swap3A_327 = arith.index_cast %scan3A_61 : i32 to index
      %swap3A_328 = arith.constant 416 : index
      %swap3A_329 = tpu.vector_load %arg6[%swap3A_327, %swap3A_328] {strides = array<i32>} : memref<50x512xi32, #tpu.memory_space<vmem>>, vector<16xi32>,
      tpu.vector_store %arg6[%swap3A_327, %swap3A_328], %mul3A_326 {strides = array<i32>} : memref<50x512xi32, #tpu.memory_space<vmem>>, vector<16xi32>,
      %add3A_330 = arith.constant 432 : i32
      %add3A_331 = vector.broadcast %add3A_330 : i32 to vector<16xi32>
      %add3A_332 = arith.addi %iota3A, %add3A_331 : vector<16xi32>
      %gather3A_333 = tpu.vector_load_idx %arg5[%add3A_332, %broadcast_in_dim3A] : memref<512x50xi32, #tpu.memory_space<vmem>>[vector<16xi32>, vector<16xi32>], vector<16xi32>,
      %mul3A_334 = arith.constant 4 : i32
      %mul3A_335 = vector.broadcast %mul3A_334 : i32 to vector<16xi32>
      %mul3A_336 = arith.muli %gather3A_333, %mul3A_335 : vector<16xi32>
      %swap3A_337 = arith.index_cast %scan3A_61 : i32 to index
      %swap3A_338 = arith.constant 432 : index
      %swap3A_339 = tpu.vector_load %arg6[%swap3A_337, %swap3A_338] {strides = array<i32>} : memref<50x512xi32, #tpu.memory_space<vmem>>, vector<16xi32>,
      tpu.vector_store %arg6[%swap3A_337, %swap3A_338], %mul3A_336 {strides = array<i32>} : memref<50x512xi32, #tpu.memory_space<vmem>>, vector<16xi32>,
      %add3A_340 = arith.constant 448 : i32
      %add3A_341 = vector.broadcast %add3A_340 : i32 to vector<16xi32>
      %add3A_342 = arith.addi %iota3A, %add3A_341 : vector<16xi32>
      %gather3A_343 = tpu.vector_load_idx %arg5[%add3A_342, %broadcast_in_dim3A] : memref<512x50xi32, #tpu.memory_space<vmem>>[vector<16xi32>, vector<16xi32>], vector<16xi32>,
      %mul3A_344 = arith.constant 4 : i32
      %mul3A_345 = vector.broadcast %mul3A_344 : i32 to vector<16xi32>
      %mul3A_346 = arith.muli %gather3A_343, %mul3A_345 : vector<16xi32>
      %swap3A_347 = arith.index_cast %scan3A_61 : i32 to index
      %swap3A_348 = arith.constant 448 : index
      %swap3A_349 = tpu.vector_load %arg6[%swap3A_347, %swap3A_348] {strides = array<i32>} : memref<50x512xi32, #tpu.memory_space<vmem>>, vector<16xi32>,
      tpu.vector_store %arg6[%swap3A_347, %swap3A_348], %mul3A_346 {strides = array<i32>} : memref<50x512xi32, #tpu.memory_space<vmem>>, vector<16xi32>,
      %add3A_350 = arith.constant 464 : i32
      %add3A_351 = vector.broadcast %add3A_350 : i32 to vector<16xi32>
      %add3A_352 = arith.addi %iota3A, %add3A_351 : vector<16xi32>
      %gather3A_353 = tpu.vector_load_idx %arg5[%add3A_352, %broadcast_in_dim3A] : memref<512x50xi32, #tpu.memory_space<vmem>>[vector<16xi32>, vector<16xi32>], vector<16xi32>,
      %mul3A_354 = arith.constant 4 : i32
      %mul3A_355 = vector.broadcast %mul3A_354 : i32 to vector<16xi32>
      %mul3A_356 = arith.muli %gather3A_353, %mul3A_355 : vector<16xi32>
      %swap3A_357 = arith.index_cast %scan3A_61 : i32 to index
      %swap3A_358 = arith.constant 464 : index
      %swap3A_359 = tpu.vector_load %arg6[%swap3A_357, %swap3A_358] {strides = array<i32>} : memref<50x512xi32, #tpu.memory_space<vmem>>, vector<16xi32>,
      tpu.vector_store %arg6[%swap3A_357, %swap3A_358], %mul3A_356 {strides = array<i32>} : memref<50x512xi32, #tpu.memory_space<vmem>>, vector<16xi32>,
      %add3A_360 = arith.constant 480 : i32
      %add3A_361 = vector.broadcast %add3A_360 : i32 to vector<16xi32>
      %add3A_362 = arith.addi %iota3A, %add3A_361 : vector<16xi32>
      %gather3A_363 = tpu.vector_load_idx %arg5[%add3A_362, %broadcast_in_dim3A] : memref<512x50xi32, #tpu.memory_space<vmem>>[vector<16xi32>, vector<16xi32>], vector<16xi32>,
      %mul3A_364 = arith.constant 4 : i32
      %mul3A_365 = vector.broadcast %mul3A_364 : i32 to vector<16xi32>
      %mul3A_366 = arith.muli %gather3A_363, %mul3A_365 : vector<16xi32>
      %swap3A_367 = arith.index_cast %scan3A_61 : i32 to index
      %swap3A_368 = arith.constant 480 : index
      %swap3A_369 = tpu.vector_load %arg6[%swap3A_367, %swap3A_368] {strides = array<i32>} : memref<50x512xi32, #tpu.memory_space<vmem>>, vector<16xi32>,
      tpu.vector_store %arg6[%swap3A_367, %swap3A_368], %mul3A_366 {strides = array<i32>} : memref<50x512xi32, #tpu.memory_space<vmem>>, vector<16xi32>,
      %add3A_370 = arith.constant 496 : i32
      %add3A_371 = vector.broadcast %add3A_370 : i32 to vector<16xi32>
      %add3A_372 = arith.addi %iota3A, %add3A_371 : vector<16xi32>
      %gather3A_373 = tpu.vector_load_idx %arg5[%add3A_372, %broadcast_in_dim3A] : memref<512x50xi32, #tpu.memory_space<vmem>>[vector<16xi32>, vector<16xi32>], vector<16xi32>,
      %mul3A_374 = arith.constant 4 : i32
      %mul3A_375 = vector.broadcast %mul3A_374 : i32 to vector<16xi32>
      %mul3A_376 = arith.muli %gather3A_373, %mul3A_375 : vector<16xi32>
      %swap3A_377 = arith.index_cast %scan3A_61 : i32 to index
      %swap3A_378 = arith.constant 496 : index
      %swap3A_379 = tpu.vector_load %arg6[%swap3A_377, %swap3A_378] {strides = array<i32>} : memref<50x512xi32, #tpu.memory_space<vmem>>, vector<16xi32>,
      tpu.vector_store %arg6[%swap3A_377, %swap3A_378], %mul3A_376 {strides = array<i32>} : memref<50x512xi32, #tpu.memory_space<vmem>>, vector<16xi32>,
    }
    %scan3A_7 = arith.constant 50 : i32
    %dma_start3A = arith.constant 0 : i32
    %dma_start3A_8 = arith.constant 0 : i32
    %dma_start3A_9 = arith.constant 0 : i32
    %dma_start3A_10 = arith.constant 0 : i32
    %dma_start3A_11 = tpu.memref_slice %arg7[%dma_start3A_8, %dma_start3A_9, %dma_start3A_10] : memref<2x512x32xf32, #tpu.memory_space<vmem>> -> memref<1x128x32xf32, #tpu.memory_space<vmem>>
    %dma_start3A_12 = tpu.memref_squeeze %dma_start3A_11 : memref<1x128x32xf32, #tpu.memory_space<vmem>> -> memref<128x32xf32, #tpu.memory_space<vmem>>
    %dma_start3A_13 = arith.constant 0 : i32
    %dma_start3A_14 = tpu.memref_slice %arg6[%dma_start3A, %dma_start3A_13] : memref<50x512xi32, #tpu.memory_space<vmem>> -> memref<1x128xi32, #tpu.memory_space<vmem>>
    %dma_start3A_15 = tpu.memref_squeeze %dma_start3A_14 : memref<1x128xi32, #tpu.memory_space<vmem>> -> memref<128xi32, #tpu.memory_space<vmem>>
    %dma_start3A_16 = arith.constant 0 : i32
    %dma_start3A_17 = arith.constant 0 : i32
    %dma_start3A_18 = tpu.memref_slice %arg3[%dma_start3A_16, %dma_start3A_17] : memref<4000000x32xf32, #tpu.memory_space<hbm>> -> memref<4000000x32xf32, #tpu.memory_space<hbm>>
    tpu.enqueue_indirect_dma source(%dma_start3A_18 : memref<4000000x32xf32, #tpu.memory_space<hbm>>) target(%dma_start3A_12 : memref<128x32xf32, #tpu.memory_space<vmem>>) offsets(%dma_start3A_15 : memref<128xi32, #tpu.memory_space<vmem>>) semaphore(%arg9 : memref<!tpu.dma_semaphore, #tpu.memory_space<semaphore_mem>>)
    %dma_start3A_19 = arith.constant 0 : i32
    %dma_start3A_20 = arith.constant 0 : i32
    %dma_start3A_21 = arith.constant 128 : i32
    %dma_start3A_22 = arith.constant 0 : i32
    %dma_start3A_23 = tpu.memref_slice %arg7[%dma_start3A_20, %dma_start3A_21, %dma_start3A_22] : memref<2x512x32xf32, #tpu.memory_space<vmem>> -> memref<1x128x32xf32, #tpu.memory_space<vmem>>
    %dma_start3A_24 = tpu.memref_squeeze %dma_start3A_23 : memref<1x128x32xf32, #tpu.memory_space<vmem>> -> memref<128x32xf32, #tpu.memory_space<vmem>>
    %dma_start3A_25 = arith.constant 128 : i32
    %dma_start3A_26 = tpu.memref_slice %arg6[%dma_start3A_19, %dma_start3A_25] : memref<50x512xi32, #tpu.memory_space<vmem>> -> memref<1x128xi32, #tpu.memory_space<vmem>>
    %dma_start3A_27 = tpu.memref_squeeze %dma_start3A_26 : memref<1x128xi32, #tpu.memory_space<vmem>> -> memref<128xi32, #tpu.memory_space<vmem>>
    %dma_start3A_28 = arith.constant 0 : i32
    %dma_start3A_29 = arith.constant 0 : i32
    %dma_start3A_30 = tpu.memref_slice %arg3[%dma_start3A_28, %dma_start3A_29] : memref<4000000x32xf32, #tpu.memory_space<hbm>> -> memref<4000000x32xf32, #tpu.memory_space<hbm>>
    tpu.enqueue_indirect_dma source(%dma_start3A_30 : memref<4000000x32xf32, #tpu.memory_space<hbm>>) target(%dma_start3A_24 : memref<128x32xf32, #tpu.memory_space<vmem>>) offsets(%dma_start3A_27 : memref<128xi32, #tpu.memory_space<vmem>>) semaphore(%arg9 : memref<!tpu.dma_semaphore, #tpu.memory_space<semaphore_mem>>)
    %dma_start3A_31 = arith.constant 0 : i32
    %dma_start3A_32 = arith.constant 0 : i32
    %dma_start3A_33 = arith.constant 256 : i32
    %dma_start3A_34 = arith.constant 0 : i32
    %dma_start3A_35 = tpu.memref_slice %arg7[%dma_start3A_32, %dma_start3A_33, %dma_start3A_34] : memref<2x512x32xf32, #tpu.memory_space<vmem>> -> memref<1x128x32xf32, #tpu.memory_space<vmem>>
    %dma_start3A_36 = tpu.memref_squeeze %dma_start3A_35 : memref<1x128x32xf32, #tpu.memory_space<vmem>> -> memref<128x32xf32, #tpu.memory_space<vmem>>
    %dma_start3A_37 = arith.constant 256 : i32
    %dma_start3A_38 = tpu.memref_slice %arg6[%dma_start3A_31, %dma_start3A_37] : memref<50x512xi32, #tpu.memory_space<vmem>> -> memref<1x128xi32, #tpu.memory_space<vmem>>
    %dma_start3A_39 = tpu.memref_squeeze %dma_start3A_38 : memref<1x128xi32, #tpu.memory_space<vmem>> -> memref<128xi32, #tpu.memory_space<vmem>>
    %dma_start3A_40 = arith.constant 0 : i32
    %dma_start3A_41 = arith.constant 0 : i32
    %dma_start3A_42 = tpu.memref_slice %arg3[%dma_start3A_40, %dma_start3A_41] : memref<4000000x32xf32, #tpu.memory_space<hbm>> -> memref<4000000x32xf32, #tpu.memory_space<hbm>>
    tpu.enqueue_indirect_dma source(%dma_start3A_42 : memref<4000000x32xf32, #tpu.memory_space<hbm>>) target(%dma_start3A_36 : memref<128x32xf32, #tpu.memory_space<vmem>>) offsets(%dma_start3A_39 : memref<128xi32, #tpu.memory_space<vmem>>) semaphore(%arg9 : memref<!tpu.dma_semaphore, #tpu.memory_space<semaphore_mem>>)
    %dma_start3A_43 = arith.constant 0 : i32
    %dma_start3A_44 = arith.constant 0 : i32
    %dma_start3A_45 = arith.constant 384 : i32
    %dma_start3A_46 = arith.constant 0 : i32
    %dma_start3A_47 = tpu.memref_slice %arg7[%dma_start3A_44, %dma_start3A_45, %dma_start3A_46] : memref<2x512x32xf32, #tpu.memory_space<vmem>> -> memref<1x128x32xf32, #tpu.memory_space<vmem>>
    %dma_start3A_48 = tpu.memref_squeeze %dma_start3A_47 : memref<1x128x32xf32, #tpu.memory_space<vmem>> -> memref<128x32xf32, #tpu.memory_space<vmem>>
    %dma_start3A_49 = arith.constant 384 : i32
    %dma_start3A_50 = tpu.memref_slice %arg6[%dma_start3A_43, %dma_start3A_49] : memref<50x512xi32, #tpu.memory_space<vmem>> -> memref<1x128xi32, #tpu.memory_space<vmem>>
    %dma_start3A_51 = tpu.memref_squeeze %dma_start3A_50 : memref<1x128xi32, #tpu.memory_space<vmem>> -> memref<128xi32, #tpu.memory_space<vmem>>
    %dma_start3A_52 = arith.constant 0 : i32
    %dma_start3A_53 = arith.constant 0 : i32
    %dma_start3A_54 = tpu.memref_slice %arg3[%dma_start3A_52, %dma_start3A_53] : memref<4000000x32xf32, #tpu.memory_space<hbm>> -> memref<4000000x32xf32, #tpu.memory_space<hbm>>
    tpu.enqueue_indirect_dma source(%dma_start3A_54 : memref<4000000x32xf32, #tpu.memory_space<hbm>>) target(%dma_start3A_48 : memref<128x32xf32, #tpu.memory_space<vmem>>) offsets(%dma_start3A_51 : memref<128xi32, #tpu.memory_space<vmem>>) semaphore(%arg9 : memref<!tpu.dma_semaphore, #tpu.memory_space<semaphore_mem>>)
    %scan3A_55 = arith.constant 0 : i32
    %scan3A_56 = arith.constant 0 : i32
    %scan3A_57 = arith.constant 25 : i32
    %scan3A_58 = arith.addi %scan3A_56, %scan3A_57 : i32
    %scan3A_59 = arith.constant 1 : i32
    scf.for %scan3A_61 = %scan3A_56 to %scan3A_58 step %scan3A_59  : i32 {
      %mul3A_62 = arith.constant 2 : i32
      %mul3A_63 = arith.muli %scan3A_61, %mul3A_62 : i32
      %add3A_64 = arith.constant 1 : i32
      %add3A_65 = arith.addi %mul3A_63, %add3A_64 : i32
      %dma_start3A_66 = arith.constant 1 : i32
      %dma_start3A_67 = arith.constant 0 : i32
      %dma_start3A_68 = arith.constant 0 : i32
      %dma_start3A_69 = tpu.memref_slice %arg7[%dma_start3A_66, %dma_start3A_67, %dma_start3A_68] : memref<2x512x32xf32, #tpu.memory_space<vmem>> -> memref<1x128x32xf32, #tpu.memory_space<vmem>>
      %dma_start3A_70 = tpu.memref_squeeze %dma_start3A_69 : memref<1x128x32xf32, #tpu.memory_space<vmem>> -> memref<128x32xf32, #tpu.memory_space<vmem>>
      %dma_start3A_71 = arith.constant 0 : i32
      %dma_start3A_72 = tpu.memref_slice %arg6[%add3A_65, %dma_start3A_71] : memref<50x512xi32, #tpu.memory_space<vmem>> -> memref<1x128xi32, #tpu.memory_space<vmem>>
      %dma_start3A_73 = tpu.memref_squeeze %dma_start3A_72 : memref<1x128xi32, #tpu.memory_space<vmem>> -> memref<128xi32, #tpu.memory_space<vmem>>
      %dma_start3A_74 = arith.constant 0 : i32
      %dma_start3A_75 = arith.constant 0 : i32
      %dma_start3A_76 = tpu.memref_slice %arg3[%dma_start3A_74, %dma_start3A_75] : memref<4000000x32xf32, #tpu.memory_space<hbm>> -> memref<4000000x32xf32, #tpu.memory_space<hbm>>
      tpu.enqueue_indirect_dma source(%dma_start3A_76 : memref<4000000x32xf32, #tpu.memory_space<hbm>>) target(%dma_start3A_70 : memref<128x32xf32, #tpu.memory_space<vmem>>) offsets(%dma_start3A_73 : memref<128xi32, #tpu.memory_space<vmem>>) semaphore(%arg10 : memref<!tpu.dma_semaphore, #tpu.memory_space<semaphore_mem>>)
      %dma_start3A_77 = arith.constant 1 : i32
      %dma_start3A_78 = arith.constant 128 : i32
      %dma_start3A_79 = arith.constant 0 : i32
      %dma_start3A_80 = tpu.memref_slice %arg7[%dma_start3A_77, %dma_start3A_78, %dma_start3A_79] : memref<2x512x32xf32, #tpu.memory_space<vmem>> -> memref<1x128x32xf32, #tpu.memory_space<vmem>>
      %dma_start3A_81 = tpu.memref_squeeze %dma_start3A_80 : memref<1x128x32xf32, #tpu.memory_space<vmem>> -> memref<128x32xf32, #tpu.memory_space<vmem>>
      %dma_start3A_82 = arith.constant 128 : i32
      %dma_start3A_83 = tpu.memref_slice %arg6[%add3A_65, %dma_start3A_82] : memref<50x512xi32, #tpu.memory_space<vmem>> -> memref<1x128xi32, #tpu.memory_space<vmem>>
      %dma_start3A_84 = tpu.memref_squeeze %dma_start3A_83 : memref<1x128xi32, #tpu.memory_space<vmem>> -> memref<128xi32, #tpu.memory_space<vmem>>
      %dma_start3A_85 = arith.constant 0 : i32
      %dma_start3A_86 = arith.constant 0 : i32
      %dma_start3A_87 = tpu.memref_slice %arg3[%dma_start3A_85, %dma_start3A_86] : memref<4000000x32xf32, #tpu.memory_space<hbm>> -> memref<4000000x32xf32, #tpu.memory_space<hbm>>
      tpu.enqueue_indirect_dma source(%dma_start3A_87 : memref<4000000x32xf32, #tpu.memory_space<hbm>>) target(%dma_start3A_81 : memref<128x32xf32, #tpu.memory_space<vmem>>) offsets(%dma_start3A_84 : memref<128xi32, #tpu.memory_space<vmem>>) semaphore(%arg10 : memref<!tpu.dma_semaphore, #tpu.memory_space<semaphore_mem>>)
      %dma_start3A_88 = arith.constant 1 : i32
      %dma_start3A_89 = arith.constant 256 : i32
      %dma_start3A_90 = arith.constant 0 : i32
      %dma_start3A_91 = tpu.memref_slice %arg7[%dma_start3A_88, %dma_start3A_89, %dma_start3A_90] : memref<2x512x32xf32, #tpu.memory_space<vmem>> -> memref<1x128x32xf32, #tpu.memory_space<vmem>>
      %dma_start3A_92 = tpu.memref_squeeze %dma_start3A_91 : memref<1x128x32xf32, #tpu.memory_space<vmem>> -> memref<128x32xf32, #tpu.memory_space<vmem>>
      %dma_start3A_93 = arith.constant 256 : i32
      %dma_start3A_94 = tpu.memref_slice %arg6[%add3A_65, %dma_start3A_93] : memref<50x512xi32, #tpu.memory_space<vmem>> -> memref<1x128xi32, #tpu.memory_space<vmem>>
      %dma_start3A_95 = tpu.memref_squeeze %dma_start3A_94 : memref<1x128xi32, #tpu.memory_space<vmem>> -> memref<128xi32, #tpu.memory_space<vmem>>
      %dma_start3A_96 = arith.constant 0 : i32
      %dma_start3A_97 = arith.constant 0 : i32
      %dma_start3A_98 = tpu.memref_slice %arg3[%dma_start3A_96, %dma_start3A_97] : memref<4000000x32xf32, #tpu.memory_space<hbm>> -> memref<4000000x32xf32, #tpu.memory_space<hbm>>
      tpu.enqueue_indirect_dma source(%dma_start3A_98 : memref<4000000x32xf32, #tpu.memory_space<hbm>>) target(%dma_start3A_92 : memref<128x32xf32, #tpu.memory_space<vmem>>) offsets(%dma_start3A_95 : memref<128xi32, #tpu.memory_space<vmem>>) semaphore(%arg10 : memref<!tpu.dma_semaphore, #tpu.memory_space<semaphore_mem>>)
      %dma_start3A_99 = arith.constant 1 : i32
      %dma_start3A_100 = arith.constant 384 : i32
      %dma_start3A_101 = arith.constant 0 : i32
      %dma_start3A_102 = tpu.memref_slice %arg7[%dma_start3A_99, %dma_start3A_100, %dma_start3A_101] : memref<2x512x32xf32, #tpu.memory_space<vmem>> -> memref<1x128x32xf32, #tpu.memory_space<vmem>>
      %dma_start3A_103 = tpu.memref_squeeze %dma_start3A_102 : memref<1x128x32xf32, #tpu.memory_space<vmem>> -> memref<128x32xf32, #tpu.memory_space<vmem>>
      %dma_start3A_104 = arith.constant 384 : i32
      %dma_start3A_105 = tpu.memref_slice %arg6[%add3A_65, %dma_start3A_104] : memref<50x512xi32, #tpu.memory_space<vmem>> -> memref<1x128xi32, #tpu.memory_space<vmem>>
      %dma_start3A_106 = tpu.memref_squeeze %dma_start3A_105 : memref<1x128xi32, #tpu.memory_space<vmem>> -> memref<128xi32, #tpu.memory_space<vmem>>
      %dma_start3A_107 = arith.constant 0 : i32
      %dma_start3A_108 = arith.constant 0 : i32
      %dma_start3A_109 = tpu.memref_slice %arg3[%dma_start3A_107, %dma_start3A_108] : memref<4000000x32xf32, #tpu.memory_space<hbm>> -> memref<4000000x32xf32, #tpu.memory_space<hbm>>
      tpu.enqueue_indirect_dma source(%dma_start3A_109 : memref<4000000x32xf32, #tpu.memory_space<hbm>>) target(%dma_start3A_103 : memref<128x32xf32, #tpu.memory_space<vmem>>) offsets(%dma_start3A_106 : memref<128xi32, #tpu.memory_space<vmem>>) semaphore(%arg10 : memref<!tpu.dma_semaphore, #tpu.memory_space<semaphore_mem>>)
      %dma_wait3A = arith.constant 0 : i32
      %dma_wait3A_110 = arith.constant 0 : i32
      %dma_wait3A_111 = arith.constant 0 : i32
      %dma_wait3A_112 = tpu.memref_slice %arg7[%dma_wait3A, %dma_wait3A_110, %dma_wait3A_111] : memref<2x512x32xf32, #tpu.memory_space<vmem>> -> memref<1x128x32xf32, #tpu.memory_space<vmem>>
      %dma_wait3A_113 = tpu.memref_squeeze %dma_wait3A_112 : memref<1x128x32xf32, #tpu.memory_space<vmem>> -> memref<128x32xf32, #tpu.memory_space<vmem>>
      %dma_wait3A_114 = arith.constant 0 : i32
      %dma_wait3A_115 = arith.constant 0 : i32
      %dma_wait3A_116 = tpu.memref_slice %arg3[%dma_wait3A_114, %dma_wait3A_115] : memref<4000000x32xf32, #tpu.memory_space<hbm>> -> memref<128x32xf32, #tpu.memory_space<hbm>>
      %dma_wait3A_117 = arith.constant 0 : i32
      %dma_wait3A_118 = arith.constant 0 : i32
      %dma_wait3A_119 = tpu.memref_slice %arg7[%dma_wait3A, %dma_wait3A_117, %dma_wait3A_118] : memref<2x512x32xf32, #tpu.memory_space<vmem>> -> memref<1x128x32xf32, #tpu.memory_space<vmem>>
      %dma_wait3A_120 = tpu.memref_squeeze %dma_wait3A_119 : memref<1x128x32xf32, #tpu.memory_space<vmem>> -> memref<128x32xf32, #tpu.memory_space<vmem>>
      %dma_wait3A_121 = arith.constant 0 : i32
      %dma_wait3A_122 = arith.constant 0 : i32
      %dma_wait3A_123 = tpu.memref_slice %arg3[%dma_wait3A_121, %dma_wait3A_122] : memref<4000000x32xf32, #tpu.memory_space<hbm>> -> memref<128x32xf32, #tpu.memory_space<hbm>>
      tpu.wait_dma2 semaphore(%arg9 : memref<!tpu.dma_semaphore, #tpu.memory_space<semaphore_mem>>) src(%dma_wait3A_123 : memref<128x32xf32, #tpu.memory_space<hbm>>) dst(%dma_wait3A_120 : memref<128x32xf32, #tpu.memory_space<vmem>>)
      %dma_wait3A_124 = arith.constant 0 : i32
      %dma_wait3A_125 = arith.constant 128 : i32
      %dma_wait3A_126 = arith.constant 0 : i32
      %dma_wait3A_127 = tpu.memref_slice %arg7[%dma_wait3A_124, %dma_wait3A_125, %dma_wait3A_126] : memref<2x512x32xf32, #tpu.memory_space<vmem>> -> memref<1x128x32xf32, #tpu.memory_space<vmem>>
      %dma_wait3A_128 = tpu.memref_squeeze %dma_wait3A_127 : memref<1x128x32xf32, #tpu.memory_space<vmem>> -> memref<128x32xf32, #tpu.memory_space<vmem>>
      %dma_wait3A_129 = arith.constant 0 : i32
      %dma_wait3A_130 = arith.constant 0 : i32
      %dma_wait3A_131 = tpu.memref_slice %arg3[%dma_wait3A_129, %dma_wait3A_130] : memref<4000000x32xf32, #tpu.memory_space<hbm>> -> memref<128x32xf32, #tpu.memory_space<hbm>>
      %dma_wait3A_132 = arith.constant 128 : i32
      %dma_wait3A_133 = arith.constant 0 : i32
      %dma_wait3A_134 = tpu.memref_slice %arg7[%dma_wait3A_124, %dma_wait3A_132, %dma_wait3A_133] : memref<2x512x32xf32, #tpu.memory_space<vmem>> -> memref<1x128x32xf32, #tpu.memory_space<vmem>>
      %dma_wait3A_135 = tpu.memref_squeeze %dma_wait3A_134 : memref<1x128x32xf32, #tpu.memory_space<vmem>> -> memref<128x32xf32, #tpu.memory_space<vmem>>
      %dma_wait3A_136 = arith.constant 0 : i32
      %dma_wait3A_137 = arith.constant 0 : i32
      %dma_wait3A_138 = tpu.memref_slice %arg3[%dma_wait3A_136, %dma_wait3A_137] : memref<4000000x32xf32, #tpu.memory_space<hbm>> -> memref<128x32xf32, #tpu.memory_space<hbm>>
      tpu.wait_dma2 semaphore(%arg9 : memref<!tpu.dma_semaphore, #tpu.memory_space<semaphore_mem>>) src(%dma_wait3A_138 : memref<128x32xf32, #tpu.memory_space<hbm>>) dst(%dma_wait3A_135 : memref<128x32xf32, #tpu.memory_space<vmem>>)
      %dma_wait3A_139 = arith.constant 0 : i32
      %dma_wait3A_140 = arith.constant 256 : i32
      %dma_wait3A_141 = arith.constant 0 : i32
      %dma_wait3A_142 = tpu.memref_slice %arg7[%dma_wait3A_139, %dma_wait3A_140, %dma_wait3A_141] : memref<2x512x32xf32, #tpu.memory_space<vmem>> -> memref<1x128x32xf32, #tpu.memory_space<vmem>>
      %dma_wait3A_143 = tpu.memref_squeeze %dma_wait3A_142 : memref<1x128x32xf32, #tpu.memory_space<vmem>> -> memref<128x32xf32, #tpu.memory_space<vmem>>
      %dma_wait3A_144 = arith.constant 0 : i32
      %dma_wait3A_145 = arith.constant 0 : i32
      %dma_wait3A_146 = tpu.memref_slice %arg3[%dma_wait3A_144, %dma_wait3A_145] : memref<4000000x32xf32, #tpu.memory_space<hbm>> -> memref<128x32xf32, #tpu.memory_space<hbm>>
      %dma_wait3A_147 = arith.constant 256 : i32
      %dma_wait3A_148 = arith.constant 0 : i32
      %dma_wait3A_149 = tpu.memref_slice %arg7[%dma_wait3A_139, %dma_wait3A_147, %dma_wait3A_148] : memref<2x512x32xf32, #tpu.memory_space<vmem>> -> memref<1x128x32xf32, #tpu.memory_space<vmem>>
      %dma_wait3A_150 = tpu.memref_squeeze %dma_wait3A_149 : memref<1x128x32xf32, #tpu.memory_space<vmem>> -> memref<128x32xf32, #tpu.memory_space<vmem>>
      %dma_wait3A_151 = arith.constant 0 : i32
      %dma_wait3A_152 = arith.constant 0 : i32
      %dma_wait3A_153 = tpu.memref_slice %arg3[%dma_wait3A_151, %dma_wait3A_152] : memref<4000000x32xf32, #tpu.memory_space<hbm>> -> memref<128x32xf32, #tpu.memory_space<hbm>>
      tpu.wait_dma2 semaphore(%arg9 : memref<!tpu.dma_semaphore, #tpu.memory_space<semaphore_mem>>) src(%dma_wait3A_153 : memref<128x32xf32, #tpu.memory_space<hbm>>) dst(%dma_wait3A_150 : memref<128x32xf32, #tpu.memory_space<vmem>>)
      %dma_wait3A_154 = arith.constant 0 : i32
      %dma_wait3A_155 = arith.constant 384 : i32
      %dma_wait3A_156 = arith.constant 0 : i32
      %dma_wait3A_157 = tpu.memref_slice %arg7[%dma_wait3A_154, %dma_wait3A_155, %dma_wait3A_156] : memref<2x512x32xf32, #tpu.memory_space<vmem>> -> memref<1x128x32xf32, #tpu.memory_space<vmem>>
      %dma_wait3A_158 = tpu.memref_squeeze %dma_wait3A_157 : memref<1x128x32xf32, #tpu.memory_space<vmem>> -> memref<128x32xf32, #tpu.memory_space<vmem>>
      %dma_wait3A_159 = arith.constant 0 : i32
      %dma_wait3A_160 = arith.constant 0 : i32
      %dma_wait3A_161 = tpu.memref_slice %arg3[%dma_wait3A_159, %dma_wait3A_160] : memref<4000000x32xf32, #tpu.memory_space<hbm>> -> memref<128x32xf32, #tpu.memory_space<hbm>>
      %dma_wait3A_162 = arith.constant 384 : i32
      %dma_wait3A_163 = arith.constant 0 : i32
      %dma_wait3A_164 = tpu.memref_slice %arg7[%dma_wait3A_154, %dma_wait3A_162, %dma_wait3A_163] : memref<2x512x32xf32, #tpu.memory_space<vmem>> -> memref<1x128x32xf32, #tpu.memory_space<vmem>>
      %dma_wait3A_165 = tpu.memref_squeeze %dma_wait3A_164 : memref<1x128x32xf32, #tpu.memory_space<vmem>> -> memref<128x32xf32, #tpu.memory_space<vmem>>
      %dma_wait3A_166 = arith.constant 0 : i32
      %dma_wait3A_167 = arith.constant 0 : i32
      %dma_wait3A_168 = tpu.memref_slice %arg3[%dma_wait3A_166, %dma_wait3A_167] : memref<4000000x32xf32, #tpu.memory_space<hbm>> -> memref<128x32xf32, #tpu.memory_space<hbm>>
      tpu.wait_dma2 semaphore(%arg9 : memref<!tpu.dma_semaphore, #tpu.memory_space<semaphore_mem>>) src(%dma_wait3A_168 : memref<128x32xf32, #tpu.memory_space<hbm>>) dst(%dma_wait3A_165 : memref<128x32xf32, #tpu.memory_space<vmem>>)
      %scan3A_169 = arith.constant 0 : i32
      %scan3A_170 = arith.constant 0 : i32
      %scan3A_171 = arith.constant 32 : i32
      %scan3A_172 = arith.addi %scan3A_170, %scan3A_171 : i32
      %scan3A_173 = arith.constant 1 : i32
      scf.for %scan3A_258 = %scan3A_170 to %scan3A_172 step %scan3A_173  : i32 {
        %add3A_259 = vector.broadcast %scan3A_258 : i32 to vector<16xi32>
        %add3A_260 = arith.addi %add3A_259, %iota3A : vector<16xi32>
        %and3A = arith.constant 31 : i32
        %and3A_261 = vector.broadcast %and3A : i32 to vector<16xi32>
        %and3A_262 = arith.andi %add3A_260, %and3A_261 : vector<16xi32>
        %shift_right_arithmetic3A = arith.constant 3 : i32
        %shift_right_arithmetic3A_263 = vector.broadcast %shift_right_arithmetic3A : i32 to vector<16xi32>
        %shift_right_arithmetic3A_264 = arith.shrsi %and3A_262, %shift_right_arithmetic3A_263 : vector<16xi32>
        %and3A_265 = arith.constant 7 : i32
        %and3A_266 = vector.broadcast %and3A_265 : i32 to vector<16xi32>
        %and3A_267 = arith.andi %and3A_262, %and3A_266 : vector<16xi32>
        %broadcast_in_dim3A = arith.constant 0 : i32
        %broadcast_in_dim3A_268 = vector.broadcast %broadcast_in_dim3A : i32 to vector<16xi32>
        %add3A_269 = arith.constant 0 : i32
        %add3A_270 = vector.broadcast %add3A_269 : i32 to vector<16xi32>
        %add3A_271 = arith.addi %iota3A, %add3A_270 : vector<16xi32>
        %gather3A = arith.constant 0 : i32
        %gather3A_272 = arith.constant 0 : i32
        %gather3A_273 = arith.constant 0 : i32
        %gather3A_274 = tpu.memref_slice %arg7[%gather3A, %gather3A_272, %gather3A_273] : memref<2x512x32xf32, #tpu.memory_space<vmem>> -> memref<1x512x32xf32, #tpu.memory_space<vmem>>
        %gather3A_275 = tpu.memref_squeeze %gather3A_274 : memref<1x512x32xf32, #tpu.memory_space<vmem>> -> memref<512x32xf32, #tpu.memory_space<vmem>>
        %gather3A_276 = tpu.vector_load_idx %gather3A_275[%add3A_271, %and3A_262] : memref<512x32xf32, #tpu.memory_space<vmem>>[vector<16xi32>, vector<16xi32>], vector<16xf32>,
        %add3A_277 = arith.constant 0 : i32
        %add3A_278 = vector.broadcast %add3A_277 : i32 to vector<16xi32>
        %add3A_279 = arith.addi %iota3A, %add3A_278 : vector<16xi32>
        tpu.vector_store_idx %arg8[%shift_right_arithmetic3A_264, %broadcast_in_dim3A_268, %and3A_267, %add3A_279], %gather3A_276 : memref<4x4x8x128xf32, #tpu.memory_space<vmem>>[vector<16xi32>, vector<16xi32>, vector<16xi32>, vector<16xi32>], vector<16xf32>,
        %add3A_280 = arith.constant 16 : i32
        %add3A_281 = vector.broadcast %add3A_280 : i32 to vector<16xi32>
        %add3A_282 = arith.addi %iota3A, %add3A_281 : vector<16xi32>
        %gather3A_283 = arith.constant 0 : i32
        %gather3A_284 = arith.constant 0 : i32
        %gather3A_285 = arith.constant 0 : i32
        %gather3A_286 = tpu.memref_slice %arg7[%gather3A_283, %gather3A_284, %gather3A_285] : memref<2x512x32xf32, #tpu.memory_space<vmem>> -> memref<1x512x32xf32, #tpu.memory_space<vmem>>
        %gather3A_287 = tpu.memref_squeeze %gather3A_286 : memref<1x512x32xf32, #tpu.memory_space<vmem>> -> memref<512x32xf32, #tpu.memory_space<vmem>>
        %gather3A_288 = tpu.vector_load_idx %gather3A_287[%add3A_282, %and3A_262] : memref<512x32xf32, #tpu.memory_space<vmem>>[vector<16xi32>, vector<16xi32>], vector<16xf32>,
        %add3A_289 = arith.constant 16 : i32
        %add3A_290 = vector.broadcast %add3A_289 : i32 to vector<16xi32>
        %add3A_291 = arith.addi %iota3A, %add3A_290 : vector<16xi32>
        tpu.vector_store_idx %arg8[%shift_right_arithmetic3A_264, %broadcast_in_dim3A_268, %and3A_267, %add3A_291], %gather3A_288 : memref<4x4x8x128xf32, #tpu.memory_space<vmem>>[vector<16xi32>, vector<16xi32>, vector<16xi32>, vector<16xi32>], vector<16xf32>,
        %add3A_292 = arith.constant 32 : i32
        %add3A_293 = vector.broadcast %add3A_292 : i32 to vector<16xi32>
        %add3A_294 = arith.addi %iota3A, %add3A_293 : vector<16xi32>
        %gather3A_295 = arith.constant 0 : i32
        %gather3A_296 = arith.constant 0 : i32
        %gather3A_297 = arith.constant 0 : i32
        %gather3A_298 = tpu.memref_slice %arg7[%gather3A_295, %gather3A_296, %gather3A_297] : memref<2x512x32xf32, #tpu.memory_space<vmem>> -> memref<1x512x32xf32, #tpu.memory_space<vmem>>
        %gather3A_299 = tpu.memref_squeeze %gather3A_298 : memref<1x512x32xf32, #tpu.memory_space<vmem>> -> memref<512x32xf32, #tpu.memory_space<vmem>>
        %gather3A_300 = tpu.vector_load_idx %gather3A_299[%add3A_294, %and3A_262] : memref<512x32xf32, #tpu.memory_space<vmem>>[vector<16xi32>, vector<16xi32>], vector<16xf32>,
        %add3A_301 = arith.constant 32 : i32
        %add3A_302 = vector.broadcast %add3A_301 : i32 to vector<16xi32>
        %add3A_303 = arith.addi %iota3A, %add3A_302 : vector<16xi32>
        tpu.vector_store_idx %arg8[%shift_right_arithmetic3A_264, %broadcast_in_dim3A_268, %and3A_267, %add3A_303], %gather3A_300 : memref<4x4x8x128xf32, #tpu.memory_space<vmem>>[vector<16xi32>, vector<16xi32>, vector<16xi32>, vector<16xi32>], vector<16xf32>,
        %add3A_304 = arith.constant 48 : i32
        %add3A_305 = vector.broadcast %add3A_304 : i32 to vector<16xi32>
        %add3A_306 = arith.addi %iota3A, %add3A_305 : vector<16xi32>
        %gather3A_307 = arith.constant 0 : i32
        %gather3A_308 = arith.constant 0 : i32
        %gather3A_309 = arith.constant 0 : i32
        %gather3A_310 = tpu.memref_slice %arg7[%gather3A_307, %gather3A_308, %gather3A_309] : memref<2x512x32xf32, #tpu.memory_space<vmem>> -> memref<1x512x32xf32, #tpu.memory_space<vmem>>
        %gather3A_311 = tpu.memref_squeeze %gather3A_310 : memref<1x512x32xf32, #tpu.memory_space<vmem>> -> memref<512x32xf32, #tpu.memory_space<vmem>>
        %gather3A_312 = tpu.vector_load_idx %gather3A_311[%add3A_306, %and3A_262] : memref<512x32xf32, #tpu.memory_space<vmem>>[vector<16xi32>, vector<16xi32>], vector<16xf32>,
        %add3A_313 = arith.constant 48 : i32
        %add3A_314 = vector.broadcast %add3A_313 : i32 to vector<16xi32>
        %add3A_315 = arith.addi %iota3A, %add3A_314 : vector<16xi32>
        tpu.vector_store_idx %arg8[%shift_right_arithmetic3A_264, %broadcast_in_dim3A_268, %and3A_267, %add3A_315], %gather3A_312 : memref<4x4x8x128xf32, #tpu.memory_space<vmem>>[vector<16xi32>, vector<16xi32>, vector<16xi32>, vector<16xi32>], vector<16xf32>,
        %add3A_316 = arith.constant 64 : i32
        %add3A_317 = vector.broadcast %add3A_316 : i32 to vector<16xi32>
        %add3A_318 = arith.addi %iota3A, %add3A_317 : vector<16xi32>
        %gather3A_319 = arith.constant 0 : i32
        %gather3A_320 = arith.constant 0 : i32
        %gather3A_321 = arith.constant 0 : i32
        %gather3A_322 = tpu.memref_slice %arg7[%gather3A_319, %gather3A_320, %gather3A_321] : memref<2x512x32xf32, #tpu.memory_space<vmem>> -> memref<1x512x32xf32, #tpu.memory_space<vmem>>
        %gather3A_323 = tpu.memref_squeeze %gather3A_322 : memref<1x512x32xf32, #tpu.memory_space<vmem>> -> memref<512x32xf32, #tpu.memory_space<vmem>>
        %gather3A_324 = tpu.vector_load_idx %gather3A_323[%add3A_318, %and3A_262] : memref<512x32xf32, #tpu.memory_space<vmem>>[vector<16xi32>, vector<16xi32>], vector<16xf32>,
        %add3A_325 = arith.constant 64 : i32
        %add3A_326 = vector.broadcast %add3A_325 : i32 to vector<16xi32>
        %add3A_327 = arith.addi %iota3A, %add3A_326 : vector<16xi32>
        tpu.vector_store_idx %arg8[%shift_right_arithmetic3A_264, %broadcast_in_dim3A_268, %and3A_267, %add3A_327], %gather3A_324 : memref<4x4x8x128xf32, #tpu.memory_space<vmem>>[vector<16xi32>, vector<16xi32>, vector<16xi32>, vector<16xi32>], vector<16xf32>,
        %add3A_328 = arith.constant 80 : i32
        %add3A_329 = vector.broadcast %add3A_328 : i32 to vector<16xi32>
        %add3A_330 = arith.addi %iota3A, %add3A_329 : vector<16xi32>
        %gather3A_331 = arith.constant 0 : i32
        %gather3A_332 = arith.constant 0 : i32
        %gather3A_333 = arith.constant 0 : i32
        %gather3A_334 = tpu.memref_slice %arg7[%gather3A_331, %gather3A_332, %gather3A_333] : memref<2x512x32xf32, #tpu.memory_space<vmem>> -> memref<1x512x32xf32, #tpu.memory_space<vmem>>
        %gather3A_335 = tpu.memref_squeeze %gather3A_334 : memref<1x512x32xf32, #tpu.memory_space<vmem>> -> memref<512x32xf32, #tpu.memory_space<vmem>>
        %gather3A_336 = tpu.vector_load_idx %gather3A_335[%add3A_330, %and3A_262] : memref<512x32xf32, #tpu.memory_space<vmem>>[vector<16xi32>, vector<16xi32>], vector<16xf32>,
        %add3A_337 = arith.constant 80 : i32
        %add3A_338 = vector.broadcast %add3A_337 : i32 to vector<16xi32>
        %add3A_339 = arith.addi %iota3A, %add3A_338 : vector<16xi32>
        tpu.vector_store_idx %arg8[%shift_right_arithmetic3A_264, %broadcast_in_dim3A_268, %and3A_267, %add3A_339], %gather3A_336 : memref<4x4x8x128xf32, #tpu.memory_space<vmem>>[vector<16xi32>, vector<16xi32>, vector<16xi32>, vector<16xi32>], vector<16xf32>,
        %add3A_340 = arith.constant 96 : i32
        %add3A_341 = vector.broadcast %add3A_340 : i32 to vector<16xi32>
        %add3A_342 = arith.addi %iota3A, %add3A_341 : vector<16xi32>
        %gather3A_343 = arith.constant 0 : i32
        %gather3A_344 = arith.constant 0 : i32
        %gather3A_345 = arith.constant 0 : i32
        %gather3A_346 = tpu.memref_slice %arg7[%gather3A_343, %gather3A_344, %gather3A_345] : memref<2x512x32xf32, #tpu.memory_space<vmem>> -> memref<1x512x32xf32, #tpu.memory_space<vmem>>
        %gather3A_347 = tpu.memref_squeeze %gather3A_346 : memref<1x512x32xf32, #tpu.memory_space<vmem>> -> memref<512x32xf32, #tpu.memory_space<vmem>>
        %gather3A_348 = tpu.vector_load_idx %gather3A_347[%add3A_342, %and3A_262] : memref<512x32xf32, #tpu.memory_space<vmem>>[vector<16xi32>, vector<16xi32>], vector<16xf32>,
        %add3A_349 = arith.constant 96 : i32
        %add3A_350 = vector.broadcast %add3A_349 : i32 to vector<16xi32>
        %add3A_351 = arith.addi %iota3A, %add3A_350 : vector<16xi32>
        tpu.vector_store_idx %arg8[%shift_right_arithmetic3A_264, %broadcast_in_dim3A_268, %and3A_267, %add3A_351], %gather3A_348 : memref<4x4x8x128xf32, #tpu.memory_space<vmem>>[vector<16xi32>, vector<16xi32>, vector<16xi32>, vector<16xi32>], vector<16xf32>,
        %add3A_352 = arith.constant 112 : i32
        %add3A_353 = vector.broadcast %add3A_352 : i32 to vector<16xi32>
        %add3A_354 = arith.addi %iota3A, %add3A_353 : vector<16xi32>
        %gather3A_355 = arith.constant 0 : i32
        %gather3A_356 = arith.constant 0 : i32
        %gather3A_357 = arith.constant 0 : i32
        %gather3A_358 = tpu.memref_slice %arg7[%gather3A_355, %gather3A_356, %gather3A_357] : memref<2x512x32xf32, #tpu.memory_space<vmem>> -> memref<1x512x32xf32, #tpu.memory_space<vmem>>
        %gather3A_359 = tpu.memref_squeeze %gather3A_358 : memref<1x512x32xf32, #tpu.memory_space<vmem>> -> memref<512x32xf32, #tpu.memory_space<vmem>>
        %gather3A_360 = tpu.vector_load_idx %gather3A_359[%add3A_354, %and3A_262] : memref<512x32xf32, #tpu.memory_space<vmem>>[vector<16xi32>, vector<16xi32>], vector<16xf32>,
        %add3A_361 = arith.constant 112 : i32
        %add3A_362 = vector.broadcast %add3A_361 : i32 to vector<16xi32>
        %add3A_363 = arith.addi %iota3A, %add3A_362 : vector<16xi32>
        tpu.vector_store_idx %arg8[%shift_right_arithmetic3A_264, %broadcast_in_dim3A_268, %and3A_267, %add3A_363], %gather3A_360 : memref<4x4x8x128xf32, #tpu.memory_space<vmem>>[vector<16xi32>, vector<16xi32>, vector<16xi32>, vector<16xi32>], vector<16xf32>,
        %broadcast_in_dim3A_364 = arith.constant 1 : i32
        %broadcast_in_dim3A_365 = vector.broadcast %broadcast_in_dim3A_364 : i32 to vector<16xi32>
        %add3A_366 = arith.constant 128 : i32
        %add3A_367 = vector.broadcast %add3A_366 : i32 to vector<16xi32>
        %add3A_368 = arith.addi %iota3A, %add3A_367 : vector<16xi32>
        %gather3A_369 = arith.constant 0 : i32
        %gather3A_370 = arith.constant 0 : i32
        %gather3A_371 = arith.constant 0 : i32
        %gather3A_372 = tpu.memref_slice %arg7[%gather3A_369, %gather3A_370, %gather3A_371] : memref<2x512x32xf32, #tpu.memory_space<vmem>> -> memref<1x512x32xf32, #tpu.memory_space<vmem>>
        %gather3A_373 = tpu.memref_squeeze %gather3A_372 : memref<1x512x32xf32, #tpu.memory_space<vmem>> -> memref<512x32xf32, #tpu.memory_space<vmem>>
        %gather3A_374 = tpu.vector_load_idx %gather3A_373[%add3A_368, %and3A_262] : memref<512x32xf32, #tpu.memory_space<vmem>>[vector<16xi32>, vector<16xi32>], vector<16xf32>,
        %add3A_375 = arith.constant 0 : i32
        %add3A_376 = vector.broadcast %add3A_375 : i32 to vector<16xi32>
        %add3A_377 = arith.addi %iota3A, %add3A_376 : vector<16xi32>
        tpu.vector_store_idx %arg8[%shift_right_arithmetic3A_264, %broadcast_in_dim3A_365, %and3A_267, %add3A_377], %gather3A_374 : memref<4x4x8x128xf32, #tpu.memory_space<vmem>>[vector<16xi32>, vector<16xi32>, vector<16xi32>, vector<16xi32>], vector<16xf32>,
        %add3A_378 = arith.constant 144 : i32
        %add3A_379 = vector.broadcast %add3A_378 : i32 to vector<16xi32>
        %add3A_380 = arith.addi %iota3A, %add3A_379 : vector<16xi32>
        %gather3A_381 = arith.constant 0 : i32
        %gather3A_382 = arith.constant 0 : i32
        %gather3A_383 = arith.constant 0 : i32
        %gather3A_384 = tpu.memref_slice %arg7[%gather3A_381, %gather3A_382, %gather3A_383] : memref<2x512x32xf32, #tpu.memory_space<vmem>> -> memref<1x512x32xf32, #tpu.memory_space<vmem>>
        %gather3A_385 = tpu.memref_squeeze %gather3A_384 : memref<1x512x32xf32, #tpu.memory_space<vmem>> -> memref<512x32xf32, #tpu.memory_space<vmem>>
        %gather3A_386 = tpu.vector_load_idx %gather3A_385[%add3A_380, %and3A_262] : memref<512x32xf32, #tpu.memory_space<vmem>>[vector<16xi32>, vector<16xi32>], vector<16xf32>,
        %add3A_387 = arith.constant 16 : i32
        %add3A_388 = vector.broadcast %add3A_387 : i32 to vector<16xi32>
        %add3A_389 = arith.addi %iota3A, %add3A_388 : vector<16xi32>
        tpu.vector_store_idx %arg8[%shift_right_arithmetic3A_264, %broadcast_in_dim3A_365, %and3A_267, %add3A_389], %gather3A_386 : memref<4x4x8x128xf32, #tpu.memory_space<vmem>>[vector<16xi32>, vector<16xi32>, vector<16xi32>, vector<16xi32>], vector<16xf32>,
        %add3A_390 = arith.constant 160 : i32
        %add3A_391 = vector.broadcast %add3A_390 : i32 to vector<16xi32>
        %add3A_392 = arith.addi %iota3A, %add3A_391 : vector<16xi32>
        %gather3A_393 = arith.constant 0 : i32
        %gather3A_394 = arith.constant 0 : i32
        %gather3A_395 = arith.constant 0 : i32
        %gather3A_396 = tpu.memref_slice %arg7[%gather3A_393, %gather3A_394, %gather3A_395] : memref<2x512x32xf32, #tpu.memory_space<vmem>> -> memref<1x512x32xf32, #tpu.memory_space<vmem>>
        %gather3A_397 = tpu.memref_squeeze %gather3A_396 : memref<1x512x32xf32, #tpu.memory_space<vmem>> -> memref<512x32xf32, #tpu.memory_space<vmem>>
        %gather3A_398 = tpu.vector_load_idx %gather3A_397[%add3A_392, %and3A_262] : memref<512x32xf32, #tpu.memory_space<vmem>>[vector<16xi32>, vector<16xi32>], vector<16xf32>,
        %add3A_399 = arith.constant 32 : i32
        %add3A_400 = vector.broadcast %add3A_399 : i32 to vector<16xi32>
        %add3A_401 = arith.addi %iota3A, %add3A_400 : vector<16xi32>
        tpu.vector_store_idx %arg8[%shift_right_arithmetic3A_264, %broadcast_in_dim3A_365, %and3A_267, %add3A_401], %gather3A_398 : memref<4x4x8x128xf32, #tpu.memory_space<vmem>>[vector<16xi32>, vector<16xi32>, vector<16xi32>, vector<16xi32>], vector<16xf32>,
        %add3A_402 = arith.constant 176 : i32
        %add3A_403 = vector.broadcast %add3A_402 : i32 to vector<16xi32>
        %add3A_404 = arith.addi %iota3A, %add3A_403 : vector<16xi32>
        %gather3A_405 = arith.constant 0 : i32
        %gather3A_406 = arith.constant 0 : i32
        %gather3A_407 = arith.constant 0 : i32
        %gather3A_408 = tpu.memref_slice %arg7[%gather3A_405, %gather3A_406, %gather3A_407] : memref<2x512x32xf32, #tpu.memory_space<vmem>> -> memref<1x512x32xf32, #tpu.memory_space<vmem>>
        %gather3A_409 = tpu.memref_squeeze %gather3A_408 : memref<1x512x32xf32, #tpu.memory_space<vmem>> -> memref<512x32xf32, #tpu.memory_space<vmem>>
        %gather3A_410 = tpu.vector_load_idx %gather3A_409[%add3A_404, %and3A_262] : memref<512x32xf32, #tpu.memory_space<vmem>>[vector<16xi32>, vector<16xi32>], vector<16xf32>,
        %add3A_411 = arith.constant 48 : i32
        %add3A_412 = vector.broadcast %add3A_411 : i32 to vector<16xi32>
        %add3A_413 = arith.addi %iota3A, %add3A_412 : vector<16xi32>
        tpu.vector_store_idx %arg8[%shift_right_arithmetic3A_264, %broadcast_in_dim3A_365, %and3A_267, %add3A_413], %gather3A_410 : memref<4x4x8x128xf32, #tpu.memory_space<vmem>>[vector<16xi32>, vector<16xi32>, vector<16xi32>, vector<16xi32>], vector<16xf32>,
        %add3A_414 = arith.constant 192 : i32
        %add3A_415 = vector.broadcast %add3A_414 : i32 to vector<16xi32>
        %add3A_416 = arith.addi %iota3A, %add3A_415 : vector<16xi32>
        %gather3A_417 = arith.constant 0 : i32
        %gather3A_418 = arith.constant 0 : i32
        %gather3A_419 = arith.constant 0 : i32
        %gather3A_420 = tpu.memref_slice %arg7[%gather3A_417, %gather3A_418, %gather3A_419] : memref<2x512x32xf32, #tpu.memory_space<vmem>> -> memref<1x512x32xf32, #tpu.memory_space<vmem>>
        %gather3A_421 = tpu.memref_squeeze %gather3A_420 : memref<1x512x32xf32, #tpu.memory_space<vmem>> -> memref<512x32xf32, #tpu.memory_space<vmem>>
        %gather3A_422 = tpu.vector_load_idx %gather3A_421[%add3A_416, %and3A_262] : memref<512x32xf32, #tpu.memory_space<vmem>>[vector<16xi32>, vector<16xi32>], vector<16xf32>,
        %add3A_423 = arith.constant 64 : i32
        %add3A_424 = vector.broadcast %add3A_423 : i32 to vector<16xi32>
        %add3A_425 = arith.addi %iota3A, %add3A_424 : vector<16xi32>
        tpu.vector_store_idx %arg8[%shift_right_arithmetic3A_264, %broadcast_in_dim3A_365, %and3A_267, %add3A_425], %gather3A_422 : memref<4x4x8x128xf32, #tpu.memory_space<vmem>>[vector<16xi32>, vector<16xi32>, vector<16xi32>, vector<16xi32>], vector<16xf32>,
        %add3A_426 = arith.constant 208 : i32
        %add3A_427 = vector.broadcast %add3A_426 : i32 to vector<16xi32>
        %add3A_428 = arith.addi %iota3A, %add3A_427 : vector<16xi32>
        %gather3A_429 = arith.constant 0 : i32
        %gather3A_430 = arith.constant 0 : i32
        %gather3A_431 = arith.constant 0 : i32
        %gather3A_432 = tpu.memref_slice %arg7[%gather3A_429, %gather3A_430, %gather3A_431] : memref<2x512x32xf32, #tpu.memory_space<vmem>> -> memref<1x512x32xf32, #tpu.memory_space<vmem>>
        %gather3A_433 = tpu.memref_squeeze %gather3A_432 : memref<1x512x32xf32, #tpu.memory_space<vmem>> -> memref<512x32xf32, #tpu.memory_space<vmem>>
        %gather3A_434 = tpu.vector_load_idx %gather3A_433[%add3A_428, %and3A_262] : memref<512x32xf32, #tpu.memory_space<vmem>>[vector<16xi32>, vector<16xi32>], vector<16xf32>,
        %add3A_435 = arith.constant 80 : i32
        %add3A_436 = vector.broadcast %add3A_435 : i32 to vector<16xi32>
        %add3A_437 = arith.addi %iota3A, %add3A_436 : vector<16xi32>
        tpu.vector_store_idx %arg8[%shift_right_arithmetic3A_264, %broadcast_in_dim3A_365, %and3A_267, %add3A_437], %gather3A_434 : memref<4x4x8x128xf32, #tpu.memory_space<vmem>>[vector<16xi32>, vector<16xi32>, vector<16xi32>, vector<16xi32>], vector<16xf32>,
        %add3A_438 = arith.constant 224 : i32
        %add3A_439 = vector.broadcast %add3A_438 : i32 to vector<16xi32>
        %add3A_440 = arith.addi %iota3A, %add3A_439 : vector<16xi32>
        %gather3A_441 = arith.constant 0 : i32
        %gather3A_442 = arith.constant 0 : i32
        %gather3A_443 = arith.constant 0 : i32
        %gather3A_444 = tpu.memref_slice %arg7[%gather3A_441, %gather3A_442, %gather3A_443] : memref<2x512x32xf32, #tpu.memory_space<vmem>> -> memref<1x512x32xf32, #tpu.memory_space<vmem>>
        %gather3A_445 = tpu.memref_squeeze %gather3A_444 : memref<1x512x32xf32, #tpu.memory_space<vmem>> -> memref<512x32xf32, #tpu.memory_space<vmem>>
        %gather3A_446 = tpu.vector_load_idx %gather3A_445[%add3A_440, %and3A_262] : memref<512x32xf32, #tpu.memory_space<vmem>>[vector<16xi32>, vector<16xi32>], vector<16xf32>,
        %add3A_447 = arith.constant 96 : i32
        %add3A_448 = vector.broadcast %add3A_447 : i32 to vector<16xi32>
        %add3A_449 = arith.addi %iota3A, %add3A_448 : vector<16xi32>
        tpu.vector_store_idx %arg8[%shift_right_arithmetic3A_264, %broadcast_in_dim3A_365, %and3A_267, %add3A_449], %gather3A_446 : memref<4x4x8x128xf32, #tpu.memory_space<vmem>>[vector<16xi32>, vector<16xi32>, vector<16xi32>, vector<16xi32>], vector<16xf32>,
        %add3A_450 = arith.constant 240 : i32
        %add3A_451 = vector.broadcast %add3A_450 : i32 to vector<16xi32>
        %add3A_452 = arith.addi %iota3A, %add3A_451 : vector<16xi32>
        %gather3A_453 = arith.constant 0 : i32
        %gather3A_454 = arith.constant 0 : i32
        %gather3A_455 = arith.constant 0 : i32
        %gather3A_456 = tpu.memref_slice %arg7[%gather3A_453, %gather3A_454, %gather3A_455] : memref<2x512x32xf32, #tpu.memory_space<vmem>> -> memref<1x512x32xf32, #tpu.memory_space<vmem>>
        %gather3A_457 = tpu.memref_squeeze %gather3A_456 : memref<1x512x32xf32, #tpu.memory_space<vmem>> -> memref<512x32xf32, #tpu.memory_space<vmem>>
        %gather3A_458 = tpu.vector_load_idx %gather3A_457[%add3A_452, %and3A_262] : memref<512x32xf32, #tpu.memory_space<vmem>>[vector<16xi32>, vector<16xi32>], vector<16xf32>,
        %add3A_459 = arith.constant 112 : i32
        %add3A_460 = vector.broadcast %add3A_459 : i32 to vector<16xi32>
        %add3A_461 = arith.addi %iota3A, %add3A_460 : vector<16xi32>
        tpu.vector_store_idx %arg8[%shift_right_arithmetic3A_264, %broadcast_in_dim3A_365, %and3A_267, %add3A_461], %gather3A_458 : memref<4x4x8x128xf32, #tpu.memory_space<vmem>>[vector<16xi32>, vector<16xi32>, vector<16xi32>, vector<16xi32>], vector<16xf32>,
        %broadcast_in_dim3A_462 = arith.constant 2 : i32
        %broadcast_in_dim3A_463 = vector.broadcast %broadcast_in_dim3A_462 : i32 to vector<16xi32>
        %add3A_464 = arith.constant 256 : i32
        %add3A_465 = vector.broadcast %add3A_464 : i32 to vector<16xi32>
        %add3A_466 = arith.addi %iota3A, %add3A_465 : vector<16xi32>
        %gather3A_467 = arith.constant 0 : i32
        %gather3A_468 = arith.constant 0 : i32
        %gather3A_469 = arith.constant 0 : i32
        %gather3A_470 = tpu.memref_slice %arg7[%gather3A_467, %gather3A_468, %gather3A_469] : memref<2x512x32xf32, #tpu.memory_space<vmem>> -> memref<1x512x32xf32, #tpu.memory_space<vmem>>
        %gather3A_471 = tpu.memref_squeeze %gather3A_470 : memref<1x512x32xf32, #tpu.memory_space<vmem>> -> memref<512x32xf32, #tpu.memory_space<vmem>>
        %gather3A_472 = tpu.vector_load_idx %gather3A_471[%add3A_466, %and3A_262] : memref<512x32xf32, #tpu.memory_space<vmem>>[vector<16xi32>, vector<16xi32>], vector<16xf32>,
        %add3A_473 = arith.constant 0 : i32
        %add3A_474 = vector.broadcast %add3A_473 : i32 to vector<16xi32>
        %add3A_475 = arith.addi %iota3A, %add3A_474 : vector<16xi32>
        tpu.vector_store_idx %arg8[%shift_right_arithmetic3A_264, %broadcast_in_dim3A_463, %and3A_267, %add3A_475], %gather3A_472 : memref<4x4x8x128xf32, #tpu.memory_space<vmem>>[vector<16xi32>, vector<16xi32>, vector<16xi32>, vector<16xi32>], vector<16xf32>,
        %add3A_476 = arith.constant 272 : i32
        %add3A_477 = vector.broadcast %add3A_476 : i32 to vector<16xi32>
        %add3A_478 = arith.addi %iota3A, %add3A_477 : vector<16xi32>
        %gather3A_479 = arith.constant 0 : i32
        %gather3A_480 = arith.constant 0 : i32
        %gather3A_481 = arith.constant 0 : i32
        %gather3A_482 = tpu.memref_slice %arg7[%gather3A_479, %gather3A_480, %gather3A_481] : memref<2x512x32xf32, #tpu.memory_space<vmem>> -> memref<1x512x32xf32, #tpu.memory_space<vmem>>
        %gather3A_483 = tpu.memref_squeeze %gather3A_482 : memref<1x512x32xf32, #tpu.memory_space<vmem>> -> memref<512x32xf32, #tpu.memory_space<vmem>>
        %gather3A_484 = tpu.vector_load_idx %gather3A_483[%add3A_478, %and3A_262] : memref<512x32xf32, #tpu.memory_space<vmem>>[vector<16xi32>, vector<16xi32>], vector<16xf32>,
        %add3A_485 = arith.constant 16 : i32
        %add3A_486 = vector.broadcast %add3A_485 : i32 to vector<16xi32>
        %add3A_487 = arith.addi %iota3A, %add3A_486 : vector<16xi32>
        tpu.vector_store_idx %arg8[%shift_right_arithmetic3A_264, %broadcast_in_dim3A_463, %and3A_267, %add3A_487], %gather3A_484 : memref<4x4x8x128xf32, #tpu.memory_space<vmem>>[vector<16xi32>, vector<16xi32>, vector<16xi32>, vector<16xi32>], vector<16xf32>,
        %add3A_488 = arith.constant 288 : i32
        %add3A_489 = vector.broadcast %add3A_488 : i32 to vector<16xi32>
        %add3A_490 = arith.addi %iota3A, %add3A_489 : vector<16xi32>
        %gather3A_491 = arith.constant 0 : i32
        %gather3A_492 = arith.constant 0 : i32
        %gather3A_493 = arith.constant 0 : i32
        %gather3A_494 = tpu.memref_slice %arg7[%gather3A_491, %gather3A_492, %gather3A_493] : memref<2x512x32xf32, #tpu.memory_space<vmem>> -> memref<1x512x32xf32, #tpu.memory_space<vmem>>
        %gather3A_495 = tpu.memref_squeeze %gather3A_494 : memref<1x512x32xf32, #tpu.memory_space<vmem>> -> memref<512x32xf32, #tpu.memory_space<vmem>>
        %gather3A_496 = tpu.vector_load_idx %gather3A_495[%add3A_490, %and3A_262] : memref<512x32xf32, #tpu.memory_space<vmem>>[vector<16xi32>, vector<16xi32>], vector<16xf32>,
        %add3A_497 = arith.constant 32 : i32
        %add3A_498 = vector.broadcast %add3A_497 : i32 to vector<16xi32>
        %add3A_499 = arith.addi %iota3A, %add3A_498 : vector<16xi32>
        tpu.vector_store_idx %arg8[%shift_right_arithmetic3A_264, %broadcast_in_dim3A_463, %and3A_267, %add3A_499], %gather3A_496 : memref<4x4x8x128xf32, #tpu.memory_space<vmem>>[vector<16xi32>, vector<16xi32>, vector<16xi32>, vector<16xi32>], vector<16xf32>,
        %add3A_500 = arith.constant 304 : i32
        %add3A_501 = vector.broadcast %add3A_500 : i32 to vector<16xi32>
        %add3A_502 = arith.addi %iota3A, %add3A_501 : vector<16xi32>
        %gather3A_503 = arith.constant 0 : i32
        %gather3A_504 = arith.constant 0 : i32
        %gather3A_505 = arith.constant 0 : i32
        %gather3A_506 = tpu.memref_slice %arg7[%gather3A_503, %gather3A_504, %gather3A_505] : memref<2x512x32xf32, #tpu.memory_space<vmem>> -> memref<1x512x32xf32, #tpu.memory_space<vmem>>
        %gather3A_507 = tpu.memref_squeeze %gather3A_506 : memref<1x512x32xf32, #tpu.memory_space<vmem>> -> memref<512x32xf32, #tpu.memory_space<vmem>>
        %gather3A_508 = tpu.vector_load_idx %gather3A_507[%add3A_502, %and3A_262] : memref<512x32xf32, #tpu.memory_space<vmem>>[vector<16xi32>, vector<16xi32>], vector<16xf32>,
        %add3A_509 = arith.constant 48 : i32
        %add3A_510 = vector.broadcast %add3A_509 : i32 to vector<16xi32>
        %add3A_511 = arith.addi %iota3A, %add3A_510 : vector<16xi32>
        tpu.vector_store_idx %arg8[%shift_right_arithmetic3A_264, %broadcast_in_dim3A_463, %and3A_267, %add3A_511], %gather3A_508 : memref<4x4x8x128xf32, #tpu.memory_space<vmem>>[vector<16xi32>, vector<16xi32>, vector<16xi32>, vector<16xi32>], vector<16xf32>,
        %add3A_512 = arith.constant 320 : i32
        %add3A_513 = vector.broadcast %add3A_512 : i32 to vector<16xi32>
        %add3A_514 = arith.addi %iota3A, %add3A_513 : vector<16xi32>
        %gather3A_515 = arith.constant 0 : i32
        %gather3A_516 = arith.constant 0 : i32
        %gather3A_517 = arith.constant 0 : i32
        %gather3A_518 = tpu.memref_slice %arg7[%gather3A_515, %gather3A_516, %gather3A_517] : memref<2x512x32xf32, #tpu.memory_space<vmem>> -> memref<1x512x32xf32, #tpu.memory_space<vmem>>
        %gather3A_519 = tpu.memref_squeeze %gather3A_518 : memref<1x512x32xf32, #tpu.memory_space<vmem>> -> memref<512x32xf32, #tpu.memory_space<vmem>>
        %gather3A_520 = tpu.vector_load_idx %gather3A_519[%add3A_514, %and3A_262] : memref<512x32xf32, #tpu.memory_space<vmem>>[vector<16xi32>, vector<16xi32>], vector<16xf32>,
        %add3A_521 = arith.constant 64 : i32
        %add3A_522 = vector.broadcast %add3A_521 : i32 to vector<16xi32>
        %add3A_523 = arith.addi %iota3A, %add3A_522 : vector<16xi32>
        tpu.vector_store_idx %arg8[%shift_right_arithmetic3A_264, %broadcast_in_dim3A_463, %and3A_267, %add3A_523], %gather3A_520 : memref<4x4x8x128xf32, #tpu.memory_space<vmem>>[vector<16xi32>, vector<16xi32>, vector<16xi32>, vector<16xi32>], vector<16xf32>,
        %add3A_524 = arith.constant 336 : i32
        %add3A_525 = vector.broadcast %add3A_524 : i32 to vector<16xi32>
        %add3A_526 = arith.addi %iota3A, %add3A_525 : vector<16xi32>
        %gather3A_527 = arith.constant 0 : i32
        %gather3A_528 = arith.constant 0 : i32
        %gather3A_529 = arith.constant 0 : i32
        %gather3A_530 = tpu.memref_slice %arg7[%gather3A_527, %gather3A_528, %gather3A_529] : memref<2x512x32xf32, #tpu.memory_space<vmem>> -> memref<1x512x32xf32, #tpu.memory_space<vmem>>
        %gather3A_531 = tpu.memref_squeeze %gather3A_530 : memref<1x512x32xf32, #tpu.memory_space<vmem>> -> memref<512x32xf32, #tpu.memory_space<vmem>>
        %gather3A_532 = tpu.vector_load_idx %gather3A_531[%add3A_526, %and3A_262] : memref<512x32xf32, #tpu.memory_space<vmem>>[vector<16xi32>, vector<16xi32>], vector<16xf32>,
        %add3A_533 = arith.constant 80 : i32
        %add3A_534 = vector.broadcast %add3A_533 : i32 to vector<16xi32>
        %add3A_535 = arith.addi %iota3A, %add3A_534 : vector<16xi32>
        tpu.vector_store_idx %arg8[%shift_right_arithmetic3A_264, %broadcast_in_dim3A_463, %and3A_267, %add3A_535], %gather3A_532 : memref<4x4x8x128xf32, #tpu.memory_space<vmem>>[vector<16xi32>, vector<16xi32>, vector<16xi32>, vector<16xi32>], vector<16xf32>,
        %add3A_536 = arith.constant 352 : i32
        %add3A_537 = vector.broadcast %add3A_536 : i32 to vector<16xi32>
        %add3A_538 = arith.addi %iota3A, %add3A_537 : vector<16xi32>
        %gather3A_539 = arith.constant 0 : i32
        %gather3A_540 = arith.constant 0 : i32
        %gather3A_541 = arith.constant 0 : i32
        %gather3A_542 = tpu.memref_slice %arg7[%gather3A_539, %gather3A_540, %gather3A_541] : memref<2x512x32xf32, #tpu.memory_space<vmem>> -> memref<1x512x32xf32, #tpu.memory_space<vmem>>
        %gather3A_543 = tpu.memref_squeeze %gather3A_542 : memref<1x512x32xf32, #tpu.memory_space<vmem>> -> memref<512x32xf32, #tpu.memory_space<vmem>>
        %gather3A_544 = tpu.vector_load_idx %gather3A_543[%add3A_538, %and3A_262] : memref<512x32xf32, #tpu.memory_space<vmem>>[vector<16xi32>, vector<16xi32>], vector<16xf32>,
        %add3A_545 = arith.constant 96 : i32
        %add3A_546 = vector.broadcast %add3A_545 : i32 to vector<16xi32>
        %add3A_547 = arith.addi %iota3A, %add3A_546 : vector<16xi32>
        tpu.vector_store_idx %arg8[%shift_right_arithmetic3A_264, %broadcast_in_dim3A_463, %and3A_267, %add3A_547], %gather3A_544 : memref<4x4x8x128xf32, #tpu.memory_space<vmem>>[vector<16xi32>, vector<16xi32>, vector<16xi32>, vector<16xi32>], vector<16xf32>,
        %add3A_548 = arith.constant 368 : i32
        %add3A_549 = vector.broadcast %add3A_548 : i32 to vector<16xi32>
        %add3A_550 = arith.addi %iota3A, %add3A_549 : vector<16xi32>
        %gather3A_551 = arith.constant 0 : i32
        %gather3A_552 = arith.constant 0 : i32
        %gather3A_553 = arith.constant 0 : i32
        %gather3A_554 = tpu.memref_slice %arg7[%gather3A_551, %gather3A_552, %gather3A_553] : memref<2x512x32xf32, #tpu.memory_space<vmem>> -> memref<1x512x32xf32, #tpu.memory_space<vmem>>
        %gather3A_555 = tpu.memref_squeeze %gather3A_554 : memref<1x512x32xf32, #tpu.memory_space<vmem>> -> memref<512x32xf32, #tpu.memory_space<vmem>>
        %gather3A_556 = tpu.vector_load_idx %gather3A_555[%add3A_550, %and3A_262] : memref<512x32xf32, #tpu.memory_space<vmem>>[vector<16xi32>, vector<16xi32>], vector<16xf32>,
        %add3A_557 = arith.constant 112 : i32
        %add3A_558 = vector.broadcast %add3A_557 : i32 to vector<16xi32>
        %add3A_559 = arith.addi %iota3A, %add3A_558 : vector<16xi32>
        tpu.vector_store_idx %arg8[%shift_right_arithmetic3A_264, %broadcast_in_dim3A_463, %and3A_267, %add3A_559], %gather3A_556 : memref<4x4x8x128xf32, #tpu.memory_space<vmem>>[vector<16xi32>, vector<16xi32>, vector<16xi32>, vector<16xi32>], vector<16xf32>,
        %broadcast_in_dim3A_560 = arith.constant 3 : i32
        %broadcast_in_dim3A_561 = vector.broadcast %broadcast_in_dim3A_560 : i32 to vector<16xi32>
        %add3A_562 = arith.constant 384 : i32
        %add3A_563 = vector.broadcast %add3A_562 : i32 to vector<16xi32>
        %add3A_564 = arith.addi %iota3A, %add3A_563 : vector<16xi32>
        %gather3A_565 = arith.constant 0 : i32
        %gather3A_566 = arith.constant 0 : i32
        %gather3A_567 = arith.constant 0 : i32
        %gather3A_568 = tpu.memref_slice %arg7[%gather3A_565, %gather3A_566, %gather3A_567] : memref<2x512x32xf32, #tpu.memory_space<vmem>> -> memref<1x512x32xf32, #tpu.memory_space<vmem>>
        %gather3A_569 = tpu.memref_squeeze %gather3A_568 : memref<1x512x32xf32, #tpu.memory_space<vmem>> -> memref<512x32xf32, #tpu.memory_space<vmem>>
        %gather3A_570 = tpu.vector_load_idx %gather3A_569[%add3A_564, %and3A_262] : memref<512x32xf32, #tpu.memory_space<vmem>>[vector<16xi32>, vector<16xi32>], vector<16xf32>,
        %add3A_571 = arith.constant 0 : i32
        %add3A_572 = vector.broadcast %add3A_571 : i32 to vector<16xi32>
        %add3A_573 = arith.addi %iota3A, %add3A_572 : vector<16xi32>
        tpu.vector_store_idx %arg8[%shift_right_arithmetic3A_264, %broadcast_in_dim3A_561, %and3A_267, %add3A_573], %gather3A_570 : memref<4x4x8x128xf32, #tpu.memory_space<vmem>>[vector<16xi32>, vector<16xi32>, vector<16xi32>, vector<16xi32>], vector<16xf32>,
        %add3A_574 = arith.constant 400 : i32
        %add3A_575 = vector.broadcast %add3A_574 : i32 to vector<16xi32>
        %add3A_576 = arith.addi %iota3A, %add3A_575 : vector<16xi32>
        %gather3A_577 = arith.constant 0 : i32
        %gather3A_578 = arith.constant 0 : i32
        %gather3A_579 = arith.constant 0 : i32
        %gather3A_580 = tpu.memref_slice %arg7[%gather3A_577, %gather3A_578, %gather3A_579] : memref<2x512x32xf32, #tpu.memory_space<vmem>> -> memref<1x512x32xf32, #tpu.memory_space<vmem>>
        %gather3A_581 = tpu.memref_squeeze %gather3A_580 : memref<1x512x32xf32, #tpu.memory_space<vmem>> -> memref<512x32xf32, #tpu.memory_space<vmem>>
        %gather3A_582 = tpu.vector_load_idx %gather3A_581[%add3A_576, %and3A_262] : memref<512x32xf32, #tpu.memory_space<vmem>>[vector<16xi32>, vector<16xi32>], vector<16xf32>,
        %add3A_583 = arith.constant 16 : i32
        %add3A_584 = vector.broadcast %add3A_583 : i32 to vector<16xi32>
        %add3A_585 = arith.addi %iota3A, %add3A_584 : vector<16xi32>
        tpu.vector_store_idx %arg8[%shift_right_arithmetic3A_264, %broadcast_in_dim3A_561, %and3A_267, %add3A_585], %gather3A_582 : memref<4x4x8x128xf32, #tpu.memory_space<vmem>>[vector<16xi32>, vector<16xi32>, vector<16xi32>, vector<16xi32>], vector<16xf32>,
        %add3A_586 = arith.constant 416 : i32
        %add3A_587 = vector.broadcast %add3A_586 : i32 to vector<16xi32>
        %add3A_588 = arith.addi %iota3A, %add3A_587 : vector<16xi32>
        %gather3A_589 = arith.constant 0 : i32
        %gather3A_590 = arith.constant 0 : i32
        %gather3A_591 = arith.constant 0 : i32
        %gather3A_592 = tpu.memref_slice %arg7[%gather3A_589, %gather3A_590, %gather3A_591] : memref<2x512x32xf32, #tpu.memory_space<vmem>> -> memref<1x512x32xf32, #tpu.memory_space<vmem>>
        %gather3A_593 = tpu.memref_squeeze %gather3A_592 : memref<1x512x32xf32, #tpu.memory_space<vmem>> -> memref<512x32xf32, #tpu.memory_space<vmem>>
        %gather3A_594 = tpu.vector_load_idx %gather3A_593[%add3A_588, %and3A_262] : memref<512x32xf32, #tpu.memory_space<vmem>>[vector<16xi32>, vector<16xi32>], vector<16xf32>,
        %add3A_595 = arith.constant 32 : i32
        %add3A_596 = vector.broadcast %add3A_595 : i32 to vector<16xi32>
        %add3A_597 = arith.addi %iota3A, %add3A_596 : vector<16xi32>
        tpu.vector_store_idx %arg8[%shift_right_arithmetic3A_264, %broadcast_in_dim3A_561, %and3A_267, %add3A_597], %gather3A_594 : memref<4x4x8x128xf32, #tpu.memory_space<vmem>>[vector<16xi32>, vector<16xi32>, vector<16xi32>, vector<16xi32>], vector<16xf32>,
        %add3A_598 = arith.constant 432 : i32
        %add3A_599 = vector.broadcast %add3A_598 : i32 to vector<16xi32>
        %add3A_600 = arith.addi %iota3A, %add3A_599 : vector<16xi32>
        %gather3A_601 = arith.constant 0 : i32
        %gather3A_602 = arith.constant 0 : i32
        %gather3A_603 = arith.constant 0 : i32
        %gather3A_604 = tpu.memref_slice %arg7[%gather3A_601, %gather3A_602, %gather3A_603] : memref<2x512x32xf32, #tpu.memory_space<vmem>> -> memref<1x512x32xf32, #tpu.memory_space<vmem>>
        %gather3A_605 = tpu.memref_squeeze %gather3A_604 : memref<1x512x32xf32, #tpu.memory_space<vmem>> -> memref<512x32xf32, #tpu.memory_space<vmem>>
        %gather3A_606 = tpu.vector_load_idx %gather3A_605[%add3A_600, %and3A_262] : memref<512x32xf32, #tpu.memory_space<vmem>>[vector<16xi32>, vector<16xi32>], vector<16xf32>,
        %add3A_607 = arith.constant 48 : i32
        %add3A_608 = vector.broadcast %add3A_607 : i32 to vector<16xi32>
        %add3A_609 = arith.addi %iota3A, %add3A_608 : vector<16xi32>
        tpu.vector_store_idx %arg8[%shift_right_arithmetic3A_264, %broadcast_in_dim3A_561, %and3A_267, %add3A_609], %gather3A_606 : memref<4x4x8x128xf32, #tpu.memory_space<vmem>>[vector<16xi32>, vector<16xi32>, vector<16xi32>, vector<16xi32>], vector<16xf32>,
        %add3A_610 = arith.constant 448 : i32
        %add3A_611 = vector.broadcast %add3A_610 : i32 to vector<16xi32>
        %add3A_612 = arith.addi %iota3A, %add3A_611 : vector<16xi32>
        %gather3A_613 = arith.constant 0 : i32
        %gather3A_614 = arith.constant 0 : i32
        %gather3A_615 = arith.constant 0 : i32
        %gather3A_616 = tpu.memref_slice %arg7[%gather3A_613, %gather3A_614, %gather3A_615] : memref<2x512x32xf32, #tpu.memory_space<vmem>> -> memref<1x512x32xf32, #tpu.memory_space<vmem>>
        %gather3A_617 = tpu.memref_squeeze %gather3A_616 : memref<1x512x32xf32, #tpu.memory_space<vmem>> -> memref<512x32xf32, #tpu.memory_space<vmem>>
        %gather3A_618 = tpu.vector_load_idx %gather3A_617[%add3A_612, %and3A_262] : memref<512x32xf32, #tpu.memory_space<vmem>>[vector<16xi32>, vector<16xi32>], vector<16xf32>,
        %add3A_619 = arith.constant 64 : i32
        %add3A_620 = vector.broadcast %add3A_619 : i32 to vector<16xi32>
        %add3A_621 = arith.addi %iota3A, %add3A_620 : vector<16xi32>
        tpu.vector_store_idx %arg8[%shift_right_arithmetic3A_264, %broadcast_in_dim3A_561, %and3A_267, %add3A_621], %gather3A_618 : memref<4x4x8x128xf32, #tpu.memory_space<vmem>>[vector<16xi32>, vector<16xi32>, vector<16xi32>, vector<16xi32>], vector<16xf32>,
        %add3A_622 = arith.constant 464 : i32
        %add3A_623 = vector.broadcast %add3A_622 : i32 to vector<16xi32>
        %add3A_624 = arith.addi %iota3A, %add3A_623 : vector<16xi32>
        %gather3A_625 = arith.constant 0 : i32
        %gather3A_626 = arith.constant 0 : i32
        %gather3A_627 = arith.constant 0 : i32
        %gather3A_628 = tpu.memref_slice %arg7[%gather3A_625, %gather3A_626, %gather3A_627] : memref<2x512x32xf32, #tpu.memory_space<vmem>> -> memref<1x512x32xf32, #tpu.memory_space<vmem>>
        %gather3A_629 = tpu.memref_squeeze %gather3A_628 : memref<1x512x32xf32, #tpu.memory_space<vmem>> -> memref<512x32xf32, #tpu.memory_space<vmem>>
        %gather3A_630 = tpu.vector_load_idx %gather3A_629[%add3A_624, %and3A_262] : memref<512x32xf32, #tpu.memory_space<vmem>>[vector<16xi32>, vector<16xi32>], vector<16xf32>,
        %add3A_631 = arith.constant 80 : i32
        %add3A_632 = vector.broadcast %add3A_631 : i32 to vector<16xi32>
        %add3A_633 = arith.addi %iota3A, %add3A_632 : vector<16xi32>
        tpu.vector_store_idx %arg8[%shift_right_arithmetic3A_264, %broadcast_in_dim3A_561, %and3A_267, %add3A_633], %gather3A_630 : memref<4x4x8x128xf32, #tpu.memory_space<vmem>>[vector<16xi32>, vector<16xi32>, vector<16xi32>, vector<16xi32>], vector<16xf32>,
        %add3A_634 = arith.constant 480 : i32
        %add3A_635 = vector.broadcast %add3A_634 : i32 to vector<16xi32>
        %add3A_636 = arith.addi %iota3A, %add3A_635 : vector<16xi32>
        %gather3A_637 = arith.constant 0 : i32
        %gather3A_638 = arith.constant 0 : i32
        %gather3A_639 = arith.constant 0 : i32
        %gather3A_640 = tpu.memref_slice %arg7[%gather3A_637, %gather3A_638, %gather3A_639] : memref<2x512x32xf32, #tpu.memory_space<vmem>> -> memref<1x512x32xf32, #tpu.memory_space<vmem>>
        %gather3A_641 = tpu.memref_squeeze %gather3A_640 : memref<1x512x32xf32, #tpu.memory_space<vmem>> -> memref<512x32xf32, #tpu.memory_space<vmem>>
        %gather3A_642 = tpu.vector_load_idx %gather3A_641[%add3A_636, %and3A_262] : memref<512x32xf32, #tpu.memory_space<vmem>>[vector<16xi32>, vector<16xi32>], vector<16xf32>,
        %add3A_643 = arith.constant 96 : i32
        %add3A_644 = vector.broadcast %add3A_643 : i32 to vector<16xi32>
        %add3A_645 = arith.addi %iota3A, %add3A_644 : vector<16xi32>
        tpu.vector_store_idx %arg8[%shift_right_arithmetic3A_264, %broadcast_in_dim3A_561, %and3A_267, %add3A_645], %gather3A_642 : memref<4x4x8x128xf32, #tpu.memory_space<vmem>>[vector<16xi32>, vector<16xi32>, vector<16xi32>, vector<16xi32>], vector<16xf32>,
        %add3A_646 = arith.constant 496 : i32
        %add3A_647 = vector.broadcast %add3A_646 : i32 to vector<16xi32>
        %add3A_648 = arith.addi %iota3A, %add3A_647 : vector<16xi32>
        %gather3A_649 = arith.constant 0 : i32
        %gather3A_650 = arith.constant 0 : i32
        %gather3A_651 = arith.constant 0 : i32
        %gather3A_652 = tpu.memref_slice %arg7[%gather3A_649, %gather3A_650, %gather3A_651] : memref<2x512x32xf32, #tpu.memory_space<vmem>> -> memref<1x512x32xf32, #tpu.memory_space<vmem>>
        %gather3A_653 = tpu.memref_squeeze %gather3A_652 : memref<1x512x32xf32, #tpu.memory_space<vmem>> -> memref<512x32xf32, #tpu.memory_space<vmem>>
        %gather3A_654 = tpu.vector_load_idx %gather3A_653[%add3A_648, %and3A_262] : memref<512x32xf32, #tpu.memory_space<vmem>>[vector<16xi32>, vector<16xi32>], vector<16xf32>,
        %add3A_655 = arith.constant 112 : i32
        %add3A_656 = vector.broadcast %add3A_655 : i32 to vector<16xi32>
        %add3A_657 = arith.addi %iota3A, %add3A_656 : vector<16xi32>
        tpu.vector_store_idx %arg8[%shift_right_arithmetic3A_264, %broadcast_in_dim3A_561, %and3A_267, %add3A_657], %gather3A_654 : memref<4x4x8x128xf32, #tpu.memory_space<vmem>>[vector<16xi32>, vector<16xi32>, vector<16xi32>, vector<16xi32>], vector<16xf32>,
      }
      %scan3A_174 = arith.constant 32 : i32
      %run_scoped3A = arith.constant 0 : i32
      %run_scoped3A_175 = arith.constant 0 : i32
      "tpu.region"() ({
        %run_scoped3A_258 = tpu.sem_alloc : memref<!tpu.dma_semaphore, #tpu.memory_space<semaphore_mem>>
        %dma_start3A_259 = arith.constant 0 : i32
        %dma_start3A_260 = arith.constant 0 : i32
        %dma_start3A_261 = arith.constant 0 : i32
        %dma_start3A_262 = tpu.memref_slice %arg8[%run_scoped3A, %dma_start3A_259, %dma_start3A_260, %dma_start3A_261] : memref<4x4x8x128xf32, #tpu.memory_space<vmem>> -> memref<1x4x8x128xf32, #tpu.memory_space<vmem>>
        %dma_start3A_263 = tpu.memref_squeeze %dma_start3A_262 : memref<1x4x8x128xf32, #tpu.memory_space<vmem>> -> memref<4x8x128xf32, #tpu.memory_space<vmem>>
        %dma_start3A_264 = arith.constant 0 : i32
        %dma_start3A_265 = arith.constant 0 : i32
        %dma_start3A_266 = tpu.memref_slice %arg4[%mul3A_63, %run_scoped3A_175, %mul3A_2, %dma_start3A_264, %dma_start3A_265] : memref<50x4x128x8x128xf32, #tpu.memory_space<hbm>> -> memref<1x1x4x8x128xf32, #tpu.memory_space<hbm>>
        %dma_start3A_267 = tpu.memref_squeeze %dma_start3A_266 : memref<1x1x4x8x128xf32, #tpu.memory_space<hbm>> -> memref<4x8x128xf32, #tpu.memory_space<hbm>>
        %dma_start3A_268 = arith.constant 0 : i32
        %dma_start3A_269 = arith.constant 0 : i32
        %dma_start3A_270 = tpu.memref_slice %arg4[%mul3A_63, %run_scoped3A_175, %mul3A_2, %dma_start3A_268, %dma_start3A_269] : memref<50x4x128x8x128xf32, #tpu.memory_space<hbm>> -> memref<1x1x4x8x128xf32, #tpu.memory_space<hbm>>
        %dma_start3A_271 = tpu.memref_squeeze %dma_start3A_270 : memref<1x1x4x8x128xf32, #tpu.memory_space<hbm>> -> memref<4x8x128xf32, #tpu.memory_space<hbm>>
        %dma_start3A_272 = arith.constant 0 : i32
        %dma_start3A_273 = arith.constant 0 : i32
        %dma_start3A_274 = arith.constant 0 : i32
        %dma_start3A_275 = tpu.memref_slice %arg8[%run_scoped3A, %dma_start3A_272, %dma_start3A_273, %dma_start3A_274] : memref<4x4x8x128xf32, #tpu.memory_space<vmem>> -> memref<1x4x8x128xf32, #tpu.memory_space<vmem>>
        %dma_start3A_276 = tpu.memref_squeeze %dma_start3A_275 : memref<1x4x8x128xf32, #tpu.memory_space<vmem>> -> memref<4x8x128xf32, #tpu.memory_space<vmem>>
        tpu.enqueue_dma source(%dma_start3A_276 : memref<4x8x128xf32, #tpu.memory_space<vmem>>) target(%dma_start3A_271 : memref<4x8x128xf32, #tpu.memory_space<hbm>>) target_semaphore(%run_scoped3A_258 : memref<!tpu.dma_semaphore, #tpu.memory_space<semaphore_mem>>)
        %dma_wait3A_277 = arith.constant 0 : i32
        %dma_wait3A_278 = arith.constant 0 : i32
        %dma_wait3A_279 = arith.constant 0 : i32
        %dma_wait3A_280 = tpu.memref_slice %arg8[%run_scoped3A, %dma_wait3A_277, %dma_wait3A_278, %dma_wait3A_279] : memref<4x4x8x128xf32, #tpu.memory_space<vmem>> -> memref<1x4x8x128xf32, #tpu.memory_space<vmem>>
        %dma_wait3A_281 = tpu.memref_squeeze %dma_wait3A_280 : memref<1x4x8x128xf32, #tpu.memory_space<vmem>> -> memref<4x8x128xf32, #tpu.memory_space<vmem>>
        %dma_wait3A_282 = arith.constant 0 : i32
        %dma_wait3A_283 = arith.constant 0 : i32
        %dma_wait3A_284 = tpu.memref_slice %arg4[%mul3A_63, %run_scoped3A_175, %mul3A_2, %dma_wait3A_282, %dma_wait3A_283] : memref<50x4x128x8x128xf32, #tpu.memory_space<hbm>> -> memref<1x1x4x8x128xf32, #tpu.memory_space<hbm>>
        %dma_wait3A_285 = tpu.memref_squeeze %dma_wait3A_284 : memref<1x1x4x8x128xf32, #tpu.memory_space<hbm>> -> memref<4x8x128xf32, #tpu.memory_space<hbm>>
        %dma_wait3A_286 = arith.constant 0 : i32
        %dma_wait3A_287 = arith.constant 0 : i32
        %dma_wait3A_288 = tpu.memref_slice %arg4[%mul3A_63, %run_scoped3A_175, %mul3A_2, %dma_wait3A_286, %dma_wait3A_287] : memref<50x4x128x8x128xf32, #tpu.memory_space<hbm>> -> memref<1x1x4x8x128xf32, #tpu.memory_space<hbm>>
        %dma_wait3A_289 = tpu.memref_squeeze %dma_wait3A_288 : memref<1x1x4x8x128xf32, #tpu.memory_space<hbm>> -> memref<4x8x128xf32, #tpu.memory_space<hbm>>
        %dma_wait3A_290 = arith.constant 0 : i32
        %dma_wait3A_291 = arith.constant 0 : i32
        %dma_wait3A_292 = arith.constant 0 : i32
        %dma_wait3A_293 = tpu.memref_slice %arg8[%run_scoped3A, %dma_wait3A_290, %dma_wait3A_291, %dma_wait3A_292] : memref<4x4x8x128xf32, #tpu.memory_space<vmem>> -> memref<1x4x8x128xf32, #tpu.memory_space<vmem>>
        %dma_wait3A_294 = tpu.memref_squeeze %dma_wait3A_293 : memref<1x4x8x128xf32, #tpu.memory_space<vmem>> -> memref<4x8x128xf32, #tpu.memory_space<vmem>>
        tpu.wait_dma2 semaphore(%run_scoped3A_258 : memref<!tpu.dma_semaphore, #tpu.memory_space<semaphore_mem>>) src(%dma_wait3A_294 : memref<4x8x128xf32, #tpu.memory_space<vmem>>) dst(%dma_wait3A_289 : memref<4x8x128xf32, #tpu.memory_space<hbm>>)
        tpu.yield
      }) : () -> ()
      %run_scoped3A_176 = arith.constant 1 : i32
      %run_scoped3A_177 = arith.constant 1 : i32
      "tpu.region"() ({
        %run_scoped3A_258 = tpu.sem_alloc : memref<!tpu.dma_semaphore, #tpu.memory_space<semaphore_mem>>
        %dma_start3A_259 = arith.constant 0 : i32
        %dma_start3A_260 = arith.constant 0 : i32
        %dma_start3A_261 = arith.constant 0 : i32
        %dma_start3A_262 = tpu.memref_slice %arg8[%run_scoped3A_176, %dma_start3A_259, %dma_start3A_260, %dma_start3A_261] : memref<4x4x8x128xf32, #tpu.memory_space<vmem>> -> memref<1x4x8x128xf32, #tpu.memory_space<vmem>>
        %dma_start3A_263 = tpu.memref_squeeze %dma_start3A_262 : memref<1x4x8x128xf32, #tpu.memory_space<vmem>> -> memref<4x8x128xf32, #tpu.memory_space<vmem>>
        %dma_start3A_264 = arith.constant 0 : i32
        %dma_start3A_265 = arith.constant 0 : i32
        %dma_start3A_266 = tpu.memref_slice %arg4[%mul3A_63, %run_scoped3A_177, %mul3A_2, %dma_start3A_264, %dma_start3A_265] : memref<50x4x128x8x128xf32, #tpu.memory_space<hbm>> -> memref<1x1x4x8x128xf32, #tpu.memory_space<hbm>>
        %dma_start3A_267 = tpu.memref_squeeze %dma_start3A_266 : memref<1x1x4x8x128xf32, #tpu.memory_space<hbm>> -> memref<4x8x128xf32, #tpu.memory_space<hbm>>
        %dma_start3A_268 = arith.constant 0 : i32
        %dma_start3A_269 = arith.constant 0 : i32
        %dma_start3A_270 = tpu.memref_slice %arg4[%mul3A_63, %run_scoped3A_177, %mul3A_2, %dma_start3A_268, %dma_start3A_269] : memref<50x4x128x8x128xf32, #tpu.memory_space<hbm>> -> memref<1x1x4x8x128xf32, #tpu.memory_space<hbm>>
        %dma_start3A_271 = tpu.memref_squeeze %dma_start3A_270 : memref<1x1x4x8x128xf32, #tpu.memory_space<hbm>> -> memref<4x8x128xf32, #tpu.memory_space<hbm>>
        %dma_start3A_272 = arith.constant 0 : i32
        %dma_start3A_273 = arith.constant 0 : i32
        %dma_start3A_274 = arith.constant 0 : i32
        %dma_start3A_275 = tpu.memref_slice %arg8[%run_scoped3A_176, %dma_start3A_272, %dma_start3A_273, %dma_start3A_274] : memref<4x4x8x128xf32, #tpu.memory_space<vmem>> -> memref<1x4x8x128xf32, #tpu.memory_space<vmem>>
        %dma_start3A_276 = tpu.memref_squeeze %dma_start3A_275 : memref<1x4x8x128xf32, #tpu.memory_space<vmem>> -> memref<4x8x128xf32, #tpu.memory_space<vmem>>
        tpu.enqueue_dma source(%dma_start3A_276 : memref<4x8x128xf32, #tpu.memory_space<vmem>>) target(%dma_start3A_271 : memref<4x8x128xf32, #tpu.memory_space<hbm>>) target_semaphore(%run_scoped3A_258 : memref<!tpu.dma_semaphore, #tpu.memory_space<semaphore_mem>>)
        %dma_wait3A_277 = arith.constant 0 : i32
        %dma_wait3A_278 = arith.constant 0 : i32
        %dma_wait3A_279 = arith.constant 0 : i32
        %dma_wait3A_280 = tpu.memref_slice %arg8[%run_scoped3A_176, %dma_wait3A_277, %dma_wait3A_278, %dma_wait3A_279] : memref<4x4x8x128xf32, #tpu.memory_space<vmem>> -> memref<1x4x8x128xf32, #tpu.memory_space<vmem>>
        %dma_wait3A_281 = tpu.memref_squeeze %dma_wait3A_280 : memref<1x4x8x128xf32, #tpu.memory_space<vmem>> -> memref<4x8x128xf32, #tpu.memory_space<vmem>>
        %dma_wait3A_282 = arith.constant 0 : i32
        %dma_wait3A_283 = arith.constant 0 : i32
        %dma_wait3A_284 = tpu.memref_slice %arg4[%mul3A_63, %run_scoped3A_177, %mul3A_2, %dma_wait3A_282, %dma_wait3A_283] : memref<50x4x128x8x128xf32, #tpu.memory_space<hbm>> -> memref<1x1x4x8x128xf32, #tpu.memory_space<hbm>>
        %dma_wait3A_285 = tpu.memref_squeeze %dma_wait3A_284 : memref<1x1x4x8x128xf32, #tpu.memory_space<hbm>> -> memref<4x8x128xf32, #tpu.memory_space<hbm>>
        %dma_wait3A_286 = arith.constant 0 : i32
        %dma_wait3A_287 = arith.constant 0 : i32
        %dma_wait3A_288 = tpu.memref_slice %arg4[%mul3A_63, %run_scoped3A_177, %mul3A_2, %dma_wait3A_286, %dma_wait3A_287] : memref<50x4x128x8x128xf32, #tpu.memory_space<hbm>> -> memref<1x1x4x8x128xf32, #tpu.memory_space<hbm>>
        %dma_wait3A_289 = tpu.memref_squeeze %dma_wait3A_288 : memref<1x1x4x8x128xf32, #tpu.memory_space<hbm>> -> memref<4x8x128xf32, #tpu.memory_space<hbm>>
        %dma_wait3A_290 = arith.constant 0 : i32
        %dma_wait3A_291 = arith.constant 0 : i32
        %dma_wait3A_292 = arith.constant 0 : i32
        %dma_wait3A_293 = tpu.memref_slice %arg8[%run_scoped3A_176, %dma_wait3A_290, %dma_wait3A_291, %dma_wait3A_292] : memref<4x4x8x128xf32, #tpu.memory_space<vmem>> -> memref<1x4x8x128xf32, #tpu.memory_space<vmem>>
        %dma_wait3A_294 = tpu.memref_squeeze %dma_wait3A_293 : memref<1x4x8x128xf32, #tpu.memory_space<vmem>> -> memref<4x8x128xf32, #tpu.memory_space<vmem>>
        tpu.wait_dma2 semaphore(%run_scoped3A_258 : memref<!tpu.dma_semaphore, #tpu.memory_space<semaphore_mem>>) src(%dma_wait3A_294 : memref<4x8x128xf32, #tpu.memory_space<vmem>>) dst(%dma_wait3A_289 : memref<4x8x128xf32, #tpu.memory_space<hbm>>)
        tpu.yield
      }) : () -> ()
      %run_scoped3A_178 = arith.constant 2 : i32
      %run_scoped3A_179 = arith.constant 2 : i32
      "tpu.region"() ({
        %run_scoped3A_258 = tpu.sem_alloc : memref<!tpu.dma_semaphore, #tpu.memory_space<semaphore_mem>>
        %dma_start3A_259 = arith.constant 0 : i32
        %dma_start3A_260 = arith.constant 0 : i32
        %dma_start3A_261 = arith.constant 0 : i32
        %dma_start3A_262 = tpu.memref_slice %arg8[%run_scoped3A_178, %dma_start3A_259, %dma_start3A_260, %dma_start3A_261] : memref<4x4x8x128xf32, #tpu.memory_space<vmem>> -> memref<1x4x8x128xf32, #tpu.memory_space<vmem>>
        %dma_start3A_263 = tpu.memref_squeeze %dma_start3A_262 : memref<1x4x8x128xf32, #tpu.memory_space<vmem>> -> memref<4x8x128xf32, #tpu.memory_space<vmem>>
        %dma_start3A_264 = arith.constant 0 : i32
        %dma_start3A_265 = arith.constant 0 : i32
        %dma_start3A_266 = tpu.memref_slice %arg4[%mul3A_63, %run_scoped3A_179, %mul3A_2, %dma_start3A_264, %dma_start3A_265] : memref<50x4x128x8x128xf32, #tpu.memory_space<hbm>> -> memref<1x1x4x8x128xf32, #tpu.memory_space<hbm>>
        %dma_start3A_267 = tpu.memref_squeeze %dma_start3A_266 : memref<1x1x4x8x128xf32, #tpu.memory_space<hbm>> -> memref<4x8x128xf32, #tpu.memory_space<hbm>>
        %dma_start3A_268 = arith.constant 0 : i32
        %dma_start3A_269 = arith.constant 0 : i32
        %dma_start3A_270 = tpu.memref_slice %arg4[%mul3A_63, %run_scoped3A_179, %mul3A_2, %dma_start3A_268, %dma_start3A_269] : memref<50x4x128x8x128xf32, #tpu.memory_space<hbm>> -> memref<1x1x4x8x128xf32, #tpu.memory_space<hbm>>
        %dma_start3A_271 = tpu.memref_squeeze %dma_start3A_270 : memref<1x1x4x8x128xf32, #tpu.memory_space<hbm>> -> memref<4x8x128xf32, #tpu.memory_space<hbm>>
        %dma_start3A_272 = arith.constant 0 : i32
        %dma_start3A_273 = arith.constant 0 : i32
        %dma_start3A_274 = arith.constant 0 : i32
        %dma_start3A_275 = tpu.memref_slice %arg8[%run_scoped3A_178, %dma_start3A_272, %dma_start3A_273, %dma_start3A_274] : memref<4x4x8x128xf32, #tpu.memory_space<vmem>> -> memref<1x4x8x128xf32, #tpu.memory_space<vmem>>
        %dma_start3A_276 = tpu.memref_squeeze %dma_start3A_275 : memref<1x4x8x128xf32, #tpu.memory_space<vmem>> -> memref<4x8x128xf32, #tpu.memory_space<vmem>>
        tpu.enqueue_dma source(%dma_start3A_276 : memref<4x8x128xf32, #tpu.memory_space<vmem>>) target(%dma_start3A_271 : memref<4x8x128xf32, #tpu.memory_space<hbm>>) target_semaphore(%run_scoped3A_258 : memref<!tpu.dma_semaphore, #tpu.memory_space<semaphore_mem>>)
        %dma_wait3A_277 = arith.constant 0 : i32
        %dma_wait3A_278 = arith.constant 0 : i32
        %dma_wait3A_279 = arith.constant 0 : i32
        %dma_wait3A_280 = tpu.memref_slice %arg8[%run_scoped3A_178, %dma_wait3A_277, %dma_wait3A_278, %dma_wait3A_279] : memref<4x4x8x128xf32, #tpu.memory_space<vmem>> -> memref<1x4x8x128xf32, #tpu.memory_space<vmem>>
        %dma_wait3A_281 = tpu.memref_squeeze %dma_wait3A_280 : memref<1x4x8x128xf32, #tpu.memory_space<vmem>> -> memref<4x8x128xf32, #tpu.memory_space<vmem>>
        %dma_wait3A_282 = arith.constant 0 : i32
        %dma_wait3A_283 = arith.constant 0 : i32
        %dma_wait3A_284 = tpu.memref_slice %arg4[%mul3A_63, %run_scoped3A_179, %mul3A_2, %dma_wait3A_282, %dma_wait3A_283] : memref<50x4x128x8x128xf32, #tpu.memory_space<hbm>> -> memref<1x1x4x8x128xf32, #tpu.memory_space<hbm>>
        %dma_wait3A_285 = tpu.memref_squeeze %dma_wait3A_284 : memref<1x1x4x8x128xf32, #tpu.memory_space<hbm>> -> memref<4x8x128xf32, #tpu.memory_space<hbm>>
        %dma_wait3A_286 = arith.constant 0 : i32
        %dma_wait3A_287 = arith.constant 0 : i32
        %dma_wait3A_288 = tpu.memref_slice %arg4[%mul3A_63, %run_scoped3A_179, %mul3A_2, %dma_wait3A_286, %dma_wait3A_287] : memref<50x4x128x8x128xf32, #tpu.memory_space<hbm>> -> memref<1x1x4x8x128xf32, #tpu.memory_space<hbm>>
        %dma_wait3A_289 = tpu.memref_squeeze %dma_wait3A_288 : memref<1x1x4x8x128xf32, #tpu.memory_space<hbm>> -> memref<4x8x128xf32, #tpu.memory_space<hbm>>
        %dma_wait3A_290 = arith.constant 0 : i32
        %dma_wait3A_291 = arith.constant 0 : i32
        %dma_wait3A_292 = arith.constant 0 : i32
        %dma_wait3A_293 = tpu.memref_slice %arg8[%run_scoped3A_178, %dma_wait3A_290, %dma_wait3A_291, %dma_wait3A_292] : memref<4x4x8x128xf32, #tpu.memory_space<vmem>> -> memref<1x4x8x128xf32, #tpu.memory_space<vmem>>
        %dma_wait3A_294 = tpu.memref_squeeze %dma_wait3A_293 : memref<1x4x8x128xf32, #tpu.memory_space<vmem>> -> memref<4x8x128xf32, #tpu.memory_space<vmem>>
        tpu.wait_dma2 semaphore(%run_scoped3A_258 : memref<!tpu.dma_semaphore, #tpu.memory_space<semaphore_mem>>) src(%dma_wait3A_294 : memref<4x8x128xf32, #tpu.memory_space<vmem>>) dst(%dma_wait3A_289 : memref<4x8x128xf32, #tpu.memory_space<hbm>>)
        tpu.yield
      }) : () -> ()
      %run_scoped3A_180 = arith.constant 3 : i32
      %run_scoped3A_181 = arith.constant 3 : i32
      "tpu.region"() ({
        %run_scoped3A_258 = tpu.sem_alloc : memref<!tpu.dma_semaphore, #tpu.memory_space<semaphore_mem>>
        %dma_start3A_259 = arith.constant 0 : i32
        %dma_start3A_260 = arith.constant 0 : i32
        %dma_start3A_261 = arith.constant 0 : i32
        %dma_start3A_262 = tpu.memref_slice %arg8[%run_scoped3A_180, %dma_start3A_259, %dma_start3A_260, %dma_start3A_261] : memref<4x4x8x128xf32, #tpu.memory_space<vmem>> -> memref<1x4x8x128xf32, #tpu.memory_space<vmem>>
        %dma_start3A_263 = tpu.memref_squeeze %dma_start3A_262 : memref<1x4x8x128xf32, #tpu.memory_space<vmem>> -> memref<4x8x128xf32, #tpu.memory_space<vmem>>
        %dma_start3A_264 = arith.constant 0 : i32
        %dma_start3A_265 = arith.constant 0 : i32
        %dma_start3A_266 = tpu.memref_slice %arg4[%mul3A_63, %run_scoped3A_181, %mul3A_2, %dma_start3A_264, %dma_start3A_265] : memref<50x4x128x8x128xf32, #tpu.memory_space<hbm>> -> memref<1x1x4x8x128xf32, #tpu.memory_space<hbm>>
        %dma_start3A_267 = tpu.memref_squeeze %dma_start3A_266 : memref<1x1x4x8x128xf32, #tpu.memory_space<hbm>> -> memref<4x8x128xf32, #tpu.memory_space<hbm>>
        %dma_start3A_268 = arith.constant 0 : i32
        %dma_start3A_269 = arith.constant 0 : i32
        %dma_start3A_270 = tpu.memref_slice %arg4[%mul3A_63, %run_scoped3A_181, %mul3A_2, %dma_start3A_268, %dma_start3A_269] : memref<50x4x128x8x128xf32, #tpu.memory_space<hbm>> -> memref<1x1x4x8x128xf32, #tpu.memory_space<hbm>>
        %dma_start3A_271 = tpu.memref_squeeze %dma_start3A_270 : memref<1x1x4x8x128xf32, #tpu.memory_space<hbm>> -> memref<4x8x128xf32, #tpu.memory_space<hbm>>
        %dma_start3A_272 = arith.constant 0 : i32
        %dma_start3A_273 = arith.constant 0 : i32
        %dma_start3A_274 = arith.constant 0 : i32
        %dma_start3A_275 = tpu.memref_slice %arg8[%run_scoped3A_180, %dma_start3A_272, %dma_start3A_273, %dma_start3A_274] : memref<4x4x8x128xf32, #tpu.memory_space<vmem>> -> memref<1x4x8x128xf32, #tpu.memory_space<vmem>>
        %dma_start3A_276 = tpu.memref_squeeze %dma_start3A_275 : memref<1x4x8x128xf32, #tpu.memory_space<vmem>> -> memref<4x8x128xf32, #tpu.memory_space<vmem>>
        tpu.enqueue_dma source(%dma_start3A_276 : memref<4x8x128xf32, #tpu.memory_space<vmem>>) target(%dma_start3A_271 : memref<4x8x128xf32, #tpu.memory_space<hbm>>) target_semaphore(%run_scoped3A_258 : memref<!tpu.dma_semaphore, #tpu.memory_space<semaphore_mem>>)
        %dma_wait3A_277 = arith.constant 0 : i32
        %dma_wait3A_278 = arith.constant 0 : i32
        %dma_wait3A_279 = arith.constant 0 : i32
        %dma_wait3A_280 = tpu.memref_slice %arg8[%run_scoped3A_180, %dma_wait3A_277, %dma_wait3A_278, %dma_wait3A_279] : memref<4x4x8x128xf32, #tpu.memory_space<vmem>> -> memref<1x4x8x128xf32, #tpu.memory_space<vmem>>
        %dma_wait3A_281 = tpu.memref_squeeze %dma_wait3A_280 : memref<1x4x8x128xf32, #tpu.memory_space<vmem>> -> memref<4x8x128xf32, #tpu.memory_space<vmem>>
        %dma_wait3A_282 = arith.constant 0 : i32
        %dma_wait3A_283 = arith.constant 0 : i32
        %dma_wait3A_284 = tpu.memref_slice %arg4[%mul3A_63, %run_scoped3A_181, %mul3A_2, %dma_wait3A_282, %dma_wait3A_283] : memref<50x4x128x8x128xf32, #tpu.memory_space<hbm>> -> memref<1x1x4x8x128xf32, #tpu.memory_space<hbm>>
        %dma_wait3A_285 = tpu.memref_squeeze %dma_wait3A_284 : memref<1x1x4x8x128xf32, #tpu.memory_space<hbm>> -> memref<4x8x128xf32, #tpu.memory_space<hbm>>
        %dma_wait3A_286 = arith.constant 0 : i32
        %dma_wait3A_287 = arith.constant 0 : i32
        %dma_wait3A_288 = tpu.memref_slice %arg4[%mul3A_63, %run_scoped3A_181, %mul3A_2, %dma_wait3A_286, %dma_wait3A_287] : memref<50x4x128x8x128xf32, #tpu.memory_space<hbm>> -> memref<1x1x4x8x128xf32, #tpu.memory_space<hbm>>
        %dma_wait3A_289 = tpu.memref_squeeze %dma_wait3A_288 : memref<1x1x4x8x128xf32, #tpu.memory_space<hbm>> -> memref<4x8x128xf32, #tpu.memory_space<hbm>>
        %dma_wait3A_290 = arith.constant 0 : i32
        %dma_wait3A_291 = arith.constant 0 : i32
        %dma_wait3A_292 = arith.constant 0 : i32
        %dma_wait3A_293 = tpu.memref_slice %arg8[%run_scoped3A_180, %dma_wait3A_290, %dma_wait3A_291, %dma_wait3A_292] : memref<4x4x8x128xf32, #tpu.memory_space<vmem>> -> memref<1x4x8x128xf32, #tpu.memory_space<vmem>>
        %dma_wait3A_294 = tpu.memref_squeeze %dma_wait3A_293 : memref<1x4x8x128xf32, #tpu.memory_space<vmem>> -> memref<4x8x128xf32, #tpu.memory_space<vmem>>
        tpu.wait_dma2 semaphore(%run_scoped3A_258 : memref<!tpu.dma_semaphore, #tpu.memory_space<semaphore_mem>>) src(%dma_wait3A_294 : memref<4x8x128xf32, #tpu.memory_space<vmem>>) dst(%dma_wait3A_289 : memref<4x8x128xf32, #tpu.memory_space<hbm>>)
        tpu.yield
      }) : () -> ()
      %lt3A = arith.constant 24 : i32
      %lt3A_182 = arith.cmpi slt, %scan3A_61, %lt3A : i32
      %convert_element_type3A = arith.extui %lt3A_182 : i1 to i32
      %cond3A = arith.constant 0 : i32
      %cond3A_183 = arith.cmpi ne, %convert_element_type3A, %cond3A : i32
      scf.if %cond3A_183 {
        %add3A_258 = arith.constant 2 : i32
        %add3A_259 = arith.addi %mul3A_63, %add3A_258 : i32
        %dma_start3A_260 = arith.constant 0 : i32
        %dma_start3A_261 = arith.constant 0 : i32
        %dma_start3A_262 = arith.constant 0 : i32
        %dma_start3A_263 = tpu.memref_slice %arg7[%dma_start3A_260, %dma_start3A_261, %dma_start3A_262] : memref<2x512x32xf32, #tpu.memory_space<vmem>> -> memref<1x128x32xf32, #tpu.memory_space<vmem>>
        %dma_start3A_264 = tpu.memref_squeeze %dma_start3A_263 : memref<1x128x32xf32, #tpu.memory_space<vmem>> -> memref<128x32xf32, #tpu.memory_space<vmem>>
        %dma_start3A_265 = arith.constant 0 : i32
        %dma_start3A_266 = tpu.memref_slice %arg6[%add3A_259, %dma_start3A_265] : memref<50x512xi32, #tpu.memory_space<vmem>> -> memref<1x128xi32, #tpu.memory_space<vmem>>
        %dma_start3A_267 = tpu.memref_squeeze %dma_start3A_266 : memref<1x128xi32, #tpu.memory_space<vmem>> -> memref<128xi32, #tpu.memory_space<vmem>>
        %dma_start3A_268 = arith.constant 0 : i32
        %dma_start3A_269 = arith.constant 0 : i32
        %dma_start3A_270 = tpu.memref_slice %arg3[%dma_start3A_268, %dma_start3A_269] : memref<4000000x32xf32, #tpu.memory_space<hbm>> -> memref<4000000x32xf32, #tpu.memory_space<hbm>>
        tpu.enqueue_indirect_dma source(%dma_start3A_270 : memref<4000000x32xf32, #tpu.memory_space<hbm>>) target(%dma_start3A_264 : memref<128x32xf32, #tpu.memory_space<vmem>>) offsets(%dma_start3A_267 : memref<128xi32, #tpu.memory_space<vmem>>) semaphore(%arg9 : memref<!tpu.dma_semaphore, #tpu.memory_space<semaphore_mem>>)
        %dma_start3A_271 = arith.constant 0 : i32
        %dma_start3A_272 = arith.constant 128 : i32
        %dma_start3A_273 = arith.constant 0 : i32
        %dma_start3A_274 = tpu.memref_slice %arg7[%dma_start3A_271, %dma_start3A_272, %dma_start3A_273] : memref<2x512x32xf32, #tpu.memory_space<vmem>> -> memref<1x128x32xf32, #tpu.memory_space<vmem>>
        %dma_start3A_275 = tpu.memref_squeeze %dma_start3A_274 : memref<1x128x32xf32, #tpu.memory_space<vmem>> -> memref<128x32xf32, #tpu.memory_space<vmem>>
        %dma_start3A_276 = arith.constant 128 : i32
        %dma_start3A_277 = tpu.memref_slice %arg6[%add3A_259, %dma_start3A_276] : memref<50x512xi32, #tpu.memory_space<vmem>> -> memref<1x128xi32, #tpu.memory_space<vmem>>
        %dma_start3A_278 = tpu.memref_squeeze %dma_start3A_277 : memref<1x128xi32, #tpu.memory_space<vmem>> -> memref<128xi32, #tpu.memory_space<vmem>>
        %dma_start3A_279 = arith.constant 0 : i32
        %dma_start3A_280 = arith.constant 0 : i32
        %dma_start3A_281 = tpu.memref_slice %arg3[%dma_start3A_279, %dma_start3A_280] : memref<4000000x32xf32, #tpu.memory_space<hbm>> -> memref<4000000x32xf32, #tpu.memory_space<hbm>>
        tpu.enqueue_indirect_dma source(%dma_start3A_281 : memref<4000000x32xf32, #tpu.memory_space<hbm>>) target(%dma_start3A_275 : memref<128x32xf32, #tpu.memory_space<vmem>>) offsets(%dma_start3A_278 : memref<128xi32, #tpu.memory_space<vmem>>) semaphore(%arg9 : memref<!tpu.dma_semaphore, #tpu.memory_space<semaphore_mem>>)
        %dma_start3A_282 = arith.constant 0 : i32
        %dma_start3A_283 = arith.constant 256 : i32
        %dma_start3A_284 = arith.constant 0 : i32
        %dma_start3A_285 = tpu.memref_slice %arg7[%dma_start3A_282, %dma_start3A_283, %dma_start3A_284] : memref<2x512x32xf32, #tpu.memory_space<vmem>> -> memref<1x128x32xf32, #tpu.memory_space<vmem>>
        %dma_start3A_286 = tpu.memref_squeeze %dma_start3A_285 : memref<1x128x32xf32, #tpu.memory_space<vmem>> -> memref<128x32xf32, #tpu.memory_space<vmem>>
        %dma_start3A_287 = arith.constant 256 : i32
        %dma_start3A_288 = tpu.memref_slice %arg6[%add3A_259, %dma_start3A_287] : memref<50x512xi32, #tpu.memory_space<vmem>> -> memref<1x128xi32, #tpu.memory_space<vmem>>
        %dma_start3A_289 = tpu.memref_squeeze %dma_start3A_288 : memref<1x128xi32, #tpu.memory_space<vmem>> -> memref<128xi32, #tpu.memory_space<vmem>>
        %dma_start3A_290 = arith.constant 0 : i32
        %dma_start3A_291 = arith.constant 0 : i32
        %dma_start3A_292 = tpu.memref_slice %arg3[%dma_start3A_290, %dma_start3A_291] : memref<4000000x32xf32, #tpu.memory_space<hbm>> -> memref<4000000x32xf32, #tpu.memory_space<hbm>>
        tpu.enqueue_indirect_dma source(%dma_start3A_292 : memref<4000000x32xf32, #tpu.memory_space<hbm>>) target(%dma_start3A_286 : memref<128x32xf32, #tpu.memory_space<vmem>>) offsets(%dma_start3A_289 : memref<128xi32, #tpu.memory_space<vmem>>) semaphore(%arg9 : memref<!tpu.dma_semaphore, #tpu.memory_space<semaphore_mem>>)
        %dma_start3A_293 = arith.constant 0 : i32
        %dma_start3A_294 = arith.constant 384 : i32
        %dma_start3A_295 = arith.constant 0 : i32
        %dma_start3A_296 = tpu.memref_slice %arg7[%dma_start3A_293, %dma_start3A_294, %dma_start3A_295] : memref<2x512x32xf32, #tpu.memory_space<vmem>> -> memref<1x128x32xf32, #tpu.memory_space<vmem>>
        %dma_start3A_297 = tpu.memref_squeeze %dma_start3A_296 : memref<1x128x32xf32, #tpu.memory_space<vmem>> -> memref<128x32xf32, #tpu.memory_space<vmem>>
        %dma_start3A_298 = arith.constant 384 : i32
        %dma_start3A_299 = tpu.memref_slice %arg6[%add3A_259, %dma_start3A_298] : memref<50x512xi32, #tpu.memory_space<vmem>> -> memref<1x128xi32, #tpu.memory_space<vmem>>
        %dma_start3A_300 = tpu.memref_squeeze %dma_start3A_299 : memref<1x128xi32, #tpu.memory_space<vmem>> -> memref<128xi32, #tpu.memory_space<vmem>>
        %dma_start3A_301 = arith.constant 0 : i32
        %dma_start3A_302 = arith.constant 0 : i32
        %dma_start3A_303 = tpu.memref_slice %arg3[%dma_start3A_301, %dma_start3A_302] : memref<4000000x32xf32, #tpu.memory_space<hbm>> -> memref<4000000x32xf32, #tpu.memory_space<hbm>>
        tpu.enqueue_indirect_dma source(%dma_start3A_303 : memref<4000000x32xf32, #tpu.memory_space<hbm>>) target(%dma_start3A_297 : memref<128x32xf32, #tpu.memory_space<vmem>>) offsets(%dma_start3A_300 : memref<128xi32, #tpu.memory_space<vmem>>) semaphore(%arg9 : memref<!tpu.dma_semaphore, #tpu.memory_space<semaphore_mem>>)
      } else {
      }
      %dma_wait3A_184 = arith.constant 1 : i32
      %dma_wait3A_185 = arith.constant 0 : i32
      %dma_wait3A_186 = arith.constant 0 : i32
      %dma_wait3A_187 = tpu.memref_slice %arg7[%dma_wait3A_184, %dma_wait3A_185, %dma_wait3A_186] : memref<2x512x32xf32, #tpu.memory_space<vmem>> -> memref<1x128x32xf32, #tpu.memory_space<vmem>>
      %dma_wait3A_188 = tpu.memref_squeeze %dma_wait3A_187 : memref<1x128x32xf32, #tpu.memory_space<vmem>> -> memref<128x32xf32, #tpu.memory_space<vmem>>
      %dma_wait3A_189 = arith.constant 0 : i32
      %dma_wait3A_190 = arith.constant 0 : i32
      %dma_wait3A_191 = tpu.memref_slice %arg3[%dma_wait3A_189, %dma_wait3A_190] : memref<4000000x32xf32, #tpu.memory_space<hbm>> -> memref<128x32xf32, #tpu.memory_space<hbm>>
      %dma_wait3A_192 = arith.constant 0 : i32
      %dma_wait3A_193 = arith.constant 0 : i32
      %dma_wait3A_194 = tpu.memref_slice %arg7[%dma_wait3A_184, %dma_wait3A_192, %dma_wait3A_193] : memref<2x512x32xf32, #tpu.memory_space<vmem>> -> memref<1x128x32xf32, #tpu.memory_space<vmem>>
      %dma_wait3A_195 = tpu.memref_squeeze %dma_wait3A_194 : memref<1x128x32xf32, #tpu.memory_space<vmem>> -> memref<128x32xf32, #tpu.memory_space<vmem>>
      %dma_wait3A_196 = arith.constant 0 : i32
      %dma_wait3A_197 = arith.constant 0 : i32
      %dma_wait3A_198 = tpu.memref_slice %arg3[%dma_wait3A_196, %dma_wait3A_197] : memref<4000000x32xf32, #tpu.memory_space<hbm>> -> memref<128x32xf32, #tpu.memory_space<hbm>>
      tpu.wait_dma2 semaphore(%arg10 : memref<!tpu.dma_semaphore, #tpu.memory_space<semaphore_mem>>) src(%dma_wait3A_198 : memref<128x32xf32, #tpu.memory_space<hbm>>) dst(%dma_wait3A_195 : memref<128x32xf32, #tpu.memory_space<vmem>>)
      %dma_wait3A_199 = arith.constant 1 : i32
      %dma_wait3A_200 = arith.constant 128 : i32
      %dma_wait3A_201 = arith.constant 0 : i32
      %dma_wait3A_202 = tpu.memref_slice %arg7[%dma_wait3A_199, %dma_wait3A_200, %dma_wait3A_201] : memref<2x512x32xf32, #tpu.memory_space<vmem>> -> memref<1x128x32xf32, #tpu.memory_space<vmem>>
      %dma_wait3A_203 = tpu.memref_squeeze %dma_wait3A_202 : memref<1x128x32xf32, #tpu.memory_space<vmem>> -> memref<128x32xf32, #tpu.memory_space<vmem>>
      %dma_wait3A_204 = arith.constant 0 : i32
      %dma_wait3A_205 = arith.constant 0 : i32
      %dma_wait3A_206 = tpu.memref_slice %arg3[%dma_wait3A_204, %dma_wait3A_205] : memref<4000000x32xf32, #tpu.memory_space<hbm>> -> memref<128x32xf32, #tpu.memory_space<hbm>>
      %dma_wait3A_207 = arith.constant 128 : i32
      %dma_wait3A_208 = arith.constant 0 : i32
      %dma_wait3A_209 = tpu.memref_slice %arg7[%dma_wait3A_199, %dma_wait3A_207, %dma_wait3A_208] : memref<2x512x32xf32, #tpu.memory_space<vmem>> -> memref<1x128x32xf32, #tpu.memory_space<vmem>>
      %dma_wait3A_210 = tpu.memref_squeeze %dma_wait3A_209 : memref<1x128x32xf32, #tpu.memory_space<vmem>> -> memref<128x32xf32, #tpu.memory_space<vmem>>
      %dma_wait3A_211 = arith.constant 0 : i32
      %dma_wait3A_212 = arith.constant 0 : i32
      %dma_wait3A_213 = tpu.memref_slice %arg3[%dma_wait3A_211, %dma_wait3A_212] : memref<4000000x32xf32, #tpu.memory_space<hbm>> -> memref<128x32xf32, #tpu.memory_space<hbm>>
      tpu.wait_dma2 semaphore(%arg10 : memref<!tpu.dma_semaphore, #tpu.memory_space<semaphore_mem>>) src(%dma_wait3A_213 : memref<128x32xf32, #tpu.memory_space<hbm>>) dst(%dma_wait3A_210 : memref<128x32xf32, #tpu.memory_space<vmem>>)
      %dma_wait3A_214 = arith.constant 1 : i32
      %dma_wait3A_215 = arith.constant 256 : i32
      %dma_wait3A_216 = arith.constant 0 : i32
      %dma_wait3A_217 = tpu.memref_slice %arg7[%dma_wait3A_214, %dma_wait3A_215, %dma_wait3A_216] : memref<2x512x32xf32, #tpu.memory_space<vmem>> -> memref<1x128x32xf32, #tpu.memory_space<vmem>>
      %dma_wait3A_218 = tpu.memref_squeeze %dma_wait3A_217 : memref<1x128x32xf32, #tpu.memory_space<vmem>> -> memref<128x32xf32, #tpu.memory_space<vmem>>
      %dma_wait3A_219 = arith.constant 0 : i32
      %dma_wait3A_220 = arith.constant 0 : i32
      %dma_wait3A_221 = tpu.memref_slice %arg3[%dma_wait3A_219, %dma_wait3A_220] : memref<4000000x32xf32, #tpu.memory_space<hbm>> -> memref<128x32xf32, #tpu.memory_space<hbm>>
      %dma_wait3A_222 = arith.constant 256 : i32
      %dma_wait3A_223 = arith.constant 0 : i32
      %dma_wait3A_224 = tpu.memref_slice %arg7[%dma_wait3A_214, %dma_wait3A_222, %dma_wait3A_223] : memref<2x512x32xf32, #tpu.memory_space<vmem>> -> memref<1x128x32xf32, #tpu.memory_space<vmem>>
      %dma_wait3A_225 = tpu.memref_squeeze %dma_wait3A_224 : memref<1x128x32xf32, #tpu.memory_space<vmem>> -> memref<128x32xf32, #tpu.memory_space<vmem>>
      %dma_wait3A_226 = arith.constant 0 : i32
      %dma_wait3A_227 = arith.constant 0 : i32
      %dma_wait3A_228 = tpu.memref_slice %arg3[%dma_wait3A_226, %dma_wait3A_227] : memref<4000000x32xf32, #tpu.memory_space<hbm>> -> memref<128x32xf32, #tpu.memory_space<hbm>>
      tpu.wait_dma2 semaphore(%arg10 : memref<!tpu.dma_semaphore, #tpu.memory_space<semaphore_mem>>) src(%dma_wait3A_228 : memref<128x32xf32, #tpu.memory_space<hbm>>) dst(%dma_wait3A_225 : memref<128x32xf32, #tpu.memory_space<vmem>>)
      %dma_wait3A_229 = arith.constant 1 : i32
      %dma_wait3A_230 = arith.constant 384 : i32
      %dma_wait3A_231 = arith.constant 0 : i32
      %dma_wait3A_232 = tpu.memref_slice %arg7[%dma_wait3A_229, %dma_wait3A_230, %dma_wait3A_231] : memref<2x512x32xf32, #tpu.memory_space<vmem>> -> memref<1x128x32xf32, #tpu.memory_space<vmem>>
      %dma_wait3A_233 = tpu.memref_squeeze %dma_wait3A_232 : memref<1x128x32xf32, #tpu.memory_space<vmem>> -> memref<128x32xf32, #tpu.memory_space<vmem>>
      %dma_wait3A_234 = arith.constant 0 : i32
      %dma_wait3A_235 = arith.constant 0 : i32
      %dma_wait3A_236 = tpu.memref_slice %arg3[%dma_wait3A_234, %dma_wait3A_235] : memref<4000000x32xf32, #tpu.memory_space<hbm>> -> memref<128x32xf32, #tpu.memory_space<hbm>>
      %dma_wait3A_237 = arith.constant 384 : i32
      %dma_wait3A_238 = arith.constant 0 : i32
      %dma_wait3A_239 = tpu.memref_slice %arg7[%dma_wait3A_229, %dma_wait3A_237, %dma_wait3A_238] : memref<2x512x32xf32, #tpu.memory_space<vmem>> -> memref<1x128x32xf32, #tpu.memory_space<vmem>>
      %dma_wait3A_240 = tpu.memref_squeeze %dma_wait3A_239 : memref<1x128x32xf32, #tpu.memory_space<vmem>> -> memref<128x32xf32, #tpu.memory_space<vmem>>
      %dma_wait3A_241 = arith.constant 0 : i32
      %dma_wait3A_242 = arith.constant 0 : i32
      %dma_wait3A_243 = tpu.memref_slice %arg3[%dma_wait3A_241, %dma_wait3A_242] : memref<4000000x32xf32, #tpu.memory_space<hbm>> -> memref<128x32xf32, #tpu.memory_space<hbm>>
      tpu.wait_dma2 semaphore(%arg10 : memref<!tpu.dma_semaphore, #tpu.memory_space<semaphore_mem>>) src(%dma_wait3A_243 : memref<128x32xf32, #tpu.memory_space<hbm>>) dst(%dma_wait3A_240 : memref<128x32xf32, #tpu.memory_space<vmem>>)
      %scan3A_244 = arith.constant 0 : i32
      %scan3A_245 = arith.constant 0 : i32
      %scan3A_246 = arith.constant 32 : i32
      %scan3A_247 = arith.addi %scan3A_245, %scan3A_246 : i32
      %scan3A_248 = arith.constant 1 : i32
      scf.for %scan3A_258 = %scan3A_245 to %scan3A_247 step %scan3A_248  : i32 {
        %add3A_259 = vector.broadcast %scan3A_258 : i32 to vector<16xi32>
        %add3A_260 = arith.addi %add3A_259, %iota3A : vector<16xi32>
        %and3A = arith.constant 31 : i32
        %and3A_261 = vector.broadcast %and3A : i32 to vector<16xi32>
        %and3A_262 = arith.andi %add3A_260, %and3A_261 : vector<16xi32>
        %shift_right_arithmetic3A = arith.constant 3 : i32
        %shift_right_arithmetic3A_263 = vector.broadcast %shift_right_arithmetic3A : i32 to vector<16xi32>
        %shift_right_arithmetic3A_264 = arith.shrsi %and3A_262, %shift_right_arithmetic3A_263 : vector<16xi32>
        %and3A_265 = arith.constant 7 : i32
        %and3A_266 = vector.broadcast %and3A_265 : i32 to vector<16xi32>
        %and3A_267 = arith.andi %and3A_262, %and3A_266 : vector<16xi32>
        %broadcast_in_dim3A = arith.constant 0 : i32
        %broadcast_in_dim3A_268 = vector.broadcast %broadcast_in_dim3A : i32 to vector<16xi32>
        %add3A_269 = arith.constant 0 : i32
        %add3A_270 = vector.broadcast %add3A_269 : i32 to vector<16xi32>
        %add3A_271 = arith.addi %iota3A, %add3A_270 : vector<16xi32>
        %gather3A = arith.constant 1 : i32
        %gather3A_272 = arith.constant 0 : i32
        %gather3A_273 = arith.constant 0 : i32
        %gather3A_274 = tpu.memref_slice %arg7[%gather3A, %gather3A_272, %gather3A_273] : memref<2x512x32xf32, #tpu.memory_space<vmem>> -> memref<1x512x32xf32, #tpu.memory_space<vmem>>
        %gather3A_275 = tpu.memref_squeeze %gather3A_274 : memref<1x512x32xf32, #tpu.memory_space<vmem>> -> memref<512x32xf32, #tpu.memory_space<vmem>>
        %gather3A_276 = tpu.vector_load_idx %gather3A_275[%add3A_271, %and3A_262] : memref<512x32xf32, #tpu.memory_space<vmem>>[vector<16xi32>, vector<16xi32>], vector<16xf32>,
        %add3A_277 = arith.constant 0 : i32
        %add3A_278 = vector.broadcast %add3A_277 : i32 to vector<16xi32>
        %add3A_279 = arith.addi %iota3A, %add3A_278 : vector<16xi32>
        tpu.vector_store_idx %arg8[%shift_right_arithmetic3A_264, %broadcast_in_dim3A_268, %and3A_267, %add3A_279], %gather3A_276 : memref<4x4x8x128xf32, #tpu.memory_space<vmem>>[vector<16xi32>, vector<16xi32>, vector<16xi32>, vector<16xi32>], vector<16xf32>,
        %add3A_280 = arith.constant 16 : i32
        %add3A_281 = vector.broadcast %add3A_280 : i32 to vector<16xi32>
        %add3A_282 = arith.addi %iota3A, %add3A_281 : vector<16xi32>
        %gather3A_283 = arith.constant 1 : i32
        %gather3A_284 = arith.constant 0 : i32
        %gather3A_285 = arith.constant 0 : i32
        %gather3A_286 = tpu.memref_slice %arg7[%gather3A_283, %gather3A_284, %gather3A_285] : memref<2x512x32xf32, #tpu.memory_space<vmem>> -> memref<1x512x32xf32, #tpu.memory_space<vmem>>
        %gather3A_287 = tpu.memref_squeeze %gather3A_286 : memref<1x512x32xf32, #tpu.memory_space<vmem>> -> memref<512x32xf32, #tpu.memory_space<vmem>>
        %gather3A_288 = tpu.vector_load_idx %gather3A_287[%add3A_282, %and3A_262] : memref<512x32xf32, #tpu.memory_space<vmem>>[vector<16xi32>, vector<16xi32>], vector<16xf32>,
        %add3A_289 = arith.constant 16 : i32
        %add3A_290 = vector.broadcast %add3A_289 : i32 to vector<16xi32>
        %add3A_291 = arith.addi %iota3A, %add3A_290 : vector<16xi32>
        tpu.vector_store_idx %arg8[%shift_right_arithmetic3A_264, %broadcast_in_dim3A_268, %and3A_267, %add3A_291], %gather3A_288 : memref<4x4x8x128xf32, #tpu.memory_space<vmem>>[vector<16xi32>, vector<16xi32>, vector<16xi32>, vector<16xi32>], vector<16xf32>,
        %add3A_292 = arith.constant 32 : i32
        %add3A_293 = vector.broadcast %add3A_292 : i32 to vector<16xi32>
        %add3A_294 = arith.addi %iota3A, %add3A_293 : vector<16xi32>
        %gather3A_295 = arith.constant 1 : i32
        %gather3A_296 = arith.constant 0 : i32
        %gather3A_297 = arith.constant 0 : i32
        %gather3A_298 = tpu.memref_slice %arg7[%gather3A_295, %gather3A_296, %gather3A_297] : memref<2x512x32xf32, #tpu.memory_space<vmem>> -> memref<1x512x32xf32, #tpu.memory_space<vmem>>
        %gather3A_299 = tpu.memref_squeeze %gather3A_298 : memref<1x512x32xf32, #tpu.memory_space<vmem>> -> memref<512x32xf32, #tpu.memory_space<vmem>>
        %gather3A_300 = tpu.vector_load_idx %gather3A_299[%add3A_294, %and3A_262] : memref<512x32xf32, #tpu.memory_space<vmem>>[vector<16xi32>, vector<16xi32>], vector<16xf32>,
        %add3A_301 = arith.constant 32 : i32
        %add3A_302 = vector.broadcast %add3A_301 : i32 to vector<16xi32>
        %add3A_303 = arith.addi %iota3A, %add3A_302 : vector<16xi32>
        tpu.vector_store_idx %arg8[%shift_right_arithmetic3A_264, %broadcast_in_dim3A_268, %and3A_267, %add3A_303], %gather3A_300 : memref<4x4x8x128xf32, #tpu.memory_space<vmem>>[vector<16xi32>, vector<16xi32>, vector<16xi32>, vector<16xi32>], vector<16xf32>,
        %add3A_304 = arith.constant 48 : i32
        %add3A_305 = vector.broadcast %add3A_304 : i32 to vector<16xi32>
        %add3A_306 = arith.addi %iota3A, %add3A_305 : vector<16xi32>
        %gather3A_307 = arith.constant 1 : i32
        %gather3A_308 = arith.constant 0 : i32
        %gather3A_309 = arith.constant 0 : i32
        %gather3A_310 = tpu.memref_slice %arg7[%gather3A_307, %gather3A_308, %gather3A_309] : memref<2x512x32xf32, #tpu.memory_space<vmem>> -> memref<1x512x32xf32, #tpu.memory_space<vmem>>
        %gather3A_311 = tpu.memref_squeeze %gather3A_310 : memref<1x512x32xf32, #tpu.memory_space<vmem>> -> memref<512x32xf32, #tpu.memory_space<vmem>>
        %gather3A_312 = tpu.vector_load_idx %gather3A_311[%add3A_306, %and3A_262] : memref<512x32xf32, #tpu.memory_space<vmem>>[vector<16xi32>, vector<16xi32>], vector<16xf32>,
        %add3A_313 = arith.constant 48 : i32
        %add3A_314 = vector.broadcast %add3A_313 : i32 to vector<16xi32>
        %add3A_315 = arith.addi %iota3A, %add3A_314 : vector<16xi32>
        tpu.vector_store_idx %arg8[%shift_right_arithmetic3A_264, %broadcast_in_dim3A_268, %and3A_267, %add3A_315], %gather3A_312 : memref<4x4x8x128xf32, #tpu.memory_space<vmem>>[vector<16xi32>, vector<16xi32>, vector<16xi32>, vector<16xi32>], vector<16xf32>,
        %add3A_316 = arith.constant 64 : i32
        %add3A_317 = vector.broadcast %add3A_316 : i32 to vector<16xi32>
        %add3A_318 = arith.addi %iota3A, %add3A_317 : vector<16xi32>
        %gather3A_319 = arith.constant 1 : i32
        %gather3A_320 = arith.constant 0 : i32
        %gather3A_321 = arith.constant 0 : i32
        %gather3A_322 = tpu.memref_slice %arg7[%gather3A_319, %gather3A_320, %gather3A_321] : memref<2x512x32xf32, #tpu.memory_space<vmem>> -> memref<1x512x32xf32, #tpu.memory_space<vmem>>
        %gather3A_323 = tpu.memref_squeeze %gather3A_322 : memref<1x512x32xf32, #tpu.memory_space<vmem>> -> memref<512x32xf32, #tpu.memory_space<vmem>>
        %gather3A_324 = tpu.vector_load_idx %gather3A_323[%add3A_318, %and3A_262] : memref<512x32xf32, #tpu.memory_space<vmem>>[vector<16xi32>, vector<16xi32>], vector<16xf32>,
        %add3A_325 = arith.constant 64 : i32
        %add3A_326 = vector.broadcast %add3A_325 : i32 to vector<16xi32>
        %add3A_327 = arith.addi %iota3A, %add3A_326 : vector<16xi32>
        tpu.vector_store_idx %arg8[%shift_right_arithmetic3A_264, %broadcast_in_dim3A_268, %and3A_267, %add3A_327], %gather3A_324 : memref<4x4x8x128xf32, #tpu.memory_space<vmem>>[vector<16xi32>, vector<16xi32>, vector<16xi32>, vector<16xi32>], vector<16xf32>,
        %add3A_328 = arith.constant 80 : i32
        %add3A_329 = vector.broadcast %add3A_328 : i32 to vector<16xi32>
        %add3A_330 = arith.addi %iota3A, %add3A_329 : vector<16xi32>
        %gather3A_331 = arith.constant 1 : i32
        %gather3A_332 = arith.constant 0 : i32
        %gather3A_333 = arith.constant 0 : i32
        %gather3A_334 = tpu.memref_slice %arg7[%gather3A_331, %gather3A_332, %gather3A_333] : memref<2x512x32xf32, #tpu.memory_space<vmem>> -> memref<1x512x32xf32, #tpu.memory_space<vmem>>
        %gather3A_335 = tpu.memref_squeeze %gather3A_334 : memref<1x512x32xf32, #tpu.memory_space<vmem>> -> memref<512x32xf32, #tpu.memory_space<vmem>>
        %gather3A_336 = tpu.vector_load_idx %gather3A_335[%add3A_330, %and3A_262] : memref<512x32xf32, #tpu.memory_space<vmem>>[vector<16xi32>, vector<16xi32>], vector<16xf32>,
        %add3A_337 = arith.constant 80 : i32
        %add3A_338 = vector.broadcast %add3A_337 : i32 to vector<16xi32>
        %add3A_339 = arith.addi %iota3A, %add3A_338 : vector<16xi32>
        tpu.vector_store_idx %arg8[%shift_right_arithmetic3A_264, %broadcast_in_dim3A_268, %and3A_267, %add3A_339], %gather3A_336 : memref<4x4x8x128xf32, #tpu.memory_space<vmem>>[vector<16xi32>, vector<16xi32>, vector<16xi32>, vector<16xi32>], vector<16xf32>,
        %add3A_340 = arith.constant 96 : i32
        %add3A_341 = vector.broadcast %add3A_340 : i32 to vector<16xi32>
        %add3A_342 = arith.addi %iota3A, %add3A_341 : vector<16xi32>
        %gather3A_343 = arith.constant 1 : i32
        %gather3A_344 = arith.constant 0 : i32
        %gather3A_345 = arith.constant 0 : i32
        %gather3A_346 = tpu.memref_slice %arg7[%gather3A_343, %gather3A_344, %gather3A_345] : memref<2x512x32xf32, #tpu.memory_space<vmem>> -> memref<1x512x32xf32, #tpu.memory_space<vmem>>
        %gather3A_347 = tpu.memref_squeeze %gather3A_346 : memref<1x512x32xf32, #tpu.memory_space<vmem>> -> memref<512x32xf32, #tpu.memory_space<vmem>>
        %gather3A_348 = tpu.vector_load_idx %gather3A_347[%add3A_342, %and3A_262] : memref<512x32xf32, #tpu.memory_space<vmem>>[vector<16xi32>, vector<16xi32>], vector<16xf32>,
        %add3A_349 = arith.constant 96 : i32
        %add3A_350 = vector.broadcast %add3A_349 : i32 to vector<16xi32>
        %add3A_351 = arith.addi %iota3A, %add3A_350 : vector<16xi32>
        tpu.vector_store_idx %arg8[%shift_right_arithmetic3A_264, %broadcast_in_dim3A_268, %and3A_267, %add3A_351], %gather3A_348 : memref<4x4x8x128xf32, #tpu.memory_space<vmem>>[vector<16xi32>, vector<16xi32>, vector<16xi32>, vector<16xi32>], vector<16xf32>,
        %add3A_352 = arith.constant 112 : i32
        %add3A_353 = vector.broadcast %add3A_352 : i32 to vector<16xi32>
        %add3A_354 = arith.addi %iota3A, %add3A_353 : vector<16xi32>
        %gather3A_355 = arith.constant 1 : i32
        %gather3A_356 = arith.constant 0 : i32
        %gather3A_357 = arith.constant 0 : i32
        %gather3A_358 = tpu.memref_slice %arg7[%gather3A_355, %gather3A_356, %gather3A_357] : memref<2x512x32xf32, #tpu.memory_space<vmem>> -> memref<1x512x32xf32, #tpu.memory_space<vmem>>
        %gather3A_359 = tpu.memref_squeeze %gather3A_358 : memref<1x512x32xf32, #tpu.memory_space<vmem>> -> memref<512x32xf32, #tpu.memory_space<vmem>>
        %gather3A_360 = tpu.vector_load_idx %gather3A_359[%add3A_354, %and3A_262] : memref<512x32xf32, #tpu.memory_space<vmem>>[vector<16xi32>, vector<16xi32>], vector<16xf32>,
        %add3A_361 = arith.constant 112 : i32
        %add3A_362 = vector.broadcast %add3A_361 : i32 to vector<16xi32>
        %add3A_363 = arith.addi %iota3A, %add3A_362 : vector<16xi32>
        tpu.vector_store_idx %arg8[%shift_right_arithmetic3A_264, %broadcast_in_dim3A_268, %and3A_267, %add3A_363], %gather3A_360 : memref<4x4x8x128xf32, #tpu.memory_space<vmem>>[vector<16xi32>, vector<16xi32>, vector<16xi32>, vector<16xi32>], vector<16xf32>,
        %broadcast_in_dim3A_364 = arith.constant 1 : i32
        %broadcast_in_dim3A_365 = vector.broadcast %broadcast_in_dim3A_364 : i32 to vector<16xi32>
        %add3A_366 = arith.constant 128 : i32
        %add3A_367 = vector.broadcast %add3A_366 : i32 to vector<16xi32>
        %add3A_368 = arith.addi %iota3A, %add3A_367 : vector<16xi32>
        %gather3A_369 = arith.constant 1 : i32
        %gather3A_370 = arith.constant 0 : i32
        %gather3A_371 = arith.constant 0 : i32
        %gather3A_372 = tpu.memref_slice %arg7[%gather3A_369, %gather3A_370, %gather3A_371] : memref<2x512x32xf32, #tpu.memory_space<vmem>> -> memref<1x512x32xf32, #tpu.memory_space<vmem>>
        %gather3A_373 = tpu.memref_squeeze %gather3A_372 : memref<1x512x32xf32, #tpu.memory_space<vmem>> -> memref<512x32xf32, #tpu.memory_space<vmem>>
        %gather3A_374 = tpu.vector_load_idx %gather3A_373[%add3A_368, %and3A_262] : memref<512x32xf32, #tpu.memory_space<vmem>>[vector<16xi32>, vector<16xi32>], vector<16xf32>,
        %add3A_375 = arith.constant 0 : i32
        %add3A_376 = vector.broadcast %add3A_375 : i32 to vector<16xi32>
        %add3A_377 = arith.addi %iota3A, %add3A_376 : vector<16xi32>
        tpu.vector_store_idx %arg8[%shift_right_arithmetic3A_264, %broadcast_in_dim3A_365, %and3A_267, %add3A_377], %gather3A_374 : memref<4x4x8x128xf32, #tpu.memory_space<vmem>>[vector<16xi32>, vector<16xi32>, vector<16xi32>, vector<16xi32>], vector<16xf32>,
        %add3A_378 = arith.constant 144 : i32
        %add3A_379 = vector.broadcast %add3A_378 : i32 to vector<16xi32>
        %add3A_380 = arith.addi %iota3A, %add3A_379 : vector<16xi32>
        %gather3A_381 = arith.constant 1 : i32
        %gather3A_382 = arith.constant 0 : i32
        %gather3A_383 = arith.constant 0 : i32
        %gather3A_384 = tpu.memref_slice %arg7[%gather3A_381, %gather3A_382, %gather3A_383] : memref<2x512x32xf32, #tpu.memory_space<vmem>> -> memref<1x512x32xf32, #tpu.memory_space<vmem>>
        %gather3A_385 = tpu.memref_squeeze %gather3A_384 : memref<1x512x32xf32, #tpu.memory_space<vmem>> -> memref<512x32xf32, #tpu.memory_space<vmem>>
        %gather3A_386 = tpu.vector_load_idx %gather3A_385[%add3A_380, %and3A_262] : memref<512x32xf32, #tpu.memory_space<vmem>>[vector<16xi32>, vector<16xi32>], vector<16xf32>,
        %add3A_387 = arith.constant 16 : i32
        %add3A_388 = vector.broadcast %add3A_387 : i32 to vector<16xi32>
        %add3A_389 = arith.addi %iota3A, %add3A_388 : vector<16xi32>
        tpu.vector_store_idx %arg8[%shift_right_arithmetic3A_264, %broadcast_in_dim3A_365, %and3A_267, %add3A_389], %gather3A_386 : memref<4x4x8x128xf32, #tpu.memory_space<vmem>>[vector<16xi32>, vector<16xi32>, vector<16xi32>, vector<16xi32>], vector<16xf32>,
        %add3A_390 = arith.constant 160 : i32
        %add3A_391 = vector.broadcast %add3A_390 : i32 to vector<16xi32>
        %add3A_392 = arith.addi %iota3A, %add3A_391 : vector<16xi32>
        %gather3A_393 = arith.constant 1 : i32
        %gather3A_394 = arith.constant 0 : i32
        %gather3A_395 = arith.constant 0 : i32
        %gather3A_396 = tpu.memref_slice %arg7[%gather3A_393, %gather3A_394, %gather3A_395] : memref<2x512x32xf32, #tpu.memory_space<vmem>> -> memref<1x512x32xf32, #tpu.memory_space<vmem>>
        %gather3A_397 = tpu.memref_squeeze %gather3A_396 : memref<1x512x32xf32, #tpu.memory_space<vmem>> -> memref<512x32xf32, #tpu.memory_space<vmem>>
        %gather3A_398 = tpu.vector_load_idx %gather3A_397[%add3A_392, %and3A_262] : memref<512x32xf32, #tpu.memory_space<vmem>>[vector<16xi32>, vector<16xi32>], vector<16xf32>,
        %add3A_399 = arith.constant 32 : i32
        %add3A_400 = vector.broadcast %add3A_399 : i32 to vector<16xi32>
        %add3A_401 = arith.addi %iota3A, %add3A_400 : vector<16xi32>
        tpu.vector_store_idx %arg8[%shift_right_arithmetic3A_264, %broadcast_in_dim3A_365, %and3A_267, %add3A_401], %gather3A_398 : memref<4x4x8x128xf32, #tpu.memory_space<vmem>>[vector<16xi32>, vector<16xi32>, vector<16xi32>, vector<16xi32>], vector<16xf32>,
        %add3A_402 = arith.constant 176 : i32
        %add3A_403 = vector.broadcast %add3A_402 : i32 to vector<16xi32>
        %add3A_404 = arith.addi %iota3A, %add3A_403 : vector<16xi32>
        %gather3A_405 = arith.constant 1 : i32
        %gather3A_406 = arith.constant 0 : i32
        %gather3A_407 = arith.constant 0 : i32
        %gather3A_408 = tpu.memref_slice %arg7[%gather3A_405, %gather3A_406, %gather3A_407] : memref<2x512x32xf32, #tpu.memory_space<vmem>> -> memref<1x512x32xf32, #tpu.memory_space<vmem>>
        %gather3A_409 = tpu.memref_squeeze %gather3A_408 : memref<1x512x32xf32, #tpu.memory_space<vmem>> -> memref<512x32xf32, #tpu.memory_space<vmem>>
        %gather3A_410 = tpu.vector_load_idx %gather3A_409[%add3A_404, %and3A_262] : memref<512x32xf32, #tpu.memory_space<vmem>>[vector<16xi32>, vector<16xi32>], vector<16xf32>,
        %add3A_411 = arith.constant 48 : i32
        %add3A_412 = vector.broadcast %add3A_411 : i32 to vector<16xi32>
        %add3A_413 = arith.addi %iota3A, %add3A_412 : vector<16xi32>
        tpu.vector_store_idx %arg8[%shift_right_arithmetic3A_264, %broadcast_in_dim3A_365, %and3A_267, %add3A_413], %gather3A_410 : memref<4x4x8x128xf32, #tpu.memory_space<vmem>>[vector<16xi32>, vector<16xi32>, vector<16xi32>, vector<16xi32>], vector<16xf32>,
        %add3A_414 = arith.constant 192 : i32
        %add3A_415 = vector.broadcast %add3A_414 : i32 to vector<16xi32>
        %add3A_416 = arith.addi %iota3A, %add3A_415 : vector<16xi32>
        %gather3A_417 = arith.constant 1 : i32
        %gather3A_418 = arith.constant 0 : i32
        %gather3A_419 = arith.constant 0 : i32
        %gather3A_420 = tpu.memref_slice %arg7[%gather3A_417, %gather3A_418, %gather3A_419] : memref<2x512x32xf32, #tpu.memory_space<vmem>> -> memref<1x512x32xf32, #tpu.memory_space<vmem>>
        %gather3A_421 = tpu.memref_squeeze %gather3A_420 : memref<1x512x32xf32, #tpu.memory_space<vmem>> -> memref<512x32xf32, #tpu.memory_space<vmem>>
        %gather3A_422 = tpu.vector_load_idx %gather3A_421[%add3A_416, %and3A_262] : memref<512x32xf32, #tpu.memory_space<vmem>>[vector<16xi32>, vector<16xi32>], vector<16xf32>,
        %add3A_423 = arith.constant 64 : i32
        %add3A_424 = vector.broadcast %add3A_423 : i32 to vector<16xi32>
        %add3A_425 = arith.addi %iota3A, %add3A_424 : vector<16xi32>
        tpu.vector_store_idx %arg8[%shift_right_arithmetic3A_264, %broadcast_in_dim3A_365, %and3A_267, %add3A_425], %gather3A_422 : memref<4x4x8x128xf32, #tpu.memory_space<vmem>>[vector<16xi32>, vector<16xi32>, vector<16xi32>, vector<16xi32>], vector<16xf32>,
        %add3A_426 = arith.constant 208 : i32
        %add3A_427 = vector.broadcast %add3A_426 : i32 to vector<16xi32>
        %add3A_428 = arith.addi %iota3A, %add3A_427 : vector<16xi32>
        %gather3A_429 = arith.constant 1 : i32
        %gather3A_430 = arith.constant 0 : i32
        %gather3A_431 = arith.constant 0 : i32
        %gather3A_432 = tpu.memref_slice %arg7[%gather3A_429, %gather3A_430, %gather3A_431] : memref<2x512x32xf32, #tpu.memory_space<vmem>> -> memref<1x512x32xf32, #tpu.memory_space<vmem>>
        %gather3A_433 = tpu.memref_squeeze %gather3A_432 : memref<1x512x32xf32, #tpu.memory_space<vmem>> -> memref<512x32xf32, #tpu.memory_space<vmem>>
        %gather3A_434 = tpu.vector_load_idx %gather3A_433[%add3A_428, %and3A_262] : memref<512x32xf32, #tpu.memory_space<vmem>>[vector<16xi32>, vector<16xi32>], vector<16xf32>,
        %add3A_435 = arith.constant 80 : i32
        %add3A_436 = vector.broadcast %add3A_435 : i32 to vector<16xi32>
        %add3A_437 = arith.addi %iota3A, %add3A_436 : vector<16xi32>
        tpu.vector_store_idx %arg8[%shift_right_arithmetic3A_264, %broadcast_in_dim3A_365, %and3A_267, %add3A_437], %gather3A_434 : memref<4x4x8x128xf32, #tpu.memory_space<vmem>>[vector<16xi32>, vector<16xi32>, vector<16xi32>, vector<16xi32>], vector<16xf32>,
        %add3A_438 = arith.constant 224 : i32
        %add3A_439 = vector.broadcast %add3A_438 : i32 to vector<16xi32>
        %add3A_440 = arith.addi %iota3A, %add3A_439 : vector<16xi32>
        %gather3A_441 = arith.constant 1 : i32
        %gather3A_442 = arith.constant 0 : i32
        %gather3A_443 = arith.constant 0 : i32
        %gather3A_444 = tpu.memref_slice %arg7[%gather3A_441, %gather3A_442, %gather3A_443] : memref<2x512x32xf32, #tpu.memory_space<vmem>> -> memref<1x512x32xf32, #tpu.memory_space<vmem>>
        %gather3A_445 = tpu.memref_squeeze %gather3A_444 : memref<1x512x32xf32, #tpu.memory_space<vmem>> -> memref<512x32xf32, #tpu.memory_space<vmem>>
        %gather3A_446 = tpu.vector_load_idx %gather3A_445[%add3A_440, %and3A_262] : memref<512x32xf32, #tpu.memory_space<vmem>>[vector<16xi32>, vector<16xi32>], vector<16xf32>,
        %add3A_447 = arith.constant 96 : i32
        %add3A_448 = vector.broadcast %add3A_447 : i32 to vector<16xi32>
        %add3A_449 = arith.addi %iota3A, %add3A_448 : vector<16xi32>
        tpu.vector_store_idx %arg8[%shift_right_arithmetic3A_264, %broadcast_in_dim3A_365, %and3A_267, %add3A_449], %gather3A_446 : memref<4x4x8x128xf32, #tpu.memory_space<vmem>>[vector<16xi32>, vector<16xi32>, vector<16xi32>, vector<16xi32>], vector<16xf32>,
        %add3A_450 = arith.constant 240 : i32
        %add3A_451 = vector.broadcast %add3A_450 : i32 to vector<16xi32>
        %add3A_452 = arith.addi %iota3A, %add3A_451 : vector<16xi32>
        %gather3A_453 = arith.constant 1 : i32
        %gather3A_454 = arith.constant 0 : i32
        %gather3A_455 = arith.constant 0 : i32
        %gather3A_456 = tpu.memref_slice %arg7[%gather3A_453, %gather3A_454, %gather3A_455] : memref<2x512x32xf32, #tpu.memory_space<vmem>> -> memref<1x512x32xf32, #tpu.memory_space<vmem>>
        %gather3A_457 = tpu.memref_squeeze %gather3A_456 : memref<1x512x32xf32, #tpu.memory_space<vmem>> -> memref<512x32xf32, #tpu.memory_space<vmem>>
        %gather3A_458 = tpu.vector_load_idx %gather3A_457[%add3A_452, %and3A_262] : memref<512x32xf32, #tpu.memory_space<vmem>>[vector<16xi32>, vector<16xi32>], vector<16xf32>,
        %add3A_459 = arith.constant 112 : i32
        %add3A_460 = vector.broadcast %add3A_459 : i32 to vector<16xi32>
        %add3A_461 = arith.addi %iota3A, %add3A_460 : vector<16xi32>
        tpu.vector_store_idx %arg8[%shift_right_arithmetic3A_264, %broadcast_in_dim3A_365, %and3A_267, %add3A_461], %gather3A_458 : memref<4x4x8x128xf32, #tpu.memory_space<vmem>>[vector<16xi32>, vector<16xi32>, vector<16xi32>, vector<16xi32>], vector<16xf32>,
        %broadcast_in_dim3A_462 = arith.constant 2 : i32
        %broadcast_in_dim3A_463 = vector.broadcast %broadcast_in_dim3A_462 : i32 to vector<16xi32>
        %add3A_464 = arith.constant 256 : i32
        %add3A_465 = vector.broadcast %add3A_464 : i32 to vector<16xi32>
        %add3A_466 = arith.addi %iota3A, %add3A_465 : vector<16xi32>
        %gather3A_467 = arith.constant 1 : i32
        %gather3A_468 = arith.constant 0 : i32
        %gather3A_469 = arith.constant 0 : i32
        %gather3A_470 = tpu.memref_slice %arg7[%gather3A_467, %gather3A_468, %gather3A_469] : memref<2x512x32xf32, #tpu.memory_space<vmem>> -> memref<1x512x32xf32, #tpu.memory_space<vmem>>
        %gather3A_471 = tpu.memref_squeeze %gather3A_470 : memref<1x512x32xf32, #tpu.memory_space<vmem>> -> memref<512x32xf32, #tpu.memory_space<vmem>>
        %gather3A_472 = tpu.vector_load_idx %gather3A_471[%add3A_466, %and3A_262] : memref<512x32xf32, #tpu.memory_space<vmem>>[vector<16xi32>, vector<16xi32>], vector<16xf32>,
        %add3A_473 = arith.constant 0 : i32
        %add3A_474 = vector.broadcast %add3A_473 : i32 to vector<16xi32>
        %add3A_475 = arith.addi %iota3A, %add3A_474 : vector<16xi32>
        tpu.vector_store_idx %arg8[%shift_right_arithmetic3A_264, %broadcast_in_dim3A_463, %and3A_267, %add3A_475], %gather3A_472 : memref<4x4x8x128xf32, #tpu.memory_space<vmem>>[vector<16xi32>, vector<16xi32>, vector<16xi32>, vector<16xi32>], vector<16xf32>,
        %add3A_476 = arith.constant 272 : i32
        %add3A_477 = vector.broadcast %add3A_476 : i32 to vector<16xi32>
        %add3A_478 = arith.addi %iota3A, %add3A_477 : vector<16xi32>
        %gather3A_479 = arith.constant 1 : i32
        %gather3A_480 = arith.constant 0 : i32
        %gather3A_481 = arith.constant 0 : i32
        %gather3A_482 = tpu.memref_slice %arg7[%gather3A_479, %gather3A_480, %gather3A_481] : memref<2x512x32xf32, #tpu.memory_space<vmem>> -> memref<1x512x32xf32, #tpu.memory_space<vmem>>
        %gather3A_483 = tpu.memref_squeeze %gather3A_482 : memref<1x512x32xf32, #tpu.memory_space<vmem>> -> memref<512x32xf32, #tpu.memory_space<vmem>>
        %gather3A_484 = tpu.vector_load_idx %gather3A_483[%add3A_478, %and3A_262] : memref<512x32xf32, #tpu.memory_space<vmem>>[vector<16xi32>, vector<16xi32>], vector<16xf32>,
        %add3A_485 = arith.constant 16 : i32
        %add3A_486 = vector.broadcast %add3A_485 : i32 to vector<16xi32>
        %add3A_487 = arith.addi %iota3A, %add3A_486 : vector<16xi32>
        tpu.vector_store_idx %arg8[%shift_right_arithmetic3A_264, %broadcast_in_dim3A_463, %and3A_267, %add3A_487], %gather3A_484 : memref<4x4x8x128xf32, #tpu.memory_space<vmem>>[vector<16xi32>, vector<16xi32>, vector<16xi32>, vector<16xi32>], vector<16xf32>,
        %add3A_488 = arith.constant 288 : i32
        %add3A_489 = vector.broadcast %add3A_488 : i32 to vector<16xi32>
        %add3A_490 = arith.addi %iota3A, %add3A_489 : vector<16xi32>
        %gather3A_491 = arith.constant 1 : i32
        %gather3A_492 = arith.constant 0 : i32
        %gather3A_493 = arith.constant 0 : i32
        %gather3A_494 = tpu.memref_slice %arg7[%gather3A_491, %gather3A_492, %gather3A_493] : memref<2x512x32xf32, #tpu.memory_space<vmem>> -> memref<1x512x32xf32, #tpu.memory_space<vmem>>
        %gather3A_495 = tpu.memref_squeeze %gather3A_494 : memref<1x512x32xf32, #tpu.memory_space<vmem>> -> memref<512x32xf32, #tpu.memory_space<vmem>>
        %gather3A_496 = tpu.vector_load_idx %gather3A_495[%add3A_490, %and3A_262] : memref<512x32xf32, #tpu.memory_space<vmem>>[vector<16xi32>, vector<16xi32>], vector<16xf32>,
        %add3A_497 = arith.constant 32 : i32
        %add3A_498 = vector.broadcast %add3A_497 : i32 to vector<16xi32>
        %add3A_499 = arith.addi %iota3A, %add3A_498 : vector<16xi32>
        tpu.vector_store_idx %arg8[%shift_right_arithmetic3A_264, %broadcast_in_dim3A_463, %and3A_267, %add3A_499], %gather3A_496 : memref<4x4x8x128xf32, #tpu.memory_space<vmem>>[vector<16xi32>, vector<16xi32>, vector<16xi32>, vector<16xi32>], vector<16xf32>,
        %add3A_500 = arith.constant 304 : i32
        %add3A_501 = vector.broadcast %add3A_500 : i32 to vector<16xi32>
        %add3A_502 = arith.addi %iota3A, %add3A_501 : vector<16xi32>
        %gather3A_503 = arith.constant 1 : i32
        %gather3A_504 = arith.constant 0 : i32
        %gather3A_505 = arith.constant 0 : i32
        %gather3A_506 = tpu.memref_slice %arg7[%gather3A_503, %gather3A_504, %gather3A_505] : memref<2x512x32xf32, #tpu.memory_space<vmem>> -> memref<1x512x32xf32, #tpu.memory_space<vmem>>
        %gather3A_507 = tpu.memref_squeeze %gather3A_506 : memref<1x512x32xf32, #tpu.memory_space<vmem>> -> memref<512x32xf32, #tpu.memory_space<vmem>>
        %gather3A_508 = tpu.vector_load_idx %gather3A_507[%add3A_502, %and3A_262] : memref<512x32xf32, #tpu.memory_space<vmem>>[vector<16xi32>, vector<16xi32>], vector<16xf32>,
        %add3A_509 = arith.constant 48 : i32
        %add3A_510 = vector.broadcast %add3A_509 : i32 to vector<16xi32>
        %add3A_511 = arith.addi %iota3A, %add3A_510 : vector<16xi32>
        tpu.vector_store_idx %arg8[%shift_right_arithmetic3A_264, %broadcast_in_dim3A_463, %and3A_267, %add3A_511], %gather3A_508 : memref<4x4x8x128xf32, #tpu.memory_space<vmem>>[vector<16xi32>, vector<16xi32>, vector<16xi32>, vector<16xi32>], vector<16xf32>,
        %add3A_512 = arith.constant 320 : i32
        %add3A_513 = vector.broadcast %add3A_512 : i32 to vector<16xi32>
        %add3A_514 = arith.addi %iota3A, %add3A_513 : vector<16xi32>
        %gather3A_515 = arith.constant 1 : i32
        %gather3A_516 = arith.constant 0 : i32
        %gather3A_517 = arith.constant 0 : i32
        %gather3A_518 = tpu.memref_slice %arg7[%gather3A_515, %gather3A_516, %gather3A_517] : memref<2x512x32xf32, #tpu.memory_space<vmem>> -> memref<1x512x32xf32, #tpu.memory_space<vmem>>
        %gather3A_519 = tpu.memref_squeeze %gather3A_518 : memref<1x512x32xf32, #tpu.memory_space<vmem>> -> memref<512x32xf32, #tpu.memory_space<vmem>>
        %gather3A_520 = tpu.vector_load_idx %gather3A_519[%add3A_514, %and3A_262] : memref<512x32xf32, #tpu.memory_space<vmem>>[vector<16xi32>, vector<16xi32>], vector<16xf32>,
        %add3A_521 = arith.constant 64 : i32
        %add3A_522 = vector.broadcast %add3A_521 : i32 to vector<16xi32>
        %add3A_523 = arith.addi %iota3A, %add3A_522 : vector<16xi32>
        tpu.vector_store_idx %arg8[%shift_right_arithmetic3A_264, %broadcast_in_dim3A_463, %and3A_267, %add3A_523], %gather3A_520 : memref<4x4x8x128xf32, #tpu.memory_space<vmem>>[vector<16xi32>, vector<16xi32>, vector<16xi32>, vector<16xi32>], vector<16xf32>,
        %add3A_524 = arith.constant 336 : i32
        %add3A_525 = vector.broadcast %add3A_524 : i32 to vector<16xi32>
        %add3A_526 = arith.addi %iota3A, %add3A_525 : vector<16xi32>
        %gather3A_527 = arith.constant 1 : i32
        %gather3A_528 = arith.constant 0 : i32
        %gather3A_529 = arith.constant 0 : i32
        %gather3A_530 = tpu.memref_slice %arg7[%gather3A_527, %gather3A_528, %gather3A_529] : memref<2x512x32xf32, #tpu.memory_space<vmem>> -> memref<1x512x32xf32, #tpu.memory_space<vmem>>
        %gather3A_531 = tpu.memref_squeeze %gather3A_530 : memref<1x512x32xf32, #tpu.memory_space<vmem>> -> memref<512x32xf32, #tpu.memory_space<vmem>>
        %gather3A_532 = tpu.vector_load_idx %gather3A_531[%add3A_526, %and3A_262] : memref<512x32xf32, #tpu.memory_space<vmem>>[vector<16xi32>, vector<16xi32>], vector<16xf32>,
        %add3A_533 = arith.constant 80 : i32
        %add3A_534 = vector.broadcast %add3A_533 : i32 to vector<16xi32>
        %add3A_535 = arith.addi %iota3A, %add3A_534 : vector<16xi32>
        tpu.vector_store_idx %arg8[%shift_right_arithmetic3A_264, %broadcast_in_dim3A_463, %and3A_267, %add3A_535], %gather3A_532 : memref<4x4x8x128xf32, #tpu.memory_space<vmem>>[vector<16xi32>, vector<16xi32>, vector<16xi32>, vector<16xi32>], vector<16xf32>,
        %add3A_536 = arith.constant 352 : i32
        %add3A_537 = vector.broadcast %add3A_536 : i32 to vector<16xi32>
        %add3A_538 = arith.addi %iota3A, %add3A_537 : vector<16xi32>
        %gather3A_539 = arith.constant 1 : i32
        %gather3A_540 = arith.constant 0 : i32
        %gather3A_541 = arith.constant 0 : i32
        %gather3A_542 = tpu.memref_slice %arg7[%gather3A_539, %gather3A_540, %gather3A_541] : memref<2x512x32xf32, #tpu.memory_space<vmem>> -> memref<1x512x32xf32, #tpu.memory_space<vmem>>
        %gather3A_543 = tpu.memref_squeeze %gather3A_542 : memref<1x512x32xf32, #tpu.memory_space<vmem>> -> memref<512x32xf32, #tpu.memory_space<vmem>>
        %gather3A_544 = tpu.vector_load_idx %gather3A_543[%add3A_538, %and3A_262] : memref<512x32xf32, #tpu.memory_space<vmem>>[vector<16xi32>, vector<16xi32>], vector<16xf32>,
        %add3A_545 = arith.constant 96 : i32
        %add3A_546 = vector.broadcast %add3A_545 : i32 to vector<16xi32>
        %add3A_547 = arith.addi %iota3A, %add3A_546 : vector<16xi32>
        tpu.vector_store_idx %arg8[%shift_right_arithmetic3A_264, %broadcast_in_dim3A_463, %and3A_267, %add3A_547], %gather3A_544 : memref<4x4x8x128xf32, #tpu.memory_space<vmem>>[vector<16xi32>, vector<16xi32>, vector<16xi32>, vector<16xi32>], vector<16xf32>,
        %add3A_548 = arith.constant 368 : i32
        %add3A_549 = vector.broadcast %add3A_548 : i32 to vector<16xi32>
        %add3A_550 = arith.addi %iota3A, %add3A_549 : vector<16xi32>
        %gather3A_551 = arith.constant 1 : i32
        %gather3A_552 = arith.constant 0 : i32
        %gather3A_553 = arith.constant 0 : i32
        %gather3A_554 = tpu.memref_slice %arg7[%gather3A_551, %gather3A_552, %gather3A_553] : memref<2x512x32xf32, #tpu.memory_space<vmem>> -> memref<1x512x32xf32, #tpu.memory_space<vmem>>
        %gather3A_555 = tpu.memref_squeeze %gather3A_554 : memref<1x512x32xf32, #tpu.memory_space<vmem>> -> memref<512x32xf32, #tpu.memory_space<vmem>>
        %gather3A_556 = tpu.vector_load_idx %gather3A_555[%add3A_550, %and3A_262] : memref<512x32xf32, #tpu.memory_space<vmem>>[vector<16xi32>, vector<16xi32>], vector<16xf32>,
        %add3A_557 = arith.constant 112 : i32
        %add3A_558 = vector.broadcast %add3A_557 : i32 to vector<16xi32>
        %add3A_559 = arith.addi %iota3A, %add3A_558 : vector<16xi32>
        tpu.vector_store_idx %arg8[%shift_right_arithmetic3A_264, %broadcast_in_dim3A_463, %and3A_267, %add3A_559], %gather3A_556 : memref<4x4x8x128xf32, #tpu.memory_space<vmem>>[vector<16xi32>, vector<16xi32>, vector<16xi32>, vector<16xi32>], vector<16xf32>,
        %broadcast_in_dim3A_560 = arith.constant 3 : i32
        %broadcast_in_dim3A_561 = vector.broadcast %broadcast_in_dim3A_560 : i32 to vector<16xi32>
        %add3A_562 = arith.constant 384 : i32
        %add3A_563 = vector.broadcast %add3A_562 : i32 to vector<16xi32>
        %add3A_564 = arith.addi %iota3A, %add3A_563 : vector<16xi32>
        %gather3A_565 = arith.constant 1 : i32
        %gather3A_566 = arith.constant 0 : i32
        %gather3A_567 = arith.constant 0 : i32
        %gather3A_568 = tpu.memref_slice %arg7[%gather3A_565, %gather3A_566, %gather3A_567] : memref<2x512x32xf32, #tpu.memory_space<vmem>> -> memref<1x512x32xf32, #tpu.memory_space<vmem>>
        %gather3A_569 = tpu.memref_squeeze %gather3A_568 : memref<1x512x32xf32, #tpu.memory_space<vmem>> -> memref<512x32xf32, #tpu.memory_space<vmem>>
        %gather3A_570 = tpu.vector_load_idx %gather3A_569[%add3A_564, %and3A_262] : memref<512x32xf32, #tpu.memory_space<vmem>>[vector<16xi32>, vector<16xi32>], vector<16xf32>,
        %add3A_571 = arith.constant 0 : i32
        %add3A_572 = vector.broadcast %add3A_571 : i32 to vector<16xi32>
        %add3A_573 = arith.addi %iota3A, %add3A_572 : vector<16xi32>
        tpu.vector_store_idx %arg8[%shift_right_arithmetic3A_264, %broadcast_in_dim3A_561, %and3A_267, %add3A_573], %gather3A_570 : memref<4x4x8x128xf32, #tpu.memory_space<vmem>>[vector<16xi32>, vector<16xi32>, vector<16xi32>, vector<16xi32>], vector<16xf32>,
        %add3A_574 = arith.constant 400 : i32
        %add3A_575 = vector.broadcast %add3A_574 : i32 to vector<16xi32>
        %add3A_576 = arith.addi %iota3A, %add3A_575 : vector<16xi32>
        %gather3A_577 = arith.constant 1 : i32
        %gather3A_578 = arith.constant 0 : i32
        %gather3A_579 = arith.constant 0 : i32
        %gather3A_580 = tpu.memref_slice %arg7[%gather3A_577, %gather3A_578, %gather3A_579] : memref<2x512x32xf32, #tpu.memory_space<vmem>> -> memref<1x512x32xf32, #tpu.memory_space<vmem>>
        %gather3A_581 = tpu.memref_squeeze %gather3A_580 : memref<1x512x32xf32, #tpu.memory_space<vmem>> -> memref<512x32xf32, #tpu.memory_space<vmem>>
        %gather3A_582 = tpu.vector_load_idx %gather3A_581[%add3A_576, %and3A_262] : memref<512x32xf32, #tpu.memory_space<vmem>>[vector<16xi32>, vector<16xi32>], vector<16xf32>,
        %add3A_583 = arith.constant 16 : i32
        %add3A_584 = vector.broadcast %add3A_583 : i32 to vector<16xi32>
        %add3A_585 = arith.addi %iota3A, %add3A_584 : vector<16xi32>
        tpu.vector_store_idx %arg8[%shift_right_arithmetic3A_264, %broadcast_in_dim3A_561, %and3A_267, %add3A_585], %gather3A_582 : memref<4x4x8x128xf32, #tpu.memory_space<vmem>>[vector<16xi32>, vector<16xi32>, vector<16xi32>, vector<16xi32>], vector<16xf32>,
        %add3A_586 = arith.constant 416 : i32
        %add3A_587 = vector.broadcast %add3A_586 : i32 to vector<16xi32>
        %add3A_588 = arith.addi %iota3A, %add3A_587 : vector<16xi32>
        %gather3A_589 = arith.constant 1 : i32
        %gather3A_590 = arith.constant 0 : i32
        %gather3A_591 = arith.constant 0 : i32
        %gather3A_592 = tpu.memref_slice %arg7[%gather3A_589, %gather3A_590, %gather3A_591] : memref<2x512x32xf32, #tpu.memory_space<vmem>> -> memref<1x512x32xf32, #tpu.memory_space<vmem>>
        %gather3A_593 = tpu.memref_squeeze %gather3A_592 : memref<1x512x32xf32, #tpu.memory_space<vmem>> -> memref<512x32xf32, #tpu.memory_space<vmem>>
        %gather3A_594 = tpu.vector_load_idx %gather3A_593[%add3A_588, %and3A_262] : memref<512x32xf32, #tpu.memory_space<vmem>>[vector<16xi32>, vector<16xi32>], vector<16xf32>,
        %add3A_595 = arith.constant 32 : i32
        %add3A_596 = vector.broadcast %add3A_595 : i32 to vector<16xi32>
        %add3A_597 = arith.addi %iota3A, %add3A_596 : vector<16xi32>
        tpu.vector_store_idx %arg8[%shift_right_arithmetic3A_264, %broadcast_in_dim3A_561, %and3A_267, %add3A_597], %gather3A_594 : memref<4x4x8x128xf32, #tpu.memory_space<vmem>>[vector<16xi32>, vector<16xi32>, vector<16xi32>, vector<16xi32>], vector<16xf32>,
        %add3A_598 = arith.constant 432 : i32
        %add3A_599 = vector.broadcast %add3A_598 : i32 to vector<16xi32>
        %add3A_600 = arith.addi %iota3A, %add3A_599 : vector<16xi32>
        %gather3A_601 = arith.constant 1 : i32
        %gather3A_602 = arith.constant 0 : i32
        %gather3A_603 = arith.constant 0 : i32
        %gather3A_604 = tpu.memref_slice %arg7[%gather3A_601, %gather3A_602, %gather3A_603] : memref<2x512x32xf32, #tpu.memory_space<vmem>> -> memref<1x512x32xf32, #tpu.memory_space<vmem>>
        %gather3A_605 = tpu.memref_squeeze %gather3A_604 : memref<1x512x32xf32, #tpu.memory_space<vmem>> -> memref<512x32xf32, #tpu.memory_space<vmem>>
        %gather3A_606 = tpu.vector_load_idx %gather3A_605[%add3A_600, %and3A_262] : memref<512x32xf32, #tpu.memory_space<vmem>>[vector<16xi32>, vector<16xi32>], vector<16xf32>,
        %add3A_607 = arith.constant 48 : i32
        %add3A_608 = vector.broadcast %add3A_607 : i32 to vector<16xi32>
        %add3A_609 = arith.addi %iota3A, %add3A_608 : vector<16xi32>
        tpu.vector_store_idx %arg8[%shift_right_arithmetic3A_264, %broadcast_in_dim3A_561, %and3A_267, %add3A_609], %gather3A_606 : memref<4x4x8x128xf32, #tpu.memory_space<vmem>>[vector<16xi32>, vector<16xi32>, vector<16xi32>, vector<16xi32>], vector<16xf32>,
        %add3A_610 = arith.constant 448 : i32
        %add3A_611 = vector.broadcast %add3A_610 : i32 to vector<16xi32>
        %add3A_612 = arith.addi %iota3A, %add3A_611 : vector<16xi32>
        %gather3A_613 = arith.constant 1 : i32
        %gather3A_614 = arith.constant 0 : i32
        %gather3A_615 = arith.constant 0 : i32
        %gather3A_616 = tpu.memref_slice %arg7[%gather3A_613, %gather3A_614, %gather3A_615] : memref<2x512x32xf32, #tpu.memory_space<vmem>> -> memref<1x512x32xf32, #tpu.memory_space<vmem>>
        %gather3A_617 = tpu.memref_squeeze %gather3A_616 : memref<1x512x32xf32, #tpu.memory_space<vmem>> -> memref<512x32xf32, #tpu.memory_space<vmem>>
        %gather3A_618 = tpu.vector_load_idx %gather3A_617[%add3A_612, %and3A_262] : memref<512x32xf32, #tpu.memory_space<vmem>>[vector<16xi32>, vector<16xi32>], vector<16xf32>,
        %add3A_619 = arith.constant 64 : i32
        %add3A_620 = vector.broadcast %add3A_619 : i32 to vector<16xi32>
        %add3A_621 = arith.addi %iota3A, %add3A_620 : vector<16xi32>
        tpu.vector_store_idx %arg8[%shift_right_arithmetic3A_264, %broadcast_in_dim3A_561, %and3A_267, %add3A_621], %gather3A_618 : memref<4x4x8x128xf32, #tpu.memory_space<vmem>>[vector<16xi32>, vector<16xi32>, vector<16xi32>, vector<16xi32>], vector<16xf32>,
        %add3A_622 = arith.constant 464 : i32
        %add3A_623 = vector.broadcast %add3A_622 : i32 to vector<16xi32>
        %add3A_624 = arith.addi %iota3A, %add3A_623 : vector<16xi32>
        %gather3A_625 = arith.constant 1 : i32
        %gather3A_626 = arith.constant 0 : i32
        %gather3A_627 = arith.constant 0 : i32
        %gather3A_628 = tpu.memref_slice %arg7[%gather3A_625, %gather3A_626, %gather3A_627] : memref<2x512x32xf32, #tpu.memory_space<vmem>> -> memref<1x512x32xf32, #tpu.memory_space<vmem>>
        %gather3A_629 = tpu.memref_squeeze %gather3A_628 : memref<1x512x32xf32, #tpu.memory_space<vmem>> -> memref<512x32xf32, #tpu.memory_space<vmem>>
        %gather3A_630 = tpu.vector_load_idx %gather3A_629[%add3A_624, %and3A_262] : memref<512x32xf32, #tpu.memory_space<vmem>>[vector<16xi32>, vector<16xi32>], vector<16xf32>,
        %add3A_631 = arith.constant 80 : i32
        %add3A_632 = vector.broadcast %add3A_631 : i32 to vector<16xi32>
        %add3A_633 = arith.addi %iota3A, %add3A_632 : vector<16xi32>
        tpu.vector_store_idx %arg8[%shift_right_arithmetic3A_264, %broadcast_in_dim3A_561, %and3A_267, %add3A_633], %gather3A_630 : memref<4x4x8x128xf32, #tpu.memory_space<vmem>>[vector<16xi32>, vector<16xi32>, vector<16xi32>, vector<16xi32>], vector<16xf32>,
        %add3A_634 = arith.constant 480 : i32
        %add3A_635 = vector.broadcast %add3A_634 : i32 to vector<16xi32>
        %add3A_636 = arith.addi %iota3A, %add3A_635 : vector<16xi32>
        %gather3A_637 = arith.constant 1 : i32
        %gather3A_638 = arith.constant 0 : i32
        %gather3A_639 = arith.constant 0 : i32
        %gather3A_640 = tpu.memref_slice %arg7[%gather3A_637, %gather3A_638, %gather3A_639] : memref<2x512x32xf32, #tpu.memory_space<vmem>> -> memref<1x512x32xf32, #tpu.memory_space<vmem>>
        %gather3A_641 = tpu.memref_squeeze %gather3A_640 : memref<1x512x32xf32, #tpu.memory_space<vmem>> -> memref<512x32xf32, #tpu.memory_space<vmem>>
        %gather3A_642 = tpu.vector_load_idx %gather3A_641[%add3A_636, %and3A_262] : memref<512x32xf32, #tpu.memory_space<vmem>>[vector<16xi32>, vector<16xi32>], vector<16xf32>,
        %add3A_643 = arith.constant 96 : i32
        %add3A_644 = vector.broadcast %add3A_643 : i32 to vector<16xi32>
        %add3A_645 = arith.addi %iota3A, %add3A_644 : vector<16xi32>
        tpu.vector_store_idx %arg8[%shift_right_arithmetic3A_264, %broadcast_in_dim3A_561, %and3A_267, %add3A_645], %gather3A_642 : memref<4x4x8x128xf32, #tpu.memory_space<vmem>>[vector<16xi32>, vector<16xi32>, vector<16xi32>, vector<16xi32>], vector<16xf32>,
        %add3A_646 = arith.constant 496 : i32
        %add3A_647 = vector.broadcast %add3A_646 : i32 to vector<16xi32>
        %add3A_648 = arith.addi %iota3A, %add3A_647 : vector<16xi32>
        %gather3A_649 = arith.constant 1 : i32
        %gather3A_650 = arith.constant 0 : i32
        %gather3A_651 = arith.constant 0 : i32
        %gather3A_652 = tpu.memref_slice %arg7[%gather3A_649, %gather3A_650, %gather3A_651] : memref<2x512x32xf32, #tpu.memory_space<vmem>> -> memref<1x512x32xf32, #tpu.memory_space<vmem>>
        %gather3A_653 = tpu.memref_squeeze %gather3A_652 : memref<1x512x32xf32, #tpu.memory_space<vmem>> -> memref<512x32xf32, #tpu.memory_space<vmem>>
        %gather3A_654 = tpu.vector_load_idx %gather3A_653[%add3A_648, %and3A_262] : memref<512x32xf32, #tpu.memory_space<vmem>>[vector<16xi32>, vector<16xi32>], vector<16xf32>,
        %add3A_655 = arith.constant 112 : i32
        %add3A_656 = vector.broadcast %add3A_655 : i32 to vector<16xi32>
        %add3A_657 = arith.addi %iota3A, %add3A_656 : vector<16xi32>
        tpu.vector_store_idx %arg8[%shift_right_arithmetic3A_264, %broadcast_in_dim3A_561, %and3A_267, %add3A_657], %gather3A_654 : memref<4x4x8x128xf32, #tpu.memory_space<vmem>>[vector<16xi32>, vector<16xi32>, vector<16xi32>, vector<16xi32>], vector<16xf32>,
      }
      %scan3A_249 = arith.constant 32 : i32
      %run_scoped3A_250 = arith.constant 0 : i32
      %run_scoped3A_251 = arith.constant 0 : i32
      "tpu.region"() ({
        %run_scoped3A_258 = tpu.sem_alloc : memref<!tpu.dma_semaphore, #tpu.memory_space<semaphore_mem>>
        %dma_start3A_259 = arith.constant 0 : i32
        %dma_start3A_260 = arith.constant 0 : i32
        %dma_start3A_261 = arith.constant 0 : i32
        %dma_start3A_262 = tpu.memref_slice %arg8[%run_scoped3A_250, %dma_start3A_259, %dma_start3A_260, %dma_start3A_261] : memref<4x4x8x128xf32, #tpu.memory_space<vmem>> -> memref<1x4x8x128xf32, #tpu.memory_space<vmem>>
        %dma_start3A_263 = tpu.memref_squeeze %dma_start3A_262 : memref<1x4x8x128xf32, #tpu.memory_space<vmem>> -> memref<4x8x128xf32, #tpu.memory_space<vmem>>
        %dma_start3A_264 = arith.constant 0 : i32
        %dma_start3A_265 = arith.constant 0 : i32
        %dma_start3A_266 = tpu.memref_slice %arg4[%add3A_65, %run_scoped3A_251, %mul3A_2, %dma_start3A_264, %dma_start3A_265] : memref<50x4x128x8x128xf32, #tpu.memory_space<hbm>> -> memref<1x1x4x8x128xf32, #tpu.memory_space<hbm>>
        %dma_start3A_267 = tpu.memref_squeeze %dma_start3A_266 : memref<1x1x4x8x128xf32, #tpu.memory_space<hbm>> -> memref<4x8x128xf32, #tpu.memory_space<hbm>>
        %dma_start3A_268 = arith.constant 0 : i32
        %dma_start3A_269 = arith.constant 0 : i32
        %dma_start3A_270 = tpu.memref_slice %arg4[%add3A_65, %run_scoped3A_251, %mul3A_2, %dma_start3A_268, %dma_start3A_269] : memref<50x4x128x8x128xf32, #tpu.memory_space<hbm>> -> memref<1x1x4x8x128xf32, #tpu.memory_space<hbm>>
        %dma_start3A_271 = tpu.memref_squeeze %dma_start3A_270 : memref<1x1x4x8x128xf32, #tpu.memory_space<hbm>> -> memref<4x8x128xf32, #tpu.memory_space<hbm>>
        %dma_start3A_272 = arith.constant 0 : i32
        %dma_start3A_273 = arith.constant 0 : i32
        %dma_start3A_274 = arith.constant 0 : i32
        %dma_start3A_275 = tpu.memref_slice %arg8[%run_scoped3A_250, %dma_start3A_272, %dma_start3A_273, %dma_start3A_274] : memref<4x4x8x128xf32, #tpu.memory_space<vmem>> -> memref<1x4x8x128xf32, #tpu.memory_space<vmem>>
        %dma_start3A_276 = tpu.memref_squeeze %dma_start3A_275 : memref<1x4x8x128xf32, #tpu.memory_space<vmem>> -> memref<4x8x128xf32, #tpu.memory_space<vmem>>
        tpu.enqueue_dma source(%dma_start3A_276 : memref<4x8x128xf32, #tpu.memory_space<vmem>>) target(%dma_start3A_271 : memref<4x8x128xf32, #tpu.memory_space<hbm>>) target_semaphore(%run_scoped3A_258 : memref<!tpu.dma_semaphore, #tpu.memory_space<semaphore_mem>>)
        %dma_wait3A_277 = arith.constant 0 : i32
        %dma_wait3A_278 = arith.constant 0 : i32
        %dma_wait3A_279 = arith.constant 0 : i32
        %dma_wait3A_280 = tpu.memref_slice %arg8[%run_scoped3A_250, %dma_wait3A_277, %dma_wait3A_278, %dma_wait3A_279] : memref<4x4x8x128xf32, #tpu.memory_space<vmem>> -> memref<1x4x8x128xf32, #tpu.memory_space<vmem>>
        %dma_wait3A_281 = tpu.memref_squeeze %dma_wait3A_280 : memref<1x4x8x128xf32, #tpu.memory_space<vmem>> -> memref<4x8x128xf32, #tpu.memory_space<vmem>>
        %dma_wait3A_282 = arith.constant 0 : i32
        %dma_wait3A_283 = arith.constant 0 : i32
        %dma_wait3A_284 = tpu.memref_slice %arg4[%add3A_65, %run_scoped3A_251, %mul3A_2, %dma_wait3A_282, %dma_wait3A_283] : memref<50x4x128x8x128xf32, #tpu.memory_space<hbm>> -> memref<1x1x4x8x128xf32, #tpu.memory_space<hbm>>
        %dma_wait3A_285 = tpu.memref_squeeze %dma_wait3A_284 : memref<1x1x4x8x128xf32, #tpu.memory_space<hbm>> -> memref<4x8x128xf32, #tpu.memory_space<hbm>>
        %dma_wait3A_286 = arith.constant 0 : i32
        %dma_wait3A_287 = arith.constant 0 : i32
        %dma_wait3A_288 = tpu.memref_slice %arg4[%add3A_65, %run_scoped3A_251, %mul3A_2, %dma_wait3A_286, %dma_wait3A_287] : memref<50x4x128x8x128xf32, #tpu.memory_space<hbm>> -> memref<1x1x4x8x128xf32, #tpu.memory_space<hbm>>
        %dma_wait3A_289 = tpu.memref_squeeze %dma_wait3A_288 : memref<1x1x4x8x128xf32, #tpu.memory_space<hbm>> -> memref<4x8x128xf32, #tpu.memory_space<hbm>>
        %dma_wait3A_290 = arith.constant 0 : i32
        %dma_wait3A_291 = arith.constant 0 : i32
        %dma_wait3A_292 = arith.constant 0 : i32
        %dma_wait3A_293 = tpu.memref_slice %arg8[%run_scoped3A_250, %dma_wait3A_290, %dma_wait3A_291, %dma_wait3A_292] : memref<4x4x8x128xf32, #tpu.memory_space<vmem>> -> memref<1x4x8x128xf32, #tpu.memory_space<vmem>>
        %dma_wait3A_294 = tpu.memref_squeeze %dma_wait3A_293 : memref<1x4x8x128xf32, #tpu.memory_space<vmem>> -> memref<4x8x128xf32, #tpu.memory_space<vmem>>
        tpu.wait_dma2 semaphore(%run_scoped3A_258 : memref<!tpu.dma_semaphore, #tpu.memory_space<semaphore_mem>>) src(%dma_wait3A_294 : memref<4x8x128xf32, #tpu.memory_space<vmem>>) dst(%dma_wait3A_289 : memref<4x8x128xf32, #tpu.memory_space<hbm>>)
        tpu.yield
      }) : () -> ()
      %run_scoped3A_252 = arith.constant 1 : i32
      %run_scoped3A_253 = arith.constant 1 : i32
      "tpu.region"() ({
        %run_scoped3A_258 = tpu.sem_alloc : memref<!tpu.dma_semaphore, #tpu.memory_space<semaphore_mem>>
        %dma_start3A_259 = arith.constant 0 : i32
        %dma_start3A_260 = arith.constant 0 : i32
        %dma_start3A_261 = arith.constant 0 : i32
        %dma_start3A_262 = tpu.memref_slice %arg8[%run_scoped3A_252, %dma_start3A_259, %dma_start3A_260, %dma_start3A_261] : memref<4x4x8x128xf32, #tpu.memory_space<vmem>> -> memref<1x4x8x128xf32, #tpu.memory_space<vmem>>
        %dma_start3A_263 = tpu.memref_squeeze %dma_start3A_262 : memref<1x4x8x128xf32, #tpu.memory_space<vmem>> -> memref<4x8x128xf32, #tpu.memory_space<vmem>>
        %dma_start3A_264 = arith.constant 0 : i32
        %dma_start3A_265 = arith.constant 0 : i32
        %dma_start3A_266 = tpu.memref_slice %arg4[%add3A_65, %run_scoped3A_253, %mul3A_2, %dma_start3A_264, %dma_start3A_265] : memref<50x4x128x8x128xf32, #tpu.memory_space<hbm>> -> memref<1x1x4x8x128xf32, #tpu.memory_space<hbm>>
        %dma_start3A_267 = tpu.memref_squeeze %dma_start3A_266 : memref<1x1x4x8x128xf32, #tpu.memory_space<hbm>> -> memref<4x8x128xf32, #tpu.memory_space<hbm>>
        %dma_start3A_268 = arith.constant 0 : i32
        %dma_start3A_269 = arith.constant 0 : i32
        %dma_start3A_270 = tpu.memref_slice %arg4[%add3A_65, %run_scoped3A_253, %mul3A_2, %dma_start3A_268, %dma_start3A_269] : memref<50x4x128x8x128xf32, #tpu.memory_space<hbm>> -> memref<1x1x4x8x128xf32, #tpu.memory_space<hbm>>
        %dma_start3A_271 = tpu.memref_squeeze %dma_start3A_270 : memref<1x1x4x8x128xf32, #tpu.memory_space<hbm>> -> memref<4x8x128xf32, #tpu.memory_space<hbm>>
        %dma_start3A_272 = arith.constant 0 : i32
        %dma_start3A_273 = arith.constant 0 : i32
        %dma_start3A_274 = arith.constant 0 : i32
        %dma_start3A_275 = tpu.memref_slice %arg8[%run_scoped3A_252, %dma_start3A_272, %dma_start3A_273, %dma_start3A_274] : memref<4x4x8x128xf32, #tpu.memory_space<vmem>> -> memref<1x4x8x128xf32, #tpu.memory_space<vmem>>
        %dma_start3A_276 = tpu.memref_squeeze %dma_start3A_275 : memref<1x4x8x128xf32, #tpu.memory_space<vmem>> -> memref<4x8x128xf32, #tpu.memory_space<vmem>>
        tpu.enqueue_dma source(%dma_start3A_276 : memref<4x8x128xf32, #tpu.memory_space<vmem>>) target(%dma_start3A_271 : memref<4x8x128xf32, #tpu.memory_space<hbm>>) target_semaphore(%run_scoped3A_258 : memref<!tpu.dma_semaphore, #tpu.memory_space<semaphore_mem>>)
        %dma_wait3A_277 = arith.constant 0 : i32
        %dma_wait3A_278 = arith.constant 0 : i32
        %dma_wait3A_279 = arith.constant 0 : i32
        %dma_wait3A_280 = tpu.memref_slice %arg8[%run_scoped3A_252, %dma_wait3A_277, %dma_wait3A_278, %dma_wait3A_279] : memref<4x4x8x128xf32, #tpu.memory_space<vmem>> -> memref<1x4x8x128xf32, #tpu.memory_space<vmem>>
        %dma_wait3A_281 = tpu.memref_squeeze %dma_wait3A_280 : memref<1x4x8x128xf32, #tpu.memory_space<vmem>> -> memref<4x8x128xf32, #tpu.memory_space<vmem>>
        %dma_wait3A_282 = arith.constant 0 : i32
        %dma_wait3A_283 = arith.constant 0 : i32
        %dma_wait3A_284 = tpu.memref_slice %arg4[%add3A_65, %run_scoped3A_253, %mul3A_2, %dma_wait3A_282, %dma_wait3A_283] : memref<50x4x128x8x128xf32, #tpu.memory_space<hbm>> -> memref<1x1x4x8x128xf32, #tpu.memory_space<hbm>>
        %dma_wait3A_285 = tpu.memref_squeeze %dma_wait3A_284 : memref<1x1x4x8x128xf32, #tpu.memory_space<hbm>> -> memref<4x8x128xf32, #tpu.memory_space<hbm>>
        %dma_wait3A_286 = arith.constant 0 : i32
        %dma_wait3A_287 = arith.constant 0 : i32
        %dma_wait3A_288 = tpu.memref_slice %arg4[%add3A_65, %run_scoped3A_253, %mul3A_2, %dma_wait3A_286, %dma_wait3A_287] : memref<50x4x128x8x128xf32, #tpu.memory_space<hbm>> -> memref<1x1x4x8x128xf32, #tpu.memory_space<hbm>>
        %dma_wait3A_289 = tpu.memref_squeeze %dma_wait3A_288 : memref<1x1x4x8x128xf32, #tpu.memory_space<hbm>> -> memref<4x8x128xf32, #tpu.memory_space<hbm>>
        %dma_wait3A_290 = arith.constant 0 : i32
        %dma_wait3A_291 = arith.constant 0 : i32
        %dma_wait3A_292 = arith.constant 0 : i32
        %dma_wait3A_293 = tpu.memref_slice %arg8[%run_scoped3A_252, %dma_wait3A_290, %dma_wait3A_291, %dma_wait3A_292] : memref<4x4x8x128xf32, #tpu.memory_space<vmem>> -> memref<1x4x8x128xf32, #tpu.memory_space<vmem>>
        %dma_wait3A_294 = tpu.memref_squeeze %dma_wait3A_293 : memref<1x4x8x128xf32, #tpu.memory_space<vmem>> -> memref<4x8x128xf32, #tpu.memory_space<vmem>>
        tpu.wait_dma2 semaphore(%run_scoped3A_258 : memref<!tpu.dma_semaphore, #tpu.memory_space<semaphore_mem>>) src(%dma_wait3A_294 : memref<4x8x128xf32, #tpu.memory_space<vmem>>) dst(%dma_wait3A_289 : memref<4x8x128xf32, #tpu.memory_space<hbm>>)
        tpu.yield
      }) : () -> ()
      %run_scoped3A_254 = arith.constant 2 : i32
      %run_scoped3A_255 = arith.constant 2 : i32
      "tpu.region"() ({
        %run_scoped3A_258 = tpu.sem_alloc : memref<!tpu.dma_semaphore, #tpu.memory_space<semaphore_mem>>
        %dma_start3A_259 = arith.constant 0 : i32
        %dma_start3A_260 = arith.constant 0 : i32
        %dma_start3A_261 = arith.constant 0 : i32
        %dma_start3A_262 = tpu.memref_slice %arg8[%run_scoped3A_254, %dma_start3A_259, %dma_start3A_260, %dma_start3A_261] : memref<4x4x8x128xf32, #tpu.memory_space<vmem>> -> memref<1x4x8x128xf32, #tpu.memory_space<vmem>>
        %dma_start3A_263 = tpu.memref_squeeze %dma_start3A_262 : memref<1x4x8x128xf32, #tpu.memory_space<vmem>> -> memref<4x8x128xf32, #tpu.memory_space<vmem>>
        %dma_start3A_264 = arith.constant 0 : i32
        %dma_start3A_265 = arith.constant 0 : i32
        %dma_start3A_266 = tpu.memref_slice %arg4[%add3A_65, %run_scoped3A_255, %mul3A_2, %dma_start3A_264, %dma_start3A_265] : memref<50x4x128x8x128xf32, #tpu.memory_space<hbm>> -> memref<1x1x4x8x128xf32, #tpu.memory_space<hbm>>
        %dma_start3A_267 = tpu.memref_squeeze %dma_start3A_266 : memref<1x1x4x8x128xf32, #tpu.memory_space<hbm>> -> memref<4x8x128xf32, #tpu.memory_space<hbm>>
        %dma_start3A_268 = arith.constant 0 : i32
        %dma_start3A_269 = arith.constant 0 : i32
        %dma_start3A_270 = tpu.memref_slice %arg4[%add3A_65, %run_scoped3A_255, %mul3A_2, %dma_start3A_268, %dma_start3A_269] : memref<50x4x128x8x128xf32, #tpu.memory_space<hbm>> -> memref<1x1x4x8x128xf32, #tpu.memory_space<hbm>>
        %dma_start3A_271 = tpu.memref_squeeze %dma_start3A_270 : memref<1x1x4x8x128xf32, #tpu.memory_space<hbm>> -> memref<4x8x128xf32, #tpu.memory_space<hbm>>
        %dma_start3A_272 = arith.constant 0 : i32
        %dma_start3A_273 = arith.constant 0 : i32
        %dma_start3A_274 = arith.constant 0 : i32
        %dma_start3A_275 = tpu.memref_slice %arg8[%run_scoped3A_254, %dma_start3A_272, %dma_start3A_273, %dma_start3A_274] : memref<4x4x8x128xf32, #tpu.memory_space<vmem>> -> memref<1x4x8x128xf32, #tpu.memory_space<vmem>>
        %dma_start3A_276 = tpu.memref_squeeze %dma_start3A_275 : memref<1x4x8x128xf32, #tpu.memory_space<vmem>> -> memref<4x8x128xf32, #tpu.memory_space<vmem>>
        tpu.enqueue_dma source(%dma_start3A_276 : memref<4x8x128xf32, #tpu.memory_space<vmem>>) target(%dma_start3A_271 : memref<4x8x128xf32, #tpu.memory_space<hbm>>) target_semaphore(%run_scoped3A_258 : memref<!tpu.dma_semaphore, #tpu.memory_space<semaphore_mem>>)
        %dma_wait3A_277 = arith.constant 0 : i32
        %dma_wait3A_278 = arith.constant 0 : i32
        %dma_wait3A_279 = arith.constant 0 : i32
        %dma_wait3A_280 = tpu.memref_slice %arg8[%run_scoped3A_254, %dma_wait3A_277, %dma_wait3A_278, %dma_wait3A_279] : memref<4x4x8x128xf32, #tpu.memory_space<vmem>> -> memref<1x4x8x128xf32, #tpu.memory_space<vmem>>
        %dma_wait3A_281 = tpu.memref_squeeze %dma_wait3A_280 : memref<1x4x8x128xf32, #tpu.memory_space<vmem>> -> memref<4x8x128xf32, #tpu.memory_space<vmem>>
        %dma_wait3A_282 = arith.constant 0 : i32
        %dma_wait3A_283 = arith.constant 0 : i32
        %dma_wait3A_284 = tpu.memref_slice %arg4[%add3A_65, %run_scoped3A_255, %mul3A_2, %dma_wait3A_282, %dma_wait3A_283] : memref<50x4x128x8x128xf32, #tpu.memory_space<hbm>> -> memref<1x1x4x8x128xf32, #tpu.memory_space<hbm>>
        %dma_wait3A_285 = tpu.memref_squeeze %dma_wait3A_284 : memref<1x1x4x8x128xf32, #tpu.memory_space<hbm>> -> memref<4x8x128xf32, #tpu.memory_space<hbm>>
        %dma_wait3A_286 = arith.constant 0 : i32
        %dma_wait3A_287 = arith.constant 0 : i32
        %dma_wait3A_288 = tpu.memref_slice %arg4[%add3A_65, %run_scoped3A_255, %mul3A_2, %dma_wait3A_286, %dma_wait3A_287] : memref<50x4x128x8x128xf32, #tpu.memory_space<hbm>> -> memref<1x1x4x8x128xf32, #tpu.memory_space<hbm>>
        %dma_wait3A_289 = tpu.memref_squeeze %dma_wait3A_288 : memref<1x1x4x8x128xf32, #tpu.memory_space<hbm>> -> memref<4x8x128xf32, #tpu.memory_space<hbm>>
        %dma_wait3A_290 = arith.constant 0 : i32
        %dma_wait3A_291 = arith.constant 0 : i32
        %dma_wait3A_292 = arith.constant 0 : i32
        %dma_wait3A_293 = tpu.memref_slice %arg8[%run_scoped3A_254, %dma_wait3A_290, %dma_wait3A_291, %dma_wait3A_292] : memref<4x4x8x128xf32, #tpu.memory_space<vmem>> -> memref<1x4x8x128xf32, #tpu.memory_space<vmem>>
        %dma_wait3A_294 = tpu.memref_squeeze %dma_wait3A_293 : memref<1x4x8x128xf32, #tpu.memory_space<vmem>> -> memref<4x8x128xf32, #tpu.memory_space<vmem>>
        tpu.wait_dma2 semaphore(%run_scoped3A_258 : memref<!tpu.dma_semaphore, #tpu.memory_space<semaphore_mem>>) src(%dma_wait3A_294 : memref<4x8x128xf32, #tpu.memory_space<vmem>>) dst(%dma_wait3A_289 : memref<4x8x128xf32, #tpu.memory_space<hbm>>)
        tpu.yield
      }) : () -> ()
      %run_scoped3A_256 = arith.constant 3 : i32
      %run_scoped3A_257 = arith.constant 3 : i32
      "tpu.region"() ({
        %run_scoped3A_258 = tpu.sem_alloc : memref<!tpu.dma_semaphore, #tpu.memory_space<semaphore_mem>>
        %dma_start3A_259 = arith.constant 0 : i32
        %dma_start3A_260 = arith.constant 0 : i32
        %dma_start3A_261 = arith.constant 0 : i32
        %dma_start3A_262 = tpu.memref_slice %arg8[%run_scoped3A_256, %dma_start3A_259, %dma_start3A_260, %dma_start3A_261] : memref<4x4x8x128xf32, #tpu.memory_space<vmem>> -> memref<1x4x8x128xf32, #tpu.memory_space<vmem>>
        %dma_start3A_263 = tpu.memref_squeeze %dma_start3A_262 : memref<1x4x8x128xf32, #tpu.memory_space<vmem>> -> memref<4x8x128xf32, #tpu.memory_space<vmem>>
        %dma_start3A_264 = arith.constant 0 : i32
        %dma_start3A_265 = arith.constant 0 : i32
        %dma_start3A_266 = tpu.memref_slice %arg4[%add3A_65, %run_scoped3A_257, %mul3A_2, %dma_start3A_264, %dma_start3A_265] : memref<50x4x128x8x128xf32, #tpu.memory_space<hbm>> -> memref<1x1x4x8x128xf32, #tpu.memory_space<hbm>>
        %dma_start3A_267 = tpu.memref_squeeze %dma_start3A_266 : memref<1x1x4x8x128xf32, #tpu.memory_space<hbm>> -> memref<4x8x128xf32, #tpu.memory_space<hbm>>
        %dma_start3A_268 = arith.constant 0 : i32
        %dma_start3A_269 = arith.constant 0 : i32
        %dma_start3A_270 = tpu.memref_slice %arg4[%add3A_65, %run_scoped3A_257, %mul3A_2, %dma_start3A_268, %dma_start3A_269] : memref<50x4x128x8x128xf32, #tpu.memory_space<hbm>> -> memref<1x1x4x8x128xf32, #tpu.memory_space<hbm>>
        %dma_start3A_271 = tpu.memref_squeeze %dma_start3A_270 : memref<1x1x4x8x128xf32, #tpu.memory_space<hbm>> -> memref<4x8x128xf32, #tpu.memory_space<hbm>>
        %dma_start3A_272 = arith.constant 0 : i32
        %dma_start3A_273 = arith.constant 0 : i32
        %dma_start3A_274 = arith.constant 0 : i32
        %dma_start3A_275 = tpu.memref_slice %arg8[%run_scoped3A_256, %dma_start3A_272, %dma_start3A_273, %dma_start3A_274] : memref<4x4x8x128xf32, #tpu.memory_space<vmem>> -> memref<1x4x8x128xf32, #tpu.memory_space<vmem>>
        %dma_start3A_276 = tpu.memref_squeeze %dma_start3A_275 : memref<1x4x8x128xf32, #tpu.memory_space<vmem>> -> memref<4x8x128xf32, #tpu.memory_space<vmem>>
        tpu.enqueue_dma source(%dma_start3A_276 : memref<4x8x128xf32, #tpu.memory_space<vmem>>) target(%dma_start3A_271 : memref<4x8x128xf32, #tpu.memory_space<hbm>>) target_semaphore(%run_scoped3A_258 : memref<!tpu.dma_semaphore, #tpu.memory_space<semaphore_mem>>)
        %dma_wait3A_277 = arith.constant 0 : i32
        %dma_wait3A_278 = arith.constant 0 : i32
        %dma_wait3A_279 = arith.constant 0 : i32
        %dma_wait3A_280 = tpu.memref_slice %arg8[%run_scoped3A_256, %dma_wait3A_277, %dma_wait3A_278, %dma_wait3A_279] : memref<4x4x8x128xf32, #tpu.memory_space<vmem>> -> memref<1x4x8x128xf32, #tpu.memory_space<vmem>>
        %dma_wait3A_281 = tpu.memref_squeeze %dma_wait3A_280 : memref<1x4x8x128xf32, #tpu.memory_space<vmem>> -> memref<4x8x128xf32, #tpu.memory_space<vmem>>
        %dma_wait3A_282 = arith.constant 0 : i32
        %dma_wait3A_283 = arith.constant 0 : i32
        %dma_wait3A_284 = tpu.memref_slice %arg4[%add3A_65, %run_scoped3A_257, %mul3A_2, %dma_wait3A_282, %dma_wait3A_283] : memref<50x4x128x8x128xf32, #tpu.memory_space<hbm>> -> memref<1x1x4x8x128xf32, #tpu.memory_space<hbm>>
        %dma_wait3A_285 = tpu.memref_squeeze %dma_wait3A_284 : memref<1x1x4x8x128xf32, #tpu.memory_space<hbm>> -> memref<4x8x128xf32, #tpu.memory_space<hbm>>
        %dma_wait3A_286 = arith.constant 0 : i32
        %dma_wait3A_287 = arith.constant 0 : i32
        %dma_wait3A_288 = tpu.memref_slice %arg4[%add3A_65, %run_scoped3A_257, %mul3A_2, %dma_wait3A_286, %dma_wait3A_287] : memref<50x4x128x8x128xf32, #tpu.memory_space<hbm>> -> memref<1x1x4x8x128xf32, #tpu.memory_space<hbm>>
        %dma_wait3A_289 = tpu.memref_squeeze %dma_wait3A_288 : memref<1x1x4x8x128xf32, #tpu.memory_space<hbm>> -> memref<4x8x128xf32, #tpu.memory_space<hbm>>
        %dma_wait3A_290 = arith.constant 0 : i32
        %dma_wait3A_291 = arith.constant 0 : i32
        %dma_wait3A_292 = arith.constant 0 : i32
        %dma_wait3A_293 = tpu.memref_slice %arg8[%run_scoped3A_256, %dma_wait3A_290, %dma_wait3A_291, %dma_wait3A_292] : memref<4x4x8x128xf32, #tpu.memory_space<vmem>> -> memref<1x4x8x128xf32, #tpu.memory_space<vmem>>
        %dma_wait3A_294 = tpu.memref_squeeze %dma_wait3A_293 : memref<1x4x8x128xf32, #tpu.memory_space<vmem>> -> memref<4x8x128xf32, #tpu.memory_space<vmem>>
        tpu.wait_dma2 semaphore(%run_scoped3A_258 : memref<!tpu.dma_semaphore, #tpu.memory_space<semaphore_mem>>) src(%dma_wait3A_294 : memref<4x8x128xf32, #tpu.memory_space<vmem>>) dst(%dma_wait3A_289 : memref<4x8x128xf32, #tpu.memory_space<hbm>>)
        tpu.yield
      }) : () -> ()
    }
    %scan3A_60 = arith.constant 25 : i32
    return
  }
}

module attributes {stable_mosaic.version = 14 : i64} {
  func.func @_mask_body(%arg0: i32, %arg1: memref<1024x50xi32, #tpu.memory_space<vmem>>, %arg2: memref<1024x50xi32, #tpu.memory_space<vmem>>) attributes {dimension_semantics = [#tpu.dimension_semantics<arbitrary>], iteration_bounds = array<i64: 16>, scalar_prefetch = 0 : i64, scratch_operands = 0 : i64, tpu.core_type = #tpu.core_type<tc>, window_params = [{transform_indices = @transform_0, window_bounds = array<i64: 1024, 50>}, {transform_indices = @transform_1, window_bounds = array<i64: 1024, 50>}]} {
    %get3A = arith.constant 0 : index
    %get3A_0 = arith.constant 0 : index
    %get3A_1 = vector.load %arg1[%get3A, %get3A_0] : memref<1024x50xi32, #tpu.memory_space<vmem>>, vector<1024x50xi32>
    %gt3A = arith.constant 0 : i32
    %gt3A_2 = vector.broadcast %gt3A : i32 to vector<1024x50xi32>
    %gt3A_3 = arith.cmpi sgt, %get3A_1, %gt3A_2 : vector<1024x50xi32>
    %swap3A = arith.constant 0 : index
    %swap3A_4 = arith.constant 0 : index
    %swap3A_5 = vector.load %arg2[%swap3A, %swap3A_4] : memref<1024x50xi32, #tpu.memory_space<vmem>>, vector<1024x50xi32>
    %swap3A_6 = arith.extui %gt3A_3 : vector<1024x50xi1> to vector<1024x50xi32>
    %swap3A_7 = arith.constant dense<0> : vector<1024x50xi32>
    %swap3A_8 = arith.cmpi ne, %swap3A_5, %swap3A_7 : vector<1024x50xi32>
    tpu.vector_store %arg2[%swap3A, %swap3A_4], %swap3A_6 {strides = array<i32>} : memref<1024x50xi32, #tpu.memory_space<vmem>>, vector<1024x50xi32>,
    return
  }
  func.func @transform_0(%arg0: i32) -> (i32, i32) {
    %c0_i32 = arith.constant 0 : i32
    %c0_i32_0 = arith.constant 0 : i32
    return %arg0, %c0_i32 : i32, i32
  }
  func.func @transform_1(%arg0: i32) -> (i32, i32) {
    %c0_i32 = arith.constant 0 : i32
    %c0_i32_0 = arith.constant 0 : i32
    return %arg0, %c0_i32 : i32, i32
  }
}

</mosaic_0001>

<sc_bundles>
// kernel: kernel.4.cloned.1.call-start
scs
__scs_entry_jumppad:
0x0: {  	(pc) =	sbr.rel $0x88, $3  }
0x1: {  	(tag) =	ssettag $0x0;
	lr =	simm.s32 $0x1  }
0x2: {  	[smem:$0x3F9F] =	sst lr;
	_ =	strace $0xD0000000  }
0x3: {  	_ = 	snop  }
0x4: {  	_ = 	snop  }
0x5: {  	_ = 	snop  }
0x6: {  	_ = 	snop  }
0x7: {  	_ = 	snop  }
__scs_overlays_trampoline_lowered:
0x8: {  	[smem:$0x3FAE] =	sst s0  }
0x9: {  	[smem:$0x3FAF] =	sst s1  }
0xa: {  	[smem:$0x3FB0] =	sst s2  }
0xb: {  	[smem:$0x3FB1] =	sst s3  }
0xc: {  	[smem:$0x3FB2] =	sst s4  }
0xd: {  	[smem:$0x3FB3] =	sst s5  }
0xe: {  	[smem:$0x3FB4] =	sst s6  }
0xf: {  	[smem:$0x3FB5] =	sst s7  }
0x10: {  	[smem:$0x3FB6] =	sst s8  }
0x11: {  	[smem:$0x3FB7] =	sst s9;
	s0 =	simm.s32 @!p0 $0x0  }
0x12: {  	s1 =	sld [smem:$0x3F9D];
	s0 =	simm.s32 @p0 $0x1  }
0x13: {  	[smem:$0x3FB8] =	sst s0;
	s0 =	simm.s32 @!p1 $0x0  }
0x14: {  	s2 =	sld [smem:$0x3F9C];
	s0 =	simm.s32 @p1 $0x1  }
0x15: {  	[smem:$0x3FB9] =	sst s0;
	s0 =	simm.s32 @!p2 $0x0  }
0x16: {  	s3 =	sld [smem:$0x3FDB];
	s0 =	simm.s32 @p2 $0x1  }
0x17: {  	s4 =	simm.s32 $0x1BF5;
	[smem:$0x3FBB] =	sst s0  }
0x18: {  	s0 =	sld [smem:$0x3F9E];
	_ =	swait.ge [sflag:s4], $0x0  }
0x19: {  	s7 =	sld [smem:$0x3F9F]  }
0x1a: {  	s8 =	sadd.s32 $0xFFFFE003, lr  }
0x1b: {  	s9 =	sadd.s32 $0xFFFFFEF7, lr;
	s5 =	simm.s32 $0xFFFFFFFF;
	p2 =	slt.u32 s8, $0xFFFFF086  }
0x1c: {  	p1 =	slt.u32 s9, $0xF7A;
	s5 =	simm.s32 @!p2 $0x0  }
0x1d: {  	s5 =	simm.s32 @p1 $0x1;
	p0 =	seq.s32 s7, s2  }
0x1e: {  	s7 =	smul.u32 @!p0 $0xF7A, s2;
	p2 =	seq.s32 @!p0 s5, $0x0  }
0x1f: {  	s9 =	smul.u32 $0xF7A, s1;
	s8 =	simm.s32 @!p0 $0x1BF5;
	p2 =	por !p2, p0  }
0x20: {  	[sflag:s8] =	ssyncset.s32 @!p0 $0xFFFFF086;
	s6 =	sadd.s32 @!p0 s3, s7;
	s7 =	simm.s32 @!p0 $0x108  }
0x21: {  	s3 =	sadd.s32 s3, s9;
	s6 =	sadd.s32 @!p0 $0x88, s6;
	s7 =	simm.s32 @p2 $0x1082  }
0x22: {  	[simem:s7], [sflag:s8] =	dma.local @!p0 [hbm:s6], $0xF7A  }
0x23: {  	s9 =	sor.u32 $0xD0000000, s2;
	s6 =	simm.s32 $0x108;
	_ =	swait.ge @!p0 [sflag:s8], $0x0  }
0x24: {  	s3 =	sadd.s32 $0x88, s3;
	s6 =	simm.s32 @!p1 $0x1082;
	[sflag:s4] =	ssyncset.s32 $0xFFFFF086  }
0x25: {  	[simem:s6], [sflag:s4] =	dma.local [hbm:s3], $0xF7A  }
0x26: {  	[smem:$0x3F9F] =	sst s1;
	(tag) =	ssettag s2;
	_ =	strace s9  }
0x27: {  	s1 =	sld [smem:$0x3FAF]  }
0x28: {  	s2 =	sld [smem:$0x3FB0]  }
0x29: {  	s4 =	sld [smem:$0x3FB2]  }
0x2a: {  	p0 =	seq.s32 s5, $0x0;
	s5 =	sld [smem:$0x3FB3]  }
0x2b: {  	s6 =	sld [smem:$0x3FB4]  }
0x2c: {  	s7 =	sld [smem:$0x3FB5]  }
0x2d: {  	s3 =	simm.s32 $0x108;
	s8 =	sld [smem:$0x3FB6]  }
0x2e: {  	s3 =	simm.s32 @!p0 $0x1082;
	s9 =	sld [smem:$0x3FB7]  }
0x2f: {  	lr =	sadd.s32 s0, s3;
	s0 =	sld [smem:$0x3FAE]  }
0x30: {  	s3 =	sld [smem:$0x3FB1]  }
0x31: {  	[smem:$0x3FBA] =	sst s10  }
0x32: {  	s10 =	sld [smem:$0x3FB8];
	_ =	sdelay $0x3  }
0x33: {  	p0 =	seq.s32 s10, $0x1;
	s10 =	sld [smem:$0x3FBA];
	_ =	sdelay $0x3  }
0x34: {  	[smem:$0x3FBA] =	sst s10  }
0x35: {  	s10 =	sld [smem:$0x3FB9];
	_ =	sdelay $0x3  }
0x36: {  	p1 =	seq.s32 s10, $0x1;
	s10 =	sld [smem:$0x3FBA];
	_ =	sdelay $0x3  }
0x37: {  	[smem:$0x3FBA] =	sst s10  }
0x38: {  	s10 =	sld [smem:$0x3FBB]  }
0x39: {  	_ = 	snop;
	(pc) =	sbr.ind lr, $3  }
0x3a: {  	_ = 	snop  }
0x3b: {  	_ = 	snop  }
0x3c: {  	p2 =	seq.s32 s10, $0x1;
	s10 =	sld [smem:$0x3FBA]  }
0x3d: {  	_ =	shalt  }
0x3e: {  	_ =	shalt  }
0x3f: {  	_ =	shalt  }
0x40: {  	_ =	shalt  }
0x41: {  	_ =	shalt  }
0x42: {  	_ =	shalt  }
0x43: {  	_ =	shalt  }
0x44: {  	_ =	shalt  }
0x45: {  	_ =	shalt  }
0x46: {  	_ =	shalt  }
0x47: {  	_ =	shalt  }
0x48: {  	_ =	shalt  }
0x49: {  	_ =	shalt  }
0x4a: {  	_ =	shalt  }
0x4b: {  	_ =	shalt  }
0x4c: {  	_ =	shalt  }
0x4d: {  	_ =	shalt  }
0x4e: {  	_ =	shalt  }
0x4f: {  	_ =	shalt  }
0x50: {  	_ =	shalt  }
0x51: {  	_ =	shalt  }
0x52: {  	_ =	shalt  }
0x53: {  	_ =	shalt  }
0x54: {  	_ =	shalt  }
0x55: {  	_ =	shalt  }
0x56: {  	_ =	shalt  }
0x57: {  	_ =	shalt  }
0x58: {  	_ =	shalt  }
0x59: {  	_ =	shalt  }
0x5a: {  	_ =	shalt  }
0x5b: {  	_ =	shalt  }
0x5c: {  	_ =	shalt  }
0x5d: {  	_ =	shalt  }
0x5e: {  	_ =	shalt  }
0x5f: {  	_ =	shalt  }
0x60: {  	_ =	shalt  }
0x61: {  	_ =	shalt  }
0x62: {  	_ =	shalt  }
0x63: {  	_ =	shalt  }
0x64: {  	_ =	shalt  }
0x65: {  	_ =	shalt  }
0x66: {  	_ =	shalt  }
0x67: {  	_ =	shalt  }
0x68: {  	_ =	shalt  }
0x69: {  	_ =	shalt  }
0x6a: {  	_ =	shalt  }
0x6b: {  	_ =	shalt  }
0x6c: {  	_ =	shalt  }
0x6d: {  	_ =	shalt  }
0x6e: {  	_ =	shalt  }
0x6f: {  	_ =	shalt  }
0x70: {  	_ =	shalt  }
0x71: {  	_ =	shalt  }
0x72: {  	_ =	shalt  }
0x73: {  	_ =	shalt  }
0x74: {  	_ =	shalt  }
0x75: {  	_ =	shalt  }
0x76: {  	_ =	shalt  }
0x77: {  	_ =	shalt  }
0x78: {  	_ =	shalt  }
0x79: {  	_ =	shalt  }
0x7a: {  	_ =	shalt  }
0x7b: {  	_ =	shalt  }
0x7c: {  	_ =	shalt  }
0x7d: {  	_ =	shalt  }
0x7e: {  	_ =	shalt  }
0x7f: {  	_ =	shalt  }
0x80: {  	_ =	shalt  }
0x81: {  	_ =	shalt  }
0x82: {  	_ =	shalt  }
0x83: {  	_ =	shalt  }
0x84: {  	_ =	shalt  }
0x85: {  	_ =	shalt  }
0x86: {  	_ =	shalt  }
0x87: {  	_ =	shalt  }
.Lfunc_end0:
.L_simem_size_0:
called_computation.1_lowered:
.L_overlay_start_0:
0x88: {  	s2 =	sld [smem:$0x3FD9]  }
0x89: {  	s3 =	sld [smem:$0x3FFE];
	_ =	sdelay $0x1  }
0x8a: {  	s1 =	srdreg.scid  }
0x8b: {  	s0 =	sand.u32 $0x1, s1  }
0x8c: {  	s14 =	sshll.u32 s0, $0xA;
	s2 =	sadd.s32 s3, s2  }
0x8d: {  	s2 =	sadd.s32 s2, s14  }
0x8e: {  	[smem:$0x3FC6] =	sst s2  }
0x8f: {  	_ = 	snop  }
0x90: {  	s2 =	sld [smem:$0x3FD0];
	_ =	sdelay $0x2  }
0x91: {  	s15 =	simm.s32 $0xA;
	s4 =	simm.s32 $0x10  }
0x92: {  	[smem:s4], [sflag:s15] =	dma.local [hbm:s2], $0x1  }
0x93: {  	_ =	swait.eq [sflag:s15], $0x1  }
0x94: {  	[sflag:s15] =	ssyncset.done $0x0  }
0x95: {  	[sflag:s15] =	ssyncadd.s32 $0xFFFFFFFF  }
0x96: {  	s16 =	sld [smem:$0x10];
	(tm) =	ssettm $0x1  }
0x97: {  	s17 =	sld [smem:$0x3FFB];
	_ =	sdelay $0x3  }
0x98: {  	_ =	strace s17  }
0x99: {  	s3 =	sld [smem:$0x3FFC];
	_ =	sdelay $0x3  }
0x9a: {  	_ =	strace s3  }
0x9b: {  	s3 =	sld [smem:$0x3FFD];
	_ =	sdelay $0x3  }
0x9c: {  	_ =	strace s3  }
0x9d: {  	_ =	strace $0x8FFFFFFF  }
0x9e: {  	s18 =	sld [smem:$0x3FDB];
	_ =	sdelay $0x1  }
0x9f: {  	s19 =	simm.s32 $_scs_section_size  }
0xa0: {  	s5 =	simm.s32 $_size__tile_overlayer_lowered;
	s6 =	simm.s32 $_tile_overlayer_lowered  }
0xa1: {  	s22 =	simm.s32 $0x1BFF;
	s21 =	sshll.u32 s6, $0x1;
	s3 =	sadd.s32 s19, s18  }
0xa2: {  	s7 =	simm.s32 $0x0;
	s20 =	sshll.u32 s5, $0x1;
	s5 =	sadd.s32 s21, s3  }
0xa3: {  	[timem:s7], [sflag:s22] =	dma.local [hbm:s5], s20  }
0xa4: {  	_ =	swait.ge [sflag:s22], s20  }
0xa5: {  	s4 =	ssub.s32 $0x0, s20;
	[sflag:s22] =	ssyncset.done $0x0  }
0xa6: {  	[sflag:s22] =	ssyncadd.s32 s4;
	_ =	sdelay $0x1  }
0xa7: {  	s23 =	simm.s32 $0x1B8B  }
0xa8: {  	_ =	swait.ge [sflag:s23], $0x1  }
0xa9: {  	[sflag:s23] =	ssyncset.done $0x0  }
0xaa: {  	s25 =	simm.s32 $0x1B8E;
	s24 =	sld [smem:$0x3FFE];
	[sflag:s23] =	ssyncadd.s32 $0xFFFFFFFF  }
0xab: {  	s26 =	simm.s32 $execute0_lowered;
	[smem:$0x3FD2] =	sst s25  }
0xac: {  	s5 =	sshll.u32 s26, $0x1;
	_ =	strace $0x80000049;
	[dreg:$0x1] =	wrdreg $0xFFFFFFFF  }
0xad: {  	s28 =	simm.s32 $_size_execute0_lowered;
	s3 =	sadd.s32 s3, s5;
	[dreg:$0x0] =	wrdreg $0x0  }
0xae: {  	s5 =	sshll.u32 s28, $0x1;
	[dreg:$0x2] =	wrdreg s3  }
0xaf: {  	[dreg:$0x3] =	wrdreg s5  }
0xb0: {  	[dreg:$0x4] =	wrdreg $0xC0  }
0xb1: {  	_ =	task [dreg:s7], $0x5FFFF  }
0xb2: {  	[dreg:$0x1] =	wrdreg $0xFFFFFFFF  }
0xb3: {  	[dreg:$0x0] =	wrdreg $0x60  }
0xb4: {  	[dreg:$0x2] =	wrdreg s24  }
0xb5: {  	[dreg:$0x3] =	wrdreg s16  }
0xb6: {  	[dreg:$0x4] =	wrdreg $0x9  }
0xb7: {  	_ =	task.clear_ibuf [dreg:s7], $0x5FFFF;
	_ =	strace $0x90000049  }
0xb8: {  	s29 =	simm.s32 $0x9;
	_ =	strace $0x8000004B  }
0xb9: {  	_ =	swait.ge [sflag:s29], $0x1  }
0xba: {  	[sflag:s29] =	ssyncadd.s32 $0xFFFFFFFF  }
0xbb: {  	_ =	strace $0x9000004B  }
0xbc: {  	_ =	sfence  }
0xbd: {  	s30 =	sld [smem:$0x0];
	_ =	sdelay $0x2  }
0xbe: {  	s31 =	sshll.u32 s1, $0xD;
	s1 =	sshrl.u32 s1, $0x2  }
0xbf: {  	s3 =	sand.u32 $0x4000, s31;
	s1 =	sadd.s32 s1, s30  }
0xc0: {  	s0 =	sor.u32 s3, s0;
	s1 =	sshll.u32 s1, $0x11  }
0xc1: {  	s0 =	sor.u32 s1, s0  }
0xc2: {  	s0 =	sadd.s32 $0x8F2B, s0  }
0xc3: {  	[sflag:s0] =	ssyncadd.remote.s32 $0x1  }
0xc4: {  	_ =	sfence.sel $0xFFFF  }
0xc5: {  	[dreg:$0x0] =	wrdreg $0xFFFFFFFF;
	(pc) =	sbr.abs _section_cstart, $3  }
0xc6: {  	[dreg:$0x1] =	wrdreg $0xFFFFFFFF  }
0xc7: {  	_ =	task.clear_ibuf [dreg:s7], $0x2FFFF;
	_ =	strace $0x9FFFFFFF  }
0xc8: {  	(tm) =	ssettm $0x7FFFFFFF  }
0xc9: {  	_ =	shalt  }
tec
execute0_lowered:
.L_overlay_start_1:
0x0: {  	(tag) =	ssettag $0x1  }
0x1: {  	s3 =	stileid.u32  }
0x2: {  	v28 =	vlaneseq.u32;
	s0 =	rddreg [dreg:$0x0];
	s4 =	sshll.u32 s3, $0x1;
	s3 =	simm.s32 $0x0  }
0x3: {  	v4 =	vmul.u32 $0x38, v28;
	v37 =	vmul.u32 $0x20, v28;
	v0 =	vor.u32 $0x460, v28;
	[smem:$0x7FF] =	sst s3  }
0x4: {  	s2 =	rddreg [dreg:$0x1];
	_ =	strace $0x8000004A;
	[tilespmem:$0x1FDC0] =	vst v0  }
0x5: {  	v0 =	vor.u32 $0x1E00, v37;
	[tilespmem:$0x1FE00] =	vst v4  }
0x6: {  	v5 =	vadd.s32 $0x380, v4;
	[tilespmem:$0x1FDD0] =	vst v0  }
0x7: {  	v6 =	vadd.s32 $0x700, v4;
	[tilespmem:$0x1FE10] =	vst v5  }
0x8: {  	v7 =	vadd.s32 $0xA80, v4;
	[tilespmem:$0x1FE20] =	vst v6  }
0x9: {  	v8 =	vadd.s32 $0xE00, v4;
	[tilespmem:$0x1FE30] =	vst v7  }
0xa: {  	v9 =	vadd.s32 $0x1180, v4;
	[tilespmem:$0x1FE40] =	vst v8  }
0xb: {  	v10 =	vadd.s32 $0x1500, v4;
	[tilespmem:$0x1FE50] =	vst v9  }
0xc: {  	v11 =	vadd.s32 $0x1880, v4;
	[tilespmem:$0x1FE60] =	vst v10  }
0xd: {  	v12 =	vor.u32 $0x1C00, v4;
	[tilespmem:$0x1FE70] =	vst v11  }
0xe: {  	v13 =	vadd.s32 $0x1F80, v4;
	[tilespmem:$0x1FE80] =	vst v12  }
0xf: {  	v14 =	vadd.s32 $0x2300, v4;
	[tilespmem:$0x1FE90] =	vst v13  }
0x10: {  	v15 =	vadd.s32 $0x2680, v4;
	[tilespmem:$0x1FEA0] =	vst v14  }
0x11: {  	v16 =	vadd.s32 $0x2A00, v4;
	[tilespmem:$0x1FEB0] =	vst v15  }
0x12: {  	v17 =	vadd.s32 $0x2D80, v4;
	[tilespmem:$0x1FEC0] =	vst v16  }
0x13: {  	v18 =	vadd.s32 $0x3100, v4;
	[tilespmem:$0x1FED0] =	vst v17  }
0x14: {  	v19 =	vadd.s32 $0x3480, v4;
	[tilespmem:$0x1FEE0] =	vst v18  }
0x15: {  	v20 =	vor.u32 $0x3800, v4;
	[tilespmem:$0x1FEF0] =	vst v19  }
0x16: {  	v21 =	vadd.s32 $0x3B80, v4;
	[tilespmem:$0x1FF00] =	vst v20  }
0x17: {  	v22 =	vadd.s32 $0x3F00, v4;
	[tilespmem:$0x1FF10] =	vst v21  }
0x18: {  	v23 =	vadd.s32 $0x4280, v4;
	[tilespmem:$0x1FF20] =	vst v22  }
0x19: {  	v24 =	vadd.s32 $0x4600, v4;
	[tilespmem:$0x1FF30] =	vst v23  }
0x1a: {  	v43 =	vor.u32 $0x10, v28;
	v25 =	vadd.s32 $0x4980, v4;
	[tilespmem:$0x1FF40] =	vst v24  }
0x1b: {  	v46 =	vor.u32 $0x20, v28;
	v42 =	vor.u32 $0x30, v28;
	v26 =	vadd.s32 $0x4D00, v4;
	[tilespmem:$0x1FF50] =	vst v25  }
0x1c: {  	v45 =	vor.u32 $0x40, v28;
	v48 =	vor.u32 $0x50, v28;
	v27 =	vadd.s32 $0x5080, v4;
	[tilespmem:$0x1FF60] =	vst v26  }
0x1d: {  	v52 =	vor.u32 $0x60, v28;
	v51 =	vor.u32 $0x70, v28;
	v29 =	vor.u32 $0x5400, v4;
	[tilespmem:$0x1FF70] =	vst v27  }
0x1e: {  	s1 =	srdreg.scid;
	s14 =	simm.s32 $0xD400;
	s17 =	simm.s32 $0x7100;
	v55 =	vor.u32 $0x400, v28;
	v57 =	vor.u32 $0x410, v28;
	v30 =	vadd.s32 $0x5780, v4;
	[tilespmem:$0x1FF80] =	vst v29  }
0x1f: {  	s11 =	simm.s32 $0x3;
	s21 =	simm.s32 $0x11400;
	s22 =	simm.s32 $0x12400;
	v59 =	vor.u32 $0x420, v28;
	v61 =	vor.u32 $0x430, v28;
	v31 =	vadd.s32 $0x5B00, v4;
	[tilespmem:$0x1FF90] =	vst v30  }
0x20: {  	s12 =	simm.s32 $0x80;
	s23 =	simm.s32 $0x13400;
	s24 =	simm.s32 $0x14400;
	v63 =	vor.u32 $0x440, v28;
	v38 =	vor.u32 $0x450, v28;
	v32 =	vadd.s32 $0x5E80, v4;
	[tilespmem:$0x1FFA0] =	vst v31  }
0x21: {  	s25 =	simm.s32 $0x1;
	s28 =	simm.s32 $0x16400;
	s1 =	sand.u32 $0x1, s1;
	v33 =	vadd.s32 $0x6200, v4;
	v34 =	vadd.s32 $0x6580, v4;
	v35 =	vadd.s32 $0x6900, v4;
	[tilespmem:$0x1FFB0] =	vst v32  }
0x22: {  	s29 =	simm.s32 $0x17400;
	s30 =	simm.s32 $0x18400;
	s6 =	sor.u32 s1, s4;
	v36 =	vadd.s32 $0x6C80, v4;
	v40 =	vor.u32 $0x200, v37;
	v44 =	vor.u32 $0x400, v37;
	[tilespmem:$0x1FFC0] =	vst v33  }
0x23: {  	s31 =	simm.s32 $0x2;
	s7 =	sadd.s32 $0x4000, s2;
	s4 =	smul.u32 $0xE00, s6;
	v49 =	vor.u32 $0x600, v37;
	v41 =	vor.u32 $0x800, v37;
	v47 =	vor.u32 $0xA00, v37;
	[tilespmem:$0x1FFD0] =	vst v34  }
0x24: {  	s8 =	sadd.s32 $0x8000, s2;
	s9 =	sadd.s32 $0xC000, s2;
	s26 =	ssub.s32 $0x2, s1;
	v50 =	vor.u32 $0xC00, v37;
	v54 =	vor.u32 $0xE00, v37;
	v53 =	vor.u32 $0x1000, v37;
	[tilespmem:$0x1FFE0] =	vst v35  }
0x25: {  	s1 =	sshrl.u32 s26, $0x1;
	s6 =	sshll.u32 s6, $0xC;
	v56 =	vor.u32 $0x1200, v37;
	v58 =	vor.u32 $0x1400, v37;
	v0 =	vor.u32 $0x470, v28;
	[tilespmem:$0x1FFF0] =	vst v36;
	s5 =	sadd.s32 s4, s0  }
0x26: {  	v60 =	vor.u32 $0x1600, v37;
	s4 =	sadd.s32 $0xF9F200, s0;
	s0 =	ssub.s32 s26, s1;
	s26 =	simm.s32 $0x15400;
	[tilespmem:$0x1FDE0] =	vst v0;
	v0 =	vor.u32 $0x2000, v37  }
0x27: {  	v62 =	vor.u32 $0x1800, v37;
	v2 =	vor.u32 $0x1A00, v37;
	v39 =	vor.u32 $0x1C00, v37;
	s1 =	simm.s32 $0x0;
	s5 =	sadd.s32 $0xF83200, s5;
	s10 =	smax.u32 s0, $0x1;
	[tilespmem:$0x1FDF0] =	vst v0  }
.LBB2_1:
0x28: {  	v0 =	vmov s3  }
0x29: {  	v0 =	vand.u32 $0x3F, v0  }
0x2a: {  	v1 =	vadd.s32 v4, v0  }
0x2b: {  	[tilespmem:s3], [sflag:$0x3] =	stream.linear.gather [hbm4b:s5+s3], $0x7000, $0x38;
	[tilespmem:$0x19400] =	vst v63  }
0x2c: {  	_ =	swait.ge [sflag:s11], $0x7000  }
0x2d: {  	[sflag:s11] =	ssyncset.done $0x0  }
0x2e: {  	[sflag:s11] =	ssyncadd.s32 $0xFFFF9000  }
0x2f: {  	v1 =	vld.idx.msk [tilespmem:v1+s3+$0x0], $0xffff;
	_ =	sdelay $0x1  }
0x30: {  	v3 =	vadd.s32 v5, v0;
	_ =	sdelay $0x2  }
0x31: {  	v1 =	vshll.u32 v1, $0x2  }
0x32: {  	[tilespmem:s17+$0xFFFFFF00] =	vst v1  }
0x33: {  	v1 =	vld.idx.msk [tilespmem:v3+s3+$0x0], $0xffff;
	_ =	sdelay $0x1  }
0x34: {  	v3 =	vadd.s32 v6, v0;
	_ =	sdelay $0x2  }
0x35: {  	v1 =	vshll.u32 v1, $0x2  }
0x36: {  	[tilespmem:s17+$0xFFFFFF10] =	vst v1  }
0x37: {  	v1 =	vld.idx.msk [tilespmem:v3+s3+$0x0], $0xffff;
	_ =	sdelay $0x1  }
0x38: {  	v3 =	vadd.s32 v7, v0;
	_ =	sdelay $0x2  }
0x39: {  	v1 =	vshll.u32 v1, $0x2  }
0x3a: {  	[tilespmem:s17+$0xFFFFFF20] =	vst v1  }
0x3b: {  	v1 =	vld.idx.msk [tilespmem:v3+s3+$0x0], $0xffff;
	_ =	sdelay $0x1  }
0x3c: {  	v3 =	vadd.s32 v8, v0;
	_ =	sdelay $0x2  }
0x3d: {  	v1 =	vshll.u32 v1, $0x2  }
0x3e: {  	[tilespmem:s17+$0xFFFFFF30] =	vst v1  }
0x3f: {  	v1 =	vld.idx.msk [tilespmem:v3+s3+$0x0], $0xffff;
	_ =	sdelay $0x1  }
0x40: {  	v3 =	vadd.s32 v9, v0;
	_ =	sdelay $0x2  }
0x41: {  	v1 =	vshll.u32 v1, $0x2  }
0x42: {  	[tilespmem:s17+$0xFFFFFF40] =	vst v1  }
0x43: {  	v1 =	vld.idx.msk [tilespmem:v3+s3+$0x0], $0xffff;
	_ =	sdelay $0x1  }
0x44: {  	v3 =	vadd.s32 v10, v0;
	_ =	sdelay $0x2  }
0x45: {  	v1 =	vshll.u32 v1, $0x2  }
0x46: {  	[tilespmem:s17+$0xFFFFFF50] =	vst v1  }
0x47: {  	v1 =	vld.idx.msk [tilespmem:v3+s3+$0x0], $0xffff;
	_ =	sdelay $0x1  }
0x48: {  	v3 =	vadd.s32 v11, v0;
	_ =	sdelay $0x2  }
0x49: {  	v1 =	vshll.u32 v1, $0x2  }
0x4a: {  	[tilespmem:s17+$0xFFFFFF60] =	vst v1  }
0x4b: {  	v1 =	vld.idx.msk [tilespmem:v3+s3+$0x0], $0xffff;
	_ =	sdelay $0x1  }
0x4c: {  	v3 =	vadd.s32 v12, v0;
	_ =	sdelay $0x2  }
0x4d: {  	v1 =	vshll.u32 v1, $0x2  }
0x4e: {  	[tilespmem:s17+$0xFFFFFF70] =	vst v1  }
0x4f: {  	v1 =	vld.idx.msk [tilespmem:v3+s3+$0x0], $0xffff;
	_ =	sdelay $0x1  }
0x50: {  	v3 =	vadd.s32 v13, v0;
	_ =	sdelay $0x2  }
0x51: {  	v1 =	vshll.u32 v1, $0x2  }
0x52: {  	[tilespmem:s17+$0xFFFFFF80] =	vst v1  }
0x53: {  	v1 =	vld.idx.msk [tilespmem:v3+s3+$0x0], $0xffff;
	_ =	sdelay $0x1  }
0x54: {  	v3 =	vadd.s32 v14, v0;
	_ =	sdelay $0x2  }
0x55: {  	v1 =	vshll.u32 v1, $0x2  }
0x56: {  	[tilespmem:s17+$0xFFFFFF90] =	vst v1  }
0x57: {  	v1 =	vld.idx.msk [tilespmem:v3+s3+$0x0], $0xffff;
	_ =	sdelay $0x1  }
0x58: {  	v3 =	vadd.s32 v15, v0;
	_ =	sdelay $0x2  }
0x59: {  	v1 =	vshll.u32 v1, $0x2  }
0x5a: {  	[tilespmem:s17+$0xFFFFFFA0] =	vst v1  }
0x5b: {  	v1 =	vld.idx.msk [tilespmem:v3+s3+$0x0], $0xffff;
	_ =	sdelay $0x1  }
0x5c: {  	v3 =	vadd.s32 v16, v0;
	_ =	sdelay $0x2  }
0x5d: {  	v1 =	vshll.u32 v1, $0x2  }
0x5e: {  	[tilespmem:s17+$0xFFFFFFB0] =	vst v1  }
0x5f: {  	v1 =	vld.idx.msk [tilespmem:v3+s3+$0x0], $0xffff;
	_ =	sdelay $0x1  }
0x60: {  	v3 =	vadd.s32 v17, v0;
	_ =	sdelay $0x2  }
0x61: {  	v1 =	vshll.u32 v1, $0x2  }
0x62: {  	[tilespmem:s17+$0xFFFFFFC0] =	vst v1  }
0x63: {  	v1 =	vld.idx.msk [tilespmem:v3+s3+$0x0], $0xffff;
	_ =	sdelay $0x1  }
0x64: {  	v3 =	vadd.s32 v18, v0;
	_ =	sdelay $0x2  }
0x65: {  	v1 =	vshll.u32 v1, $0x2  }
0x66: {  	[tilespmem:s17+$0xFFFFFFD0] =	vst v1  }
0x67: {  	v1 =	vld.idx.msk [tilespmem:v3+s3+$0x0], $0xffff;
	_ =	sdelay $0x1  }
0x68: {  	v3 =	vadd.s32 v19, v0;
	_ =	sdelay $0x2  }
0x69: {  	v1 =	vshll.u32 v1, $0x2  }
0x6a: {  	[tilespmem:s17+$0xFFFFFFE0] =	vst v1  }
0x6b: {  	v1 =	vld.idx.msk [tilespmem:v3+s3+$0x0], $0xffff;
	_ =	sdelay $0x1  }
0x6c: {  	v3 =	vadd.s32 v20, v0;
	_ =	sdelay $0x2  }
0x6d: {  	v1 =	vshll.u32 v1, $0x2  }
0x6e: {  	[tilespmem:s17+$0xFFFFFFF0] =	vst v1  }
0x6f: {  	v1 =	vld.idx.msk [tilespmem:v3+s3+$0x0], $0xffff;
	_ =	sdelay $0x1  }
0x70: {  	v3 =	vadd.s32 v21, v0;
	_ =	sdelay $0x2  }
0x71: {  	v1 =	vshll.u32 v1, $0x2  }
0x72: {  	[tilespmem:s17+$0x0] =	vst v1  }
0x73: {  	v1 =	vld.idx.msk [tilespmem:v3+s3+$0x0], $0xffff;
	_ =	sdelay $0x1  }
0x74: {  	v3 =	vadd.s32 v22, v0;
	_ =	sdelay $0x2  }
0x75: {  	v1 =	vshll.u32 v1, $0x2  }
0x76: {  	[tilespmem:s17+$0x10] =	vst v1  }
0x77: {  	v1 =	vld.idx.msk [tilespmem:v3+s3+$0x0], $0xffff;
	_ =	sdelay $0x1  }
0x78: {  	v3 =	vadd.s32 v23, v0;
	_ =	sdelay $0x2  }
0x79: {  	v1 =	vshll.u32 v1, $0x2  }
0x7a: {  	[tilespmem:s17+$0x20] =	vst v1  }
0x7b: {  	v1 =	vld.idx.msk [tilespmem:v3+s3+$0x0], $0xffff;
	_ =	sdelay $0x1  }
0x7c: {  	v3 =	vadd.s32 v24, v0;
	_ =	sdelay $0x2  }
0x7d: {  	v1 =	vshll.u32 v1, $0x2  }
0x7e: {  	[tilespmem:s17+$0x30] =	vst v1  }
0x7f: {  	v1 =	vld.idx.msk [tilespmem:v3+s3+$0x0], $0xffff;
	_ =	sdelay $0x1  }
0x80: {  	v3 =	vadd.s32 v25, v0;
	_ =	sdelay $0x2  }
0x81: {  	v1 =	vshll.u32 v1, $0x2  }
0x82: {  	[tilespmem:s17+$0x40] =	vst v1  }
0x83: {  	v1 =	vld.idx.msk [tilespmem:v3+s3+$0x0], $0xffff;
	_ =	sdelay $0x1  }
0x84: {  	v3 =	vadd.s32 v26, v0;
	_ =	sdelay $0x2  }
0x85: {  	v1 =	vshll.u32 v1, $0x2  }
0x86: {  	[tilespmem:s17+$0x50] =	vst v1  }
0x87: {  	v1 =	vld.idx.msk [tilespmem:v3+s3+$0x0], $0xffff;
	_ =	sdelay $0x1  }
0x88: {  	v3 =	vadd.s32 v27, v0;
	_ =	sdelay $0x2  }
0x89: {  	v1 =	vshll.u32 v1, $0x2  }
0x8a: {  	[tilespmem:s17+$0x60] =	vst v1  }
0x8b: {  	v1 =	vld.idx.msk [tilespmem:v3+s3+$0x0], $0xffff;
	_ =	sdelay $0x1  }
0x8c: {  	v3 =	vadd.s32 v29, v0;
	_ =	sdelay $0x2  }
0x8d: {  	v1 =	vshll.u32 v1, $0x2  }
0x8e: {  	[tilespmem:s17+$0x70] =	vst v1  }
0x8f: {  	v1 =	vld.idx.msk [tilespmem:v3+s3+$0x0], $0xffff;
	_ =	sdelay $0x1  }
0x90: {  	v3 =	vadd.s32 v30, v0;
	_ =	sdelay $0x2  }
0x91: {  	v1 =	vshll.u32 v1, $0x2  }
0x92: {  	[tilespmem:s17+$0x80] =	vst v1  }
0x93: {  	v1 =	vld.idx.msk [tilespmem:v3+s3+$0x0], $0xffff;
	_ =	sdelay $0x1  }
0x94: {  	v3 =	vadd.s32 v31, v0;
	_ =	sdelay $0x2  }
0x95: {  	v1 =	vshll.u32 v1, $0x2  }
0x96: {  	[tilespmem:s17+$0x90] =	vst v1  }
0x97: {  	v1 =	vld.idx.msk [tilespmem:v3+s3+$0x0], $0xffff;
	_ =	sdelay $0x1  }
0x98: {  	v3 =	vadd.s32 v32, v0;
	_ =	sdelay $0x2  }
0x99: {  	v1 =	vshll.u32 v1, $0x2  }
0x9a: {  	[tilespmem:s17+$0xA0] =	vst v1  }
0x9b: {  	v1 =	vld.idx.msk [tilespmem:v3+s3+$0x0], $0xffff;
	_ =	sdelay $0x1  }
0x9c: {  	v3 =	vadd.s32 v33, v0;
	_ =	sdelay $0x2  }
0x9d: {  	v1 =	vshll.u32 v1, $0x2  }
0x9e: {  	[tilespmem:s17+$0xB0] =	vst v1  }
0x9f: {  	v1 =	vld.idx.msk [tilespmem:v3+s3+$0x0], $0xffff;
	_ =	sdelay $0x1  }
0xa0: {  	v3 =	vadd.s32 v34, v0;
	_ =	sdelay $0x2  }
0xa1: {  	v1 =	vshll.u32 v1, $0x2  }
0xa2: {  	[tilespmem:s17+$0xC0] =	vst v1  }
0xa3: {  	v1 =	vld.idx.msk [tilespmem:v3+s3+$0x0], $0xffff;
	_ =	sdelay $0x1  }
0xa4: {  	v3 =	vadd.s32 v35, v0;
	_ =	sdelay $0x2  }
0xa5: {  	v1 =	vshll.u32 v1, $0x2  }
0xa6: {  	[tilespmem:s17+$0xD0] =	vst v1  }
0xa7: {  	v1 =	vld.idx.msk [tilespmem:v3+s3+$0x0], $0xffff;
	_ =	sdelay $0x1  }
0xa8: {  	v0 =	vadd.s32 v36, v0;
	_ =	sdelay $0x2  }
0xa9: {  	v1 =	vshll.u32 v1, $0x2  }
0xaa: {  	s0 =	simm.s32 $0x1;
	[tilespmem:s17+$0xE0] =	vst v1  }
0xab: {  	s13 =	simm.s32 $0x2;
	v1 =	vld.idx.msk [tilespmem:v0+s3+$0x0], $0xffff;
	v0 =	vmov s0;
	s0 =	simm.s32 $0x7100  }
.LBB2_2:
0xac: {  	p0 =	sne.s32 s13, $0x31;
	v0 =	vand.u32 $0x3F, v0  }
0xad: {  	v3 =	vadd.s32 v4, v0;
	_ =	sdelay $0x2  }
0xae: {  	v1 =	vshll.u32 v1, $0x2  }
0xaf: {  	[tilespmem:s0+$0xF0] =	vst v1  }
0xb0: {  	v1 =	vld.idx.msk [tilespmem:v3+s3+$0x0], $0xffff;
	_ =	sdelay $0x2  }
0xb1: {  	v3 =	vadd.s32 v5, v0;
	_ =	sdelay $0x2  }
0xb2: {  	s0 =	sadd.s32 $0x200, s0;
	v1 =	vshll.u32 v1, $0x2  }
0xb3: {  	[tilespmem:s0+$0xFFFFFF00] =	vst v1  }
0xb4: {  	v1 =	vld.idx.msk [tilespmem:v3+s3+$0x0], $0xffff;
	_ =	sdelay $0x2  }
0xb5: {  	v3 =	vadd.s32 v6, v0;
	_ =	sdelay $0x2  }
0xb6: {  	v1 =	vshll.u32 v1, $0x2  }
0xb7: {  	[tilespmem:s0+$0xFFFFFF10] =	vst v1  }
0xb8: {  	v1 =	vld.idx.msk [tilespmem:v3+s3+$0x0], $0xffff;
	_ =	sdelay $0x2  }
0xb9: {  	v3 =	vadd.s32 v7, v0;
	_ =	sdelay $0x2  }
0xba: {  	v1 =	vshll.u32 v1, $0x2  }
0xbb: {  	[tilespmem:s0+$0xFFFFFF20] =	vst v1  }
0xbc: {  	v1 =	vld.idx.msk [tilespmem:v3+s3+$0x0], $0xffff;
	_ =	sdelay $0x2  }
0xbd: {  	v3 =	vadd.s32 v8, v0;
	_ =	sdelay $0x2  }
0xbe: {  	v1 =	vshll.u32 v1, $0x2  }
0xbf: {  	[tilespmem:s0+$0xFFFFFF30] =	vst v1  }
0xc0: {  	v1 =	vld.idx.msk [tilespmem:v3+s3+$0x0], $0xffff;
	_ =	sdelay $0x2  }
0xc1: {  	v3 =	vadd.s32 v9, v0;
	_ =	sdelay $0x2  }
0xc2: {  	v1 =	vshll.u32 v1, $0x2  }
0xc3: {  	[tilespmem:s0+$0xFFFFFF40] =	vst v1  }
0xc4: {  	v1 =	vld.idx.msk [tilespmem:v3+s3+$0x0], $0xffff;
	_ =	sdelay $0x2  }
0xc5: {  	v3 =	vadd.s32 v10, v0;
	_ =	sdelay $0x2  }
0xc6: {  	v1 =	vshll.u32 v1, $0x2  }
0xc7: {  	[tilespmem:s0+$0xFFFFFF50] =	vst v1  }
0xc8: {  	v1 =	vld.idx.msk [tilespmem:v3+s3+$0x0], $0xffff;
	_ =	sdelay $0x2  }
0xc9: {  	v3 =	vadd.s32 v11, v0;
	_ =	sdelay $0x2  }
0xca: {  	v1 =	vshll.u32 v1, $0x2  }
0xcb: {  	[tilespmem:s0+$0xFFFFFF60] =	vst v1  }
0xcc: {  	v1 =	vld.idx.msk [tilespmem:v3+s3+$0x0], $0xffff;
	_ =	sdelay $0x2  }
0xcd: {  	v3 =	vadd.s32 v12, v0;
	_ =	sdelay $0x2  }
0xce: {  	v1 =	vshll.u32 v1, $0x2  }
0xcf: {  	[tilespmem:s0+$0xFFFFFF70] =	vst v1  }
0xd0: {  	v1 =	vld.idx.msk [tilespmem:v3+s3+$0x0], $0xffff;
	_ =	sdelay $0x2  }
0xd1: {  	v3 =	vadd.s32 v13, v0;
	_ =	sdelay $0x2  }
0xd2: {  	v1 =	vshll.u32 v1, $0x2  }
0xd3: {  	[tilespmem:s0+$0xFFFFFF80] =	vst v1  }
0xd4: {  	v1 =	vld.idx.msk [tilespmem:v3+s3+$0x0], $0xffff;
	_ =	sdelay $0x2  }
0xd5: {  	v3 =	vadd.s32 v14, v0;
	_ =	sdelay $0x2  }
0xd6: {  	v1 =	vshll.u32 v1, $0x2  }
0xd7: {  	[tilespmem:s0+$0xFFFFFF90] =	vst v1  }
0xd8: {  	v1 =	vld.idx.msk [tilespmem:v3+s3+$0x0], $0xffff;
	_ =	sdelay $0x2  }
0xd9: {  	v3 =	vadd.s32 v15, v0;
	_ =	sdelay $0x2  }
0xda: {  	v1 =	vshll.u32 v1, $0x2  }
0xdb: {  	[tilespmem:s0+$0xFFFFFFA0] =	vst v1  }
0xdc: {  	v1 =	vld.idx.msk [tilespmem:v3+s3+$0x0], $0xffff;
	_ =	sdelay $0x2  }
0xdd: {  	v3 =	vadd.s32 v16, v0;
	_ =	sdelay $0x2  }
0xde: {  	v1 =	vshll.u32 v1, $0x2  }
0xdf: {  	[tilespmem:s0+$0xFFFFFFB0] =	vst v1  }
0xe0: {  	v1 =	vld.idx.msk [tilespmem:v3+s3+$0x0], $0xffff;
	_ =	sdelay $0x2  }
0xe1: {  	v3 =	vadd.s32 v17, v0;
	_ =	sdelay $0x2  }
0xe2: {  	v1 =	vshll.u32 v1, $0x2  }
0xe3: {  	[tilespmem:s0+$0xFFFFFFC0] =	vst v1  }
0xe4: {  	v1 =	vld.idx.msk [tilespmem:v3+s3+$0x0], $0xffff;
	_ =	sdelay $0x2  }
0xe5: {  	v3 =	vadd.s32 v18, v0;
	_ =	sdelay $0x2  }
0xe6: {  	v1 =	vshll.u32 v1, $0x2  }
0xe7: {  	[tilespmem:s0+$0xFFFFFFD0] =	vst v1  }
0xe8: {  	v1 =	vld.idx.msk [tilespmem:v3+s3+$0x0], $0xffff;
	_ =	sdelay $0x2  }
0xe9: {  	v3 =	vadd.s32 v19, v0;
	_ =	sdelay $0x2  }
0xea: {  	v1 =	vshll.u32 v1, $0x2  }
0xeb: {  	[tilespmem:s0+$0xFFFFFFE0] =	vst v1  }
0xec: {  	v1 =	vld.idx.msk [tilespmem:v3+s3+$0x0], $0xffff;
	_ =	sdelay $0x2  }
0xed: {  	v3 =	vadd.s32 v20, v0;
	_ =	sdelay $0x2  }
0xee: {  	v1 =	vshll.u32 v1, $0x2  }
0xef: {  	[tilespmem:s0+$0xFFFFFFF0] =	vst v1  }
0xf0: {  	v1 =	vld.idx.msk [tilespmem:v3+s3+$0x0], $0xffff;
	_ =	sdelay $0x2  }
0xf1: {  	v3 =	vadd.s32 v21, v0;
	_ =	sdelay $0x2  }
0xf2: {  	v1 =	vshll.u32 v1, $0x2  }
0xf3: {  	[tilespmem:s0+$0x0] =	vst v1  }
0xf4: {  	v1 =	vld.idx.msk [tilespmem:v3+s3+$0x0], $0xffff;
	_ =	sdelay $0x2  }
0xf5: {  	v3 =	vadd.s32 v22, v0;
	_ =	sdelay $0x2  }
0xf6: {  	v1 =	vshll.u32 v1, $0x2  }
0xf7: {  	[tilespmem:s0+$0x10] =	vst v1  }
0xf8: {  	v1 =	vld.idx.msk [tilespmem:v3+s3+$0x0], $0xffff;
	_ =	sdelay $0x2  }
0xf9: {  	v3 =	vadd.s32 v23, v0;
	_ =	sdelay $0x2  }
0xfa: {  	v1 =	vshll.u32 v1, $0x2  }
0xfb: {  	[tilespmem:s0+$0x20] =	vst v1  }
0xfc: {  	v1 =	vld.idx.msk [tilespmem:v3+s3+$0x0], $0xffff;
	_ =	sdelay $0x2  }
0xfd: {  	v3 =	vadd.s32 v24, v0;
	_ =	sdelay $0x2  }
0xfe: {  	v1 =	vshll.u32 v1, $0x2  }
0xff: {  	[tilespmem:s0+$0x30] =	vst v1  }
0x100: {  	v1 =	vld.idx.msk [tilespmem:v3+s3+$0x0], $0xffff;
	_ =	sdelay $0x2  }
0x101: {  	v3 =	vadd.s32 v25, v0;
	_ =	sdelay $0x2  }
0x102: {  	v1 =	vshll.u32 v1, $0x2  }
0x103: {  	[tilespmem:s0+$0x40] =	vst v1  }
0x104: {  	v1 =	vld.idx.msk [tilespmem:v3+s3+$0x0], $0xffff;
	_ =	sdelay $0x2  }
0x105: {  	v3 =	vadd.s32 v26, v0;
	_ =	sdelay $0x2  }
0x106: {  	v1 =	vshll.u32 v1, $0x2  }
0x107: {  	[tilespmem:s0+$0x50] =	vst v1  }
0x108: {  	v1 =	vld.idx.msk [tilespmem:v3+s3+$0x0], $0xffff;
	_ =	sdelay $0x2  }
0x109: {  	v3 =	vadd.s32 v27, v0;
	_ =	sdelay $0x2  }
0x10a: {  	v1 =	vshll.u32 v1, $0x2  }
0x10b: {  	[tilespmem:s0+$0x60] =	vst v1  }
0x10c: {  	v1 =	vld.idx.msk [tilespmem:v3+s3+$0x0], $0xffff;
	_ =	sdelay $0x2  }
0x10d: {  	v3 =	vadd.s32 v29, v0;
	_ =	sdelay $0x2  }
0x10e: {  	v1 =	vshll.u32 v1, $0x2  }
0x10f: {  	[tilespmem:s0+$0x70] =	vst v1  }
0x110: {  	v1 =	vld.idx.msk [tilespmem:v3+s3+$0x0], $0xffff;
	_ =	sdelay $0x2  }
0x111: {  	v3 =	vadd.s32 v30, v0;
	_ =	sdelay $0x2  }
0x112: {  	v1 =	vshll.u32 v1, $0x2  }
0x113: {  	[tilespmem:s0+$0x80] =	vst v1  }
0x114: {  	v1 =	vld.idx.msk [tilespmem:v3+s3+$0x0], $0xffff;
	_ =	sdelay $0x2  }
0x115: {  	v3 =	vadd.s32 v31, v0;
	_ =	sdelay $0x2  }
0x116: {  	v1 =	vshll.u32 v1, $0x2  }
0x117: {  	[tilespmem:s0+$0x90] =	vst v1  }
0x118: {  	v1 =	vld.idx.msk [tilespmem:v3+s3+$0x0], $0xffff;
	_ =	sdelay $0x2  }
0x119: {  	v3 =	vadd.s32 v32, v0;
	_ =	sdelay $0x2  }
0x11a: {  	v1 =	vshll.u32 v1, $0x2  }
0x11b: {  	[tilespmem:s0+$0xA0] =	vst v1  }
0x11c: {  	v1 =	vld.idx.msk [tilespmem:v3+s3+$0x0], $0xffff;
	_ =	sdelay $0x2  }
0x11d: {  	v3 =	vadd.s32 v33, v0;
	_ =	sdelay $0x2  }
0x11e: {  	v1 =	vshll.u32 v1, $0x2  }
0x11f: {  	[tilespmem:s0+$0xB0] =	vst v1  }
0x120: {  	v1 =	vld.idx.msk [tilespmem:v3+s3+$0x0], $0xffff;
	_ =	sdelay $0x2  }
0x121: {  	v3 =	vadd.s32 v34, v0;
	_ =	sdelay $0x2  }
0x122: {  	v1 =	vshll.u32 v1, $0x2  }
0x123: {  	[tilespmem:s0+$0xC0] =	vst v1  }
0x124: {  	v1 =	vld.idx.msk [tilespmem:v3+s3+$0x0], $0xffff;
	_ =	sdelay $0x2  }
0x125: {  	v3 =	vadd.s32 v35, v0;
	_ =	sdelay $0x2  }
0x126: {  	v1 =	vshll.u32 v1, $0x2  }
0x127: {  	[tilespmem:s0+$0xD0] =	vst v1  }
0x128: {  	v1 =	vld.idx.msk [tilespmem:v3+s3+$0x0], $0xffff;
	_ =	sdelay $0x2  }
0x129: {  	v0 =	vadd.s32 v36, v0;
	_ =	sdelay $0x1  }
.Ltmp0:
0x12a: {  	(pc) =	sbr.rel @p0 .LBB2_2-.Ltmp0, $4  }
0x12b: {  	v1 =	vshll.u32 v1, $0x2  }
0x12c: {  	[tilespmem:s0+$0xE0] =	vst v1  }
0x12d: {  	v1 =	vld.idx.msk [tilespmem:v0+s3+$0x0], $0xffff  }
0x12e: {  	v0 =	vmov s13;
	s13 =	sadd.s32 $0x1, s13  }
0x12f: {  	v0 =	vand.u32 $0x3F, v0  }
0x130: {  	v3 =	vadd.s32 v4, v0;
	_ =	sdelay $0x2  }
0x131: {  	v1 =	vshll.u32 v1, $0x2  }
0x132: {  	[tilespmem:s0+$0xF0] =	vst v1  }
0x133: {  	v1 =	vld.idx.msk [tilespmem:v3+s3+$0x0], $0xffff;
	_ =	sdelay $0x1  }
0x134: {  	v3 =	vadd.s32 v5, v0;
	_ =	sdelay $0x2  }
0x135: {  	s13 =	sadd.s32 $0x200, s0;
	v1 =	vshll.u32 v1, $0x2  }
0x136: {  	[tilespmem:s13+$0xFFFFFF00] =	vst v1  }
0x137: {  	v1 =	vld.idx.msk [tilespmem:v3+s3+$0x0], $0xffff;
	_ =	sdelay $0x1  }
0x138: {  	v3 =	vadd.s32 v6, v0;
	_ =	sdelay $0x2  }
0x139: {  	v1 =	vshll.u32 v1, $0x2  }
0x13a: {  	[tilespmem:s13+$0xFFFFFF10] =	vst v1  }
0x13b: {  	v1 =	vld.idx.msk [tilespmem:v3+s3+$0x0], $0xffff;
	_ =	sdelay $0x1  }
0x13c: {  	v3 =	vadd.s32 v7, v0;
	_ =	sdelay $0x2  }
0x13d: {  	v1 =	vshll.u32 v1, $0x2  }
0x13e: {  	[tilespmem:s13+$0xFFFFFF20] =	vst v1  }
0x13f: {  	v1 =	vld.idx.msk [tilespmem:v3+s3+$0x0], $0xffff;
	_ =	sdelay $0x1  }
0x140: {  	v3 =	vadd.s32 v8, v0;
	_ =	sdelay $0x2  }
0x141: {  	v1 =	vshll.u32 v1, $0x2  }
0x142: {  	[tilespmem:s13+$0xFFFFFF30] =	vst v1  }
0x143: {  	v1 =	vld.idx.msk [tilespmem:v3+s3+$0x0], $0xffff;
	_ =	sdelay $0x1  }
0x144: {  	v3 =	vadd.s32 v9, v0;
	_ =	sdelay $0x2  }
0x145: {  	v1 =	vshll.u32 v1, $0x2  }
0x146: {  	[tilespmem:s13+$0xFFFFFF40] =	vst v1  }
0x147: {  	v1 =	vld.idx.msk [tilespmem:v3+s3+$0x0], $0xffff;
	_ =	sdelay $0x1  }
0x148: {  	v3 =	vadd.s32 v10, v0;
	_ =	sdelay $0x2  }
0x149: {  	v1 =	vshll.u32 v1, $0x2  }
0x14a: {  	[tilespmem:s13+$0xFFFFFF50] =	vst v1  }
0x14b: {  	v1 =	vld.idx.msk [tilespmem:v3+s3+$0x0], $0xffff;
	_ =	sdelay $0x1  }
0x14c: {  	v3 =	vadd.s32 v11, v0;
	_ =	sdelay $0x2  }
0x14d: {  	v1 =	vshll.u32 v1, $0x2  }
0x14e: {  	[tilespmem:s13+$0xFFFFFF60] =	vst v1  }
0x14f: {  	v1 =	vld.idx.msk [tilespmem:v3+s3+$0x0], $0xffff;
	_ =	sdelay $0x1  }
0x150: {  	v3 =	vadd.s32 v12, v0;
	_ =	sdelay $0x2  }
0x151: {  	v1 =	vshll.u32 v1, $0x2  }
0x152: {  	[tilespmem:s13+$0xFFFFFF70] =	vst v1  }
0x153: {  	v1 =	vld.idx.msk [tilespmem:v3+s3+$0x0], $0xffff;
	_ =	sdelay $0x1  }
0x154: {  	v3 =	vadd.s32 v13, v0;
	_ =	sdelay $0x2  }
0x155: {  	v1 =	vshll.u32 v1, $0x2  }
0x156: {  	[tilespmem:s13+$0xFFFFFF80] =	vst v1  }
0x157: {  	v1 =	vld.idx.msk [tilespmem:v3+s3+$0x0], $0xffff;
	_ =	sdelay $0x1  }
0x158: {  	v3 =	vadd.s32 v14, v0;
	_ =	sdelay $0x2  }
0x159: {  	v1 =	vshll.u32 v1, $0x2  }
0x15a: {  	[tilespmem:s13+$0xFFFFFF90] =	vst v1  }
0x15b: {  	v1 =	vld.idx.msk [tilespmem:v3+s3+$0x0], $0xffff;
	_ =	sdelay $0x1  }
0x15c: {  	v3 =	vadd.s32 v15, v0;
	_ =	sdelay $0x2  }
0x15d: {  	v1 =	vshll.u32 v1, $0x2  }
0x15e: {  	[tilespmem:s13+$0xFFFFFFA0] =	vst v1  }
0x15f: {  	v1 =	vld.idx.msk [tilespmem:v3+s3+$0x0], $0xffff;
	_ =	sdelay $0x1  }
0x160: {  	v3 =	vadd.s32 v16, v0;
	_ =	sdelay $0x2  }
0x161: {  	v1 =	vshll.u32 v1, $0x2  }
0x162: {  	[tilespmem:s13+$0xFFFFFFB0] =	vst v1  }
0x163: {  	v1 =	vld.idx.msk [tilespmem:v3+s3+$0x0], $0xffff;
	_ =	sdelay $0x1  }
0x164: {  	v3 =	vadd.s32 v17, v0;
	_ =	sdelay $0x2  }
0x165: {  	v1 =	vshll.u32 v1, $0x2  }
0x166: {  	[tilespmem:s13+$0xFFFFFFC0] =	vst v1  }
0x167: {  	v1 =	vld.idx.msk [tilespmem:v3+s3+$0x0], $0xffff;
	_ =	sdelay $0x1  }
0x168: {  	v3 =	vadd.s32 v18, v0;
	_ =	sdelay $0x2  }
0x169: {  	v1 =	vshll.u32 v1, $0x2  }
0x16a: {  	[tilespmem:s13+$0xFFFFFFD0] =	vst v1  }
0x16b: {  	v1 =	vld.idx.msk [tilespmem:v3+s3+$0x0], $0xffff;
	_ =	sdelay $0x1  }
0x16c: {  	v3 =	vadd.s32 v19, v0;
	_ =	sdelay $0x2  }
0x16d: {  	v1 =	vshll.u32 v1, $0x2  }
0x16e: {  	[tilespmem:s13+$0xFFFFFFE0] =	vst v1  }
0x16f: {  	v1 =	vld.idx.msk [tilespmem:v3+s3+$0x0], $0xffff;
	_ =	sdelay $0x1  }
0x170: {  	v3 =	vadd.s32 v20, v0;
	_ =	sdelay $0x2  }
0x171: {  	v1 =	vshll.u32 v1, $0x2  }
0x172: {  	[tilespmem:s13+$0xFFFFFFF0] =	vst v1  }
0x173: {  	v1 =	vld.idx.msk [tilespmem:v3+s3+$0x0], $0xffff;
	_ =	sdelay $0x1  }
0x174: {  	v3 =	vadd.s32 v21, v0;
	_ =	sdelay $0x2  }
0x175: {  	v1 =	vshll.u32 v1, $0x2  }
0x176: {  	[tilespmem:s13+$0x0] =	vst v1  }
0x177: {  	v1 =	vld.idx.msk [tilespmem:v3+s3+$0x0], $0xffff;
	_ =	sdelay $0x1  }
0x178: {  	v3 =	vadd.s32 v22, v0;
	_ =	sdelay $0x2  }
0x179: {  	v1 =	vshll.u32 v1, $0x2  }
0x17a: {  	[tilespmem:s13+$0x10] =	vst v1  }
0x17b: {  	v1 =	vld.idx.msk [tilespmem:v3+s3+$0x0], $0xffff;
	_ =	sdelay $0x1  }
0x17c: {  	v3 =	vadd.s32 v23, v0;
	_ =	sdelay $0x2  }
0x17d: {  	v1 =	vshll.u32 v1, $0x2  }
0x17e: {  	[tilespmem:s13+$0x20] =	vst v1  }
0x17f: {  	v1 =	vld.idx.msk [tilespmem:v3+s3+$0x0], $0xffff;
	_ =	sdelay $0x1  }
0x180: {  	v3 =	vadd.s32 v24, v0;
	_ =	sdelay $0x2  }
0x181: {  	v1 =	vshll.u32 v1, $0x2  }
0x182: {  	[tilespmem:s13+$0x30] =	vst v1  }
0x183: {  	v1 =	vld.idx.msk [tilespmem:v3+s3+$0x0], $0xffff;
	_ =	sdelay $0x1  }
0x184: {  	v3 =	vadd.s32 v25, v0;
	_ =	sdelay $0x2  }
0x185: {  	v1 =	vshll.u32 v1, $0x2  }
0x186: {  	[tilespmem:s13+$0x40] =	vst v1  }
0x187: {  	v1 =	vld.idx.msk [tilespmem:v3+s3+$0x0], $0xffff;
	_ =	sdelay $0x1  }
0x188: {  	v3 =	vadd.s32 v26, v0;
	_ =	sdelay $0x2  }
0x189: {  	v1 =	vshll.u32 v1, $0x2  }
0x18a: {  	[tilespmem:s13+$0x50] =	vst v1  }
0x18b: {  	v1 =	vld.idx.msk [tilespmem:v3+s3+$0x0], $0xffff;
	_ =	sdelay $0x1  }
0x18c: {  	v3 =	vadd.s32 v27, v0;
	_ =	sdelay $0x2  }
0x18d: {  	v1 =	vshll.u32 v1, $0x2  }
0x18e: {  	[tilespmem:s13+$0x60] =	vst v1  }
0x18f: {  	v1 =	vld.idx.msk [tilespmem:v3+s3+$0x0], $0xffff;
	_ =	sdelay $0x1  }
0x190: {  	v3 =	vadd.s32 v29, v0;
	_ =	sdelay $0x2  }
0x191: {  	v1 =	vshll.u32 v1, $0x2  }
0x192: {  	[tilespmem:s13+$0x70] =	vst v1  }
0x193: {  	v1 =	vld.idx.msk [tilespmem:v3+s3+$0x0], $0xffff;
	_ =	sdelay $0x1  }
0x194: {  	v3 =	vadd.s32 v30, v0;
	_ =	sdelay $0x2  }
0x195: {  	v1 =	vshll.u32 v1, $0x2  }
0x196: {  	[tilespmem:s13+$0x80] =	vst v1  }
0x197: {  	v1 =	vld.idx.msk [tilespmem:v3+s3+$0x0], $0xffff;
	_ =	sdelay $0x1  }
0x198: {  	v3 =	vadd.s32 v31, v0;
	_ =	sdelay $0x2  }
0x199: {  	v1 =	vshll.u32 v1, $0x2  }
0x19a: {  	[tilespmem:s13+$0x90] =	vst v1  }
0x19b: {  	v1 =	vld.idx.msk [tilespmem:v3+s3+$0x0], $0xffff;
	_ =	sdelay $0x1  }
0x19c: {  	v3 =	vadd.s32 v32, v0;
	_ =	sdelay $0x2  }
0x19d: {  	v1 =	vshll.u32 v1, $0x2  }
0x19e: {  	[tilespmem:s13+$0xA0] =	vst v1  }
0x19f: {  	v1 =	vld.idx.msk [tilespmem:v3+s3+$0x0], $0xffff;
	_ =	sdelay $0x1  }
0x1a0: {  	v3 =	vadd.s32 v33, v0;
	_ =	sdelay $0x2  }
0x1a1: {  	v1 =	vshll.u32 v1, $0x2  }
0x1a2: {  	[tilespmem:s13+$0xB0] =	vst v1  }
0x1a3: {  	v1 =	vld.idx.msk [tilespmem:v3+s3+$0x0], $0xffff;
	_ =	sdelay $0x1  }
0x1a4: {  	v3 =	vadd.s32 v34, v0;
	_ =	sdelay $0x2  }
0x1a5: {  	v1 =	vshll.u32 v1, $0x2  }
0x1a6: {  	[tilespmem:s13+$0xC0] =	vst v1  }
0x1a7: {  	v1 =	vld.idx.msk [tilespmem:v3+s3+$0x0], $0xffff;
	_ =	sdelay $0x1  }
0x1a8: {  	v3 =	vadd.s32 v35, v0;
	_ =	sdelay $0x2  }
0x1a9: {  	v1 =	vshll.u32 v1, $0x2  }
0x1aa: {  	[tilespmem:s13+$0xD0] =	vst v1  }
0x1ab: {  	v1 =	vld.idx.msk [tilespmem:v3+s3+$0x0], $0xffff;
	_ =	sdelay $0x1  }
0x1ac: {  	v0 =	vadd.s32 v36, v0;
	_ =	sdelay $0x2  }
0x1ad: {  	v1 =	vshll.u32 v1, $0x2  }
0x1ae: {  	[tilespmem:s13+$0xE0] =	vst v1  }
0x1af: {  	v0 =	vld.idx.msk [tilespmem:v0+s3+$0x0], $0xffff;
	_ =	sdelay $0x4  }
0x1b0: {  	v0 =	vshll.u32 v0, $0x2  }
0x1b1: {  	s15 =	simm.s32 $0x7000;
	[tilespmem:s13+$0xF0] =	vst v0  }
0x1b2: {  	[tilespmem:s14], [sflag:$0x1] =	stream.indirect.gather [hbm4b:s4+s12], $0x20, s15, s12, $0xb8;
	[tilespmem:$0x19400] =	vst v63  }
0x1b3: {  	s16 =	simm.s32 $0x7080;
	s13 =	simm.s32 $0xE400  }
0x1b4: {  	[tilespmem:s13], [sflag:$0x1] =	stream.indirect.gather [hbm4b:s4+s12], $0x20, s16, s12, $0xb8;
	[tilespmem:$0x19400] =	vst v63  }
0x1b5: {  	s18 =	simm.s32 $0xF400;
	s19 =	simm.s32 $0x7180  }
0x1b6: {  	[tilespmem:s18], [sflag:$0x1] =	stream.indirect.gather [hbm4b:s4+s12], $0x20, s17, s12, $0xb8;
	[tilespmem:$0x19400] =	vst v63  }
0x1b7: {  	s20 =	simm.s32 $0x10400;
	s0 =	simm.s32 $0x0;
	s13 =	simm.s32 $0x0  }
0x1b8: {  	[tilespmem:s20], [sflag:$0x1] =	stream.indirect.gather [hbm4b:s4+s12], $0x20, s19, s12, $0xb8;
	[tilespmem:$0x19400] =	vst v63  }
.LBB2_4:
0x1b9: {  	s15 =	sshllo.u32 s13, $0x1  }
0x1ba: {  	s16 =	sshll.u32 s15, $0x9  }
0x1bb: {  	s16 =	sand.u32 $0x3FFFFE00, s16  }
0x1bc: {  	s18 =	sadd.s32 $0x7000, s16  }
0x1bd: {  	[tilespmem:s21], [sflag:$0x2] =	stream.indirect.gather [hbm4b:s4+s12], $0x20, s18, s12, $0xb8;
	[tilespmem:$0x19400] =	vst v63  }
0x1be: {  	s20 =	sadd.s32 $0x7080, s16  }
0x1bf: {  	[tilespmem:s22], [sflag:$0x2] =	stream.indirect.gather [hbm4b:s4+s12], $0x20, s20, s12, $0xb8;
	[tilespmem:$0x19400] =	vst v63  }
0x1c0: {  	s19 =	sadd.s32 $0x7100, s16  }
0x1c1: {  	[tilespmem:s23], [sflag:$0x2] =	stream.indirect.gather [hbm4b:s4+s12], $0x20, s19, s12, $0xb8;
	[tilespmem:$0x19400] =	vst v63  }
0x1c2: {  	s16 =	sadd.s32 $0x7180, s16  }
0x1c3: {  	[tilespmem:s24], [sflag:$0x2] =	stream.indirect.gather [hbm4b:s4+s12], $0x20, s16, s12, $0xb8;
	[tilespmem:$0x19400] =	vst v63  }
0x1c4: {  	_ =	swait.ge [sflag:s25], $0x1000  }
0x1c5: {  	[sflag:s25] =	ssyncset.done $0x0  }
0x1c6: {  	[sflag:s25] =	ssyncadd.s32 $0xFFFFF000  }
0x1c7: {  	_ =	swait.ge [sflag:s25], $0x1000  }
0x1c8: {  	[sflag:s25] =	ssyncset.done $0x0  }
0x1c9: {  	v0 =	vadd.s32 s0, v28;
	[sflag:s25] =	ssyncadd.s32 $0xFFFFF000  }
0x1ca: {  	v33 =	vand.u32 $0x1F, v0;
	_ =	swait.ge [sflag:s25], $0x1000  }
0x1cb: {  	v1 =	vor.u32 v37, v33;
	[sflag:s25] =	ssyncset.done $0x0  }
0x1cc: {  	[sflag:s25] =	ssyncadd.s32 $0xFFFFF000  }
0x1cd: {  	v3 =	vshll.u32 v0, $0x9;
	v0 =	vshll.u32 v0, $0x7;
	_ =	swait.ge [sflag:s25], $0x1000  }
0x1ce: {  	v3 =	vand.u32 $0x3000, v3;
	v0 =	vand.u32 $0x380, v0;
	[sflag:s25] =	ssyncset.done $0x0  }
0x1cf: {  	v0 =	vor.u32 v0, v3;
	[sflag:s25] =	ssyncadd.s32 $0xFFFFF000  }
0x1d0: {  	v3 =	vor.u32 v28, v0;
	v1 =	vld.idx.msk [tilespmem:v1+s14+$0x0], $0xffff  }
0x1d1: {  	v4 =	vor.u32 v40, v33;
	_ =	sdelay $0x3  }
0x1d2: {  	[tilespmem:v3+s26+$0x0] =	vst.idx.msk $0xffff, v1  }
0x1d3: {  	v3 =	vor.u32 v43, v0;
	v1 =	vld.idx.msk [tilespmem:v4+s14+$0x0], $0xffff  }
0x1d4: {  	v4 =	vor.u32 v44, v33;
	_ =	sdelay $0x3  }
0x1d5: {  	[tilespmem:v3+s26+$0x0] =	vst.idx.msk $0xffff, v1  }
0x1d6: {  	v3 =	vor.u32 v46, v0;
	v1 =	vld.idx.msk [tilespmem:v4+s14+$0x0], $0xffff  }
0x1d7: {  	v4 =	vor.u32 v49, v33;
	_ =	sdelay $0x3  }
0x1d8: {  	[tilespmem:v3+s26+$0x0] =	vst.idx.msk $0xffff, v1  }
0x1d9: {  	v3 =	vor.u32 v42, v0;
	v1 =	vld.idx.msk [tilespmem:v4+s14+$0x0], $0xffff  }
0x1da: {  	v4 =	vor.u32 v41, v33;
	_ =	sdelay $0x3  }
0x1db: {  	[tilespmem:v3+s26+$0x0] =	vst.idx.msk $0xffff, v1  }
0x1dc: {  	v3 =	vor.u32 v45, v0;
	v1 =	vld.idx.msk [tilespmem:v4+s14+$0x0], $0xffff  }
0x1dd: {  	v4 =	vor.u32 v47, v33;
	_ =	sdelay $0x3  }
0x1de: {  	[tilespmem:v3+s26+$0x0] =	vst.idx.msk $0xffff, v1  }
0x1df: {  	v3 =	vor.u32 v48, v0;
	v1 =	vld.idx.msk [tilespmem:v4+s14+$0x0], $0xffff  }
0x1e0: {  	v4 =	vor.u32 v50, v33;
	_ =	sdelay $0x3  }
0x1e1: {  	[tilespmem:v3+s26+$0x0] =	vst.idx.msk $0xffff, v1  }
0x1e2: {  	v3 =	vor.u32 v52, v0;
	v1 =	vld.idx.msk [tilespmem:v4+s14+$0x0], $0xffff  }
0x1e3: {  	v4 =	vor.u32 v54, v33;
	_ =	sdelay $0x3  }
0x1e4: {  	[tilespmem:v3+s26+$0x0] =	vst.idx.msk $0xffff, v1  }
0x1e5: {  	v3 =	vor.u32 v51, v0;
	v1 =	vld.idx.msk [tilespmem:v4+s14+$0x0], $0xffff  }
0x1e6: {  	v4 =	vor.u32 v53, v33;
	_ =	sdelay $0x3  }
0x1e7: {  	[tilespmem:v3+s26+$0x0] =	vst.idx.msk $0xffff, v1  }
0x1e8: {  	v3 =	vor.u32 v55, v0;
	v1 =	vld.idx.msk [tilespmem:v4+s14+$0x0], $0xffff  }
0x1e9: {  	v4 =	vor.u32 v56, v33;
	_ =	sdelay $0x3  }
0x1ea: {  	[tilespmem:v3+s26+$0x0] =	vst.idx.msk $0xffff, v1  }
0x1eb: {  	v3 =	vor.u32 v57, v0;
	v1 =	vld.idx.msk [tilespmem:v4+s14+$0x0], $0xffff  }
0x1ec: {  	v4 =	vor.u32 v58, v33;
	_ =	sdelay $0x3  }
0x1ed: {  	[tilespmem:v3+s26+$0x0] =	vst.idx.msk $0xffff, v1  }
0x1ee: {  	v3 =	vor.u32 v59, v0;
	v1 =	vld.idx.msk [tilespmem:v4+s14+$0x0], $0xffff  }
0x1ef: {  	v4 =	vor.u32 v60, v33;
	_ =	sdelay $0x3  }
0x1f0: {  	[tilespmem:v3+s26+$0x0] =	vst.idx.msk $0xffff, v1  }
0x1f1: {  	v3 =	vor.u32 v61, v0;
	v1 =	vld.idx.msk [tilespmem:v4+s14+$0x0], $0xffff  }
0x1f2: {  	v4 =	vor.u32 v62, v33;
	_ =	sdelay $0x3  }
0x1f3: {  	[tilespmem:v3+s26+$0x0] =	vst.idx.msk $0xffff, v1  }
0x1f4: {  	v3 =	vor.u32 v63, v0;
	v1 =	vld.idx.msk [tilespmem:v4+s14+$0x0], $0xffff  }
0x1f5: {  	v4 =	vor.u32 v2, v33;
	_ =	sdelay $0x3  }
0x1f6: {  	[tilespmem:v3+s26+$0x0] =	vst.idx.msk $0xffff, v1  }
0x1f7: {  	v3 =	vor.u32 v38, v0;
	v1 =	vld.idx.msk [tilespmem:v4+s14+$0x0], $0xffff  }
0x1f8: {  	v4 =	vor.u32 v39, v33;
	_ =	sdelay $0x3  }
0x1f9: {  	[tilespmem:v3+s26+$0x0] =	vst.idx.msk $0xffff, v1;
	v3 =	vld [tilespmem:$0x1FDC0]  }
0x1fa: {  	v1 =	vld.idx.msk [tilespmem:v4+s14+$0x0], $0xffff  }
0x1fb: {  	v4 =	vld [tilespmem:$0x1FDD0];
	_ =	sdelay $0x3  }
0x1fc: {  	v3 =	vor.u32 v3, v0  }
0x1fd: {  	v4 =	vor.u32 v4, v33;
	_ =	sdelay $0x3  }
0x1fe: {  	[tilespmem:v3+s26+$0x0] =	vst.idx.msk $0xffff, v1;
	v3 =	vld [tilespmem:$0x1FDE0]  }
0x1ff: {  	v1 =	vld.idx.msk [tilespmem:v4+s14+$0x0], $0xffff  }
0x200: {  	v4 =	vld [tilespmem:$0x1FDF0];
	_ =	sdelay $0x3  }
0x201: {  	v3 =	vor.u32 v3, v0  }
0x202: {  	v4 =	vor.u32 v4, v33;
	_ =	sdelay $0x3  }
0x203: {  	[tilespmem:v3+s26+$0x0] =	vst.idx.msk $0xffff, v1;
	v1 =	vor.u32 $0x800, v28  }
0x204: {  	v6 =	vor.u32 $0x2200, v37;
	v3 =	vld.idx.msk [tilespmem:v4+s14+$0x0], $0xffff;
	v5 =	vor.u32 v1, v0  }
0x205: {  	[tilespmem:$0x1FDB0] =	vst v6;
	v6 =	vor.u32 v6, v33;
	_ =	sdelay $0x3  }
0x206: {  	[tilespmem:v5+s26+$0x0] =	vst.idx.msk $0xffff, v3;
	v5 =	vor.u32 $0x810, v28  }
0x207: {  	v8 =	vor.u32 $0x2400, v37;
	v6 =	vld.idx.msk [tilespmem:v6+s14+$0x0], $0xffff;
	v3 =	vmov v5;
	v5 =	vor.u32 v5, v0  }
0x208: {  	v7 =	vmov v8;
	v8 =	vor.u32 v8, v33;
	_ =	sdelay $0x3  }
0x209: {  	[tilespmem:v5+s26+$0x0] =	vst.idx.msk $0xffff, v6;
	v5 =	vor.u32 $0x820, v28  }
0x20a: {  	v10 =	vor.u32 $0x2600, v37;
	v6 =	vld.idx.msk [tilespmem:v8+s14+$0x0], $0xffff;
	v8 =	vmov v5;
	v5 =	vor.u32 v5, v0  }
0x20b: {  	v9 =	vmov v10;
	v10 =	vor.u32 v10, v33;
	_ =	sdelay $0x3  }
0x20c: {  	[tilespmem:v5+s26+$0x0] =	vst.idx.msk $0xffff, v6;
	v5 =	vor.u32 $0x830, v28  }
0x20d: {  	v12 =	vor.u32 $0x2800, v37;
	v6 =	vld.idx.msk [tilespmem:v10+s14+$0x0], $0xffff;
	v10 =	vmov v5;
	v5 =	vor.u32 v5, v0  }
0x20e: {  	v11 =	vmov v12;
	v12 =	vor.u32 v12, v33;
	_ =	sdelay $0x3  }
0x20f: {  	[tilespmem:v5+s26+$0x0] =	vst.idx.msk $0xffff, v6;
	v5 =	vor.u32 $0x840, v28  }
0x210: {  	v14 =	vor.u32 $0x2A00, v37;
	v6 =	vld.idx.msk [tilespmem:v12+s14+$0x0], $0xffff;
	v12 =	vmov v5;
	v5 =	vor.u32 v5, v0  }
0x211: {  	v13 =	vmov v14;
	v14 =	vor.u32 v14, v33;
	_ =	sdelay $0x3  }
0x212: {  	[tilespmem:v5+s26+$0x0] =	vst.idx.msk $0xffff, v6;
	v5 =	vor.u32 $0x850, v28  }
0x213: {  	v6 =	vld.idx.msk [tilespmem:v14+s14+$0x0], $0xffff;
	v14 =	vmov v5;
	v15 =	vor.u32 v5, v0;
	v5 =	vor.u32 $0x2C00, v37  }
0x214: {  	v16 =	vor.u32 v5, v33;
	_ =	sdelay $0x3  }
0x215: {  	v4 =	vmov v5;
	v5 =	vor.u32 $0x860, v28;
	[tilespmem:v15+s26+$0x0] =	vst.idx.msk $0xffff, v6  }
0x216: {  	v17 =	vor.u32 v5, v0;
	v15 =	vor.u32 $0x2E00, v37;
	v16 =	vld.idx.msk [tilespmem:v16+s14+$0x0], $0xffff  }
0x217: {  	v18 =	vor.u32 v15, v33;
	_ =	sdelay $0x3  }
0x218: {  	[tilespmem:v17+s26+$0x0] =	vst.idx.msk $0xffff, v16;
	v16 =	vor.u32 $0x870, v28  }
0x219: {  	v17 =	vor.u32 $0x3000, v37;
	v18 =	vld.idx.msk [tilespmem:v18+s14+$0x0], $0xffff;
	v19 =	vor.u32 v16, v0  }
0x21a: {  	v20 =	vor.u32 v17, v33;
	_ =	sdelay $0x3  }
0x21b: {  	[tilespmem:v19+s26+$0x0] =	vst.idx.msk $0xffff, v18;
	v18 =	vor.u32 $0xC00, v28  }
0x21c: {  	v19 =	vor.u32 $0x3200, v37;
	v20 =	vld.idx.msk [tilespmem:v20+s14+$0x0], $0xffff;
	v21 =	vor.u32 v18, v0  }
0x21d: {  	v22 =	vor.u32 v19, v33;
	_ =	sdelay $0x3  }
0x21e: {  	[tilespmem:v21+s26+$0x0] =	vst.idx.msk $0xffff, v20;
	v20 =	vor.u32 $0xC10, v28  }
0x21f: {  	v21 =	vor.u32 $0x3400, v37;
	v22 =	vld.idx.msk [tilespmem:v22+s14+$0x0], $0xffff;
	v23 =	vor.u32 v20, v0  }
0x220: {  	v24 =	vor.u32 v21, v33;
	_ =	sdelay $0x3  }
0x221: {  	[tilespmem:v23+s26+$0x0] =	vst.idx.msk $0xffff, v22;
	v22 =	vor.u32 $0xC20, v28  }
0x222: {  	v23 =	vor.u32 $0x3600, v37;
	v24 =	vld.idx.msk [tilespmem:v24+s14+$0x0], $0xffff;
	v25 =	vor.u32 v22, v0  }
0x223: {  	v26 =	vor.u32 v23, v33;
	_ =	sdelay $0x3  }
0x224: {  	[tilespmem:v25+s26+$0x0] =	vst.idx.msk $0xffff, v24;
	v24 =	vor.u32 $0xC30, v28  }
0x225: {  	v25 =	vor.u32 $0x3800, v37;
	v26 =	vld.idx.msk [tilespmem:v26+s14+$0x0], $0xffff;
	v27 =	vor.u32 v24, v0  }
0x226: {  	v29 =	vor.u32 v25, v33;
	_ =	sdelay $0x3  }
0x227: {  	[tilespmem:v27+s26+$0x0] =	vst.idx.msk $0xffff, v26;
	v26 =	vor.u32 $0xC40, v28  }
0x228: {  	v27 =	vor.u32 $0x3A00, v37;
	v29 =	vld.idx.msk [tilespmem:v29+s14+$0x0], $0xffff;
	v30 =	vor.u32 v26, v0  }
0x229: {  	v31 =	vor.u32 v27, v33;
	_ =	sdelay $0x3  }
0x22a: {  	[tilespmem:v30+s26+$0x0] =	vst.idx.msk $0xffff, v29;
	v29 =	vor.u32 $0xC50, v28  }
0x22b: {  	v30 =	vor.u32 $0x3C00, v37;
	v31 =	vld.idx.msk [tilespmem:v31+s14+$0x0], $0xffff;
	v32 =	vor.u32 v29, v0  }
0x22c: {  	v34 =	vor.u32 v30, v33;
	_ =	sdelay $0x3  }
0x22d: {  	[tilespmem:v32+s26+$0x0] =	vst.idx.msk $0xffff, v31;
	v31 =	vor.u32 $0xC60, v28  }
0x22e: {  	v32 =	vor.u32 $0x3E00, v37;
	v34 =	vld.idx.msk [tilespmem:v34+s14+$0x0], $0xffff;
	v35 =	vor.u32 v31, v0  }
0x22f: {  	v33 =	vor.u32 v32, v33;
	_ =	sdelay $0x2  }
0x230: {  	s20 =	simm.s32 $0x1  }
0x231: {  	v36 =	vadd.s32 s20, v28;
	[tilespmem:v35+s26+$0x0] =	vst.idx.msk $0xffff, v34  }
0x232: {  	s16 =	simm.s32 $0x2;
	[tilespmem:$0x1FDA0] =	vst v1;
	v1 =	vmovc v5;
	v5 =	vmovc v38;
	v38 =	vlaneseq.u32;
	v6 =	vmov v39;
	v35 =	vld.idx.msk [tilespmem:v33+s14+$0x0], $0xffff;
	v33 =	vor.u32 $0xC70, v28  }
.LBB2_5:
0x233: {  	v34 =	vand.u32 $0x1F, v36;
	v0 =	vor.u32 v33, v0  }
0x234: {  	v39 =	vmov v37;
	v37 =	vor.u32 v37, v34;
	_ =	sdelay $0x1  }
0x235: {  	v28 =	vshll.u32 v36, $0x9;
	v36 =	vshll.u32 v36, $0x7  }
0x236: {  	v28 =	vand.u32 $0x3000, v28;
	v36 =	vand.u32 $0x380, v36  }
0x237: {  	[tilespmem:v0+s26+$0x0] =	vst.idx.msk $0xffff, v35;
	v0 =	vor.u32 v36, v28  }
0x238: {  	v35 =	vld.idx.msk [tilespmem:v37+s14+$0x0], $0xffff;
	v28 =	vor.u32 v38, v0  }
0x239: {  	v36 =	vor.u32 v40, v34;
	_ =	sdelay $0x3  }
0x23a: {  	[tilespmem:v28+s26+$0x0] =	vst.idx.msk $0xffff, v35  }
0x23b: {  	v35 =	vor.u32 v43, v0;
	v28 =	vld.idx.msk [tilespmem:v36+s14+$0x0], $0xffff  }
0x23c: {  	v36 =	vor.u32 v44, v34;
	_ =	sdelay $0x3  }
0x23d: {  	[tilespmem:v35+s26+$0x0] =	vst.idx.msk $0xffff, v28  }
0x23e: {  	v35 =	vor.u32 v46, v0;
	v28 =	vld.idx.msk [tilespmem:v36+s14+$0x0], $0xffff  }
0x23f: {  	v36 =	vor.u32 v49, v34;
	_ =	sdelay $0x3  }
0x240: {  	[tilespmem:v35+s26+$0x0] =	vst.idx.msk $0xffff, v28  }
0x241: {  	v35 =	vor.u32 v42, v0;
	v28 =	vld.idx.msk [tilespmem:v36+s14+$0x0], $0xffff  }
0x242: {  	v36 =	vor.u32 v41, v34;
	_ =	sdelay $0x3  }
0x243: {  	[tilespmem:v35+s26+$0x0] =	vst.idx.msk $0xffff, v28  }
0x244: {  	v35 =	vor.u32 v45, v0;
	v28 =	vld.idx.msk [tilespmem:v36+s14+$0x0], $0xffff  }
0x245: {  	v36 =	vor.u32 v47, v34;
	_ =	sdelay $0x3  }
0x246: {  	[tilespmem:v35+s26+$0x0] =	vst.idx.msk $0xffff, v28  }
0x247: {  	v35 =	vor.u32 v48, v0;
	v28 =	vld.idx.msk [tilespmem:v36+s14+$0x0], $0xffff  }
0x248: {  	v36 =	vor.u32 v50, v34;
	_ =	sdelay $0x3  }
0x249: {  	[tilespmem:v35+s26+$0x0] =	vst.idx.msk $0xffff, v28  }
0x24a: {  	v35 =	vor.u32 v52, v0;
	v28 =	vld.idx.msk [tilespmem:v36+s14+$0x0], $0xffff  }
0x24b: {  	v36 =	vor.u32 v54, v34;
	_ =	sdelay $0x3  }
0x24c: {  	[tilespmem:v35+s26+$0x0] =	vst.idx.msk $0xffff, v28  }
0x24d: {  	v35 =	vor.u32 v51, v0;
	v28 =	vld.idx.msk [tilespmem:v36+s14+$0x0], $0xffff  }
0x24e: {  	v36 =	vor.u32 v53, v34;
	_ =	sdelay $0x3  }
0x24f: {  	[tilespmem:v35+s26+$0x0] =	vst.idx.msk $0xffff, v28  }
0x250: {  	v35 =	vor.u32 v55, v0;
	v28 =	vld.idx.msk [tilespmem:v36+s14+$0x0], $0xffff  }
0x251: {  	v36 =	vor.u32 v56, v34;
	_ =	sdelay $0x3  }
0x252: {  	[tilespmem:v35+s26+$0x0] =	vst.idx.msk $0xffff, v28  }
0x253: {  	v35 =	vor.u32 v57, v0;
	v28 =	vld.idx.msk [tilespmem:v36+s14+$0x0], $0xffff  }
0x254: {  	v36 =	vor.u32 v58, v34;
	_ =	sdelay $0x3  }
0x255: {  	[tilespmem:v35+s26+$0x0] =	vst.idx.msk $0xffff, v28  }
0x256: {  	v35 =	vor.u32 v59, v0;
	v28 =	vld.idx.msk [tilespmem:v36+s14+$0x0], $0xffff  }
0x257: {  	v36 =	vor.u32 v60, v34;
	_ =	sdelay $0x3  }
0x258: {  	[tilespmem:v35+s26+$0x0] =	vst.idx.msk $0xffff, v28  }
0x259: {  	v35 =	vor.u32 v61, v0;
	v28 =	vld.idx.msk [tilespmem:v36+s14+$0x0], $0xffff  }
0x25a: {  	v36 =	vor.u32 v62, v34;
	_ =	sdelay $0x3  }
0x25b: {  	[tilespmem:v35+s26+$0x0] =	vst.idx.msk $0xffff, v28  }
0x25c: {  	v35 =	vor.u32 v63, v0;
	v28 =	vld.idx.msk [tilespmem:v36+s14+$0x0], $0xffff  }
0x25d: {  	v36 =	vor.u32 v2, v34;
	_ =	sdelay $0x3  }
0x25e: {  	[tilespmem:v35+s26+$0x0] =	vst.idx.msk $0xffff, v28  }
0x25f: {  	v35 =	vor.u32 v5, v0;
	v28 =	vld.idx.msk [tilespmem:v36+s14+$0x0], $0xffff  }
0x260: {  	v36 =	vor.u32 v6, v34;
	_ =	sdelay $0x3  }
0x261: {  	[tilespmem:v35+s26+$0x0] =	vst.idx.msk $0xffff, v28  }
0x262: {  	v28 =	vld.idx.msk [tilespmem:v36+s14+$0x0], $0xffff  }
0x263: {  	v36 =	vld [tilespmem:$0x1FDC0];
	_ =	sdelay $0x4  }
0x264: {  	v35 =	vor.u32 v36, v0;
	v36 =	vld [tilespmem:$0x1FDD0];
	_ =	sdelay $0x4  }
0x265: {  	v36 =	vor.u32 v36, v34;
	_ =	sdelay $0x3  }
0x266: {  	[tilespmem:v35+s26+$0x0] =	vst.idx.msk $0xffff, v28  }
0x267: {  	v28 =	vld.idx.msk [tilespmem:v36+s14+$0x0], $0xffff  }
0x268: {  	v36 =	vld [tilespmem:$0x1FDE0];
	_ =	sdelay $0x4  }
0x269: {  	v35 =	vor.u32 v36, v0;
	v36 =	vld [tilespmem:$0x1FDF0];
	_ =	sdelay $0x4  }
0x26a: {  	v36 =	vor.u32 v36, v34;
	_ =	sdelay $0x3  }
0x26b: {  	[tilespmem:v35+s26+$0x0] =	vst.idx.msk $0xffff, v28  }
0x26c: {  	v28 =	vld.idx.msk [tilespmem:v36+s14+$0x0], $0xffff  }
0x26d: {  	v36 =	vld [tilespmem:$0x1FDA0];
	_ =	sdelay $0x4  }
0x26e: {  	v35 =	vor.u32 v36, v0;
	v36 =	vld [tilespmem:$0x1FDB0];
	_ =	sdelay $0x4  }
0x26f: {  	v36 =	vor.u32 v36, v34;
	_ =	sdelay $0x3  }
0x270: {  	[tilespmem:v35+s26+$0x0] =	vst.idx.msk $0xffff, v28  }
0x271: {  	v35 =	vor.u32 v3, v0;
	v28 =	vld.idx.msk [tilespmem:v36+s14+$0x0], $0xffff  }
0x272: {  	v36 =	vor.u32 v7, v34;
	_ =	sdelay $0x3  }
0x273: {  	[tilespmem:v35+s26+$0x0] =	vst.idx.msk $0xffff, v28  }
0x274: {  	v35 =	vor.u32 v8, v0;
	v28 =	vld.idx.msk [tilespmem:v36+s14+$0x0], $0xffff  }
0x275: {  	v36 =	vor.u32 v9, v34;
	_ =	sdelay $0x3  }
0x276: {  	[tilespmem:v35+s26+$0x0] =	vst.idx.msk $0xffff, v28  }
0x277: {  	v35 =	vor.u32 v10, v0;
	v28 =	vld.idx.msk [tilespmem:v36+s14+$0x0], $0xffff  }
0x278: {  	v36 =	vor.u32 v11, v34;
	_ =	sdelay $0x3  }
0x279: {  	[tilespmem:v35+s26+$0x0] =	vst.idx.msk $0xffff, v28  }
0x27a: {  	v35 =	vor.u32 v12, v0;
	v28 =	vld.idx.msk [tilespmem:v36+s14+$0x0], $0xffff  }
0x27b: {  	v36 =	vor.u32 v13, v34;
	_ =	sdelay $0x3  }
0x27c: {  	[tilespmem:v35+s26+$0x0] =	vst.idx.msk $0xffff, v28  }
0x27d: {  	v35 =	vor.u32 v14, v0;
	v28 =	vld.idx.msk [tilespmem:v36+s14+$0x0], $0xffff  }
0x27e: {  	v36 =	vor.u32 v4, v34;
	_ =	sdelay $0x3  }
0x27f: {  	[tilespmem:v35+s26+$0x0] =	vst.idx.msk $0xffff, v28  }
0x280: {  	v35 =	vor.u32 v1, v0;
	v28 =	vld.idx.msk [tilespmem:v36+s14+$0x0], $0xffff  }
0x281: {  	v36 =	vor.u32 v15, v34;
	_ =	sdelay $0x3  }
0x282: {  	[tilespmem:v35+s26+$0x0] =	vst.idx.msk $0xffff, v28  }
0x283: {  	v35 =	vor.u32 v16, v0;
	v28 =	vld.idx.msk [tilespmem:v36+s14+$0x0], $0xffff  }
0x284: {  	v36 =	vor.u32 v17, v34;
	_ =	sdelay $0x3  }
0x285: {  	[tilespmem:v35+s26+$0x0] =	vst.idx.msk $0xffff, v28  }
0x286: {  	v35 =	vor.u32 v18, v0;
	v28 =	vld.idx.msk [tilespmem:v36+s14+$0x0], $0xffff  }
0x287: {  	v36 =	vor.u32 v19, v34;
	_ =	sdelay $0x3  }
0x288: {  	[tilespmem:v35+s26+$0x0] =	vst.idx.msk $0xffff, v28  }
0x289: {  	v35 =	vor.u32 v20, v0;
	v28 =	vld.idx.msk [tilespmem:v36+s14+$0x0], $0xffff  }
0x28a: {  	v36 =	vor.u32 v21, v34;
	_ =	sdelay $0x3  }
0x28b: {  	[tilespmem:v35+s26+$0x0] =	vst.idx.msk $0xffff, v28  }
0x28c: {  	v35 =	vor.u32 v22, v0;
	v28 =	vld.idx.msk [tilespmem:v36+s14+$0x0], $0xffff  }
0x28d: {  	v36 =	vor.u32 v23, v34;
	_ =	sdelay $0x3  }
0x28e: {  	[tilespmem:v35+s26+$0x0] =	vst.idx.msk $0xffff, v28  }
0x28f: {  	v35 =	vor.u32 v24, v0;
	v28 =	vld.idx.msk [tilespmem:v36+s14+$0x0], $0xffff  }
0x290: {  	v36 =	vor.u32 v25, v34;
	_ =	sdelay $0x3  }
0x291: {  	[tilespmem:v35+s26+$0x0] =	vst.idx.msk $0xffff, v28  }
0x292: {  	v35 =	vor.u32 v26, v0;
	v28 =	vld.idx.msk [tilespmem:v36+s14+$0x0], $0xffff  }
0x293: {  	v36 =	vor.u32 v27, v34;
	_ =	sdelay $0x3  }
0x294: {  	[tilespmem:v35+s26+$0x0] =	vst.idx.msk $0xffff, v28  }
0x295: {  	v35 =	vor.u32 v29, v0;
	v28 =	vld.idx.msk [tilespmem:v36+s14+$0x0], $0xffff  }
0x296: {  	v36 =	vor.u32 v30, v34;
	_ =	sdelay $0x3  }
0x297: {  	[tilespmem:v35+s26+$0x0] =	vst.idx.msk $0xffff, v28  }
0x298: {  	v28 =	vld.idx.msk [tilespmem:v36+s14+$0x0], $0xffff;
	v36 =	vor.u32 v31, v0  }
0x299: {  	p0 =	sne.s32 s16, $0x1F;
	v34 =	vor.u32 v32, v34  }
.Ltmp1:
0x29a: {  	_ = 	snop;
	(pc) =	sbr.rel @p0 .LBB2_5-.Ltmp1, $3  }
0x29b: {  	_ =	sdelay $0x1  }
0x29c: {  	[tilespmem:v36+s26+$0x0] =	vst.idx.msk $0xffff, v28  }
0x29d: {  	v37 =	vmov v39;
	v36 =	vadd.s32 s16, v38;
	s16 =	sadd.s32 $0x1, s16;
	v35 =	vld.idx.msk [tilespmem:v34+s14+$0x0], $0xffff  }
0x29e: {  	v34 =	vand.u32 $0x1F, v36;
	v0 =	vor.u32 v33, v0  }
0x29f: {  	v28 =	vor.u32 v37, v34;
	_ =	sdelay $0x1  }
0x2a0: {  	v37 =	vshll.u32 v36, $0x9;
	v36 =	vshll.u32 v36, $0x7  }
0x2a1: {  	v37 =	vand.u32 $0x3000, v37;
	v36 =	vand.u32 $0x380, v36  }
0x2a2: {  	[tilespmem:v0+s26+$0x0] =	vst.idx.msk $0xffff, v35;
	v0 =	vor.u32 v36, v37  }
0x2a3: {  	v28 =	vld.idx.msk [tilespmem:v28+s14+$0x0], $0xffff;
	v35 =	vor.u32 v38, v0  }
0x2a4: {  	v36 =	vor.u32 v40, v34;
	_ =	sdelay $0x3  }
0x2a5: {  	[tilespmem:v35+s26+$0x0] =	vst.idx.msk $0xffff, v28  }
0x2a6: {  	v35 =	vor.u32 v43, v0;
	v28 =	vld.idx.msk [tilespmem:v36+s14+$0x0], $0xffff  }
0x2a7: {  	v36 =	vor.u32 v44, v34;
	_ =	sdelay $0x3  }
0x2a8: {  	[tilespmem:v35+s26+$0x0] =	vst.idx.msk $0xffff, v28  }
0x2a9: {  	v35 =	vor.u32 v46, v0;
	v28 =	vld.idx.msk [tilespmem:v36+s14+$0x0], $0xffff  }
0x2aa: {  	v36 =	vor.u32 v49, v34;
	_ =	sdelay $0x3  }
0x2ab: {  	[tilespmem:v35+s26+$0x0] =	vst.idx.msk $0xffff, v28  }
0x2ac: {  	v35 =	vor.u32 v42, v0;
	v28 =	vld.idx.msk [tilespmem:v36+s14+$0x0], $0xffff  }
0x2ad: {  	v36 =	vor.u32 v41, v34;
	_ =	sdelay $0x3  }
0x2ae: {  	[tilespmem:v35+s26+$0x0] =	vst.idx.msk $0xffff, v28  }
0x2af: {  	v35 =	vor.u32 v45, v0;
	v28 =	vld.idx.msk [tilespmem:v36+s14+$0x0], $0xffff  }
0x2b0: {  	v36 =	vor.u32 v47, v34;
	_ =	sdelay $0x3  }
0x2b1: {  	[tilespmem:v35+s26+$0x0] =	vst.idx.msk $0xffff, v28  }
0x2b2: {  	v35 =	vor.u32 v48, v0;
	v28 =	vld.idx.msk [tilespmem:v36+s14+$0x0], $0xffff  }
0x2b3: {  	v36 =	vor.u32 v50, v34;
	_ =	sdelay $0x3  }
0x2b4: {  	[tilespmem:v35+s26+$0x0] =	vst.idx.msk $0xffff, v28  }
0x2b5: {  	v35 =	vor.u32 v52, v0;
	v28 =	vld.idx.msk [tilespmem:v36+s14+$0x0], $0xffff  }
0x2b6: {  	v36 =	vor.u32 v54, v34;
	_ =	sdelay $0x3  }
0x2b7: {  	[tilespmem:v35+s26+$0x0] =	vst.idx.msk $0xffff, v28  }
0x2b8: {  	v35 =	vor.u32 v51, v0;
	v28 =	vld.idx.msk [tilespmem:v36+s14+$0x0], $0xffff  }
0x2b9: {  	v36 =	vor.u32 v53, v34;
	_ =	sdelay $0x3  }
0x2ba: {  	[tilespmem:v35+s26+$0x0] =	vst.idx.msk $0xffff, v28  }
0x2bb: {  	v35 =	vor.u32 v55, v0;
	v28 =	vld.idx.msk [tilespmem:v36+s14+$0x0], $0xffff  }
0x2bc: {  	v36 =	vor.u32 v56, v34;
	_ =	sdelay $0x3  }
0x2bd: {  	[tilespmem:v35+s26+$0x0] =	vst.idx.msk $0xffff, v28  }
0x2be: {  	v35 =	vor.u32 v57, v0;
	v28 =	vld.idx.msk [tilespmem:v36+s14+$0x0], $0xffff  }
0x2bf: {  	v36 =	vor.u32 v58, v34;
	_ =	sdelay $0x3  }
0x2c0: {  	[tilespmem:v35+s26+$0x0] =	vst.idx.msk $0xffff, v28  }
0x2c1: {  	v35 =	vor.u32 v59, v0;
	v28 =	vld.idx.msk [tilespmem:v36+s14+$0x0], $0xffff  }
0x2c2: {  	v36 =	vor.u32 v60, v34;
	_ =	sdelay $0x3  }
0x2c3: {  	[tilespmem:v35+s26+$0x0] =	vst.idx.msk $0xffff, v28  }
0x2c4: {  	v35 =	vor.u32 v61, v0;
	v28 =	vld.idx.msk [tilespmem:v36+s14+$0x0], $0xffff  }
0x2c5: {  	v36 =	vor.u32 v62, v34;
	_ =	sdelay $0x3  }
0x2c6: {  	[tilespmem:v35+s26+$0x0] =	vst.idx.msk $0xffff, v28  }
0x2c7: {  	v35 =	vor.u32 v63, v0;
	v28 =	vld.idx.msk [tilespmem:v36+s14+$0x0], $0xffff  }
0x2c8: {  	v36 =	vor.u32 v2, v34;
	_ =	sdelay $0x3  }
0x2c9: {  	[tilespmem:v35+s26+$0x0] =	vst.idx.msk $0xffff, v28  }
0x2ca: {  	v35 =	vor.u32 v5, v0;
	v28 =	vld.idx.msk [tilespmem:v36+s14+$0x0], $0xffff  }
0x2cb: {  	v36 =	vor.u32 v6, v34;
	_ =	sdelay $0x3  }
0x2cc: {  	[tilespmem:v35+s26+$0x0] =	vst.idx.msk $0xffff, v28  }
0x2cd: {  	v28 =	vld.idx.msk [tilespmem:v36+s14+$0x0], $0xffff;
	_ =	sdelay $0x4  }
0x2ce: {  	[tilespmem:$0x1FC70] =	vst v28;
	v28 =	vld [tilespmem:$0x1FDC0];
	_ =	sdelay $0x4  }
0x2cf: {  	v35 =	vor.u32 v28, v0;
	v28 =	vld [tilespmem:$0x1FDD0];
	_ =	sdelay $0x4  }
0x2d0: {  	v36 =	vor.u32 v28, v34;
	v28 =	vld [tilespmem:$0x1FC70];
	_ =	sdelay $0x4  }
0x2d1: {  	[tilespmem:v35+s26+$0x0] =	vst.idx.msk $0xffff, v28  }
0x2d2: {  	v28 =	vld.idx.msk [tilespmem:v36+s14+$0x0], $0xffff;
	_ =	sdelay $0x4  }
0x2d3: {  	[tilespmem:$0x1FC80] =	vst v28;
	v28 =	vld [tilespmem:$0x1FDE0];
	_ =	sdelay $0x4  }
0x2d4: {  	v35 =	vor.u32 v28, v0;
	v28 =	vld [tilespmem:$0x1FDF0];
	_ =	sdelay $0x4  }
0x2d5: {  	v36 =	vor.u32 v28, v34;
	v28 =	vld [tilespmem:$0x1FC80];
	_ =	sdelay $0x4  }
0x2d6: {  	[tilespmem:v35+s26+$0x0] =	vst.idx.msk $0xffff, v28  }
0x2d7: {  	v28 =	vld.idx.msk [tilespmem:v36+s14+$0x0], $0xffff;
	_ =	sdelay $0x4  }
0x2d8: {  	[tilespmem:$0x1FC90] =	vst v28;
	v28 =	vld [tilespmem:$0x1FDA0];
	_ =	sdelay $0x4  }
0x2d9: {  	v35 =	vor.u32 v28, v0;
	v28 =	vld [tilespmem:$0x1FDB0];
	_ =	sdelay $0x4  }
0x2da: {  	v36 =	vor.u32 v28, v34;
	v28 =	vld [tilespmem:$0x1FC90];
	_ =	sdelay $0x4  }
0x2db: {  	[tilespmem:v35+s26+$0x0] =	vst.idx.msk $0xffff, v28  }
0x2dc: {  	v28 =	vld.idx.msk [tilespmem:v36+s14+$0x0], $0xffff;
	_ =	sdelay $0x4  }
0x2dd: {  	[tilespmem:$0x1FCA0] =	vst v28  }
0x2de: {  	v35 =	vor.u32 v3, v0;
	v28 =	vld [tilespmem:$0x1FCA0]  }
0x2df: {  	v36 =	vor.u32 v7, v34;
	_ =	sdelay $0x3  }
0x2e0: {  	[tilespmem:v35+s26+$0x0] =	vst.idx.msk $0xffff, v28  }
0x2e1: {  	v28 =	vld.idx.msk [tilespmem:v36+s14+$0x0], $0xffff;
	_ =	sdelay $0x4  }
0x2e2: {  	[tilespmem:$0x1FCB0] =	vst v28  }
0x2e3: {  	v35 =	vor.u32 v8, v0;
	v28 =	vld [tilespmem:$0x1FCB0]  }
0x2e4: {  	v36 =	vor.u32 v9, v34;
	_ =	sdelay $0x3  }
0x2e5: {  	[tilespmem:v35+s26+$0x0] =	vst.idx.msk $0xffff, v28  }
0x2e6: {  	v28 =	vld.idx.msk [tilespmem:v36+s14+$0x0], $0xffff;
	_ =	sdelay $0x4  }
0x2e7: {  	[tilespmem:$0x1FCC0] =	vst v28  }
0x2e8: {  	v35 =	vor.u32 v10, v0;
	v28 =	vld [tilespmem:$0x1FCC0]  }
0x2e9: {  	v36 =	vor.u32 v11, v34;
	_ =	sdelay $0x3  }
0x2ea: {  	[tilespmem:v35+s26+$0x0] =	vst.idx.msk $0xffff, v28  }
0x2eb: {  	v28 =	vld.idx.msk [tilespmem:v36+s14+$0x0], $0xffff;
	_ =	sdelay $0x4  }
0x2ec: {  	[tilespmem:$0x1FCD0] =	vst v28  }
0x2ed: {  	v35 =	vor.u32 v12, v0;
	v28 =	vld [tilespmem:$0x1FCD0]  }
0x2ee: {  	v36 =	vor.u32 v13, v34;
	_ =	sdelay $0x3  }
0x2ef: {  	[tilespmem:v35+s26+$0x0] =	vst.idx.msk $0xffff, v28  }
0x2f0: {  	v28 =	vld.idx.msk [tilespmem:v36+s14+$0x0], $0xffff;
	_ =	sdelay $0x4  }
0x2f1: {  	[tilespmem:$0x1FCE0] =	vst v28  }
0x2f2: {  	v35 =	vor.u32 v14, v0;
	v28 =	vld [tilespmem:$0x1FCE0]  }
0x2f3: {  	v36 =	vor.u32 v4, v34;
	_ =	sdelay $0x3  }
0x2f4: {  	[tilespmem:v35+s26+$0x0] =	vst.idx.msk $0xffff, v28  }
0x2f5: {  	v35 =	vor.u32 v1, v0;
	v28 =	vld.idx.msk [tilespmem:v36+s14+$0x0], $0xffff  }
0x2f6: {  	v36 =	vor.u32 v15, v34;
	_ =	sdelay $0x3  }
0x2f7: {  	[tilespmem:v35+s26+$0x0] =	vst.idx.msk $0xffff, v28  }
0x2f8: {  	v35 =	vor.u32 v16, v0;
	v28 =	vld.idx.msk [tilespmem:v36+s14+$0x0], $0xffff  }
0x2f9: {  	v36 =	vor.u32 v17, v34;
	_ =	sdelay $0x3  }
0x2fa: {  	[tilespmem:v35+s26+$0x0] =	vst.idx.msk $0xffff, v28  }
0x2fb: {  	v35 =	vor.u32 v18, v0;
	v28 =	vld.idx.msk [tilespmem:v36+s14+$0x0], $0xffff  }
0x2fc: {  	v36 =	vor.u32 v19, v34;
	_ =	sdelay $0x3  }
0x2fd: {  	[tilespmem:v35+s26+$0x0] =	vst.idx.msk $0xffff, v28  }
0x2fe: {  	v35 =	vor.u32 v20, v0;
	v28 =	vld.idx.msk [tilespmem:v36+s14+$0x0], $0xffff  }
0x2ff: {  	v36 =	vor.u32 v21, v34;
	_ =	sdelay $0x3  }
0x300: {  	[tilespmem:v35+s26+$0x0] =	vst.idx.msk $0xffff, v28  }
0x301: {  	v35 =	vor.u32 v22, v0;
	v28 =	vld.idx.msk [tilespmem:v36+s14+$0x0], $0xffff  }
0x302: {  	v36 =	vor.u32 v23, v34;
	_ =	sdelay $0x3  }
0x303: {  	[tilespmem:v35+s26+$0x0] =	vst.idx.msk $0xffff, v28  }
0x304: {  	v35 =	vor.u32 v24, v0;
	v28 =	vld.idx.msk [tilespmem:v36+s14+$0x0], $0xffff  }
0x305: {  	v36 =	vor.u32 v25, v34;
	_ =	sdelay $0x3  }
0x306: {  	[tilespmem:v35+s26+$0x0] =	vst.idx.msk $0xffff, v28  }
0x307: {  	v35 =	vor.u32 v26, v0;
	v28 =	vld.idx.msk [tilespmem:v36+s14+$0x0], $0xffff  }
0x308: {  	v36 =	vor.u32 v27, v34;
	_ =	sdelay $0x3  }
0x309: {  	[tilespmem:v35+s26+$0x0] =	vst.idx.msk $0xffff, v28  }
0x30a: {  	v35 =	vor.u32 v29, v0;
	v28 =	vld.idx.msk [tilespmem:v36+s14+$0x0], $0xffff  }
0x30b: {  	v36 =	vor.u32 v30, v34;
	_ =	sdelay $0x2  }
0x30c: {  	[tilespmem:$0x1FCF0] =	vst v3  }
0x30d: {  	[tilespmem:v35+s26+$0x0] =	vst.idx.msk $0xffff, v28  }
0x30e: {  	[tilespmem:$0x1FD00] =	vst v7;
	v28 =	vld.idx.msk [tilespmem:v36+s14+$0x0], $0xffff;
	v36 =	vor.u32 v31, v0  }
0x30f: {  	[tilespmem:$0x1FD10] =	vst v8;
	v34 =	vor.u32 v32, v34  }
0x310: {  	[tilespmem:$0x1FD20] =	vst v9  }
0x311: {  	[tilespmem:$0x1FD30] =	vst v10  }
0x312: {  	[tilespmem:$0x1FD40] =	vst v11  }
0x313: {  	[tilespmem:v36+s26+$0x0] =	vst.idx.msk $0xffff, v28  }
0x314: {  	[tilespmem:$0x1FD50] =	vst v12;
	v0 =	vor.u32 v33, v0;
	v28 =	vld.idx.msk [tilespmem:v34+s14+$0x0], $0xffff  }
0x315: {  	[tilespmem:$0x1FD60] =	vst v13  }
0x316: {  	[tilespmem:$0x1FD70] =	vst v14;
	s16 =	sshll.u32 s13, $0x14  }
0x317: {  	[tilespmem:$0x1FD80] =	vst v4;
	s16 =	sor.u32 s6, s16  }
0x318: {  	[tilespmem:$0x1FD90] =	vst v1;
	s16 =	sshrl.u32 s16, $0x3  }
0x319: {  	s18 =	sadd.s32 s2, s16;
	[tilespmem:v0+s26+$0x0] =	vst.idx.msk $0xffff, v28  }
0x31a: {  	[hbm4b:s18+s3] =	stream.linear.scatter [tilespmem:s26], [sflag:$0x3], $0x1000, $0x38;
	[tilespmem:$0x19400] =	vst v63  }
0x31b: {  	_ =	swait.ge [sflag:s11], $0x1000  }
0x31c: {  	[sflag:s11] =	ssyncset.done $0x0  }
0x31d: {  	s19 =	sadd.s32 s16, s7;
	[sflag:s11] =	ssyncadd.s32 $0xFFFFF000  }
0x31e: {  	[hbm4b:s19+s3] =	stream.linear.scatter [tilespmem:s28], [sflag:$0x3], $0x1000, $0x38;
	[tilespmem:$0x19400] =	vst v63  }
0x31f: {  	_ =	swait.ge [sflag:s11], $0x1000  }
0x320: {  	[sflag:s11] =	ssyncset.done $0x0  }
0x321: {  	s20 =	sadd.s32 s16, s8;
	[sflag:s11] =	ssyncadd.s32 $0xFFFFF000  }
0x322: {  	[hbm4b:s20+s3] =	stream.linear.scatter [tilespmem:s29], [sflag:$0x3], $0x1000, $0x38;
	[tilespmem:$0x19400] =	vst v63  }
0x323: {  	_ =	swait.ge [sflag:s11], $0x1000  }
0x324: {  	[sflag:s11] =	ssyncset.done $0x0  }
0x325: {  	p0 =	seq.s32 s13, $0x18;
	s16 =	sadd.s32 s16, s9;
	[sflag:s11] =	ssyncadd.s32 $0xFFFFF000  }
0x326: {  	[hbm4b:s16+s3] =	stream.linear.scatter [tilespmem:s30], [sflag:$0x3], $0x1000, $0x38;
	[tilespmem:$0x19400] =	vst v63  }
0x327: {  	s16 =	sshll.u32 @!p0 s13, $0xA;
	_ =	swait.ge [sflag:s11], $0x1000  }
0x328: {  	s19 =	simm.s32 @!p0 $0x80;
	s16 =	sand.u32 @!p0 $0x3FFFFC00, s16;
	[sflag:s11] =	ssyncset.done $0x0  }
0x329: {  	s20 =	simm.s32 @!p0 $0xD400;
	s18 =	sadd.s32 @!p0 $0x7400, s16;
	[sflag:s11] =	ssyncadd.s32 $0xFFFFF000  }
0x32a: {  	[tilespmem:s20], [sflag:$0x1] =	stream.indirect.gather @!p0 [hbm4b:s4+s19], $0x20, s18, s19, $0xb8;
	[tilespmem:$0x19400] =	vst v63  }
0x32b: {  	s18 =	sadd.s32 @!p0 $0x7480, s16;
	s20 =	simm.s32 @!p0 $0xE400  }
0x32c: {  	[tilespmem:s20], [sflag:$0x1] =	stream.indirect.gather @!p0 [hbm4b:s4+s19], $0x20, s18, s19, $0xb8;
	[tilespmem:$0x19400] =	vst v63  }
0x32d: {  	s18 =	sadd.s32 @!p0 $0x7500, s16;
	s20 =	simm.s32 @!p0 $0xF400  }
0x32e: {  	[tilespmem:s20], [sflag:$0x1] =	stream.indirect.gather @!p0 [hbm4b:s4+s19], $0x20, s18, s19, $0xb8;
	[tilespmem:$0x19400] =	vst v63  }
0x32f: {  	s16 =	sadd.s32 @!p0 $0x7580, s16;
	s18 =	simm.s32 @!p0 $0x10400  }
0x330: {  	[tilespmem:s18], [sflag:$0x1] =	stream.indirect.gather @!p0 [hbm4b:s4+s19], $0x20, s16, s19, $0xb8;
	[tilespmem:$0x19400] =	vst v63  }
0x331: {  	_ =	swait.ge [sflag:s31], $0x1000  }
0x332: {  	[sflag:s31] =	ssyncset.done $0x0  }
0x333: {  	[sflag:s31] =	ssyncadd.s32 $0xFFFFF000  }
0x334: {  	_ =	swait.ge [sflag:s31], $0x1000  }
0x335: {  	s19 =	simm.s32 $0x0;
	[sflag:s31] =	ssyncset.done $0x0  }
0x336: {  	v0 =	vadd.s32 s19, v38;
	[sflag:s31] =	ssyncadd.s32 $0xFFFFF000  }
0x337: {  	v34 =	vand.u32 $0x1F, v0;
	_ =	swait.ge [sflag:s31], $0x1000  }
0x338: {  	v28 =	vor.u32 v39, v34;
	[sflag:s31] =	ssyncset.done $0x0  }
0x339: {  	[sflag:s31] =	ssyncadd.s32 $0xFFFFF000  }
0x33a: {  	v36 =	vshll.u32 v0, $0x9;
	v0 =	vshll.u32 v0, $0x7;
	_ =	swait.ge [sflag:s31], $0x1000  }
0x33b: {  	v35 =	vand.u32 $0x3000, v36;
	v0 =	vand.u32 $0x380, v0;
	[sflag:s31] =	ssyncset.done $0x0  }
0x33c: {  	v0 =	vor.u32 v0, v35;
	[sflag:s31] =	ssyncadd.s32 $0xFFFFF000  }
0x33d: {  	v35 =	vor.u32 v38, v0;
	v28 =	vld.idx.msk [tilespmem:v28+s21+$0x0], $0xffff  }
0x33e: {  	v36 =	vor.u32 v40, v34;
	_ =	sdelay $0x3  }
0x33f: {  	[tilespmem:v35+s26+$0x0] =	vst.idx.msk $0xffff, v28  }
0x340: {  	v35 =	vor.u32 v43, v0;
	v28 =	vld.idx.msk [tilespmem:v36+s21+$0x0], $0xffff  }
0x341: {  	v36 =	vor.u32 v44, v34;
	_ =	sdelay $0x3  }
0x342: {  	[tilespmem:v35+s26+$0x0] =	vst.idx.msk $0xffff, v28  }
0x343: {  	v35 =	vor.u32 v46, v0;
	v28 =	vld.idx.msk [tilespmem:v36+s21+$0x0], $0xffff  }
0x344: {  	v36 =	vor.u32 v49, v34;
	_ =	sdelay $0x3  }
0x345: {  	[tilespmem:v35+s26+$0x0] =	vst.idx.msk $0xffff, v28  }
0x346: {  	v35 =	vor.u32 v42, v0;
	v28 =	vld.idx.msk [tilespmem:v36+s21+$0x0], $0xffff  }
0x347: {  	v36 =	vor.u32 v41, v34;
	_ =	sdelay $0x3  }
0x348: {  	[tilespmem:v35+s26+$0x0] =	vst.idx.msk $0xffff, v28  }
0x349: {  	v35 =	vor.u32 v45, v0;
	v28 =	vld.idx.msk [tilespmem:v36+s21+$0x0], $0xffff  }
0x34a: {  	v36 =	vor.u32 v47, v34;
	_ =	sdelay $0x3  }
0x34b: {  	[tilespmem:v35+s26+$0x0] =	vst.idx.msk $0xffff, v28  }
0x34c: {  	v35 =	vor.u32 v48, v0;
	v28 =	vld.idx.msk [tilespmem:v36+s21+$0x0], $0xffff  }
0x34d: {  	v36 =	vor.u32 v50, v34;
	_ =	sdelay $0x3  }
0x34e: {  	[tilespmem:v35+s26+$0x0] =	vst.idx.msk $0xffff, v28  }
0x34f: {  	v35 =	vor.u32 v52, v0;
	v28 =	vld.idx.msk [tilespmem:v36+s21+$0x0], $0xffff  }
0x350: {  	v36 =	vor.u32 v54, v34;
	_ =	sdelay $0x3  }
0x351: {  	[tilespmem:v35+s26+$0x0] =	vst.idx.msk $0xffff, v28  }
0x352: {  	v35 =	vor.u32 v51, v0;
	v28 =	vld.idx.msk [tilespmem:v36+s21+$0x0], $0xffff  }
0x353: {  	v36 =	vor.u32 v53, v34;
	_ =	sdelay $0x3  }
0x354: {  	[tilespmem:v35+s26+$0x0] =	vst.idx.msk $0xffff, v28  }
0x355: {  	v35 =	vor.u32 v55, v0;
	v28 =	vld.idx.msk [tilespmem:v36+s21+$0x0], $0xffff  }
0x356: {  	v36 =	vor.u32 v56, v34;
	_ =	sdelay $0x3  }
0x357: {  	[tilespmem:v35+s26+$0x0] =	vst.idx.msk $0xffff, v28  }
0x358: {  	v35 =	vor.u32 v57, v0;
	v28 =	vld.idx.msk [tilespmem:v36+s21+$0x0], $0xffff  }
0x359: {  	v36 =	vor.u32 v58, v34;
	_ =	sdelay $0x3  }
0x35a: {  	[tilespmem:v35+s26+$0x0] =	vst.idx.msk $0xffff, v28  }
0x35b: {  	v35 =	vor.u32 v59, v0;
	v28 =	vld.idx.msk [tilespmem:v36+s21+$0x0], $0xffff  }
0x35c: {  	v36 =	vor.u32 v60, v34;
	_ =	sdelay $0x3  }
0x35d: {  	[tilespmem:v35+s26+$0x0] =	vst.idx.msk $0xffff, v28  }
0x35e: {  	v35 =	vor.u32 v61, v0;
	v28 =	vld.idx.msk [tilespmem:v36+s21+$0x0], $0xffff  }
0x35f: {  	v36 =	vor.u32 v62, v34;
	_ =	sdelay $0x3  }
0x360: {  	[tilespmem:v35+s26+$0x0] =	vst.idx.msk $0xffff, v28  }
0x361: {  	v35 =	vor.u32 v63, v0;
	v28 =	vld.idx.msk [tilespmem:v36+s21+$0x0], $0xffff  }
0x362: {  	v36 =	vor.u32 v2, v34;
	_ =	sdelay $0x3  }
0x363: {  	[tilespmem:v35+s26+$0x0] =	vst.idx.msk $0xffff, v28  }
0x364: {  	v35 =	vor.u32 v5, v0;
	v28 =	vld.idx.msk [tilespmem:v36+s21+$0x0], $0xffff  }
0x365: {  	v36 =	vor.u32 v6, v34;
	_ =	sdelay $0x3  }
0x366: {  	[tilespmem:v35+s26+$0x0] =	vst.idx.msk $0xffff, v28  }
0x367: {  	v28 =	vld.idx.msk [tilespmem:v36+s21+$0x0], $0xffff  }
0x368: {  	v36 =	vld [tilespmem:$0x1FDC0];
	_ =	sdelay $0x4  }
0x369: {  	v35 =	vor.u32 v36, v0;
	v36 =	vld [tilespmem:$0x1FDD0];
	_ =	sdelay $0x4  }
0x36a: {  	v36 =	vor.u32 v36, v34;
	_ =	sdelay $0x3  }
0x36b: {  	[tilespmem:v35+s26+$0x0] =	vst.idx.msk $0xffff, v28  }
0x36c: {  	v28 =	vld.idx.msk [tilespmem:v36+s21+$0x0], $0xffff  }
0x36d: {  	v36 =	vld [tilespmem:$0x1FDE0];
	_ =	sdelay $0x4  }
0x36e: {  	v35 =	vor.u32 v36, v0;
	v36 =	vld [tilespmem:$0x1FDF0];
	_ =	sdelay $0x4  }
0x36f: {  	v36 =	vor.u32 v36, v34;
	_ =	sdelay $0x3  }
0x370: {  	[tilespmem:v35+s26+$0x0] =	vst.idx.msk $0xffff, v28  }
0x371: {  	v28 =	vld.idx.msk [tilespmem:v36+s21+$0x0], $0xffff  }
0x372: {  	v36 =	vld [tilespmem:$0x1FDA0];
	_ =	sdelay $0x4  }
0x373: {  	v35 =	vor.u32 v36, v0;
	v36 =	vld [tilespmem:$0x1FDB0];
	_ =	sdelay $0x4  }
0x374: {  	v36 =	vor.u32 v36, v34;
	_ =	sdelay $0x3  }
0x375: {  	[tilespmem:v35+s26+$0x0] =	vst.idx.msk $0xffff, v28  }
0x376: {  	v28 =	vld.idx.msk [tilespmem:v36+s21+$0x0], $0xffff  }
0x377: {  	v36 =	vld [tilespmem:$0x1FCF0];
	_ =	sdelay $0x4  }
0x378: {  	v35 =	vor.u32 v36, v0;
	v36 =	vld [tilespmem:$0x1FD00];
	_ =	sdelay $0x4  }
0x379: {  	v36 =	vor.u32 v36, v34;
	_ =	sdelay $0x3  }
0x37a: {  	[tilespmem:v35+s26+$0x0] =	vst.idx.msk $0xffff, v28  }
0x37b: {  	v28 =	vld.idx.msk [tilespmem:v36+s21+$0x0], $0xffff  }
0x37c: {  	v36 =	vld [tilespmem:$0x1FD10];
	_ =	sdelay $0x4  }
0x37d: {  	v35 =	vor.u32 v36, v0;
	v36 =	vld [tilespmem:$0x1FD20];
	_ =	sdelay $0x4  }
0x37e: {  	v36 =	vor.u32 v36, v34;
	_ =	sdelay $0x3  }
0x37f: {  	[tilespmem:v35+s26+$0x0] =	vst.idx.msk $0xffff, v28  }
0x380: {  	v28 =	vld.idx.msk [tilespmem:v36+s21+$0x0], $0xffff  }
0x381: {  	v36 =	vld [tilespmem:$0x1FD30];
	_ =	sdelay $0x4  }
0x382: {  	v35 =	vor.u32 v36, v0;
	v36 =	vld [tilespmem:$0x1FD40];
	_ =	sdelay $0x4  }
0x383: {  	v36 =	vor.u32 v36, v34;
	_ =	sdelay $0x3  }
0x384: {  	[tilespmem:v35+s26+$0x0] =	vst.idx.msk $0xffff, v28  }
0x385: {  	v28 =	vld.idx.msk [tilespmem:v36+s21+$0x0], $0xffff  }
0x386: {  	v36 =	vld [tilespmem:$0x1FD50];
	_ =	sdelay $0x4  }
0x387: {  	v35 =	vor.u32 v36, v0;
	v36 =	vld [tilespmem:$0x1FD60];
	_ =	sdelay $0x4  }
0x388: {  	v36 =	vor.u32 v36, v34;
	_ =	sdelay $0x3  }
0x389: {  	[tilespmem:v35+s26+$0x0] =	vst.idx.msk $0xffff, v28  }
0x38a: {  	v28 =	vld.idx.msk [tilespmem:v36+s21+$0x0], $0xffff  }
0x38b: {  	v36 =	vld [tilespmem:$0x1FD70];
	_ =	sdelay $0x4  }
0x38c: {  	v35 =	vor.u32 v36, v0;
	v36 =	vld [tilespmem:$0x1FD80];
	_ =	sdelay $0x4  }
0x38d: {  	v36 =	vor.u32 v36, v34;
	_ =	sdelay $0x3  }
0x38e: {  	[tilespmem:v35+s26+$0x0] =	vst.idx.msk $0xffff, v28  }
0x38f: {  	v28 =	vld.idx.msk [tilespmem:v36+s21+$0x0], $0xffff  }
0x390: {  	v36 =	vld [tilespmem:$0x1FD90];
	_ =	sdelay $0x4  }
0x391: {  	v35 =	vor.u32 v36, v0  }
0x392: {  	v36 =	vor.u32 v15, v34;
	_ =	sdelay $0x3  }
0x393: {  	[tilespmem:v35+s26+$0x0] =	vst.idx.msk $0xffff, v28  }
0x394: {  	v35 =	vor.u32 v16, v0;
	v28 =	vld.idx.msk [tilespmem:v36+s21+$0x0], $0xffff  }
0x395: {  	v36 =	vor.u32 v17, v34;
	_ =	sdelay $0x3  }
0x396: {  	[tilespmem:v35+s26+$0x0] =	vst.idx.msk $0xffff, v28  }
0x397: {  	v35 =	vor.u32 v18, v0;
	v28 =	vld.idx.msk [tilespmem:v36+s21+$0x0], $0xffff  }
0x398: {  	v36 =	vor.u32 v19, v34;
	_ =	sdelay $0x3  }
0x399: {  	[tilespmem:v35+s26+$0x0] =	vst.idx.msk $0xffff, v28  }
0x39a: {  	v35 =	vor.u32 v20, v0;
	v28 =	vld.idx.msk [tilespmem:v36+s21+$0x0], $0xffff  }
0x39b: {  	v36 =	vor.u32 v21, v34;
	_ =	sdelay $0x3  }
0x39c: {  	[tilespmem:v35+s26+$0x0] =	vst.idx.msk $0xffff, v28  }
0x39d: {  	v35 =	vor.u32 v22, v0;
	v28 =	vld.idx.msk [tilespmem:v36+s21+$0x0], $0xffff  }
0x39e: {  	v36 =	vor.u32 v23, v34;
	_ =	sdelay $0x3  }
0x39f: {  	[tilespmem:v35+s26+$0x0] =	vst.idx.msk $0xffff, v28  }
0x3a0: {  	v35 =	vor.u32 v24, v0;
	v28 =	vld.idx.msk [tilespmem:v36+s21+$0x0], $0xffff  }
0x3a1: {  	v36 =	vor.u32 v25, v34;
	_ =	sdelay $0x3  }
0x3a2: {  	[tilespmem:v35+s26+$0x0] =	vst.idx.msk $0xffff, v28  }
0x3a3: {  	v35 =	vor.u32 v26, v0;
	v28 =	vld.idx.msk [tilespmem:v36+s21+$0x0], $0xffff  }
0x3a4: {  	v36 =	vor.u32 v27, v34;
	_ =	sdelay $0x3  }
0x3a5: {  	[tilespmem:v35+s26+$0x0] =	vst.idx.msk $0xffff, v28  }
0x3a6: {  	v35 =	vor.u32 v29, v0;
	v28 =	vld.idx.msk [tilespmem:v36+s21+$0x0], $0xffff  }
0x3a7: {  	v36 =	vor.u32 v30, v34;
	_ =	sdelay $0x3  }
0x3a8: {  	[tilespmem:v35+s26+$0x0] =	vst.idx.msk $0xffff, v28  }
0x3a9: {  	v28 =	vld.idx.msk [tilespmem:v36+s21+$0x0], $0xffff;
	v36 =	vor.u32 v31, v0  }
0x3aa: {  	v34 =	vor.u32 v32, v34;
	_ =	sdelay $0x3  }
0x3ab: {  	s20 =	simm.s32 $0x1;
	[tilespmem:v36+s26+$0x0] =	vst.idx.msk $0xffff, v28  }
0x3ac: {  	v37 =	vmov v39;
	s16 =	simm.s32 $0x2;
	v36 =	vadd.s32 s20, v38;
	v35 =	vld.idx.msk [tilespmem:v34+s21+$0x0], $0xffff  }
.LBB2_7:
0x3ad: {  	v34 =	vand.u32 $0x1F, v36;
	v0 =	vor.u32 v33, v0  }
0x3ae: {  	v28 =	vor.u32 v37, v34;
	_ =	sdelay $0x1  }
0x3af: {  	v37 =	vshll.u32 v36, $0x9;
	v36 =	vshll.u32 v36, $0x7  }
0x3b0: {  	v37 =	vand.u32 $0x3000, v37;
	v36 =	vand.u32 $0x380, v36  }
0x3b1: {  	[tilespmem:v0+s26+$0x0] =	vst.idx.msk $0xffff, v35;
	v0 =	vor.u32 v36, v37  }
0x3b2: {  	v28 =	vld.idx.msk [tilespmem:v28+s21+$0x0], $0xffff;
	v35 =	vor.u32 v38, v0  }
0x3b3: {  	v36 =	vor.u32 v40, v34;
	_ =	sdelay $0x3  }
0x3b4: {  	[tilespmem:v35+s26+$0x0] =	vst.idx.msk $0xffff, v28  }
0x3b5: {  	v35 =	vor.u32 v43, v0;
	v28 =	vld.idx.msk [tilespmem:v36+s21+$0x0], $0xffff  }
0x3b6: {  	v36 =	vor.u32 v44, v34;
	_ =	sdelay $0x3  }
0x3b7: {  	[tilespmem:v35+s26+$0x0] =	vst.idx.msk $0xffff, v28  }
0x3b8: {  	v35 =	vor.u32 v46, v0;
	v28 =	vld.idx.msk [tilespmem:v36+s21+$0x0], $0xffff  }
0x3b9: {  	v36 =	vor.u32 v49, v34;
	_ =	sdelay $0x3  }
0x3ba: {  	[tilespmem:v35+s26+$0x0] =	vst.idx.msk $0xffff, v28  }
0x3bb: {  	v35 =	vor.u32 v42, v0;
	v28 =	vld.idx.msk [tilespmem:v36+s21+$0x0], $0xffff  }
0x3bc: {  	v36 =	vor.u32 v41, v34;
	_ =	sdelay $0x3  }
0x3bd: {  	[tilespmem:v35+s26+$0x0] =	vst.idx.msk $0xffff, v28  }
0x3be: {  	v35 =	vor.u32 v45, v0;
	v28 =	vld.idx.msk [tilespmem:v36+s21+$0x0], $0xffff  }
0x3bf: {  	v36 =	vor.u32 v47, v34;
	_ =	sdelay $0x3  }
0x3c0: {  	[tilespmem:v35+s26+$0x0] =	vst.idx.msk $0xffff, v28  }
0x3c1: {  	v35 =	vor.u32 v48, v0;
	v28 =	vld.idx.msk [tilespmem:v36+s21+$0x0], $0xffff  }
0x3c2: {  	v36 =	vor.u32 v50, v34;
	_ =	sdelay $0x3  }
0x3c3: {  	[tilespmem:v35+s26+$0x0] =	vst.idx.msk $0xffff, v28  }
0x3c4: {  	v35 =	vor.u32 v52, v0;
	v28 =	vld.idx.msk [tilespmem:v36+s21+$0x0], $0xffff  }
0x3c5: {  	v36 =	vor.u32 v54, v34;
	_ =	sdelay $0x3  }
0x3c6: {  	[tilespmem:v35+s26+$0x0] =	vst.idx.msk $0xffff, v28  }
0x3c7: {  	v35 =	vor.u32 v51, v0;
	v28 =	vld.idx.msk [tilespmem:v36+s21+$0x0], $0xffff  }
0x3c8: {  	v36 =	vor.u32 v53, v34;
	_ =	sdelay $0x3  }
0x3c9: {  	[tilespmem:v35+s26+$0x0] =	vst.idx.msk $0xffff, v28  }
0x3ca: {  	v35 =	vor.u32 v55, v0;
	v28 =	vld.idx.msk [tilespmem:v36+s21+$0x0], $0xffff  }
0x3cb: {  	v36 =	vor.u32 v56, v34;
	_ =	sdelay $0x3  }
0x3cc: {  	[tilespmem:v35+s26+$0x0] =	vst.idx.msk $0xffff, v28  }
0x3cd: {  	v35 =	vor.u32 v57, v0;
	v28 =	vld.idx.msk [tilespmem:v36+s21+$0x0], $0xffff  }
0x3ce: {  	v36 =	vor.u32 v58, v34;
	_ =	sdelay $0x3  }
0x3cf: {  	[tilespmem:v35+s26+$0x0] =	vst.idx.msk $0xffff, v28  }
0x3d0: {  	v35 =	vor.u32 v59, v0;
	v28 =	vld.idx.msk [tilespmem:v36+s21+$0x0], $0xffff  }
0x3d1: {  	v36 =	vor.u32 v60, v34;
	_ =	sdelay $0x3  }
0x3d2: {  	[tilespmem:v35+s26+$0x0] =	vst.idx.msk $0xffff, v28  }
0x3d3: {  	v35 =	vor.u32 v61, v0;
	v28 =	vld.idx.msk [tilespmem:v36+s21+$0x0], $0xffff  }
0x3d4: {  	v36 =	vor.u32 v62, v34;
	_ =	sdelay $0x3  }
0x3d5: {  	[tilespmem:v35+s26+$0x0] =	vst.idx.msk $0xffff, v28  }
0x3d6: {  	v35 =	vor.u32 v63, v0;
	v28 =	vld.idx.msk [tilespmem:v36+s21+$0x0], $0xffff  }
0x3d7: {  	v36 =	vor.u32 v2, v34;
	_ =	sdelay $0x3  }
0x3d8: {  	[tilespmem:v35+s26+$0x0] =	vst.idx.msk $0xffff, v28  }
0x3d9: {  	v35 =	vor.u32 v5, v0;
	v28 =	vld.idx.msk [tilespmem:v36+s21+$0x0], $0xffff  }
0x3da: {  	v36 =	vor.u32 v6, v34;
	_ =	sdelay $0x3  }
0x3db: {  	[tilespmem:v35+s26+$0x0] =	vst.idx.msk $0xffff, v28  }
0x3dc: {  	v28 =	vld.idx.msk [tilespmem:v36+s21+$0x0], $0xffff  }
0x3dd: {  	v36 =	vld [tilespmem:$0x1FDC0];
	_ =	sdelay $0x4  }
0x3de: {  	v35 =	vor.u32 v36, v0;
	v36 =	vld [tilespmem:$0x1FDD0];
	_ =	sdelay $0x4  }
0x3df: {  	v36 =	vor.u32 v36, v34;
	_ =	sdelay $0x3  }
0x3e0: {  	[tilespmem:v35+s26+$0x0] =	vst.idx.msk $0xffff, v28  }
0x3e1: {  	v28 =	vld.idx.msk [tilespmem:v36+s21+$0x0], $0xffff  }
0x3e2: {  	v36 =	vld [tilespmem:$0x1FDE0];
	_ =	sdelay $0x4  }
0x3e3: {  	v35 =	vor.u32 v36, v0;
	v36 =	vld [tilespmem:$0x1FDF0];
	_ =	sdelay $0x4  }
0x3e4: {  	v36 =	vor.u32 v36, v34;
	_ =	sdelay $0x3  }
0x3e5: {  	[tilespmem:v35+s26+$0x0] =	vst.idx.msk $0xffff, v28  }
0x3e6: {  	v28 =	vld.idx.msk [tilespmem:v36+s21+$0x0], $0xffff  }
0x3e7: {  	v36 =	vld [tilespmem:$0x1FDA0];
	_ =	sdelay $0x4  }
0x3e8: {  	v35 =	vor.u32 v36, v0;
	v36 =	vld [tilespmem:$0x1FDB0];
	_ =	sdelay $0x4  }
0x3e9: {  	v36 =	vor.u32 v36, v34;
	_ =	sdelay $0x3  }
0x3ea: {  	[tilespmem:v35+s26+$0x0] =	vst.idx.msk $0xffff, v28  }
0x3eb: {  	v35 =	vor.u32 v3, v0;
	v28 =	vld.idx.msk [tilespmem:v36+s21+$0x0], $0xffff  }
0x3ec: {  	v36 =	vor.u32 v7, v34;
	_ =	sdelay $0x3  }
0x3ed: {  	[tilespmem:v35+s26+$0x0] =	vst.idx.msk $0xffff, v28  }
0x3ee: {  	v35 =	vor.u32 v8, v0;
	v28 =	vld.idx.msk [tilespmem:v36+s21+$0x0], $0xffff  }
0x3ef: {  	v36 =	vor.u32 v9, v34;
	_ =	sdelay $0x3  }
0x3f0: {  	[tilespmem:v35+s26+$0x0] =	vst.idx.msk $0xffff, v28  }
0x3f1: {  	v35 =	vor.u32 v10, v0;
	v28 =	vld.idx.msk [tilespmem:v36+s21+$0x0], $0xffff  }
0x3f2: {  	v36 =	vor.u32 v11, v34;
	_ =	sdelay $0x3  }
0x3f3: {  	[tilespmem:v35+s26+$0x0] =	vst.idx.msk $0xffff, v28  }
0x3f4: {  	v35 =	vor.u32 v12, v0;
	v28 =	vld.idx.msk [tilespmem:v36+s21+$0x0], $0xffff  }
0x3f5: {  	v36 =	vor.u32 v13, v34;
	_ =	sdelay $0x3  }
0x3f6: {  	[tilespmem:v35+s26+$0x0] =	vst.idx.msk $0xffff, v28  }
0x3f7: {  	v35 =	vor.u32 v14, v0;
	v28 =	vld.idx.msk [tilespmem:v36+s21+$0x0], $0xffff  }
0x3f8: {  	v36 =	vor.u32 v4, v34;
	_ =	sdelay $0x3  }
0x3f9: {  	[tilespmem:v35+s26+$0x0] =	vst.idx.msk $0xffff, v28  }
0x3fa: {  	v35 =	vor.u32 v1, v0;
	v28 =	vld.idx.msk [tilespmem:v36+s21+$0x0], $0xffff  }
0x3fb: {  	v36 =	vor.u32 v15, v34;
	_ =	sdelay $0x3  }
0x3fc: {  	[tilespmem:v35+s26+$0x0] =	vst.idx.msk $0xffff, v28  }
0x3fd: {  	v35 =	vor.u32 v16, v0;
	v28 =	vld.idx.msk [tilespmem:v36+s21+$0x0], $0xffff  }
0x3fe: {  	v36 =	vor.u32 v17, v34;
	_ =	sdelay $0x3  }
0x3ff: {  	[tilespmem:v35+s26+$0x0] =	vst.idx.msk $0xffff, v28  }
0x400: {  	v35 =	vor.u32 v18, v0;
	v28 =	vld.idx.msk [tilespmem:v36+s21+$0x0], $0xffff  }
0x401: {  	v36 =	vor.u32 v19, v34;
	_ =	sdelay $0x3  }
0x402: {  	[tilespmem:v35+s26+$0x0] =	vst.idx.msk $0xffff, v28  }
0x403: {  	v35 =	vor.u32 v20, v0;
	v28 =	vld.idx.msk [tilespmem:v36+s21+$0x0], $0xffff  }
0x404: {  	v36 =	vor.u32 v21, v34;
	_ =	sdelay $0x3  }
0x405: {  	[tilespmem:v35+s26+$0x0] =	vst.idx.msk $0xffff, v28  }
0x406: {  	v35 =	vor.u32 v22, v0;
	v28 =	vld.idx.msk [tilespmem:v36+s21+$0x0], $0xffff  }
0x407: {  	v36 =	vor.u32 v23, v34;
	_ =	sdelay $0x3  }
0x408: {  	[tilespmem:v35+s26+$0x0] =	vst.idx.msk $0xffff, v28  }
0x409: {  	v35 =	vor.u32 v24, v0;
	v28 =	vld.idx.msk [tilespmem:v36+s21+$0x0], $0xffff  }
0x40a: {  	v36 =	vor.u32 v25, v34;
	_ =	sdelay $0x3  }
0x40b: {  	[tilespmem:v35+s26+$0x0] =	vst.idx.msk $0xffff, v28  }
0x40c: {  	v35 =	vor.u32 v26, v0;
	v28 =	vld.idx.msk [tilespmem:v36+s21+$0x0], $0xffff  }
0x40d: {  	v36 =	vor.u32 v27, v34;
	_ =	sdelay $0x3  }
0x40e: {  	[tilespmem:v35+s26+$0x0] =	vst.idx.msk $0xffff, v28  }
0x40f: {  	v35 =	vor.u32 v29, v0;
	v28 =	vld.idx.msk [tilespmem:v36+s21+$0x0], $0xffff  }
0x410: {  	v36 =	vor.u32 v30, v34;
	_ =	sdelay $0x3  }
0x411: {  	[tilespmem:v35+s26+$0x0] =	vst.idx.msk $0xffff, v28  }
0x412: {  	v28 =	vld.idx.msk [tilespmem:v36+s21+$0x0], $0xffff;
	v36 =	vor.u32 v31, v0  }
0x413: {  	p0 =	sne.s32 s16, $0x1F;
	v34 =	vor.u32 v32, v34  }
.Ltmp2:
0x414: {  	_ = 	snop;
	(pc) =	sbr.rel @p0 .LBB2_7-.Ltmp2, $3  }
0x415: {  	_ =	sdelay $0x1  }
0x416: {  	[tilespmem:v36+s26+$0x0] =	vst.idx.msk $0xffff, v28  }
0x417: {  	v37 =	vmov v39;
	v36 =	vadd.s32 s16, v38;
	s16 =	sadd.s32 $0x1, s16;
	v35 =	vld.idx.msk [tilespmem:v34+s21+$0x0], $0xffff  }
0x418: {  	v34 =	vand.u32 $0x1F, v36;
	v0 =	vor.u32 v33, v0  }
0x419: {  	v28 =	vor.u32 v37, v34;
	_ =	sdelay $0x1  }
0x41a: {  	v37 =	vshll.u32 v36, $0x9;
	v36 =	vshll.u32 v36, $0x7  }
0x41b: {  	v37 =	vand.u32 $0x3000, v37;
	v36 =	vand.u32 $0x380, v36  }
0x41c: {  	[tilespmem:v0+s26+$0x0] =	vst.idx.msk $0xffff, v35;
	v0 =	vor.u32 v36, v37  }
0x41d: {  	v28 =	vld.idx.msk [tilespmem:v28+s21+$0x0], $0xffff;
	v35 =	vor.u32 v38, v0  }
0x41e: {  	v36 =	vor.u32 v40, v34;
	_ =	sdelay $0x3  }
0x41f: {  	[tilespmem:v35+s26+$0x0] =	vst.idx.msk $0xffff, v28  }
0x420: {  	v35 =	vor.u32 v43, v0;
	v28 =	vld.idx.msk [tilespmem:v36+s21+$0x0], $0xffff  }
0x421: {  	v36 =	vor.u32 v44, v34;
	_ =	sdelay $0x3  }
0x422: {  	[tilespmem:v35+s26+$0x0] =	vst.idx.msk $0xffff, v28  }
0x423: {  	v35 =	vor.u32 v46, v0;
	v28 =	vld.idx.msk [tilespmem:v36+s21+$0x0], $0xffff  }
0x424: {  	v36 =	vor.u32 v49, v34;
	_ =	sdelay $0x3  }
0x425: {  	[tilespmem:v35+s26+$0x0] =	vst.idx.msk $0xffff, v28  }
0x426: {  	v35 =	vor.u32 v42, v0;
	v28 =	vld.idx.msk [tilespmem:v36+s21+$0x0], $0xffff  }
0x427: {  	v36 =	vor.u32 v41, v34;
	_ =	sdelay $0x3  }
0x428: {  	[tilespmem:v35+s26+$0x0] =	vst.idx.msk $0xffff, v28  }
0x429: {  	v35 =	vor.u32 v45, v0;
	v28 =	vld.idx.msk [tilespmem:v36+s21+$0x0], $0xffff  }
0x42a: {  	v36 =	vor.u32 v47, v34;
	_ =	sdelay $0x3  }
0x42b: {  	[tilespmem:v35+s26+$0x0] =	vst.idx.msk $0xffff, v28  }
0x42c: {  	v35 =	vor.u32 v48, v0;
	v28 =	vld.idx.msk [tilespmem:v36+s21+$0x0], $0xffff  }
0x42d: {  	v36 =	vor.u32 v50, v34;
	_ =	sdelay $0x3  }
0x42e: {  	[tilespmem:v35+s26+$0x0] =	vst.idx.msk $0xffff, v28  }
0x42f: {  	v35 =	vor.u32 v52, v0;
	v28 =	vld.idx.msk [tilespmem:v36+s21+$0x0], $0xffff  }
0x430: {  	v36 =	vor.u32 v54, v34;
	_ =	sdelay $0x3  }
0x431: {  	[tilespmem:v35+s26+$0x0] =	vst.idx.msk $0xffff, v28  }
0x432: {  	v35 =	vor.u32 v51, v0;
	v28 =	vld.idx.msk [tilespmem:v36+s21+$0x0], $0xffff  }
0x433: {  	v36 =	vor.u32 v53, v34;
	_ =	sdelay $0x3  }
0x434: {  	[tilespmem:v35+s26+$0x0] =	vst.idx.msk $0xffff, v28  }
0x435: {  	v35 =	vor.u32 v55, v0;
	v28 =	vld.idx.msk [tilespmem:v36+s21+$0x0], $0xffff  }
0x436: {  	v36 =	vor.u32 v56, v34;
	_ =	sdelay $0x3  }
0x437: {  	[tilespmem:v35+s26+$0x0] =	vst.idx.msk $0xffff, v28  }
0x438: {  	v35 =	vor.u32 v57, v0;
	v28 =	vld.idx.msk [tilespmem:v36+s21+$0x0], $0xffff  }
0x439: {  	v36 =	vor.u32 v58, v34;
	_ =	sdelay $0x3  }
0x43a: {  	[tilespmem:v35+s26+$0x0] =	vst.idx.msk $0xffff, v28  }
0x43b: {  	v35 =	vor.u32 v59, v0;
	v28 =	vld.idx.msk [tilespmem:v36+s21+$0x0], $0xffff  }
0x43c: {  	v36 =	vor.u32 v60, v34;
	_ =	sdelay $0x3  }
0x43d: {  	[tilespmem:v35+s26+$0x0] =	vst.idx.msk $0xffff, v28  }
0x43e: {  	v35 =	vor.u32 v61, v0;
	v28 =	vld.idx.msk [tilespmem:v36+s21+$0x0], $0xffff  }
0x43f: {  	v36 =	vor.u32 v62, v34;
	_ =	sdelay $0x3  }
0x440: {  	[tilespmem:v35+s26+$0x0] =	vst.idx.msk $0xffff, v28  }
0x441: {  	v35 =	vor.u32 v63, v0;
	v28 =	vld.idx.msk [tilespmem:v36+s21+$0x0], $0xffff  }
0x442: {  	v36 =	vor.u32 v2, v34;
	_ =	sdelay $0x3  }
0x443: {  	[tilespmem:v35+s26+$0x0] =	vst.idx.msk $0xffff, v28  }
0x444: {  	v35 =	vor.u32 v5, v0;
	v28 =	vld.idx.msk [tilespmem:v36+s21+$0x0], $0xffff  }
0x445: {  	v36 =	vor.u32 v6, v34;
	_ =	sdelay $0x3  }
0x446: {  	v38 =	vld [tilespmem:$0x1FDC0];
	[tilespmem:v35+s26+$0x0] =	vst.idx.msk $0xffff, v28  }
0x447: {  	v28 =	vld.idx.msk [tilespmem:v36+s21+$0x0], $0xffff  }
0x448: {  	v36 =	vld [tilespmem:$0x1FDD0];
	_ =	sdelay $0x3  }
0x449: {  	v35 =	vor.u32 v38, v0  }
0x44a: {  	v36 =	vor.u32 v36, v34;
	_ =	sdelay $0x3  }
0x44b: {  	v37 =	vmov v39;
	v39 =	vld [tilespmem:$0x1FDE0];
	[tilespmem:v35+s26+$0x0] =	vst.idx.msk $0xffff, v28  }
0x44c: {  	v28 =	vld.idx.msk [tilespmem:v36+s21+$0x0], $0xffff  }
0x44d: {  	v36 =	vld [tilespmem:$0x1FDF0];
	_ =	sdelay $0x3  }
0x44e: {  	v35 =	vor.u32 v39, v0  }
0x44f: {  	v36 =	vor.u32 v36, v34;
	_ =	sdelay $0x3  }
0x450: {  	[tilespmem:v35+s26+$0x0] =	vst.idx.msk $0xffff, v28  }
0x451: {  	v28 =	vld.idx.msk [tilespmem:v36+s21+$0x0], $0xffff  }
0x452: {  	v36 =	vld [tilespmem:$0x1FDA0];
	_ =	sdelay $0x4  }
0x453: {  	v35 =	vor.u32 v36, v0;
	v36 =	vld [tilespmem:$0x1FDB0];
	_ =	sdelay $0x4  }
0x454: {  	v36 =	vor.u32 v36, v34;
	_ =	sdelay $0x3  }
0x455: {  	[tilespmem:v35+s26+$0x0] =	vst.idx.msk $0xffff, v28  }
0x456: {  	v28 =	vor.u32 v3, v0;
	v35 =	vld.idx.msk [tilespmem:v36+s21+$0x0], $0xffff  }
0x457: {  	v3 =	vor.u32 v7, v34;
	_ =	sdelay $0x3  }
0x458: {  	[tilespmem:v28+s26+$0x0] =	vst.idx.msk $0xffff, v35  }
0x459: {  	v28 =	vld.idx.msk [tilespmem:v3+s21+$0x0], $0xffff;
	v3 =	vor.u32 v8, v0  }
0x45a: {  	v38 =	vor.u32 v9, v34;
	_ =	sdelay $0x3  }
0x45b: {  	[tilespmem:v3+s26+$0x0] =	vst.idx.msk $0xffff, v28  }
0x45c: {  	v3 =	vor.u32 v10, v0;
	v39 =	vld.idx.msk [tilespmem:v38+s21+$0x0], $0xffff  }
0x45d: {  	v11 =	vor.u32 v11, v34;
	_ =	sdelay $0x3  }
0x45e: {  	[tilespmem:v3+s26+$0x0] =	vst.idx.msk $0xffff, v39  }
0x45f: {  	v3 =	vor.u32 v12, v0;
	v8 =	vld.idx.msk [tilespmem:v11+s21+$0x0], $0xffff  }
0x460: {  	v13 =	vor.u32 v13, v34;
	_ =	sdelay $0x3  }
0x461: {  	[tilespmem:v3+s26+$0x0] =	vst.idx.msk $0xffff, v8  }
0x462: {  	v3 =	vor.u32 v14, v0;
	v7 =	vld.idx.msk [tilespmem:v13+s21+$0x0], $0xffff  }
0x463: {  	v4 =	vor.u32 v4, v34;
	_ =	sdelay $0x3  }
0x464: {  	[tilespmem:v3+s26+$0x0] =	vst.idx.msk $0xffff, v7  }
0x465: {  	v3 =	vor.u32 v1, v0;
	v7 =	vld.idx.msk [tilespmem:v4+s21+$0x0], $0xffff  }
0x466: {  	v15 =	vor.u32 v15, v34;
	_ =	sdelay $0x3  }
0x467: {  	[tilespmem:v3+s26+$0x0] =	vst.idx.msk $0xffff, v7  }
0x468: {  	v3 =	vor.u32 v16, v0;
	v1 =	vld.idx.msk [tilespmem:v15+s21+$0x0], $0xffff  }
0x469: {  	v17 =	vor.u32 v17, v34;
	_ =	sdelay $0x3  }
0x46a: {  	[tilespmem:v3+s26+$0x0] =	vst.idx.msk $0xffff, v1  }
0x46b: {  	v3 =	vor.u32 v18, v0;
	v1 =	vld.idx.msk [tilespmem:v17+s21+$0x0], $0xffff  }
0x46c: {  	v19 =	vor.u32 v19, v34;
	_ =	sdelay $0x3  }
0x46d: {  	[tilespmem:v3+s26+$0x0] =	vst.idx.msk $0xffff, v1  }
0x46e: {  	v3 =	vor.u32 v20, v0;
	v1 =	vld.idx.msk [tilespmem:v19+s21+$0x0], $0xffff  }
0x46f: {  	v21 =	vor.u32 v21, v34;
	_ =	sdelay $0x3  }
0x470: {  	[tilespmem:v3+s26+$0x0] =	vst.idx.msk $0xffff, v1  }
0x471: {  	v3 =	vor.u32 v22, v0;
	v1 =	vld.idx.msk [tilespmem:v21+s21+$0x0], $0xffff  }
0x472: {  	v23 =	vor.u32 v23, v34;
	_ =	sdelay $0x3  }
0x473: {  	[tilespmem:v3+s26+$0x0] =	vst.idx.msk $0xffff, v1  }
0x474: {  	v3 =	vor.u32 v24, v0;
	v1 =	vld.idx.msk [tilespmem:v23+s21+$0x0], $0xffff  }
0x475: {  	v35 =	vor.u32 v25, v34;
	_ =	sdelay $0x3  }
0x476: {  	[tilespmem:v3+s26+$0x0] =	vst.idx.msk $0xffff, v1  }
0x477: {  	v3 =	vor.u32 v26, v0;
	v1 =	vld.idx.msk [tilespmem:v35+s21+$0x0], $0xffff  }
0x478: {  	v36 =	vor.u32 v27, v34;
	_ =	sdelay $0x3  }
0x479: {  	[tilespmem:v3+s26+$0x0] =	vst.idx.msk $0xffff, v1  }
0x47a: {  	v3 =	vor.u32 v29, v0;
	v1 =	vld.idx.msk [tilespmem:v36+s21+$0x0], $0xffff  }
0x47b: {  	v38 =	vor.u32 v30, v34;
	_ =	sdelay $0x3  }
0x47c: {  	[tilespmem:v3+s26+$0x0] =	vst.idx.msk $0xffff, v1  }
0x47d: {  	v3 =	vor.u32 v31, v0;
	v1 =	vld.idx.msk [tilespmem:v38+s21+$0x0], $0xffff  }
0x47e: {  	v39 =	vor.u32 v32, v34;
	_ =	sdelay $0x3  }
0x47f: {  	[tilespmem:v3+s26+$0x0] =	vst.idx.msk $0xffff, v1  }
0x480: {  	v0 =	vor.u32 v33, v0;
	v1 =	vld.idx.msk [tilespmem:v39+s21+$0x0], $0xffff;
	_ =	sdelay $0x1  }
0x481: {  	s15 =	sshll.u32 s15, $0x13  }
0x482: {  	s15 =	sor.u32 s6, s15  }
0x483: {  	s15 =	sshrl.u32 s15, $0x3  }
0x484: {  	s16 =	sadd.s32 s2, s15;
	[tilespmem:v0+s26+$0x0] =	vst.idx.msk $0xffff, v1  }
0x485: {  	[hbm4b:s16+s3] =	stream.linear.scatter [tilespmem:s26], [sflag:$0x3], $0x1000, $0x38;
	[tilespmem:$0x19400] =	vst v63  }
0x486: {  	_ =	swait.ge [sflag:s11], $0x1000  }
0x487: {  	[sflag:s11] =	ssyncset.done $0x0  }
0x488: {  	s19 =	sadd.s32 s15, s7;
	[sflag:s11] =	ssyncadd.s32 $0xFFFFF000  }
0x489: {  	[hbm4b:s19+s3] =	stream.linear.scatter [tilespmem:s28], [sflag:$0x3], $0x1000, $0x38;
	[tilespmem:$0x19400] =	vst v63  }
0x48a: {  	_ =	swait.ge [sflag:s11], $0x1000  }
0x48b: {  	[sflag:s11] =	ssyncset.done $0x0  }
0x48c: {  	s20 =	sadd.s32 s15, s8;
	[sflag:s11] =	ssyncadd.s32 $0xFFFFF000  }
0x48d: {  	[hbm4b:s20+s3] =	stream.linear.scatter [tilespmem:s29], [sflag:$0x3], $0x1000, $0x38;
	[tilespmem:$0x19400] =	vst v63  }
0x48e: {  	s13 =	sadd.s32 $0x1, s13;
	_ =	swait.ge [sflag:s11], $0x1000  }
0x48f: {  	p0 =	sne.s32 s13, $0x19;
	[sflag:s11] =	ssyncset.done $0x0  }
.Ltmp3:
0x490: {  	s15 =	sadd.s32 s15, s9;
	[sflag:s11] =	ssyncadd.s32 $0xFFFFF000;
	(pc) =	sbr.rel @p0 .LBB2_4-.Ltmp3, $4  }
0x491: {  	[hbm4b:s15+s3] =	stream.linear.scatter [tilespmem:s30], [sflag:$0x3], $0x1000, $0x38;
	[tilespmem:$0x19400] =	vst v63  }
0x492: {  	_ =	swait.ge [sflag:s11], $0x1000  }
0x493: {  	[sflag:s11] =	ssyncset.done $0x0  }
0x494: {  	v28 =	vlaneseq.u32;
	v38 =	vmov v5;
	v39 =	vmov v6;
	[sflag:s11] =	ssyncadd.s32 $0xFFFFF000  }
0x495: {  	v4 =	vld [tilespmem:$0x1FE00]  }
0x496: {  	v5 =	vld [tilespmem:$0x1FE10]  }
0x497: {  	v6 =	vld [tilespmem:$0x1FE20]  }
0x498: {  	v7 =	vld [tilespmem:$0x1FE30]  }
0x499: {  	v8 =	vld [tilespmem:$0x1FE40]  }
0x49a: {  	v9 =	vld [tilespmem:$0x1FE50]  }
0x49b: {  	v10 =	vld [tilespmem:$0x1FE60]  }
0x49c: {  	v11 =	vld [tilespmem:$0x1FE70]  }
0x49d: {  	v12 =	vld [tilespmem:$0x1FE80]  }
0x49e: {  	v13 =	vld [tilespmem:$0x1FE90]  }
0x49f: {  	v14 =	vld [tilespmem:$0x1FEA0]  }
0x4a0: {  	v15 =	vld [tilespmem:$0x1FEB0]  }
0x4a1: {  	v16 =	vld [tilespmem:$0x1FEC0]  }
0x4a2: {  	v17 =	vld [tilespmem:$0x1FED0]  }
0x4a3: {  	v18 =	vld [tilespmem:$0x1FEE0]  }
0x4a4: {  	v19 =	vld [tilespmem:$0x1FEF0]  }
0x4a5: {  	v20 =	vld [tilespmem:$0x1FF00]  }
0x4a6: {  	v21 =	vld [tilespmem:$0x1FF10]  }
0x4a7: {  	v22 =	vld [tilespmem:$0x1FF20]  }
0x4a8: {  	v23 =	vld [tilespmem:$0x1FF30]  }
0x4a9: {  	v24 =	vld [tilespmem:$0x1FF40]  }
0x4aa: {  	v25 =	vld [tilespmem:$0x1FF50]  }
0x4ab: {  	v26 =	vld [tilespmem:$0x1FF60]  }
0x4ac: {  	v27 =	vld [tilespmem:$0x1FF70]  }
0x4ad: {  	v29 =	vld [tilespmem:$0x1FF80]  }
0x4ae: {  	s1 =	sadd.s32 $0x1, s1;
	v30 =	vld [tilespmem:$0x1FF90]  }
0x4af: {  	v31 =	vld [tilespmem:$0x1FFA0];
	p0 =	sne.s32 s1, s10  }
.Ltmp4:
0x4b0: {  	v32 =	vld [tilespmem:$0x1FFB0];
	(pc) =	sbr.rel @p0 .LBB2_1-.Ltmp4, $4  }
0x4b1: {  	v33 =	vld [tilespmem:$0x1FFC0]  }
0x4b2: {  	v34 =	vld [tilespmem:$0x1FFD0]  }
0x4b3: {  	v35 =	vld [tilespmem:$0x1FFE0]  }
0x4b4: {  	v36 =	vld [tilespmem:$0x1FFF0]  }
0x4b5: {  	_ =	sfence.sel $0x180000  }
0x4b6: {  	[bflag:$0x0] =	sbarrier.arrive $0xFFFF  }
0x4b7: {  	_ =	strace $0x9000004A  }
0x4b8: {  	s0 =	stileid.u32;
	[bflag:$0x2] =	sbarrier.arrive $0xFFFF  }
0x4b9: {  	p0 =	sne.s32 s0, $0x0;
	s0 =	rddreg [dreg:$0x2]  }
0x4ba: {  	s0 =	sadd.s32 @!p0 $0x100000, s0  }
0x4bb: {  	[sflag:s0] =	ssyncadd.tile.s32 @!p0 $0x1;
	_ =	shalt  }
.Lfunc_end2:
_tile_overlayer_lowered:
.L_overlay_start_2:
0x4bc: {  	(tag) =	ssettag $0x2  }
0x4bd: {  	s0 =	rddreg [dreg:$0x0];
	s2 =	stileid.u32  }
0x4be: {  	s1 =	rddreg [dreg:$0x1];
	p0 =	sne.s32 s2, $0x0  }
0x4bf: {  	s3 =	rddreg [dreg:$0x2];
	[bflag:$0x3] =	sbarrier.arrive $0xFFFF;
	s2 =	simm.s32 @!p0 $0x1C03  }
0x4c0: {  	[timem:s3], [sflag:s2] =	dma.local @!p0 [hbm:s0], s1  }
0x4c1: {  	s0 =	simm.s32 @!p0 $0x3  }
0x4c2: {  	_ =	swait.ge @!p0 [sflag:s0], s1  }
0x4c3: {  	s1 =	ssub.s32 @!p0 $0x0, s1;
	[sflag:s0] =	ssyncset.done @!p0 $0x0  }
0x4c4: {  	[sflag:s0] =	ssyncadd.s32 @!p0 s1  }
0x4c5: {  	[bflag:$0x3] =	sbarrier.arrive $0xFFFF  }
0x4c6: {  	_ =	shalt  }

// kernel: sparse-core-data-format-call.cloned.1.call-start
scs
called_computation_lowered:
.L_overlay_start_0:
0x0: {  	s2 =	sld [smem:$0x3FD9]  }
0x1: {  	s3 =	sld [smem:$0x3FFE];
	_ =	sdelay $0x1  }
0x2: {  	s1 =	srdreg.scid  }
0x3: {  	s0 =	sand.u32 $0x1, s1  }
0x4: {  	s18 =	sshll.u32 s0, $0xA;
	s2 =	sadd.s32 s3, s2  }
0x5: {  	s2 =	sadd.s32 s2, s18  }
0x6: {  	[smem:$0x3FC6] =	sst s2  }
0x7: {  	_ = 	snop  }
0x8: {  	s2 =	sld [smem:$0x3FC8];
	(tm) =	ssettm $0x1  }
0x9: {  	s19 =	sld [smem:$0x3FFB];
	_ =	sdelay $0x3  }
0xa: {  	_ =	strace s19  }
0xb: {  	s3 =	sld [smem:$0x3FFC];
	_ =	sdelay $0x3  }
0xc: {  	_ =	strace s3  }
0xd: {  	s3 =	sld [smem:$0x3FFD];
	_ =	sdelay $0x3  }
0xe: {  	_ =	strace s3  }
0xf: {  	_ =	strace $0x8FFFFFFF  }
0x10: {  	s20 =	sld [smem:$0x3FDB];
	_ =	sdelay $0x1  }
0x11: {  	s4 =	simm.s32 $_scs_section_size  }
0x12: {  	s5 =	simm.s32 $_size__tile_overlayer_lowered;
	s6 =	simm.s32 $_tile_overlayer_lowered  }
0x13: {  	s23 =	simm.s32 $0x1BFF;
	s22 =	sshll.u32 s6, $0x1;
	s3 =	sadd.s32 s4, s20  }
0x14: {  	s7 =	simm.s32 $0x0;
	s21 =	sshll.u32 s5, $0x1;
	s5 =	sadd.s32 s22, s3  }
0x15: {  	[timem:s7], [sflag:s23] =	dma.local [hbm:s5], s21  }
0x16: {  	_ =	swait.ge [sflag:s23], s21  }
0x17: {  	s4 =	ssub.s32 $0x0, s21;
	[sflag:s23] =	ssyncset.done $0x0  }
0x18: {  	[sflag:s23] =	ssyncadd.s32 s4;
	_ =	sdelay $0x1  }
0x19: {  	s24 =	simm.s32 $0x1B8B  }
0x1a: {  	_ =	swait.ge [sflag:s24], $0x1  }
0x1b: {  	[sflag:s24] =	ssyncset.done $0x0  }
0x1c: {  	s26 =	simm.s32 $0x1B8E;
	s25 =	sld [smem:$0x3FFE];
	[sflag:s24] =	ssyncadd.s32 $0xFFFFFFFF  }
0x1d: {  	s27 =	simm.s32 $execute0_lowered;
	[smem:$0x3FD2] =	sst s26  }
0x1e: {  	s5 =	sshll.u32 s27, $0x1;
	_ =	strace $0x80000046;
	[dreg:$0x1] =	wrdreg $0xFFFFFFFF  }
0x1f: {  	s28 =	simm.s32 $_size_execute0_lowered;
	s3 =	sadd.s32 s3, s5;
	[dreg:$0x0] =	wrdreg $0x0  }
0x20: {  	s5 =	sshll.u32 s28, $0x1;
	[dreg:$0x2] =	wrdreg s3  }
0x21: {  	[dreg:$0x3] =	wrdreg s5  }
0x22: {  	[dreg:$0x4] =	wrdreg $0xC0  }
0x23: {  	_ =	task [dreg:s7], $0x5FFFF  }
0x24: {  	[dreg:$0x1] =	wrdreg $0xFFFFFFFF  }
0x25: {  	[dreg:$0x0] =	wrdreg $0x60  }
0x26: {  	[dreg:$0x2] =	wrdreg s2  }
0x27: {  	[dreg:$0x3] =	wrdreg s25  }
0x28: {  	[dreg:$0x4] =	wrdreg $0x9  }
0x29: {  	_ =	task.clear_ibuf [dreg:s7], $0x5FFFF;
	_ =	strace $0x90000046  }
0x2a: {  	s29 =	simm.s32 $0x9;
	_ =	strace $0x80000048  }
0x2b: {  	_ =	swait.ge [sflag:s29], $0x1  }
0x2c: {  	[sflag:s29] =	ssyncadd.s32 $0xFFFFFFFF  }
0x2d: {  	_ =	strace $0x90000048  }
0x2e: {  	_ =	sfence  }
0x2f: {  	s30 =	sld [smem:$0x0];
	_ =	sdelay $0x2  }
0x30: {  	s31 =	sshll.u32 s1, $0xD;
	s1 =	sshrl.u32 s1, $0x2  }
0x31: {  	s3 =	sand.u32 $0x4000, s31;
	s1 =	sadd.s32 s1, s30  }
0x32: {  	s0 =	sor.u32 s3, s0;
	s1 =	sshll.u32 s1, $0x11  }
0x33: {  	s0 =	sor.u32 s1, s0  }
0x34: {  	s0 =	sadd.s32 $0x8F2B, s0  }
0x35: {  	[sflag:s0] =	ssyncadd.remote.s32 $0x1  }
0x36: {  	_ =	sfence.sel $0xFFFF  }
0x37: {  	[dreg:$0x0] =	wrdreg $0xFFFFFFFF;
	(pc) =	sbr.abs _section_cstart, $3  }
0x38: {  	[dreg:$0x1] =	wrdreg $0xFFFFFFFF  }
0x39: {  	_ =	task.clear_ibuf [dreg:s7], $0x2FFFF;
	_ =	strace $0x9FFFFFFF  }
0x3a: {  	(tm) =	ssettm $0x7FFFFFFF  }
0x3b: {  	_ =	shalt  }
tec
execute0_lowered:
.L_overlay_start_1:
0x0: {  	(tag) =	ssettag $0x1  }
0x1: {  	s0 =	srdreg.scid;
	s2 =	rddreg [dreg:$0x0]  }
0x2: {  	s5 =	rddreg [dreg:$0x1];
	s1 =	stileid.u32  }
0x3: {  	s4 =	simm.s32 $0x1;
	s6 =	simm.s32 $0x2;
	s15 =	simm.s32 $0x0  }
0x4: {  	p0 =	por $0x0, $0x0;
	s8 =	simm.s32 $0x80;
	s0 =	sshll.u32 s0, $0x4  }
0x5: {  	s14 =	simm.s32 $0x0;
	s9 =	simm.s32 $0x0;
	s3 =	sand.u32 $0x10, s0  }
.Ltmp0:
0x6: {  	s10 =	simm.s32 $0x0;
	s3 =	sor.u32 s1, s3;
	(pc) =	sbr.rel .LBB1_1-.Ltmp0, $4  }
0x7: {  	s0 =	rddreg [dreg:$0x2];
	_ =	strace $0x80000047;
	s3 =	sshll.u32 s3, $0x7  }
0x8: {  	s12 =	simm.s32 $0x0;
	[sflag:s4] =	ssyncpa.u1 $0x0;
	s7 =	ssub.s32 $0xF4200, s3  }
0x9: {  	s13 =	simm.s32 $0x0;
	[sflag:s6] =	ssyncpa.u1 $0x0;
	s6 =	sshrl.u32 s7, $0xC  }
0xa: {  	s5 =	sadd.s32 $0xE00, s5;
	s11 =	smov.u32 s3;
	s7 =	sadd.s32 $0x2, s6  }
.LBB1_5:
0xb: {  	p1 =	slt.u32 s13, $0x2  }
0xc: {  	s17 =	smov.u32 s15;
	p2 =	sgt.s32 @!p1 s15, $0xF41C0;
	s16 =	sshra.s32 @!p1 s15, $0x1F  }
0xd: {  	p3 =	sgt.s32 @!p1 s14, $0x60;
	s18 =	sshra.s32 @!p1 s14, $0x1F;
	p2 =	por !p2, p1  }
0xe: {  	s15 =	sand.u32 @!p1 s16, s15;
	p3 =	por !p3, p1;
	s16 =	smov.u32 s14  }
0xf: {  	s14 =	sand.u32 @!p1 s18, s14;
	s17 =	simm.s32 @p2 $0xF41C0;
	s16 =	simm.s32 @p3 $0x60  }
0x10: {  	s15 =	ssub.s32 @!p1 s17, s15;
	s14 =	ssub.s32 @!p1 s16, s14  }
0x11: {  	s18 =	smov.u32 s12;
	s16 =	sadd.s32 @!p1 $0xFFF0BE40, s15;
	s17 =	sadd.s32 @!p1 $0xFFFFFFA0, s14  }
0x12: {  	s15 =	ssub.s32 @!p1 $0xF4240, s15;
	p2 =	sgt.s32 @!p1 s16, $0x7F;
	p3 =	sgt.s32 @!p1 s17, $0x1F  }
0x13: {  	s14 =	ssub.s32 @!p1 $0x80, s14;
	p2 =	por !p2, p1;
	p3 =	por !p3, p1  }
0x14: {  	s16 =	sadd.s32 $0x1000, s11;
	s15 =	simm.s32 @!p2 $0x0;
	s14 =	simm.s32 @!p3 $0x0  }
0x15: {  	p2 =	sgt.s32 s16, $0xF423F;
	s14 =	smul.u32 @!p1 s14, s15;
	s15 =	sadd.s32 $0x20, s12  }
0x16: {  	s18 =	smov.u32 @p2 s15  }
0x17: {  	s16 =	smov.u32 @p2 s3;
	p2 =	sgt.s32 s18, $0x1F  }
0x18: {  	s18 =	simm.s32 @p2 $0x0;
	p2 =	sne.s32 s13, s7  }
.Ltmp1:
0x19: {  	p0 =	por !p0, !p0;
	s17 =	simm.s32 @!p1 $0x2;
	(pc) =	sbr.rel @!p2 .LBB1_6-.Ltmp1, $4  }
0x1a: {  	s15 =	smov.u32 s9;
	s9 =	smov.u32 s11;
	s14 =	sand.u32 @!p1 $0x3FFFFFFF, s14  }
0x1b: {  	s11 =	smov.u32 s16;
	_ =	swait.ge @!p1 [sflag:s17], s14;
	s19 =	ssub.s32 @!p1 $0x0, s14  }
0x1c: {  	s14 =	smov.u32 s10;
	s13 =	sadd.s32 $0x1, s13;
	[sflag:s17] =	ssyncset.done @!p1 $0x0  }
0x1d: {  	s10 =	smov.u32 s12;
	s12 =	smov.u32 s18;
	[sflag:s17] =	ssyncadd.s32 @!p1 s19  }
.LBB1_1:
0x1e: {  	p1 =	sgt.u32 s13, s6  }
0x1f: {  	s16 =	sshrl.u32 @!p1 s12, $0x3  }
0x20: {  	s17 =	sshll.u32 @!p1 s11, $0x3;
	s16 =	smul.u32 @!p1 $0x7A1400, s16  }
0x21: {  	s18 =	sshll.u32 @!p1 s12, $0x7;
	s17 =	sand.u32 @!p1 $0xFFFFFC00, s17  }
0x22: {  	s16 =	sadd.s32 @!p1 s16, s17;
	s17 =	sand.u32 @!p1 $0x380, s18  }
0x23: {  	s18 =	sand.u32 @!p1 $0x7F, s11;
	s16 =	sor.u32 @!p1 s17, s16  }
0x24: {  	s17 =	sor.u32 @!p1 s18, s16  }
0x25: {  	s18 =	smulhi.u32 @!p1 $0x218D6287, s17;
	_ =	sdelay $0x1  }
0x26: {  	s16 =	smulhi.u32 @!p1 $0x218D6287, s16;
	s18 =	sshrl.u32 @!p1 s18, $0x11  }
0x27: {  	s18 =	smul.u32 @!p1 $0xF4280, s18  }
0x28: {  	s19 =	sxor.u32 @!p1 $0xFFFFFFFF, s13;
	s16 =	sshrl.u32 @!p1 s16, $0x11  }
0x29: {  	s19 =	sshll.u32 @!p1 s19, $0xC;
	s16 =	sand.u32 @!p1 $0x1F, s16;
	s17 =	ssub.s32 @!p1 s17, s18  }
0x2a: {  	s16 =	smul.u32 @!p1 $0x1E850, s16;
	s18 =	sshrl.u32 @!p1 s17, $0x3;
	s17 =	sand.u32 @!p1 $0x7, s17  }
0x2b: {  	s19 =	sand.u32 @!p1 $0x1000, s19;
	s18 =	sadd.s32 @!p1 s2, s18;
	s17 =	sshll.u32 @!p1 s17, $0x12  }
0x2c: {  	s16 =	sadd.s32 @!p1 s16, s18;
	s17 =	sor.u32 @!p1 $0x400, s17;
	s18 =	simm.s32 @!p1 $0x7A1400  }
0x2d: {  	[tilespmem:s19], [sflag:$0x1] =	stream.strided.gather @!p1 [hbm4b:s16+s17], $0x1000, s18, s17, $0x38;
	[tilespmem:$0x4100] =	vst v63  }
0x2e: {  	p1 =	seq.s32 s13, $0x0  }
0x2f: {  	p2 =	sge.u32 @!p1 s13, s7  }
0x30: {  	p1 =	por p1, p2  }
.Ltmp2:
0x31: {  	_ = 	snop;
	(pc) =	sbr.rel @p1 .LBB1_5-.Ltmp2, $1  }
0x32: {  	_ =	sdelay $0x3  }
0x33: {  	s16 =	simm.s32 $0x1  }
0x34: {  	_ =	swait.ge [sflag:s4], $0x1000;
	s16 =	simm.s32 @!p0 $0x0  }
0x35: {  	[sflag:s4] =	ssyncset.done $0x0;
	s17 =	sshll.u32 s16, $0xC  }
0x36: {  	[sflag:s4] =	ssyncadd.s32 $0xFFFFF000;
	s17 =	sor.u32 $0x40, s17  }
0x37: {  	s16 =	smul.u32 $0x4200, s16;
	v0 =	vld [tilespmem:s17+$0x30]  }
0x38: {  	v1 =	vld [tilespmem:s17+$0xFFFFFFD0]  }
0x39: {  	s16 =	sshrl.u32 s16, $0x2;
	v5 =	vld [tilespmem:s17+$0xFFFFFFE0]  }
0x3a: {  	v6 =	vld [tilespmem:s17+$0xFFFFFFF0];
	s19 =	sor.u32 $0x2000, s16  }
0x3b: {  	s31 =	sand.u32 $0x1, s13;
	v4 =	vld [tilespmem:s17+$0x0];
	s18 =	sadd.s32 $0x0, s19  }
0x3c: {  	v3 =	vld [tilespmem:s17+$0x10];
	s16 =	smul.u32 $0x4200, s31;
	[tilespmem:s18+$0xE70 ss:$0x21] =	vst.msk $0xffff, v0  }
0x3d: {  	v2 =	vld [tilespmem:s17+$0x20];
	[tilespmem:s18+$0x210 ss:$0x21] =	vst.msk $0xffff, v1  }
0x3e: {  	s16 =	sshrl.u32 s16, $0x2;
	v1 =	vld [tilespmem:s17+$0xFFFFFFC0];
	[tilespmem:s18+$0x420 ss:$0x21] =	vst.msk $0xffff, v5;
	s17 =	sadd.s32 $0x80, s17  }
0x3f: {  	s20 =	simm.s32 $0x4;
	s21 =	simm.s32 $0x8;
	s16 =	sor.u32 $0x2000, s16;
	[tilespmem:s18+$0x630 ss:$0x21] =	vst.msk $0xffff, v6;
	v0 =	vld [tilespmem:s17+$0x30]  }
.LBB1_3:
0x40: {  	p1 =	sne.s32 s21, $0x7C;
	v5 =	vld [tilespmem:s17+$0xFFFFFFD0];
	[tilespmem:s18+$0x840 ss:$0x21] =	vst.msk $0xffff, v4  }
0x41: {  	v6 =	vld [tilespmem:s17+$0xFFFFFFE0];
	[tilespmem:s18+$0xA50 ss:$0x21] =	vst.msk $0xffff, v3  }
0x42: {  	s22 =	sshra.s32 s20, $0x2;
	s20 =	smov.u32 s21;
	v7 =	vld [tilespmem:s17+$0xFFFFFFF0];
	[tilespmem:s18+$0xC60 ss:$0x21] =	vst.msk $0xffff, v2  }
.Ltmp3:
0x43: {  	v4 =	vld [tilespmem:s17+$0x0];
	[tilespmem:s18+$0x0 ss:$0x21] =	vst.msk $0xffff, v1;
	s18 =	sadd.s32 s22, s19;
	(pc) =	sbr.rel @p1 .LBB1_3-.Ltmp3, $4  }
0x44: {  	v3 =	vld [tilespmem:s17+$0x10];
	[tilespmem:s18+$0xE70 ss:$0x21] =	vst.msk $0xffff, v0  }
0x45: {  	[tilespmem:s18+$0x210 ss:$0x21] =	vst.msk $0xffff, v5;
	v2 =	vld [tilespmem:s17+$0x20]  }
0x46: {  	v1 =	vld [tilespmem:s17+$0xFFFFFFC0];
	[tilespmem:s18+$0x420 ss:$0x21] =	vst.msk $0xffff, v6;
	s17 =	sadd.s32 $0x80, s17  }
0x47: {  	s21 =	sadd.s32 $0x4, s21;
	v0 =	vld [tilespmem:s17+$0x30];
	[tilespmem:s18+$0x630 ss:$0x21] =	vst.msk $0xffff, v7  }
0x48: {  	s21 =	sshll.u32 s9, $0x7;
	s22 =	sshll.u32 s10, $0x3;
	s20 =	sshra.s32 s20, $0x2  }
0x49: {  	p1 =	sgt.s32 s9, $0xF41C0;
	s30 =	sshra.s32 s9, $0x1F;
	s25 =	sshra.s32 s10, $0x1F  }
0x4a: {  	v5 =	vld [tilespmem:s17+$0xFFFFFFD0];
	s28 =	sshrl.u32 s10, $0x3;
	s23 =	sand.u32 $0xFFFFFC00, s21;
	s22 =	sand.u32 $0xFFFFFC00, s22  }
0x4b: {  	[tilespmem:s18+$0x840 ss:$0x21] =	vst.msk $0xffff, v4;
	v58 =	vld [tilespmem:s17+$0xFFFFFFE0];
	s21 =	sand.u32 $0x380, s21;
	s19 =	sadd.s32 s20, s19;
	s22 =	sadd.s32 s22, s23  }
0x4c: {  	v59 =	vld [tilespmem:s17+$0xFFFFFFF0];
	[tilespmem:s18+$0xA50 ss:$0x21] =	vst.msk $0xffff, v3;
	s29 =	sor.u32 s21, s22;
	s21 =	smov.u32 s9;
	s22 =	sand.u32 s30, s9  }
0x4d: {  	v60 =	vld [tilespmem:s17+$0x0];
	[tilespmem:s18+$0xC60 ss:$0x21] =	vst.msk $0xffff, v2;
	s30 =	sand.u32 $0x7, s10;
	s20 =	sshrl.u32 s29, $0x7;
	s21 =	simm.s32 @!p1 $0xF41C0  }
0x4e: {  	v61 =	vld [tilespmem:s17+$0x10];
	[tilespmem:s18+$0x0 ss:$0x21] =	vst.msk $0xffff, v1;
	p1 =	sgt.s32 s10, $0x60;
	s24 =	ssub.s32 s21, s22;
	s21 =	smov.u32 s10  }
0x4f: {  	v62 =	vld [tilespmem:s17+$0x20];
	[tilespmem:s19+$0xE70 ss:$0x21] =	vst.msk $0xffff, v0;
	s31 =	smulhi.u32 $0x218DEF5, s20;
	s22 =	sand.u32 s25, s10;
	s21 =	simm.s32 @!p1 $0x60  }
0x50: {  	v63 =	vld [tilespmem:s17+$0xFFFFFFC0];
	[tilespmem:s19+$0x210 ss:$0x21] =	vst.msk $0xffff, v5;
	s26 =	sadd.s32 $0xFFF0BE40, s24;
	s17 =	ssub.s32 $0xF4240, s24;
	s21 =	ssub.s32 s21, s22  }
0x51: {  	[tilespmem:s19+$0x420 ss:$0x21] =	vst.msk $0xffff, v58;
	s23 =	sshrl.u32 s31, $0xD;
	p1 =	sgt.s32 s26, $0x7F;
	s27 =	sadd.s32 $0xFFFFFFA0, s21  }
0x52: {  	[tilespmem:s19+$0x630 ss:$0x21] =	vst.msk $0xffff, v59;
	s23 =	smul.u32 $0xF4240, s23;
	s18 =	ssub.s32 $0x80, s21;
	p2 =	sgt.s32 s27, $0x1F  }
.Ltmp4:
0x53: {  	[tilespmem:s19+$0x840 ss:$0x21] =	vst.msk $0xffff, v60;
	s17 =	simm.s32 @p1 $0x0;
	s18 =	simm.s32 @p2 $0x0;
	(pc) =	sbr.rel .LBB1_5-.Ltmp4, $4  }
0x54: {  	s29 =	sand.u32 $0xF, s28;
	[tilespmem:s19+$0xA50 ss:$0x21] =	vst.msk $0xffff, v61;
	s20 =	ssub.s32 s20, s23;
	s17 =	smul.u32 s18, s17  }
0x55: {  	[tilespmem:s19+$0xC60 ss:$0x21] =	vst.msk $0xffff, v62;
	s21 =	sshll.u32 s30, $0x12;
	s20 =	sshll.u32 s20, $0x4;
	s18 =	sadd.s32 s5, s29  }
0x56: {  	[tilespmem:s19+$0x0 ss:$0x21] =	vst.msk $0xffff, v63;
	s31 =	sor.u32 $0x20, s21;
	s18 =	sadd.s32 s20, s18;
	s17 =	sand.u32 $0x3FFFFFFF, s17  }
0x57: {  	[hbm4b:s18+s31] =	stream.strided.scatter [tilespmem:s16], [sflag:$0x2], s17, s8, s31, $0x10;
	[tilespmem:$0x4100] =	vst v63  }
.LBB1_6:
0x58: {  	_ =	sfence.sel $0x180000  }
0x59: {  	s2 =	simm.s32 $0x1;
	[bflag:$0x0] =	sbarrier.arrive $0xFFFF  }
0x5a: {  	s31 =	simm.s32 $0x2;
	[sflag:s2] =	ssyncpa.u1 $0x1  }
0x5b: {  	[sflag:s31] =	ssyncpa.u1 $0x1  }
0x5c: {  	p0 =	sne.s32 s1, $0x0;
	_ =	strace $0x90000047  }
0x5d: {  	s0 =	sadd.s32 @!p0 $0x100000, s0;
	[bflag:$0x2] =	sbarrier.arrive $0xFFFF  }
0x5e: {  	[sflag:s0] =	ssyncadd.tile.s32 @!p0 $0x1;
	_ =	shalt  }
.Lfunc_end1:
_tile_overlayer_lowered:
.L_overlay_start_2:
0x5f: {  	(tag) =	ssettag $0x2  }
0x60: {  	s0 =	rddreg [dreg:$0x0];
	s2 =	stileid.u32  }
0x61: {  	s1 =	rddreg [dreg:$0x1];
	p0 =	sne.s32 s2, $0x0  }
0x62: {  	s3 =	rddreg [dreg:$0x2];
	[bflag:$0x3] =	sbarrier.arrive $0xFFFF;
	s2 =	simm.s32 @!p0 $0x1C01  }
0x63: {  	[timem:s3], [sflag:s2] =	dma.local @!p0 [hbm:s0], s1  }
0x64: {  	s0 =	simm.s32 @!p0 $0x1  }
0x65: {  	_ =	swait.ge @!p0 [sflag:s0], s1  }
0x66: {  	s1 =	ssub.s32 @!p0 $0x0, s1;
	[sflag:s0] =	ssyncset.done @!p0 $0x0  }
0x67: {  	[sflag:s0] =	ssyncadd.s32 @!p0 s1  }
0x68: {  	[bflag:$0x3] =	sbarrier.arrive $0xFFFF  }
0x69: {  	_ =	shalt  }

</sc_bundles>
